<compile_context>
chip_gen: v7x
topology: tpu7x:2x2x1
jax: 0.10.2.dev20260603
libtpu: 0.0.44.dev20260713+nightly
codegen_flags: <defaults>
</compile_context>

<pallas_src>
import functools

import jax
import jax.numpy as jnp
import numpy as np
from jax import lax
from jax.experimental import pallas as pl
from jax.experimental.pallas import tpu as pltpu
from jax.experimental.pallas import tpu_sc as plsc

N = 10000
H = 16
IN_DIM = 256
OUT_DIM = 256
HID = 64
K = 15
SIGMA = 0.5
GROUPS = 8
EPS = 1e-5

TD = 128
MT = 200
NSTEP = N // MT
MT2 = 1000
NSTEP2 = N // MT2
NJ = 8
NP = 10240
TOTP = H * NP


def _leaky(x):
    return jnp.where(x >= 0, x, 0.1 * x)



def _pass_a_body(sf_ref, w1_ref, g1_ref, b1_ref, sp_ref, p64_ref, t_ref):
    x = lax.dot_general(sf_ref[...], w1_ref[...],
                        (((1,), (1,)), ((), ())),
                        preferred_element_type=jnp.float32, precision=lax.Precision.HIGHEST)
    s0 = jnp.sum(x, axis=0, keepdims=True)
    s1 = jnp.sum(x * x, axis=0, keepdims=True)
    scale = 1.0 / (N * (HID // GROUPS))
    mu = (s0 @ p64_ref[...]) * scale
    ms = (s1 @ p64_ref[...]) * scale
    inv = lax.rsqrt(ms - mu * mu + EPS)
    x1 = _leaky((x - mu) * inv * g1_ref[...] + b1_ref[...])
    rs = jnp.sum(x1, axis=1, keepdims=True)
    pad = jnp.zeros((N, TD - HID - 4), jnp.float32)
    t_ref[...] = jnp.concatenate([x1, sp_ref[...], rs, pad], axis=1)


def _pass_a(s_feats, W1, g1, b1, s_points, p64):
    return pl.pallas_call(
        _pass_a_body,
        out_shape=jax.ShapeDtypeStruct((N, TD), jnp.float32),
    )(s_feats, W1, g1, b1, s_points, p64)



def _gather_rows(table, idx2d):
    info = plsc.get_sparse_core_info()
    nc, ns = info.num_cores, info.num_subcores
    nw = nc * ns
    jch = TOTP // (nw * 128)
    rows_w = jch * 128
    slots = 2
    mesh = plsc.VectorSubcoreMesh(core_axis_name="c", subcore_axis_name="s")

    stripe = 624

    @functools.partial(
        pl.kernel,
        mesh=mesh,
        out_type=jax.ShapeDtypeStruct((TOTP, TD), jnp.float32),
        scratch_types=[
            pltpu.VMEM((jch, 128), jnp.int32),
            pltpu.VMEM((slots * 128, TD), jnp.float32),
            pltpu.VMEM_SHARED((N, TD), jnp.float32),
            pltpu.SemaphoreType.DMA,
        ],
    )
    def k(t_hbm, idx_hbm, out_hbm, idx_v, buf, shared, sem):
        cid = lax.axis_index("c")
        sid = lax.axis_index("s")
        wid = sid * nc + cid
        row0 = wid * rows_w
        pltpu.sync_copy(t_hbm.at[pl.ds(sid * stripe, stripe)],
                        shared.at[pl.ds(sid * stripe, stripe)])
        @pl.when(sid == 0)
        def _stage_tail():
            pltpu.sync_copy(t_hbm.at[pl.ds(ns * stripe, N - ns * stripe)],
                            shared.at[pl.ds(ns * stripe, N - ns * stripe)])
        pltpu.sync_copy(idx_hbm.at[pl.ds(wid * jch, jch)], idx_v)
        plsc.subcore_barrier()
        descs = [None] * jch

        def fire(j):
            descs[j] = pltpu.async_copy(
                shared.at[idx_v.at[j]],
                buf.at[pl.ds((j % slots) * 128, 128)], sem)

        def drain(j):
            descs[j].wait()
            pltpu.sync_copy(buf.at[pl.ds((j % slots) * 128, 128)],
                            out_hbm.at[pl.ds(row0 + j * 128, 128)])

        for j in range(jch):
            if j >= slots:
                drain(j - slots)
            fire(j)
        for j in range(jch - slots, jch):
            drain(j)

    return k(table, idx2d)



def _pass_c_body(g_ref, q_ref, kpm_ref, kwp_ref, ep_ref, s8_ref,
                 x2_ref, st_ref):
    HM = H * MT
    q = q_ref[...]
    qrep = jnp.broadcast_to(q[None, :, :], (H, MT, 3)).reshape(HM, 3)
    pts = g_ref[:, :, HID:HID + 3].reshape(HM, 3)
    nb = pts - qrep
    nb7 = jnp.concatenate([nb, nb * nb, jnp.ones((HM, 1), jnp.float32)],
                          axis=1)
    sq = lax.dot_general(nb7, kpm_ref[...],
                         (((1,), (0,)), ((), ())),
                         preferred_element_type=jnp.float32)
    dist = jnp.sqrt(jnp.maximum(sq, 1e-12))
    nw = jnp.maximum(1.0 - dist * (1.0 / SIGMA), 0.0)
    feats = g_ref[:, :, 0:HID].reshape(HM, HID)
    nfd = jnp.concatenate([feats, feats], axis=1)
    nwx_all = lax.dot_general(nw.astype(jnp.bfloat16), ep_ref[...],
                              (((1,), (0,)), ((), ())),
                              preferred_element_type=jnp.float32)
    wpairs = []
    for j in range(NJ):
        nwx = nwx_all[:, j * 128:(j + 1) * 128]
        wpairs.append((nwx * nfd).reshape(H, MT, 128).sum(axis=0))
    wcat = jnp.concatenate(wpairs, axis=1)
    acc = lax.dot_general(
        wcat, kwp_ref[...],
        (((1,), (0,)), ((), ())),
        preferred_element_type=jnp.float32)
    rs3 = g_ref[:, :, HID + 3:HID + 4]
    pos = (rs3 > 0.0).astype(jnp.float32)
    cnt = jnp.maximum(jnp.sum(pos, axis=0), 1.0)
    x2 = acc / cnt
    x2_ref[...] = x2
    st_ref[0, 0:1, :] = jnp.sum(x2, axis=0, keepdims=True) @ s8_ref[...]
    st_ref[0, 1:2, :] = jnp.sum(x2 * x2, axis=0, keepdims=True) @ s8_ref[...]


def _pass_c(g3, q_points, kpm, kwp, ep, s8):
    return pl.pallas_call(
        _pass_c_body,
        grid=(NSTEP,),
        in_specs=[
            pl.BlockSpec((H, MT, TD), lambda i: (0, i, 0)),
            pl.BlockSpec((MT, 3), lambda i: (i, 0)),
            pl.BlockSpec((7, K), lambda i: (0, 0)),
            pl.BlockSpec((2 * NJ * HID, HID), lambda i: (0, 0)),
            pl.BlockSpec((K, NJ * 128), lambda i: (0, 0)),
            pl.BlockSpec((HID, GROUPS), lambda i: (0, 0)),
        ],
        out_specs=[
            pl.BlockSpec((MT, HID), lambda i: (i, 0)),
            pl.BlockSpec((1, 2, GROUPS), lambda i: (i, 0, 0)),
        ],
        out_shape=[
            jax.ShapeDtypeStruct((N, HID), jnp.float32),
            jax.ShapeDtypeStruct((NSTEP, 2, GROUPS), jnp.float32),
        ],
    )(g3, q_points, kpm, kwp, ep, s8)



def _pass_d_body(x2_ref, st_ref, gc_ref, bc_ref, w2_ref, r8_ref, s32_ref,
                 y_ref, st2_ref):
    tot = jnp.sum(st_ref[...], axis=0)
    scale = 1.0 / (N * (HID // GROUPS))
    mu_g = tot[0:1, :] * scale
    ms_g = tot[1:2, :] * scale
    inv_g = lax.rsqrt(ms_g - mu_g * mu_g + EPS)
    mu = mu_g @ r8_ref[...]
    inv = inv_g @ r8_ref[...]
    x2n = _leaky((x2_ref[...] - mu) * inv * gc_ref[...] + bc_ref[...])
    y = lax.dot_general(x2n, w2_ref[...],
                        (((1,), (1,)), ((), ())),
                        preferred_element_type=jnp.float32, precision=lax.Precision.HIGHEST)
    y_ref[...] = y
    st2_ref[0, 0:1, :] = jnp.sum(y, axis=0, keepdims=True) @ s32_ref[...]
    st2_ref[0, 1:2, :] = jnp.sum(y * y, axis=0, keepdims=True) @ s32_ref[...]


def _pass_d(x2, st, gc, bc, W2, r8, s32):
    return pl.pallas_call(
        _pass_d_body,
        grid=(NSTEP2,),
        in_specs=[
            pl.BlockSpec((MT2, HID), lambda i: (i, 0)),
            pl.BlockSpec((NSTEP, 2, GROUPS), lambda i: (0, 0, 0)),
            pl.BlockSpec((1, HID), lambda i: (0, 0)),
            pl.BlockSpec((1, HID), lambda i: (0, 0)),
            pl.BlockSpec((OUT_DIM, HID), lambda i: (0, 0)),
            pl.BlockSpec((GROUPS, HID), lambda i: (0, 0)),
            pl.BlockSpec((OUT_DIM, GROUPS), lambda i: (0, 0)),
        ],
        out_specs=[
            pl.BlockSpec((MT2, OUT_DIM), lambda i: (i, 0)),
            pl.BlockSpec((1, 2, GROUPS), lambda i: (i, 0, 0)),
        ],
        out_shape=[
            jax.ShapeDtypeStruct((N, OUT_DIM), jnp.float32),
            jax.ShapeDtypeStruct((NSTEP2, 2, GROUPS), jnp.float32),
        ],
    )(x2, st, gc, bc, W2, r8, s32)



def _pass_e_body(y_ref, st2_ref, g2_ref, b2_ref, sf_ref, r32_ref, o_ref):
    tot = jnp.sum(st2_ref[...], axis=0)
    scale = 1.0 / (N * (OUT_DIM // GROUPS))
    mu_g = tot[0:1, :] * scale
    ms_g = tot[1:2, :] * scale
    inv_g = lax.rsqrt(ms_g - mu_g * mu_g + EPS)
    mu = mu_g @ r32_ref[...]
    inv = inv_g @ r32_ref[...]
    yn = (y_ref[...] - mu) * inv * g2_ref[...] + b2_ref[...]
    o_ref[...] = _leaky(yn + sf_ref[...])


def _pass_e(y, st2, g2, b2, s_feats, r32):
    return pl.pallas_call(
        _pass_e_body,
        grid=(NSTEP2,),
        in_specs=[
            pl.BlockSpec((MT2, OUT_DIM), lambda i: (i, 0)),
            pl.BlockSpec((NSTEP2, 2, GROUPS), lambda i: (0, 0, 0)),
            pl.BlockSpec((1, OUT_DIM), lambda i: (0, 0)),
            pl.BlockSpec((1, OUT_DIM), lambda i: (0, 0)),
            pl.BlockSpec((MT2, OUT_DIM), lambda i: (i, 0)),
            pl.BlockSpec((GROUPS, OUT_DIM), lambda i: (0, 0)),
        ],
        out_specs=pl.BlockSpec((MT2, OUT_DIM), lambda i: (i, 0)),
        out_shape=jax.ShapeDtypeStruct((N, OUT_DIM), jnp.float32),
    )(y, st2, g2, b2, s_feats, r32)



def _make_epair():
    e = np.zeros((K, NJ * 128), np.float32)
    for j in range(NJ):
        e[2 * j, j * 128:j * 128 + HID] = 1.0
        if 2 * j + 1 < K:
            e[2 * j + 1, j * 128 + HID:(j + 1) * 128] = 1.0
    return e


_EPAIR = _make_epair()
_P64 = np.kron(np.eye(GROUPS), np.ones((8, 8))).astype(np.float32)
_S8 = np.kron(np.eye(GROUPS), np.ones((8, 1))).astype(np.float32)
_R8 = np.kron(np.eye(GROUPS), np.ones((1, 8))).astype(np.float32)
_S32 = np.kron(np.eye(GROUPS), np.ones((32, 1))).astype(np.float32)
_R32 = np.kron(np.eye(GROUPS), np.ones((1, 32))).astype(np.float32)


def kernel(s_feats, q_points, s_points, neighbor_indices, W1, gamma1, beta1,
           kernel_points, kp_weights, gamma_c, beta_c, W2, gamma2, beta2):
    idx_t = neighbor_indices.astype(jnp.int32).T
    idx = jnp.concatenate(
        [idx_t, jnp.zeros((H, NP - N), jnp.int32)], axis=1).reshape(
            TOTP // 128, 128)
    kwp = jnp.concatenate(
        [kp_weights.reshape(K * HID, HID),
         jnp.zeros((2 * NJ * HID - K * HID, HID), jnp.float32)], axis=0)
    kpm = jnp.concatenate(
        [-2.0 * kernel_points.T, jnp.ones((3, K), jnp.float32),
         jnp.sum(kernel_points * kernel_points,
                 axis=1)[None, :]], axis=0)

    table = _pass_a(s_feats, W1, gamma1.reshape(1, HID),
                    beta1.reshape(1, HID), s_points, _P64)
    g3 = _gather_rows(table, idx).reshape(H, NP, TD)
    x2, st = _pass_c(g3, q_points, kpm, kwp,
                     jnp.asarray(_EPAIR, jnp.bfloat16), _S8)
    y, st2 = _pass_d(x2, st, gamma_c.reshape(1, HID), beta_c.reshape(1, HID),
                     W2, _R8, _S32)
    return _pass_e(y, st2, gamma2.reshape(1, OUT_DIM),
                   beta2.reshape(1, OUT_DIM), s_feats, _R32)

# --- scband reference (transcript-rebuilt; emitter-appended) ---
"""Pipeline reference for scband-residual-block-74998718923125 (READ-ONLY COPY).

The authoritative reference and input builder live on the scoring server;
editing this copy changes nothing except your own understanding.
"""

import jax, jax.numpy as jnp
import numpy as np

N = 10000
H = 16
IN_DIM = 256
OUT_DIM = 256
HID = OUT_DIM // 4
K = 15
RADIUS = 1.0
SIGMA = 0.5
GROUPS = 8
EPS = 1e-5


def _make_kernel_points():
    rng = np.random.RandomState(42)
    d = rng.randn(K, 3).astype(np.float32)
    d = d / (np.linalg.norm(d, axis=1, keepdims=True) + 1e-9)
    r = rng.uniform(0.0, RADIUS, (K, 1)).astype(np.float32)
    kp = d * r
    kp[0] = 0.0
    return kp


def setup_inputs(seed: int = 0):
    key = jax.random.key(seed)
    ks = jax.random.split(key, 8)
    s_feats = jax.random.normal(ks[0], (N, IN_DIM), dtype=jnp.float32)
    q_points = jax.random.uniform(ks[1], (N, 3), dtype=jnp.float32)
    s_points = jax.random.uniform(ks[2], (N, 3), dtype=jnp.float32)
    neighbor_indices = jax.random.randint(ks[3], (N, H), 0, N, dtype=jnp.int32)
    W1 = jax.random.normal(ks[4], (HID, IN_DIM), dtype=jnp.float32) / np.sqrt(IN_DIM)
    kp_weights = jax.random.normal(ks[5], (K, HID, HID), dtype=jnp.float32) / np.sqrt(HID * K)
    W2 = jax.random.normal(ks[6], (OUT_DIM, HID), dtype=jnp.float32) / np.sqrt(HID)
    kernel_points = jnp.asarray(_make_kernel_points())
    return {
        "s_feats": s_feats,
        "q_points": q_points,
        "s_points": s_points,
        "neighbor_indices": neighbor_indices,
        "W1": W1,
        "gamma1": jnp.ones((HID,), jnp.float32),
        "beta1": jnp.zeros((HID,), jnp.float32),
        "kernel_points": kernel_points,
        "kp_weights": kp_weights,
        "gamma_c": jnp.ones((HID,), jnp.float32),
        "beta_c": jnp.zeros((HID,), jnp.float32),
        "W2": W2,
        "gamma2": jnp.ones((OUT_DIM,), jnp.float32),
        "beta2": jnp.zeros((OUT_DIM,), jnp.float32),
    }


def group_norm(x, gamma, beta, num_groups):
    # Mirrors: x.transpose(0,1).unsqueeze(0) -> nn.GroupNorm -> squeeze(0).transpose(0,1).squeeze()
    n, c = x.shape
    xt = x.T.reshape(num_groups, c // num_groups, n)
    mean = xt.mean(axis=(1, 2), keepdims=True)
    var = xt.var(axis=(1, 2), keepdims=True)
    xt = (xt - mean) / jnp.sqrt(var + EPS)
    xt = xt.reshape(c, n) * gamma[:, None] + beta[:, None]
    return xt.T


def leaky(x):
    return jnp.where(x >= 0, x, 0.1 * x)


def kpconv(feats, q_points, s_points, neighbor_indices, kernel_points, weights):
    # KPConv (GeoTransformer style) with shadow point padding
    s_pts = jnp.concatenate([s_points, jnp.full((1, 3), 1e6, s_points.dtype)], axis=0)
    s_fts = jnp.concatenate([feats, jnp.zeros((1, feats.shape[1]), feats.dtype)], axis=0)
    neighbors = s_pts[neighbor_indices] - q_points[:, None, :]  # (M, H, 3)
    diff = neighbors[:, :, None, :] - kernel_points[None, None, :, :]  # (M, H, K, 3)
    sq = jnp.sum(diff * diff, axis=3)  # (M, H, K)
    nw = jnp.maximum(1.0 - jnp.sqrt(jnp.maximum(sq, 1e-12)) / SIGMA, 0.0)  # linear influence
    nw = jnp.transpose(nw, (0, 2, 1))  # (M, K, H)
    nf = s_fts[neighbor_indices]  # (M, H, Cin)
    weighted = jnp.matmul(nw, nf)  # (M, K, Cin)
    out = jnp.einsum('mkc,kcd->md', weighted, weights)  # (M, Cout)
    nfs = jnp.sum(nf, axis=-1)  # (M, H)
    ncount = jnp.sum((nfs > 0.0).astype(out.dtype), axis=-1)
    ncount = jnp.maximum(ncount, 1.0)
    ncount = jax.lax.stop_gradient(ncount)
    return out / ncount[:, None]


def reference(s_feats, q_points, s_points, neighbor_indices, W1, gamma1, beta1, kernel_points, kp_weights, gamma_c, beta_c, W2, gamma2, beta2):
    # unary1: Linear(IN_DIM -> HID, no bias) + GroupNorm + LeakyReLU(0.1)
    x = leaky(group_norm(s_feats @ W1.T, gamma1, beta1, GROUPS))
    # KPConv + GroupNorm + LeakyReLU
    x = kpconv(x, q_points, s_points, neighbor_indices, kernel_points, kp_weights)
    x = leaky(group_norm(x, gamma_c, beta_c, GROUPS))
    # unary2: Linear(HID -> OUT_DIM, no bias) + GroupNorm (no relu)
    x = group_norm(x @ W2.T, gamma2, beta2, GROUPS)
    # shortcut: not strided and input_dim == output_dim -> identity
    x = x + s_feats
    return leaky(x)

if __name__ == "__main__":
    import jax
    _d = setup_inputs()
    print(jax.jit(kernel)(*tuple(_d.values())))

</pallas_src>

<mosaic_0001>
#map = affine_map<(d0, d1) -> (0, 0)>
module attributes {stable_mosaic.version = 14 : i64} {
  func.func @k(%arg0: i32, %arg1: i32, %arg2: memref<10000x128xf32, #tpu.memory_space<hbm>>, %arg3: memref<1280x128xi32, #tpu.memory_space<hbm>>, %arg4: memref<163840x128xf32, #tpu.memory_space<hbm>>, %arg5: memref<40x128xi32, #tpu.memory_space<vmem>>, %arg6: memref<256x128xf32, #tpu.memory_space<vmem>>, %arg7: memref<10000x128xf32, #tpu.memory_space<vmem_shared>>, %arg8: memref<!tpu.dma_semaphore, #tpu.memory_space<semaphore_mem>>) attributes {dimension_semantics = [#tpu.dimension_semantics<core_parallel>, #tpu.dimension_semantics<subcore_parallel>], iteration_bounds = array<i64: 2, 16>, scalar_prefetch = 0 : i64, scratch_operands = 4 : i64, tpu.core_type = #tpu.core_type<sc_vector_subcore>, window_params = [{transform_indices = #map}, {transform_indices = #map}, {transform_indices = #map}]} {
    %mul3A = arith.constant 2 : i32
    %mul3A_0 = arith.muli %arg1, %mul3A : i32
    %add3A = arith.addi %mul3A_0, %arg0 : i32
    %mul3A_1 = arith.constant 5120 : i32
    %mul3A_2 = arith.muli %add3A, %mul3A_1 : i32
    %mul3A_3 = arith.constant 624 : i32
    %mul3A_4 = arith.muli %arg1, %mul3A_3 : i32
    %mul3A_5 = arith.constant 624 : i32
    %mul3A_6 = arith.muli %arg1, %mul3A_5 : i32
    "tpu.region"() ({
      %run_scoped3A = tpu.sem_alloc : memref<!tpu.dma_semaphore, #tpu.memory_space<semaphore_mem>>
      %dma_start3A_889 = arith.constant 0 : i32
      %dma_start3A_890 = tpu.memref_slice %arg7[%mul3A_6, %dma_start3A_889] : memref<10000x128xf32, #tpu.memory_space<vmem_shared>> -> memref<624x128xf32, #tpu.memory_space<vmem_shared>>
      %dma_start3A_891 = arith.constant 0 : i32
      %dma_start3A_892 = tpu.memref_slice %arg2[%mul3A_4, %dma_start3A_891] : memref<10000x128xf32, #tpu.memory_space<hbm>> -> memref<624x128xf32, #tpu.memory_space<hbm>>
      tpu.enqueue_dma source(%dma_start3A_892 : memref<624x128xf32, #tpu.memory_space<hbm>>) target(%dma_start3A_890 : memref<624x128xf32, #tpu.memory_space<vmem_shared>>) target_semaphore(%run_scoped3A : memref<!tpu.dma_semaphore, #tpu.memory_space<semaphore_mem>>)
      %dma_wait3A_893 = arith.constant 0 : i32
      %dma_wait3A_894 = tpu.memref_slice %arg7[%mul3A_6, %dma_wait3A_893] : memref<10000x128xf32, #tpu.memory_space<vmem_shared>> -> memref<624x128xf32, #tpu.memory_space<vmem_shared>>
      %dma_wait3A_895 = arith.constant 0 : i32
      %dma_wait3A_896 = tpu.memref_slice %arg2[%mul3A_4, %dma_wait3A_895] : memref<10000x128xf32, #tpu.memory_space<hbm>> -> memref<624x128xf32, #tpu.memory_space<hbm>>
      tpu.wait_dma2 semaphore(%run_scoped3A : memref<!tpu.dma_semaphore, #tpu.memory_space<semaphore_mem>>) src(%dma_wait3A_896 : memref<624x128xf32, #tpu.memory_space<hbm>>) dst(%dma_wait3A_894 : memref<624x128xf32, #tpu.memory_space<vmem_shared>>)
      tpu.yield
    }) : () -> ()
    %eq3A = arith.constant 0 : i32
    %eq3A_7 = arith.cmpi eq, %arg1, %eq3A : i32
    %convert_element_type3A = arith.extui %eq3A_7 : i1 to i32
    %cond3A = arith.constant 0 : i32
    %cond3A_8 = arith.cmpi ne, %convert_element_type3A, %cond3A : i32
    scf.if %cond3A_8 {
      "tpu.region"() ({
        %run_scoped3A = tpu.sem_alloc : memref<!tpu.dma_semaphore, #tpu.memory_space<semaphore_mem>>
        %dma_start3A_889 = arith.constant 9984 : i32
        %dma_start3A_890 = arith.constant 0 : i32
        %dma_start3A_891 = tpu.memref_slice %arg7[%dma_start3A_889, %dma_start3A_890] : memref<10000x128xf32, #tpu.memory_space<vmem_shared>> -> memref<16x128xf32, #tpu.memory_space<vmem_shared>>
        %dma_start3A_892 = arith.constant 9984 : i32
        %dma_start3A_893 = arith.constant 0 : i32
        %dma_start3A_894 = tpu.memref_slice %arg2[%dma_start3A_892, %dma_start3A_893] : memref<10000x128xf32, #tpu.memory_space<hbm>> -> memref<16x128xf32, #tpu.memory_space<hbm>>
        tpu.enqueue_dma source(%dma_start3A_894 : memref<16x128xf32, #tpu.memory_space<hbm>>) target(%dma_start3A_891 : memref<16x128xf32, #tpu.memory_space<vmem_shared>>) target_semaphore(%run_scoped3A : memref<!tpu.dma_semaphore, #tpu.memory_space<semaphore_mem>>)
        %dma_wait3A_895 = arith.constant 9984 : i32
        %dma_wait3A_896 = arith.constant 0 : i32
        %dma_wait3A_897 = tpu.memref_slice %arg7[%dma_wait3A_895, %dma_wait3A_896] : memref<10000x128xf32, #tpu.memory_space<vmem_shared>> -> memref<16x128xf32, #tpu.memory_space<vmem_shared>>
        %dma_wait3A_898 = arith.constant 9984 : i32
        %dma_wait3A_899 = arith.constant 0 : i32
        %dma_wait3A_900 = tpu.memref_slice %arg2[%dma_wait3A_898, %dma_wait3A_899] : memref<10000x128xf32, #tpu.memory_space<hbm>> -> memref<16x128xf32, #tpu.memory_space<hbm>>
        tpu.wait_dma2 semaphore(%run_scoped3A : memref<!tpu.dma_semaphore, #tpu.memory_space<semaphore_mem>>) src(%dma_wait3A_900 : memref<16x128xf32, #tpu.memory_space<hbm>>) dst(%dma_wait3A_897 : memref<16x128xf32, #tpu.memory_space<vmem_shared>>)
        tpu.yield
      }) : () -> ()
    } else {
    }
    %mul3A_9 = arith.constant 40 : i32
    %mul3A_10 = arith.muli %add3A, %mul3A_9 : i32
    "tpu.region"() ({
      %run_scoped3A = tpu.sem_alloc : memref<!tpu.dma_semaphore, #tpu.memory_space<semaphore_mem>>
      %dma_start3A_889 = arith.constant 0 : i32
      %dma_start3A_890 = tpu.memref_slice %arg3[%mul3A_10, %dma_start3A_889] : memref<1280x128xi32, #tpu.memory_space<hbm>> -> memref<40x128xi32, #tpu.memory_space<hbm>>
      %dma_start3A_891 = arith.constant 0 : i32
      %dma_start3A_892 = tpu.memref_slice %arg3[%mul3A_10, %dma_start3A_891] : memref<1280x128xi32, #tpu.memory_space<hbm>> -> memref<40x128xi32, #tpu.memory_space<hbm>>
      tpu.enqueue_dma source(%dma_start3A_892 : memref<40x128xi32, #tpu.memory_space<hbm>>) target(%arg5 : memref<40x128xi32, #tpu.memory_space<vmem>>) target_semaphore(%run_scoped3A : memref<!tpu.dma_semaphore, #tpu.memory_space<semaphore_mem>>)
      %dma_wait3A_893 = arith.constant 0 : i32
      %dma_wait3A_894 = tpu.memref_slice %arg3[%mul3A_10, %dma_wait3A_893] : memref<1280x128xi32, #tpu.memory_space<hbm>> -> memref<40x128xi32, #tpu.memory_space<hbm>>
      %dma_wait3A_895 = arith.constant 0 : i32
      %dma_wait3A_896 = tpu.memref_slice %arg3[%mul3A_10, %dma_wait3A_895] : memref<1280x128xi32, #tpu.memory_space<hbm>> -> memref<40x128xi32, #tpu.memory_space<hbm>>
      tpu.wait_dma2 semaphore(%run_scoped3A : memref<!tpu.dma_semaphore, #tpu.memory_space<semaphore_mem>>) src(%dma_wait3A_896 : memref<40x128xi32, #tpu.memory_space<hbm>>) dst(%arg5 : memref<40x128xi32, #tpu.memory_space<vmem>>)
      tpu.yield
    }) : () -> ()
    %barrier3A = arith.constant 0 : index
    tpu.barrier barrier_id(%barrier3A)
    %dma_start3A = arith.constant 0 : i32
    %dma_start3A_11 = arith.constant 0 : i32
    %dma_start3A_12 = arith.constant 0 : i32
    %dma_start3A_13 = tpu.memref_slice %arg6[%dma_start3A_11, %dma_start3A_12] : memref<256x128xf32, #tpu.memory_space<vmem>> -> memref<128x128xf32, #tpu.memory_space<vmem>>
    %dma_start3A_14 = arith.constant 0 : i32
    %dma_start3A_15 = tpu.memref_slice %arg5[%dma_start3A, %dma_start3A_14] : memref<40x128xi32, #tpu.memory_space<vmem>> -> memref<1x128xi32, #tpu.memory_space<vmem>>
    %dma_start3A_16 = tpu.memref_squeeze %dma_start3A_15 : memref<1x128xi32, #tpu.memory_space<vmem>> -> memref<128xi32, #tpu.memory_space<vmem>>
    %dma_start3A_17 = arith.constant 0 : i32
    %dma_start3A_18 = arith.constant 0 : i32
    %dma_start3A_19 = tpu.memref_slice %arg7[%dma_start3A_17, %dma_start3A_18] : memref<10000x128xf32, #tpu.memory_space<vmem_shared>> -> memref<10000x128xf32, #tpu.memory_space<vmem_shared>>
    tpu.enqueue_indirect_dma source(%dma_start3A_19 : memref<10000x128xf32, #tpu.memory_space<vmem_shared>>) target(%dma_start3A_13 : memref<128x128xf32, #tpu.memory_space<vmem>>) offsets(%dma_start3A_16 : memref<128xi32, #tpu.memory_space<vmem>>) semaphore(%arg8 : memref<!tpu.dma_semaphore, #tpu.memory_space<semaphore_mem>>)
    %dma_start3A_20 = arith.constant 1 : i32
    %dma_start3A_21 = arith.constant 128 : i32
    %dma_start3A_22 = arith.constant 0 : i32
    %dma_start3A_23 = tpu.memref_slice %arg6[%dma_start3A_21, %dma_start3A_22] : memref<256x128xf32, #tpu.memory_space<vmem>> -> memref<128x128xf32, #tpu.memory_space<vmem>>
    %dma_start3A_24 = arith.constant 0 : i32
    %dma_start3A_25 = tpu.memref_slice %arg5[%dma_start3A_20, %dma_start3A_24] : memref<40x128xi32, #tpu.memory_space<vmem>> -> memref<1x128xi32, #tpu.memory_space<vmem>>
    %dma_start3A_26 = tpu.memref_squeeze %dma_start3A_25 : memref<1x128xi32, #tpu.memory_space<vmem>> -> memref<128xi32, #tpu.memory_space<vmem>>
    %dma_start3A_27 = arith.constant 0 : i32
    %dma_start3A_28 = arith.constant 0 : i32
    %dma_start3A_29 = tpu.memref_slice %arg7[%dma_start3A_27, %dma_start3A_28] : memref<10000x128xf32, #tpu.memory_space<vmem_shared>> -> memref<10000x128xf32, #tpu.memory_space<vmem_shared>>
    tpu.enqueue_indirect_dma source(%dma_start3A_29 : memref<10000x128xf32, #tpu.memory_space<vmem_shared>>) target(%dma_start3A_23 : memref<128x128xf32, #tpu.memory_space<vmem>>) offsets(%dma_start3A_26 : memref<128xi32, #tpu.memory_space<vmem>>) semaphore(%arg8 : memref<!tpu.dma_semaphore, #tpu.memory_space<semaphore_mem>>)
    %dma_wait3A = arith.constant 0 : i32
    %dma_wait3A_30 = arith.constant 0 : i32
    %dma_wait3A_31 = arith.constant 0 : i32
    %dma_wait3A_32 = tpu.memref_slice %arg6[%dma_wait3A_30, %dma_wait3A_31] : memref<256x128xf32, #tpu.memory_space<vmem>> -> memref<128x128xf32, #tpu.memory_space<vmem>>
    %dma_wait3A_33 = arith.constant 0 : i32
    %dma_wait3A_34 = tpu.memref_slice %arg5[%dma_wait3A, %dma_wait3A_33] : memref<40x128xi32, #tpu.memory_space<vmem>> -> memref<1x128xi32, #tpu.memory_space<vmem>>
    %dma_wait3A_35 = tpu.memref_squeeze %dma_wait3A_34 : memref<1x128xi32, #tpu.memory_space<vmem>> -> memref<128xi32, #tpu.memory_space<vmem>>
    %dma_wait3A_36 = arith.constant 0 : i32
    %dma_wait3A_37 = arith.constant 0 : i32
    %dma_wait3A_38 = tpu.memref_slice %arg7[%dma_wait3A_36, %dma_wait3A_37] : memref<10000x128xf32, #tpu.memory_space<vmem_shared>> -> memref<10000x128xf32, #tpu.memory_space<vmem_shared>>
    tpu.wait_indirect_dma semaphore(%arg8 : memref<!tpu.dma_semaphore, #tpu.memory_space<semaphore_mem>>) src(%dma_wait3A_38 : memref<10000x128xf32, #tpu.memory_space<vmem_shared>>) dst(%dma_wait3A_32 : memref<128x128xf32, #tpu.memory_space<vmem>>)
    %add3A_39 = arith.constant 0 : i32
    %add3A_40 = arith.addi %mul3A_2, %add3A_39 : i32
    "tpu.region"() ({
      %run_scoped3A = tpu.sem_alloc : memref<!tpu.dma_semaphore, #tpu.memory_space<semaphore_mem>>
      %dma_start3A_889 = arith.constant 0 : i32
      %dma_start3A_890 = arith.constant 0 : i32
      %dma_start3A_891 = tpu.memref_slice %arg6[%dma_start3A_889, %dma_start3A_890] : memref<256x128xf32, #tpu.memory_space<vmem>> -> memref<128x128xf32, #tpu.memory_space<vmem>>
      %dma_start3A_892 = arith.constant 0 : i32
      %dma_start3A_893 = tpu.memref_slice %arg4[%add3A_40, %dma_start3A_892] : memref<163840x128xf32, #tpu.memory_space<hbm>> -> memref<128x128xf32, #tpu.memory_space<hbm>>
      %dma_start3A_894 = arith.constant 0 : i32
      %dma_start3A_895 = tpu.memref_slice %arg4[%add3A_40, %dma_start3A_894] : memref<163840x128xf32, #tpu.memory_space<hbm>> -> memref<128x128xf32, #tpu.memory_space<hbm>>
      %dma_start3A_896 = arith.constant 0 : i32
      %dma_start3A_897 = arith.constant 0 : i32
      %dma_start3A_898 = tpu.memref_slice %arg6[%dma_start3A_896, %dma_start3A_897] : memref<256x128xf32, #tpu.memory_space<vmem>> -> memref<128x128xf32, #tpu.memory_space<vmem>>
      tpu.enqueue_dma source(%dma_start3A_898 : memref<128x128xf32, #tpu.memory_space<vmem>>) target(%dma_start3A_895 : memref<128x128xf32, #tpu.memory_space<hbm>>) target_semaphore(%run_scoped3A : memref<!tpu.dma_semaphore, #tpu.memory_space<semaphore_mem>>)
      %dma_wait3A_899 = arith.constant 0 : i32
      %dma_wait3A_900 = arith.constant 0 : i32
      %dma_wait3A_901 = tpu.memref_slice %arg6[%dma_wait3A_899, %dma_wait3A_900] : memref<256x128xf32, #tpu.memory_space<vmem>> -> memref<128x128xf32, #tpu.memory_space<vmem>>
      %dma_wait3A_902 = arith.constant 0 : i32
      %dma_wait3A_903 = tpu.memref_slice %arg4[%add3A_40, %dma_wait3A_902] : memref<163840x128xf32, #tpu.memory_space<hbm>> -> memref<128x128xf32, #tpu.memory_space<hbm>>
      %dma_wait3A_904 = arith.constant 0 : i32
      %dma_wait3A_905 = tpu.memref_slice %arg4[%add3A_40, %dma_wait3A_904] : memref<163840x128xf32, #tpu.memory_space<hbm>> -> memref<128x128xf32, #tpu.memory_space<hbm>>
      %dma_wait3A_906 = arith.constant 0 : i32
      %dma_wait3A_907 = arith.constant 0 : i32
      %dma_wait3A_908 = tpu.memref_slice %arg6[%dma_wait3A_906, %dma_wait3A_907] : memref<256x128xf32, #tpu.memory_space<vmem>> -> memref<128x128xf32, #tpu.memory_space<vmem>>
      tpu.wait_dma2 semaphore(%run_scoped3A : memref<!tpu.dma_semaphore, #tpu.memory_space<semaphore_mem>>) src(%dma_wait3A_908 : memref<128x128xf32, #tpu.memory_space<vmem>>) dst(%dma_wait3A_905 : memref<128x128xf32, #tpu.memory_space<hbm>>)
      tpu.yield
    }) : () -> ()
    %dma_start3A_41 = arith.constant 2 : i32
    %dma_start3A_42 = arith.constant 0 : i32
    %dma_start3A_43 = arith.constant 0 : i32
    %dma_start3A_44 = tpu.memref_slice %arg6[%dma_start3A_42, %dma_start3A_43] : memref<256x128xf32, #tpu.memory_space<vmem>> -> memref<128x128xf32, #tpu.memory_space<vmem>>
    %dma_start3A_45 = arith.constant 0 : i32
    %dma_start3A_46 = tpu.memref_slice %arg5[%dma_start3A_41, %dma_start3A_45] : memref<40x128xi32, #tpu.memory_space<vmem>> -> memref<1x128xi32, #tpu.memory_space<vmem>>
    %dma_start3A_47 = tpu.memref_squeeze %dma_start3A_46 : memref<1x128xi32, #tpu.memory_space<vmem>> -> memref<128xi32, #tpu.memory_space<vmem>>
    %dma_start3A_48 = arith.constant 0 : i32
    %dma_start3A_49 = arith.constant 0 : i32
    %dma_start3A_50 = tpu.memref_slice %arg7[%dma_start3A_48, %dma_start3A_49] : memref<10000x128xf32, #tpu.memory_space<vmem_shared>> -> memref<10000x128xf32, #tpu.memory_space<vmem_shared>>
    tpu.enqueue_indirect_dma source(%dma_start3A_50 : memref<10000x128xf32, #tpu.memory_space<vmem_shared>>) target(%dma_start3A_44 : memref<128x128xf32, #tpu.memory_space<vmem>>) offsets(%dma_start3A_47 : memref<128xi32, #tpu.memory_space<vmem>>) semaphore(%arg8 : memref<!tpu.dma_semaphore, #tpu.memory_space<semaphore_mem>>)
    %dma_wait3A_51 = arith.constant 1 : i32
    %dma_wait3A_52 = arith.constant 128 : i32
    %dma_wait3A_53 = arith.constant 0 : i32
    %dma_wait3A_54 = tpu.memref_slice %arg6[%dma_wait3A_52, %dma_wait3A_53] : memref<256x128xf32, #tpu.memory_space<vmem>> -> memref<128x128xf32, #tpu.memory_space<vmem>>
    %dma_wait3A_55 = arith.constant 0 : i32
    %dma_wait3A_56 = tpu.memref_slice %arg5[%dma_wait3A_51, %dma_wait3A_55] : memref<40x128xi32, #tpu.memory_space<vmem>> -> memref<1x128xi32, #tpu.memory_space<vmem>>
    %dma_wait3A_57 = tpu.memref_squeeze %dma_wait3A_56 : memref<1x128xi32, #tpu.memory_space<vmem>> -> memref<128xi32, #tpu.memory_space<vmem>>
    %dma_wait3A_58 = arith.constant 0 : i32
    %dma_wait3A_59 = arith.constant 0 : i32
    %dma_wait3A_60 = tpu.memref_slice %arg7[%dma_wait3A_58, %dma_wait3A_59] : memref<10000x128xf32, #tpu.memory_space<vmem_shared>> -> memref<10000x128xf32, #tpu.memory_space<vmem_shared>>
    tpu.wait_indirect_dma semaphore(%arg8 : memref<!tpu.dma_semaphore, #tpu.memory_space<semaphore_mem>>) src(%dma_wait3A_60 : memref<10000x128xf32, #tpu.memory_space<vmem_shared>>) dst(%dma_wait3A_54 : memref<128x128xf32, #tpu.memory_space<vmem>>)
    %add3A_61 = arith.constant 128 : i32
    %add3A_62 = arith.addi %mul3A_2, %add3A_61 : i32
    "tpu.region"() ({
      %run_scoped3A = tpu.sem_alloc : memref<!tpu.dma_semaphore, #tpu.memory_space<semaphore_mem>>
      %dma_start3A_889 = arith.constant 128 : i32
      %dma_start3A_890 = arith.constant 0 : i32
      %dma_start3A_891 = tpu.memref_slice %arg6[%dma_start3A_889, %dma_start3A_890] : memref<256x128xf32, #tpu.memory_space<vmem>> -> memref<128x128xf32, #tpu.memory_space<vmem>>
      %dma_start3A_892 = arith.constant 0 : i32
      %dma_start3A_893 = tpu.memref_slice %arg4[%add3A_62, %dma_start3A_892] : memref<163840x128xf32, #tpu.memory_space<hbm>> -> memref<128x128xf32, #tpu.memory_space<hbm>>
      %dma_start3A_894 = arith.constant 0 : i32
      %dma_start3A_895 = tpu.memref_slice %arg4[%add3A_62, %dma_start3A_894] : memref<163840x128xf32, #tpu.memory_space<hbm>> -> memref<128x128xf32, #tpu.memory_space<hbm>>
      %dma_start3A_896 = arith.constant 128 : i32
      %dma_start3A_897 = arith.constant 0 : i32
      %dma_start3A_898 = tpu.memref_slice %arg6[%dma_start3A_896, %dma_start3A_897] : memref<256x128xf32, #tpu.memory_space<vmem>> -> memref<128x128xf32, #tpu.memory_space<vmem>>
      tpu.enqueue_dma source(%dma_start3A_898 : memref<128x128xf32, #tpu.memory_space<vmem>>) target(%dma_start3A_895 : memref<128x128xf32, #tpu.memory_space<hbm>>) target_semaphore(%run_scoped3A : memref<!tpu.dma_semaphore, #tpu.memory_space<semaphore_mem>>)
      %dma_wait3A_899 = arith.constant 128 : i32
      %dma_wait3A_900 = arith.constant 0 : i32
      %dma_wait3A_901 = tpu.memref_slice %arg6[%dma_wait3A_899, %dma_wait3A_900] : memref<256x128xf32, #tpu.memory_space<vmem>> -> memref<128x128xf32, #tpu.memory_space<vmem>>
      %dma_wait3A_902 = arith.constant 0 : i32
      %dma_wait3A_903 = tpu.memref_slice %arg4[%add3A_62, %dma_wait3A_902] : memref<163840x128xf32, #tpu.memory_space<hbm>> -> memref<128x128xf32, #tpu.memory_space<hbm>>
      %dma_wait3A_904 = arith.constant 0 : i32
      %dma_wait3A_905 = tpu.memref_slice %arg4[%add3A_62, %dma_wait3A_904] : memref<163840x128xf32, #tpu.memory_space<hbm>> -> memref<128x128xf32, #tpu.memory_space<hbm>>
      %dma_wait3A_906 = arith.constant 128 : i32
      %dma_wait3A_907 = arith.constant 0 : i32
      %dma_wait3A_908 = tpu.memref_slice %arg6[%dma_wait3A_906, %dma_wait3A_907] : memref<256x128xf32, #tpu.memory_space<vmem>> -> memref<128x128xf32, #tpu.memory_space<vmem>>
      tpu.wait_dma2 semaphore(%run_scoped3A : memref<!tpu.dma_semaphore, #tpu.memory_space<semaphore_mem>>) src(%dma_wait3A_908 : memref<128x128xf32, #tpu.memory_space<vmem>>) dst(%dma_wait3A_905 : memref<128x128xf32, #tpu.memory_space<hbm>>)
      tpu.yield
    }) : () -> ()
    %dma_start3A_63 = arith.constant 3 : i32
    %dma_start3A_64 = arith.constant 128 : i32
    %dma_start3A_65 = arith.constant 0 : i32
    %dma_start3A_66 = tpu.memref_slice %arg6[%dma_start3A_64, %dma_start3A_65] : memref<256x128xf32, #tpu.memory_space<vmem>> -> memref<128x128xf32, #tpu.memory_space<vmem>>
    %dma_start3A_67 = arith.constant 0 : i32
    %dma_start3A_68 = tpu.memref_slice %arg5[%dma_start3A_63, %dma_start3A_67] : memref<40x128xi32, #tpu.memory_space<vmem>> -> memref<1x128xi32, #tpu.memory_space<vmem>>
    %dma_start3A_69 = tpu.memref_squeeze %dma_start3A_68 : memref<1x128xi32, #tpu.memory_space<vmem>> -> memref<128xi32, #tpu.memory_space<vmem>>
    %dma_start3A_70 = arith.constant 0 : i32
    %dma_start3A_71 = arith.constant 0 : i32
    %dma_start3A_72 = tpu.memref_slice %arg7[%dma_start3A_70, %dma_start3A_71] : memref<10000x128xf32, #tpu.memory_space<vmem_shared>> -> memref<10000x128xf32, #tpu.memory_space<vmem_shared>>
    tpu.enqueue_indirect_dma source(%dma_start3A_72 : memref<10000x128xf32, #tpu.memory_space<vmem_shared>>) target(%dma_start3A_66 : memref<128x128xf32, #tpu.memory_space<vmem>>) offsets(%dma_start3A_69 : memref<128xi32, #tpu.memory_space<vmem>>) semaphore(%arg8 : memref<!tpu.dma_semaphore, #tpu.memory_space<semaphore_mem>>)
    %dma_wait3A_73 = arith.constant 2 : i32
    %dma_wait3A_74 = arith.constant 0 : i32
    %dma_wait3A_75 = arith.constant 0 : i32
    %dma_wait3A_76 = tpu.memref_slice %arg6[%dma_wait3A_74, %dma_wait3A_75] : memref<256x128xf32, #tpu.memory_space<vmem>> -> memref<128x128xf32, #tpu.memory_space<vmem>>
    %dma_wait3A_77 = arith.constant 0 : i32
    %dma_wait3A_78 = tpu.memref_slice %arg5[%dma_wait3A_73, %dma_wait3A_77] : memref<40x128xi32, #tpu.memory_space<vmem>> -> memref<1x128xi32, #tpu.memory_space<vmem>>
    %dma_wait3A_79 = tpu.memref_squeeze %dma_wait3A_78 : memref<1x128xi32, #tpu.memory_space<vmem>> -> memref<128xi32, #tpu.memory_space<vmem>>
    %dma_wait3A_80 = arith.constant 0 : i32
    %dma_wait3A_81 = arith.constant 0 : i32
    %dma_wait3A_82 = tpu.memref_slice %arg7[%dma_wait3A_80, %dma_wait3A_81] : memref<10000x128xf32, #tpu.memory_space<vmem_shared>> -> memref<10000x128xf32, #tpu.memory_space<vmem_shared>>
    tpu.wait_indirect_dma semaphore(%arg8 : memref<!tpu.dma_semaphore, #tpu.memory_space<semaphore_mem>>) src(%dma_wait3A_82 : memref<10000x128xf32, #tpu.memory_space<vmem_shared>>) dst(%dma_wait3A_76 : memref<128x128xf32, #tpu.memory_space<vmem>>)
    %add3A_83 = arith.constant 256 : i32
    %add3A_84 = arith.addi %mul3A_2, %add3A_83 : i32
    "tpu.region"() ({
      %run_scoped3A = tpu.sem_alloc : memref<!tpu.dma_semaphore, #tpu.memory_space<semaphore_mem>>
      %dma_start3A_889 = arith.constant 0 : i32
      %dma_start3A_890 = arith.constant 0 : i32
      %dma_start3A_891 = tpu.memref_slice %arg6[%dma_start3A_889, %dma_start3A_890] : memref<256x128xf32, #tpu.memory_space<vmem>> -> memref<128x128xf32, #tpu.memory_space<vmem>>
      %dma_start3A_892 = arith.constant 0 : i32
      %dma_start3A_893 = tpu.memref_slice %arg4[%add3A_84, %dma_start3A_892] : memref<163840x128xf32, #tpu.memory_space<hbm>> -> memref<128x128xf32, #tpu.memory_space<hbm>>
      %dma_start3A_894 = arith.constant 0 : i32
      %dma_start3A_895 = tpu.memref_slice %arg4[%add3A_84, %dma_start3A_894] : memref<163840x128xf32, #tpu.memory_space<hbm>> -> memref<128x128xf32, #tpu.memory_space<hbm>>
      %dma_start3A_896 = arith.constant 0 : i32
      %dma_start3A_897 = arith.constant 0 : i32
      %dma_start3A_898 = tpu.memref_slice %arg6[%dma_start3A_896, %dma_start3A_897] : memref<256x128xf32, #tpu.memory_space<vmem>> -> memref<128x128xf32, #tpu.memory_space<vmem>>
      tpu.enqueue_dma source(%dma_start3A_898 : memref<128x128xf32, #tpu.memory_space<vmem>>) target(%dma_start3A_895 : memref<128x128xf32, #tpu.memory_space<hbm>>) target_semaphore(%run_scoped3A : memref<!tpu.dma_semaphore, #tpu.memory_space<semaphore_mem>>)
      %dma_wait3A_899 = arith.constant 0 : i32
      %dma_wait3A_900 = arith.constant 0 : i32
      %dma_wait3A_901 = tpu.memref_slice %arg6[%dma_wait3A_899, %dma_wait3A_900] : memref<256x128xf32, #tpu.memory_space<vmem>> -> memref<128x128xf32, #tpu.memory_space<vmem>>
      %dma_wait3A_902 = arith.constant 0 : i32
      %dma_wait3A_903 = tpu.memref_slice %arg4[%add3A_84, %dma_wait3A_902] : memref<163840x128xf32, #tpu.memory_space<hbm>> -> memref<128x128xf32, #tpu.memory_space<hbm>>
      %dma_wait3A_904 = arith.constant 0 : i32
      %dma_wait3A_905 = tpu.memref_slice %arg4[%add3A_84, %dma_wait3A_904] : memref<163840x128xf32, #tpu.memory_space<hbm>> -> memref<128x128xf32, #tpu.memory_space<hbm>>
      %dma_wait3A_906 = arith.constant 0 : i32
      %dma_wait3A_907 = arith.constant 0 : i32
      %dma_wait3A_908 = tpu.memref_slice %arg6[%dma_wait3A_906, %dma_wait3A_907] : memref<256x128xf32, #tpu.memory_space<vmem>> -> memref<128x128xf32, #tpu.memory_space<vmem>>
      tpu.wait_dma2 semaphore(%run_scoped3A : memref<!tpu.dma_semaphore, #tpu.memory_space<semaphore_mem>>) src(%dma_wait3A_908 : memref<128x128xf32, #tpu.memory_space<vmem>>) dst(%dma_wait3A_905 : memref<128x128xf32, #tpu.memory_space<hbm>>)
      tpu.yield
    }) : () -> ()
    %dma_start3A_85 = arith.constant 4 : i32
    %dma_start3A_86 = arith.constant 0 : i32
    %dma_start3A_87 = arith.constant 0 : i32
    %dma_start3A_88 = tpu.memref_slice %arg6[%dma_start3A_86, %dma_start3A_87] : memref<256x128xf32, #tpu.memory_space<vmem>> -> memref<128x128xf32, #tpu.memory_space<vmem>>
    %dma_start3A_89 = arith.constant 0 : i32
    %dma_start3A_90 = tpu.memref_slice %arg5[%dma_start3A_85, %dma_start3A_89] : memref<40x128xi32, #tpu.memory_space<vmem>> -> memref<1x128xi32, #tpu.memory_space<vmem>>
    %dma_start3A_91 = tpu.memref_squeeze %dma_start3A_90 : memref<1x128xi32, #tpu.memory_space<vmem>> -> memref<128xi32, #tpu.memory_space<vmem>>
    %dma_start3A_92 = arith.constant 0 : i32
    %dma_start3A_93 = arith.constant 0 : i32
    %dma_start3A_94 = tpu.memref_slice %arg7[%dma_start3A_92, %dma_start3A_93] : memref<10000x128xf32, #tpu.memory_space<vmem_shared>> -> memref<10000x128xf32, #tpu.memory_space<vmem_shared>>
    tpu.enqueue_indirect_dma source(%dma_start3A_94 : memref<10000x128xf32, #tpu.memory_space<vmem_shared>>) target(%dma_start3A_88 : memref<128x128xf32, #tpu.memory_space<vmem>>) offsets(%dma_start3A_91 : memref<128xi32, #tpu.memory_space<vmem>>) semaphore(%arg8 : memref<!tpu.dma_semaphore, #tpu.memory_space<semaphore_mem>>)
    %dma_wait3A_95 = arith.constant 3 : i32
    %dma_wait3A_96 = arith.constant 128 : i32
    %dma_wait3A_97 = arith.constant 0 : i32
    %dma_wait3A_98 = tpu.memref_slice %arg6[%dma_wait3A_96, %dma_wait3A_97] : memref<256x128xf32, #tpu.memory_space<vmem>> -> memref<128x128xf32, #tpu.memory_space<vmem>>
    %dma_wait3A_99 = arith.constant 0 : i32
    %dma_wait3A_100 = tpu.memref_slice %arg5[%dma_wait3A_95, %dma_wait3A_99] : memref<40x128xi32, #tpu.memory_space<vmem>> -> memref<1x128xi32, #tpu.memory_space<vmem>>
    %dma_wait3A_101 = tpu.memref_squeeze %dma_wait3A_100 : memref<1x128xi32, #tpu.memory_space<vmem>> -> memref<128xi32, #tpu.memory_space<vmem>>
    %dma_wait3A_102 = arith.constant 0 : i32
    %dma_wait3A_103 = arith.constant 0 : i32
    %dma_wait3A_104 = tpu.memref_slice %arg7[%dma_wait3A_102, %dma_wait3A_103] : memref<10000x128xf32, #tpu.memory_space<vmem_shared>> -> memref<10000x128xf32, #tpu.memory_space<vmem_shared>>
    tpu.wait_indirect_dma semaphore(%arg8 : memref<!tpu.dma_semaphore, #tpu.memory_space<semaphore_mem>>) src(%dma_wait3A_104 : memref<10000x128xf32, #tpu.memory_space<vmem_shared>>) dst(%dma_wait3A_98 : memref<128x128xf32, #tpu.memory_space<vmem>>)
    %add3A_105 = arith.constant 384 : i32
    %add3A_106 = arith.addi %mul3A_2, %add3A_105 : i32
    "tpu.region"() ({
      %run_scoped3A = tpu.sem_alloc : memref<!tpu.dma_semaphore, #tpu.memory_space<semaphore_mem>>
      %dma_start3A_889 = arith.constant 128 : i32
      %dma_start3A_890 = arith.constant 0 : i32
      %dma_start3A_891 = tpu.memref_slice %arg6[%dma_start3A_889, %dma_start3A_890] : memref<256x128xf32, #tpu.memory_space<vmem>> -> memref<128x128xf32, #tpu.memory_space<vmem>>
      %dma_start3A_892 = arith.constant 0 : i32
      %dma_start3A_893 = tpu.memref_slice %arg4[%add3A_106, %dma_start3A_892] : memref<163840x128xf32, #tpu.memory_space<hbm>> -> memref<128x128xf32, #tpu.memory_space<hbm>>
      %dma_start3A_894 = arith.constant 0 : i32
      %dma_start3A_895 = tpu.memref_slice %arg4[%add3A_106, %dma_start3A_894] : memref<163840x128xf32, #tpu.memory_space<hbm>> -> memref<128x128xf32, #tpu.memory_space<hbm>>
      %dma_start3A_896 = arith.constant 128 : i32
      %dma_start3A_897 = arith.constant 0 : i32
      %dma_start3A_898 = tpu.memref_slice %arg6[%dma_start3A_896, %dma_start3A_897] : memref<256x128xf32, #tpu.memory_space<vmem>> -> memref<128x128xf32, #tpu.memory_space<vmem>>
      tpu.enqueue_dma source(%dma_start3A_898 : memref<128x128xf32, #tpu.memory_space<vmem>>) target(%dma_start3A_895 : memref<128x128xf32, #tpu.memory_space<hbm>>) target_semaphore(%run_scoped3A : memref<!tpu.dma_semaphore, #tpu.memory_space<semaphore_mem>>)
      %dma_wait3A_899 = arith.constant 128 : i32
      %dma_wait3A_900 = arith.constant 0 : i32
      %dma_wait3A_901 = tpu.memref_slice %arg6[%dma_wait3A_899, %dma_wait3A_900] : memref<256x128xf32, #tpu.memory_space<vmem>> -> memref<128x128xf32, #tpu.memory_space<vmem>>
      %dma_wait3A_902 = arith.constant 0 : i32
      %dma_wait3A_903 = tpu.memref_slice %arg4[%add3A_106, %dma_wait3A_902] : memref<163840x128xf32, #tpu.memory_space<hbm>> -> memref<128x128xf32, #tpu.memory_space<hbm>>
      %dma_wait3A_904 = arith.constant 0 : i32
      %dma_wait3A_905 = tpu.memref_slice %arg4[%add3A_106, %dma_wait3A_904] : memref<163840x128xf32, #tpu.memory_space<hbm>> -> memref<128x128xf32, #tpu.memory_space<hbm>>
      %dma_wait3A_906 = arith.constant 128 : i32
      %dma_wait3A_907 = arith.constant 0 : i32
      %dma_wait3A_908 = tpu.memref_slice %arg6[%dma_wait3A_906, %dma_wait3A_907] : memref<256x128xf32, #tpu.memory_space<vmem>> -> memref<128x128xf32, #tpu.memory_space<vmem>>
      tpu.wait_dma2 semaphore(%run_scoped3A : memref<!tpu.dma_semaphore, #tpu.memory_space<semaphore_mem>>) src(%dma_wait3A_908 : memref<128x128xf32, #tpu.memory_space<vmem>>) dst(%dma_wait3A_905 : memref<128x128xf32, #tpu.memory_space<hbm>>)
      tpu.yield
    }) : () -> ()
    %dma_start3A_107 = arith.constant 5 : i32
    %dma_start3A_108 = arith.constant 128 : i32
    %dma_start3A_109 = arith.constant 0 : i32
    %dma_start3A_110 = tpu.memref_slice %arg6[%dma_start3A_108, %dma_start3A_109] : memref<256x128xf32, #tpu.memory_space<vmem>> -> memref<128x128xf32, #tpu.memory_space<vmem>>
    %dma_start3A_111 = arith.constant 0 : i32
    %dma_start3A_112 = tpu.memref_slice %arg5[%dma_start3A_107, %dma_start3A_111] : memref<40x128xi32, #tpu.memory_space<vmem>> -> memref<1x128xi32, #tpu.memory_space<vmem>>
    %dma_start3A_113 = tpu.memref_squeeze %dma_start3A_112 : memref<1x128xi32, #tpu.memory_space<vmem>> -> memref<128xi32, #tpu.memory_space<vmem>>
    %dma_start3A_114 = arith.constant 0 : i32
    %dma_start3A_115 = arith.constant 0 : i32
    %dma_start3A_116 = tpu.memref_slice %arg7[%dma_start3A_114, %dma_start3A_115] : memref<10000x128xf32, #tpu.memory_space<vmem_shared>> -> memref<10000x128xf32, #tpu.memory_space<vmem_shared>>
    tpu.enqueue_indirect_dma source(%dma_start3A_116 : memref<10000x128xf32, #tpu.memory_space<vmem_shared>>) target(%dma_start3A_110 : memref<128x128xf32, #tpu.memory_space<vmem>>) offsets(%dma_start3A_113 : memref<128xi32, #tpu.memory_space<vmem>>) semaphore(%arg8 : memref<!tpu.dma_semaphore, #tpu.memory_space<semaphore_mem>>)
    %dma_wait3A_117 = arith.constant 4 : i32
    %dma_wait3A_118 = arith.constant 0 : i32
    %dma_wait3A_119 = arith.constant 0 : i32
    %dma_wait3A_120 = tpu.memref_slice %arg6[%dma_wait3A_118, %dma_wait3A_119] : memref<256x128xf32, #tpu.memory_space<vmem>> -> memref<128x128xf32, #tpu.memory_space<vmem>>
    %dma_wait3A_121 = arith.constant 0 : i32
    %dma_wait3A_122 = tpu.memref_slice %arg5[%dma_wait3A_117, %dma_wait3A_121] : memref<40x128xi32, #tpu.memory_space<vmem>> -> memref<1x128xi32, #tpu.memory_space<vmem>>
    %dma_wait3A_123 = tpu.memref_squeeze %dma_wait3A_122 : memref<1x128xi32, #tpu.memory_space<vmem>> -> memref<128xi32, #tpu.memory_space<vmem>>
    %dma_wait3A_124 = arith.constant 0 : i32
    %dma_wait3A_125 = arith.constant 0 : i32
    %dma_wait3A_126 = tpu.memref_slice %arg7[%dma_wait3A_124, %dma_wait3A_125] : memref<10000x128xf32, #tpu.memory_space<vmem_shared>> -> memref<10000x128xf32, #tpu.memory_space<vmem_shared>>
    tpu.wait_indirect_dma semaphore(%arg8 : memref<!tpu.dma_semaphore, #tpu.memory_space<semaphore_mem>>) src(%dma_wait3A_126 : memref<10000x128xf32, #tpu.memory_space<vmem_shared>>) dst(%dma_wait3A_120 : memref<128x128xf32, #tpu.memory_space<vmem>>)
    %add3A_127 = arith.constant 512 : i32
    %add3A_128 = arith.addi %mul3A_2, %add3A_127 : i32
    "tpu.region"() ({
      %run_scoped3A = tpu.sem_alloc : memref<!tpu.dma_semaphore, #tpu.memory_space<semaphore_mem>>
      %dma_start3A_889 = arith.constant 0 : i32
      %dma_start3A_890 = arith.constant 0 : i32
      %dma_start3A_891 = tpu.memref_slice %arg6[%dma_start3A_889, %dma_start3A_890] : memref<256x128xf32, #tpu.memory_space<vmem>> -> memref<128x128xf32, #tpu.memory_space<vmem>>
      %dma_start3A_892 = arith.constant 0 : i32
      %dma_start3A_893 = tpu.memref_slice %arg4[%add3A_128, %dma_start3A_892] : memref<163840x128xf32, #tpu.memory_space<hbm>> -> memref<128x128xf32, #tpu.memory_space<hbm>>
      %dma_start3A_894 = arith.constant 0 : i32
      %dma_start3A_895 = tpu.memref_slice %arg4[%add3A_128, %dma_start3A_894] : memref<163840x128xf32, #tpu.memory_space<hbm>> -> memref<128x128xf32, #tpu.memory_space<hbm>>
      %dma_start3A_896 = arith.constant 0 : i32
      %dma_start3A_897 = arith.constant 0 : i32
      %dma_start3A_898 = tpu.memref_slice %arg6[%dma_start3A_896, %dma_start3A_897] : memref<256x128xf32, #tpu.memory_space<vmem>> -> memref<128x128xf32, #tpu.memory_space<vmem>>
      tpu.enqueue_dma source(%dma_start3A_898 : memref<128x128xf32, #tpu.memory_space<vmem>>) target(%dma_start3A_895 : memref<128x128xf32, #tpu.memory_space<hbm>>) target_semaphore(%run_scoped3A : memref<!tpu.dma_semaphore, #tpu.memory_space<semaphore_mem>>)
      %dma_wait3A_899 = arith.constant 0 : i32
      %dma_wait3A_900 = arith.constant 0 : i32
      %dma_wait3A_901 = tpu.memref_slice %arg6[%dma_wait3A_899, %dma_wait3A_900] : memref<256x128xf32, #tpu.memory_space<vmem>> -> memref<128x128xf32, #tpu.memory_space<vmem>>
      %dma_wait3A_902 = arith.constant 0 : i32
      %dma_wait3A_903 = tpu.memref_slice %arg4[%add3A_128, %dma_wait3A_902] : memref<163840x128xf32, #tpu.memory_space<hbm>> -> memref<128x128xf32, #tpu.memory_space<hbm>>
      %dma_wait3A_904 = arith.constant 0 : i32
      %dma_wait3A_905 = tpu.memref_slice %arg4[%add3A_128, %dma_wait3A_904] : memref<163840x128xf32, #tpu.memory_space<hbm>> -> memref<128x128xf32, #tpu.memory_space<hbm>>
      %dma_wait3A_906 = arith.constant 0 : i32
      %dma_wait3A_907 = arith.constant 0 : i32
      %dma_wait3A_908 = tpu.memref_slice %arg6[%dma_wait3A_906, %dma_wait3A_907] : memref<256x128xf32, #tpu.memory_space<vmem>> -> memref<128x128xf32, #tpu.memory_space<vmem>>
      tpu.wait_dma2 semaphore(%run_scoped3A : memref<!tpu.dma_semaphore, #tpu.memory_space<semaphore_mem>>) src(%dma_wait3A_908 : memref<128x128xf32, #tpu.memory_space<vmem>>) dst(%dma_wait3A_905 : memref<128x128xf32, #tpu.memory_space<hbm>>)
      tpu.yield
    }) : () -> ()
    %dma_start3A_129 = arith.constant 6 : i32
    %dma_start3A_130 = arith.constant 0 : i32
    %dma_start3A_131 = arith.constant 0 : i32
    %dma_start3A_132 = tpu.memref_slice %arg6[%dma_start3A_130, %dma_start3A_131] : memref<256x128xf32, #tpu.memory_space<vmem>> -> memref<128x128xf32, #tpu.memory_space<vmem>>
    %dma_start3A_133 = arith.constant 0 : i32
    %dma_start3A_134 = tpu.memref_slice %arg5[%dma_start3A_129, %dma_start3A_133] : memref<40x128xi32, #tpu.memory_space<vmem>> -> memref<1x128xi32, #tpu.memory_space<vmem>>
    %dma_start3A_135 = tpu.memref_squeeze %dma_start3A_134 : memref<1x128xi32, #tpu.memory_space<vmem>> -> memref<128xi32, #tpu.memory_space<vmem>>
    %dma_start3A_136 = arith.constant 0 : i32
    %dma_start3A_137 = arith.constant 0 : i32
    %dma_start3A_138 = tpu.memref_slice %arg7[%dma_start3A_136, %dma_start3A_137] : memref<10000x128xf32, #tpu.memory_space<vmem_shared>> -> memref<10000x128xf32, #tpu.memory_space<vmem_shared>>
    tpu.enqueue_indirect_dma source(%dma_start3A_138 : memref<10000x128xf32, #tpu.memory_space<vmem_shared>>) target(%dma_start3A_132 : memref<128x128xf32, #tpu.memory_space<vmem>>) offsets(%dma_start3A_135 : memref<128xi32, #tpu.memory_space<vmem>>) semaphore(%arg8 : memref<!tpu.dma_semaphore, #tpu.memory_space<semaphore_mem>>)
    %dma_wait3A_139 = arith.constant 5 : i32
    %dma_wait3A_140 = arith.constant 128 : i32
    %dma_wait3A_141 = arith.constant 0 : i32
    %dma_wait3A_142 = tpu.memref_slice %arg6[%dma_wait3A_140, %dma_wait3A_141] : memref<256x128xf32, #tpu.memory_space<vmem>> -> memref<128x128xf32, #tpu.memory_space<vmem>>
    %dma_wait3A_143 = arith.constant 0 : i32
    %dma_wait3A_144 = tpu.memref_slice %arg5[%dma_wait3A_139, %dma_wait3A_143] : memref<40x128xi32, #tpu.memory_space<vmem>> -> memref<1x128xi32, #tpu.memory_space<vmem>>
    %dma_wait3A_145 = tpu.memref_squeeze %dma_wait3A_144 : memref<1x128xi32, #tpu.memory_space<vmem>> -> memref<128xi32, #tpu.memory_space<vmem>>
    %dma_wait3A_146 = arith.constant 0 : i32
    %dma_wait3A_147 = arith.constant 0 : i32
    %dma_wait3A_148 = tpu.memref_slice %arg7[%dma_wait3A_146, %dma_wait3A_147] : memref<10000x128xf32, #tpu.memory_space<vmem_shared>> -> memref<10000x128xf32, #tpu.memory_space<vmem_shared>>
    tpu.wait_indirect_dma semaphore(%arg8 : memref<!tpu.dma_semaphore, #tpu.memory_space<semaphore_mem>>) src(%dma_wait3A_148 : memref<10000x128xf32, #tpu.memory_space<vmem_shared>>) dst(%dma_wait3A_142 : memref<128x128xf32, #tpu.memory_space<vmem>>)
    %add3A_149 = arith.constant 640 : i32
    %add3A_150 = arith.addi %mul3A_2, %add3A_149 : i32
    "tpu.region"() ({
      %run_scoped3A = tpu.sem_alloc : memref<!tpu.dma_semaphore, #tpu.memory_space<semaphore_mem>>
      %dma_start3A_889 = arith.constant 128 : i32
      %dma_start3A_890 = arith.constant 0 : i32
      %dma_start3A_891 = tpu.memref_slice %arg6[%dma_start3A_889, %dma_start3A_890] : memref<256x128xf32, #tpu.memory_space<vmem>> -> memref<128x128xf32, #tpu.memory_space<vmem>>
      %dma_start3A_892 = arith.constant 0 : i32
      %dma_start3A_893 = tpu.memref_slice %arg4[%add3A_150, %dma_start3A_892] : memref<163840x128xf32, #tpu.memory_space<hbm>> -> memref<128x128xf32, #tpu.memory_space<hbm>>
      %dma_start3A_894 = arith.constant 0 : i32
      %dma_start3A_895 = tpu.memref_slice %arg4[%add3A_150, %dma_start3A_894] : memref<163840x128xf32, #tpu.memory_space<hbm>> -> memref<128x128xf32, #tpu.memory_space<hbm>>
      %dma_start3A_896 = arith.constant 128 : i32
      %dma_start3A_897 = arith.constant 0 : i32
      %dma_start3A_898 = tpu.memref_slice %arg6[%dma_start3A_896, %dma_start3A_897] : memref<256x128xf32, #tpu.memory_space<vmem>> -> memref<128x128xf32, #tpu.memory_space<vmem>>
      tpu.enqueue_dma source(%dma_start3A_898 : memref<128x128xf32, #tpu.memory_space<vmem>>) target(%dma_start3A_895 : memref<128x128xf32, #tpu.memory_space<hbm>>) target_semaphore(%run_scoped3A : memref<!tpu.dma_semaphore, #tpu.memory_space<semaphore_mem>>)
      %dma_wait3A_899 = arith.constant 128 : i32
      %dma_wait3A_900 = arith.constant 0 : i32
      %dma_wait3A_901 = tpu.memref_slice %arg6[%dma_wait3A_899, %dma_wait3A_900] : memref<256x128xf32, #tpu.memory_space<vmem>> -> memref<128x128xf32, #tpu.memory_space<vmem>>
      %dma_wait3A_902 = arith.constant 0 : i32
      %dma_wait3A_903 = tpu.memref_slice %arg4[%add3A_150, %dma_wait3A_902] : memref<163840x128xf32, #tpu.memory_space<hbm>> -> memref<128x128xf32, #tpu.memory_space<hbm>>
      %dma_wait3A_904 = arith.constant 0 : i32
      %dma_wait3A_905 = tpu.memref_slice %arg4[%add3A_150, %dma_wait3A_904] : memref<163840x128xf32, #tpu.memory_space<hbm>> -> memref<128x128xf32, #tpu.memory_space<hbm>>
      %dma_wait3A_906 = arith.constant 128 : i32
      %dma_wait3A_907 = arith.constant 0 : i32
      %dma_wait3A_908 = tpu.memref_slice %arg6[%dma_wait3A_906, %dma_wait3A_907] : memref<256x128xf32, #tpu.memory_space<vmem>> -> memref<128x128xf32, #tpu.memory_space<vmem>>
      tpu.wait_dma2 semaphore(%run_scoped3A : memref<!tpu.dma_semaphore, #tpu.memory_space<semaphore_mem>>) src(%dma_wait3A_908 : memref<128x128xf32, #tpu.memory_space<vmem>>) dst(%dma_wait3A_905 : memref<128x128xf32, #tpu.memory_space<hbm>>)
      tpu.yield
    }) : () -> ()
    %dma_start3A_151 = arith.constant 7 : i32
    %dma_start3A_152 = arith.constant 128 : i32
    %dma_start3A_153 = arith.constant 0 : i32
    %dma_start3A_154 = tpu.memref_slice %arg6[%dma_start3A_152, %dma_start3A_153] : memref<256x128xf32, #tpu.memory_space<vmem>> -> memref<128x128xf32, #tpu.memory_space<vmem>>
    %dma_start3A_155 = arith.constant 0 : i32
    %dma_start3A_156 = tpu.memref_slice %arg5[%dma_start3A_151, %dma_start3A_155] : memref<40x128xi32, #tpu.memory_space<vmem>> -> memref<1x128xi32, #tpu.memory_space<vmem>>
    %dma_start3A_157 = tpu.memref_squeeze %dma_start3A_156 : memref<1x128xi32, #tpu.memory_space<vmem>> -> memref<128xi32, #tpu.memory_space<vmem>>
    %dma_start3A_158 = arith.constant 0 : i32
    %dma_start3A_159 = arith.constant 0 : i32
    %dma_start3A_160 = tpu.memref_slice %arg7[%dma_start3A_158, %dma_start3A_159] : memref<10000x128xf32, #tpu.memory_space<vmem_shared>> -> memref<10000x128xf32, #tpu.memory_space<vmem_shared>>
    tpu.enqueue_indirect_dma source(%dma_start3A_160 : memref<10000x128xf32, #tpu.memory_space<vmem_shared>>) target(%dma_start3A_154 : memref<128x128xf32, #tpu.memory_space<vmem>>) offsets(%dma_start3A_157 : memref<128xi32, #tpu.memory_space<vmem>>) semaphore(%arg8 : memref<!tpu.dma_semaphore, #tpu.memory_space<semaphore_mem>>)
    %dma_wait3A_161 = arith.constant 6 : i32
    %dma_wait3A_162 = arith.constant 0 : i32
    %dma_wait3A_163 = arith.constant 0 : i32
    %dma_wait3A_164 = tpu.memref_slice %arg6[%dma_wait3A_162, %dma_wait3A_163] : memref<256x128xf32, #tpu.memory_space<vmem>> -> memref<128x128xf32, #tpu.memory_space<vmem>>
    %dma_wait3A_165 = arith.constant 0 : i32
    %dma_wait3A_166 = tpu.memref_slice %arg5[%dma_wait3A_161, %dma_wait3A_165] : memref<40x128xi32, #tpu.memory_space<vmem>> -> memref<1x128xi32, #tpu.memory_space<vmem>>
    %dma_wait3A_167 = tpu.memref_squeeze %dma_wait3A_166 : memref<1x128xi32, #tpu.memory_space<vmem>> -> memref<128xi32, #tpu.memory_space<vmem>>
    %dma_wait3A_168 = arith.constant 0 : i32
    %dma_wait3A_169 = arith.constant 0 : i32
    %dma_wait3A_170 = tpu.memref_slice %arg7[%dma_wait3A_168, %dma_wait3A_169] : memref<10000x128xf32, #tpu.memory_space<vmem_shared>> -> memref<10000x128xf32, #tpu.memory_space<vmem_shared>>
    tpu.wait_indirect_dma semaphore(%arg8 : memref<!tpu.dma_semaphore, #tpu.memory_space<semaphore_mem>>) src(%dma_wait3A_170 : memref<10000x128xf32, #tpu.memory_space<vmem_shared>>) dst(%dma_wait3A_164 : memref<128x128xf32, #tpu.memory_space<vmem>>)
    %add3A_171 = arith.constant 768 : i32
    %add3A_172 = arith.addi %mul3A_2, %add3A_171 : i32
    "tpu.region"() ({
      %run_scoped3A = tpu.sem_alloc : memref<!tpu.dma_semaphore, #tpu.memory_space<semaphore_mem>>
      %dma_start3A_889 = arith.constant 0 : i32
      %dma_start3A_890 = arith.constant 0 : i32
      %dma_start3A_891 = tpu.memref_slice %arg6[%dma_start3A_889, %dma_start3A_890] : memref<256x128xf32, #tpu.memory_space<vmem>> -> memref<128x128xf32, #tpu.memory_space<vmem>>
      %dma_start3A_892 = arith.constant 0 : i32
      %dma_start3A_893 = tpu.memref_slice %arg4[%add3A_172, %dma_start3A_892] : memref<163840x128xf32, #tpu.memory_space<hbm>> -> memref<128x128xf32, #tpu.memory_space<hbm>>
      %dma_start3A_894 = arith.constant 0 : i32
      %dma_start3A_895 = tpu.memref_slice %arg4[%add3A_172, %dma_start3A_894] : memref<163840x128xf32, #tpu.memory_space<hbm>> -> memref<128x128xf32, #tpu.memory_space<hbm>>
      %dma_start3A_896 = arith.constant 0 : i32
      %dma_start3A_897 = arith.constant 0 : i32
      %dma_start3A_898 = tpu.memref_slice %arg6[%dma_start3A_896, %dma_start3A_897] : memref<256x128xf32, #tpu.memory_space<vmem>> -> memref<128x128xf32, #tpu.memory_space<vmem>>
      tpu.enqueue_dma source(%dma_start3A_898 : memref<128x128xf32, #tpu.memory_space<vmem>>) target(%dma_start3A_895 : memref<128x128xf32, #tpu.memory_space<hbm>>) target_semaphore(%run_scoped3A : memref<!tpu.dma_semaphore, #tpu.memory_space<semaphore_mem>>)
      %dma_wait3A_899 = arith.constant 0 : i32
      %dma_wait3A_900 = arith.constant 0 : i32
      %dma_wait3A_901 = tpu.memref_slice %arg6[%dma_wait3A_899, %dma_wait3A_900] : memref<256x128xf32, #tpu.memory_space<vmem>> -> memref<128x128xf32, #tpu.memory_space<vmem>>
      %dma_wait3A_902 = arith.constant 0 : i32
      %dma_wait3A_903 = tpu.memref_slice %arg4[%add3A_172, %dma_wait3A_902] : memref<163840x128xf32, #tpu.memory_space<hbm>> -> memref<128x128xf32, #tpu.memory_space<hbm>>
      %dma_wait3A_904 = arith.constant 0 : i32
      %dma_wait3A_905 = tpu.memref_slice %arg4[%add3A_172, %dma_wait3A_904] : memref<163840x128xf32, #tpu.memory_space<hbm>> -> memref<128x128xf32, #tpu.memory_space<hbm>>
      %dma_wait3A_906 = arith.constant 0 : i32
      %dma_wait3A_907 = arith.constant 0 : i32
      %dma_wait3A_908 = tpu.memref_slice %arg6[%dma_wait3A_906, %dma_wait3A_907] : memref<256x128xf32, #tpu.memory_space<vmem>> -> memref<128x128xf32, #tpu.memory_space<vmem>>
      tpu.wait_dma2 semaphore(%run_scoped3A : memref<!tpu.dma_semaphore, #tpu.memory_space<semaphore_mem>>) src(%dma_wait3A_908 : memref<128x128xf32, #tpu.memory_space<vmem>>) dst(%dma_wait3A_905 : memref<128x128xf32, #tpu.memory_space<hbm>>)
      tpu.yield
    }) : () -> ()
    %dma_start3A_173 = arith.constant 8 : i32
    %dma_start3A_174 = arith.constant 0 : i32
    %dma_start3A_175 = arith.constant 0 : i32
    %dma_start3A_176 = tpu.memref_slice %arg6[%dma_start3A_174, %dma_start3A_175] : memref<256x128xf32, #tpu.memory_space<vmem>> -> memref<128x128xf32, #tpu.memory_space<vmem>>
    %dma_start3A_177 = arith.constant 0 : i32
    %dma_start3A_178 = tpu.memref_slice %arg5[%dma_start3A_173, %dma_start3A_177] : memref<40x128xi32, #tpu.memory_space<vmem>> -> memref<1x128xi32, #tpu.memory_space<vmem>>
    %dma_start3A_179 = tpu.memref_squeeze %dma_start3A_178 : memref<1x128xi32, #tpu.memory_space<vmem>> -> memref<128xi32, #tpu.memory_space<vmem>>
    %dma_start3A_180 = arith.constant 0 : i32
    %dma_start3A_181 = arith.constant 0 : i32
    %dma_start3A_182 = tpu.memref_slice %arg7[%dma_start3A_180, %dma_start3A_181] : memref<10000x128xf32, #tpu.memory_space<vmem_shared>> -> memref<10000x128xf32, #tpu.memory_space<vmem_shared>>
    tpu.enqueue_indirect_dma source(%dma_start3A_182 : memref<10000x128xf32, #tpu.memory_space<vmem_shared>>) target(%dma_start3A_176 : memref<128x128xf32, #tpu.memory_space<vmem>>) offsets(%dma_start3A_179 : memref<128xi32, #tpu.memory_space<vmem>>) semaphore(%arg8 : memref<!tpu.dma_semaphore, #tpu.memory_space<semaphore_mem>>)
    %dma_wait3A_183 = arith.constant 7 : i32
    %dma_wait3A_184 = arith.constant 128 : i32
    %dma_wait3A_185 = arith.constant 0 : i32
    %dma_wait3A_186 = tpu.memref_slice %arg6[%dma_wait3A_184, %dma_wait3A_185] : memref<256x128xf32, #tpu.memory_space<vmem>> -> memref<128x128xf32, #tpu.memory_space<vmem>>
    %dma_wait3A_187 = arith.constant 0 : i32
    %dma_wait3A_188 = tpu.memref_slice %arg5[%dma_wait3A_183, %dma_wait3A_187] : memref<40x128xi32, #tpu.memory_space<vmem>> -> memref<1x128xi32, #tpu.memory_space<vmem>>
    %dma_wait3A_189 = tpu.memref_squeeze %dma_wait3A_188 : memref<1x128xi32, #tpu.memory_space<vmem>> -> memref<128xi32, #tpu.memory_space<vmem>>
    %dma_wait3A_190 = arith.constant 0 : i32
    %dma_wait3A_191 = arith.constant 0 : i32
    %dma_wait3A_192 = tpu.memref_slice %arg7[%dma_wait3A_190, %dma_wait3A_191] : memref<10000x128xf32, #tpu.memory_space<vmem_shared>> -> memref<10000x128xf32, #tpu.memory_space<vmem_shared>>
    tpu.wait_indirect_dma semaphore(%arg8 : memref<!tpu.dma_semaphore, #tpu.memory_space<semaphore_mem>>) src(%dma_wait3A_192 : memref<10000x128xf32, #tpu.memory_space<vmem_shared>>) dst(%dma_wait3A_186 : memref<128x128xf32, #tpu.memory_space<vmem>>)
    %add3A_193 = arith.constant 896 : i32
    %add3A_194 = arith.addi %mul3A_2, %add3A_193 : i32
    "tpu.region"() ({
      %run_scoped3A = tpu.sem_alloc : memref<!tpu.dma_semaphore, #tpu.memory_space<semaphore_mem>>
      %dma_start3A_889 = arith.constant 128 : i32
      %dma_start3A_890 = arith.constant 0 : i32
      %dma_start3A_891 = tpu.memref_slice %arg6[%dma_start3A_889, %dma_start3A_890] : memref<256x128xf32, #tpu.memory_space<vmem>> -> memref<128x128xf32, #tpu.memory_space<vmem>>
      %dma_start3A_892 = arith.constant 0 : i32
      %dma_start3A_893 = tpu.memref_slice %arg4[%add3A_194, %dma_start3A_892] : memref<163840x128xf32, #tpu.memory_space<hbm>> -> memref<128x128xf32, #tpu.memory_space<hbm>>
      %dma_start3A_894 = arith.constant 0 : i32
      %dma_start3A_895 = tpu.memref_slice %arg4[%add3A_194, %dma_start3A_894] : memref<163840x128xf32, #tpu.memory_space<hbm>> -> memref<128x128xf32, #tpu.memory_space<hbm>>
      %dma_start3A_896 = arith.constant 128 : i32
      %dma_start3A_897 = arith.constant 0 : i32
      %dma_start3A_898 = tpu.memref_slice %arg6[%dma_start3A_896, %dma_start3A_897] : memref<256x128xf32, #tpu.memory_space<vmem>> -> memref<128x128xf32, #tpu.memory_space<vmem>>
      tpu.enqueue_dma source(%dma_start3A_898 : memref<128x128xf32, #tpu.memory_space<vmem>>) target(%dma_start3A_895 : memref<128x128xf32, #tpu.memory_space<hbm>>) target_semaphore(%run_scoped3A : memref<!tpu.dma_semaphore, #tpu.memory_space<semaphore_mem>>)
      %dma_wait3A_899 = arith.constant 128 : i32
      %dma_wait3A_900 = arith.constant 0 : i32
      %dma_wait3A_901 = tpu.memref_slice %arg6[%dma_wait3A_899, %dma_wait3A_900] : memref<256x128xf32, #tpu.memory_space<vmem>> -> memref<128x128xf32, #tpu.memory_space<vmem>>
      %dma_wait3A_902 = arith.constant 0 : i32
      %dma_wait3A_903 = tpu.memref_slice %arg4[%add3A_194, %dma_wait3A_902] : memref<163840x128xf32, #tpu.memory_space<hbm>> -> memref<128x128xf32, #tpu.memory_space<hbm>>
      %dma_wait3A_904 = arith.constant 0 : i32
      %dma_wait3A_905 = tpu.memref_slice %arg4[%add3A_194, %dma_wait3A_904] : memref<163840x128xf32, #tpu.memory_space<hbm>> -> memref<128x128xf32, #tpu.memory_space<hbm>>
      %dma_wait3A_906 = arith.constant 128 : i32
      %dma_wait3A_907 = arith.constant 0 : i32
      %dma_wait3A_908 = tpu.memref_slice %arg6[%dma_wait3A_906, %dma_wait3A_907] : memref<256x128xf32, #tpu.memory_space<vmem>> -> memref<128x128xf32, #tpu.memory_space<vmem>>
      tpu.wait_dma2 semaphore(%run_scoped3A : memref<!tpu.dma_semaphore, #tpu.memory_space<semaphore_mem>>) src(%dma_wait3A_908 : memref<128x128xf32, #tpu.memory_space<vmem>>) dst(%dma_wait3A_905 : memref<128x128xf32, #tpu.memory_space<hbm>>)
      tpu.yield
    }) : () -> ()
    %dma_start3A_195 = arith.constant 9 : i32
    %dma_start3A_196 = arith.constant 128 : i32
    %dma_start3A_197 = arith.constant 0 : i32
    %dma_start3A_198 = tpu.memref_slice %arg6[%dma_start3A_196, %dma_start3A_197] : memref<256x128xf32, #tpu.memory_space<vmem>> -> memref<128x128xf32, #tpu.memory_space<vmem>>
    %dma_start3A_199 = arith.constant 0 : i32
    %dma_start3A_200 = tpu.memref_slice %arg5[%dma_start3A_195, %dma_start3A_199] : memref<40x128xi32, #tpu.memory_space<vmem>> -> memref<1x128xi32, #tpu.memory_space<vmem>>
    %dma_start3A_201 = tpu.memref_squeeze %dma_start3A_200 : memref<1x128xi32, #tpu.memory_space<vmem>> -> memref<128xi32, #tpu.memory_space<vmem>>
    %dma_start3A_202 = arith.constant 0 : i32
    %dma_start3A_203 = arith.constant 0 : i32
    %dma_start3A_204 = tpu.memref_slice %arg7[%dma_start3A_202, %dma_start3A_203] : memref<10000x128xf32, #tpu.memory_space<vmem_shared>> -> memref<10000x128xf32, #tpu.memory_space<vmem_shared>>
    tpu.enqueue_indirect_dma source(%dma_start3A_204 : memref<10000x128xf32, #tpu.memory_space<vmem_shared>>) target(%dma_start3A_198 : memref<128x128xf32, #tpu.memory_space<vmem>>) offsets(%dma_start3A_201 : memref<128xi32, #tpu.memory_space<vmem>>) semaphore(%arg8 : memref<!tpu.dma_semaphore, #tpu.memory_space<semaphore_mem>>)
    %dma_wait3A_205 = arith.constant 8 : i32
    %dma_wait3A_206 = arith.constant 0 : i32
    %dma_wait3A_207 = arith.constant 0 : i32
    %dma_wait3A_208 = tpu.memref_slice %arg6[%dma_wait3A_206, %dma_wait3A_207] : memref<256x128xf32, #tpu.memory_space<vmem>> -> memref<128x128xf32, #tpu.memory_space<vmem>>
    %dma_wait3A_209 = arith.constant 0 : i32
    %dma_wait3A_210 = tpu.memref_slice %arg5[%dma_wait3A_205, %dma_wait3A_209] : memref<40x128xi32, #tpu.memory_space<vmem>> -> memref<1x128xi32, #tpu.memory_space<vmem>>
    %dma_wait3A_211 = tpu.memref_squeeze %dma_wait3A_210 : memref<1x128xi32, #tpu.memory_space<vmem>> -> memref<128xi32, #tpu.memory_space<vmem>>
    %dma_wait3A_212 = arith.constant 0 : i32
    %dma_wait3A_213 = arith.constant 0 : i32
    %dma_wait3A_214 = tpu.memref_slice %arg7[%dma_wait3A_212, %dma_wait3A_213] : memref<10000x128xf32, #tpu.memory_space<vmem_shared>> -> memref<10000x128xf32, #tpu.memory_space<vmem_shared>>
    tpu.wait_indirect_dma semaphore(%arg8 : memref<!tpu.dma_semaphore, #tpu.memory_space<semaphore_mem>>) src(%dma_wait3A_214 : memref<10000x128xf32, #tpu.memory_space<vmem_shared>>) dst(%dma_wait3A_208 : memref<128x128xf32, #tpu.memory_space<vmem>>)
    %add3A_215 = arith.constant 1024 : i32
    %add3A_216 = arith.addi %mul3A_2, %add3A_215 : i32
    "tpu.region"() ({
      %run_scoped3A = tpu.sem_alloc : memref<!tpu.dma_semaphore, #tpu.memory_space<semaphore_mem>>
      %dma_start3A_889 = arith.constant 0 : i32
      %dma_start3A_890 = arith.constant 0 : i32
      %dma_start3A_891 = tpu.memref_slice %arg6[%dma_start3A_889, %dma_start3A_890] : memref<256x128xf32, #tpu.memory_space<vmem>> -> memref<128x128xf32, #tpu.memory_space<vmem>>
      %dma_start3A_892 = arith.constant 0 : i32
      %dma_start3A_893 = tpu.memref_slice %arg4[%add3A_216, %dma_start3A_892] : memref<163840x128xf32, #tpu.memory_space<hbm>> -> memref<128x128xf32, #tpu.memory_space<hbm>>
      %dma_start3A_894 = arith.constant 0 : i32
      %dma_start3A_895 = tpu.memref_slice %arg4[%add3A_216, %dma_start3A_894] : memref<163840x128xf32, #tpu.memory_space<hbm>> -> memref<128x128xf32, #tpu.memory_space<hbm>>
      %dma_start3A_896 = arith.constant 0 : i32
      %dma_start3A_897 = arith.constant 0 : i32
      %dma_start3A_898 = tpu.memref_slice %arg6[%dma_start3A_896, %dma_start3A_897] : memref<256x128xf32, #tpu.memory_space<vmem>> -> memref<128x128xf32, #tpu.memory_space<vmem>>
      tpu.enqueue_dma source(%dma_start3A_898 : memref<128x128xf32, #tpu.memory_space<vmem>>) target(%dma_start3A_895 : memref<128x128xf32, #tpu.memory_space<hbm>>) target_semaphore(%run_scoped3A : memref<!tpu.dma_semaphore, #tpu.memory_space<semaphore_mem>>)
      %dma_wait3A_899 = arith.constant 0 : i32
      %dma_wait3A_900 = arith.constant 0 : i32
      %dma_wait3A_901 = tpu.memref_slice %arg6[%dma_wait3A_899, %dma_wait3A_900] : memref<256x128xf32, #tpu.memory_space<vmem>> -> memref<128x128xf32, #tpu.memory_space<vmem>>
      %dma_wait3A_902 = arith.constant 0 : i32
      %dma_wait3A_903 = tpu.memref_slice %arg4[%add3A_216, %dma_wait3A_902] : memref<163840x128xf32, #tpu.memory_space<hbm>> -> memref<128x128xf32, #tpu.memory_space<hbm>>
      %dma_wait3A_904 = arith.constant 0 : i32
      %dma_wait3A_905 = tpu.memref_slice %arg4[%add3A_216, %dma_wait3A_904] : memref<163840x128xf32, #tpu.memory_space<hbm>> -> memref<128x128xf32, #tpu.memory_space<hbm>>
      %dma_wait3A_906 = arith.constant 0 : i32
      %dma_wait3A_907 = arith.constant 0 : i32
      %dma_wait3A_908 = tpu.memref_slice %arg6[%dma_wait3A_906, %dma_wait3A_907] : memref<256x128xf32, #tpu.memory_space<vmem>> -> memref<128x128xf32, #tpu.memory_space<vmem>>
      tpu.wait_dma2 semaphore(%run_scoped3A : memref<!tpu.dma_semaphore, #tpu.memory_space<semaphore_mem>>) src(%dma_wait3A_908 : memref<128x128xf32, #tpu.memory_space<vmem>>) dst(%dma_wait3A_905 : memref<128x128xf32, #tpu.memory_space<hbm>>)
      tpu.yield
    }) : () -> ()
    %dma_start3A_217 = arith.constant 10 : i32
    %dma_start3A_218 = arith.constant 0 : i32
    %dma_start3A_219 = arith.constant 0 : i32
    %dma_start3A_220 = tpu.memref_slice %arg6[%dma_start3A_218, %dma_start3A_219] : memref<256x128xf32, #tpu.memory_space<vmem>> -> memref<128x128xf32, #tpu.memory_space<vmem>>
    %dma_start3A_221 = arith.constant 0 : i32
    %dma_start3A_222 = tpu.memref_slice %arg5[%dma_start3A_217, %dma_start3A_221] : memref<40x128xi32, #tpu.memory_space<vmem>> -> memref<1x128xi32, #tpu.memory_space<vmem>>
    %dma_start3A_223 = tpu.memref_squeeze %dma_start3A_222 : memref<1x128xi32, #tpu.memory_space<vmem>> -> memref<128xi32, #tpu.memory_space<vmem>>
    %dma_start3A_224 = arith.constant 0 : i32
    %dma_start3A_225 = arith.constant 0 : i32
    %dma_start3A_226 = tpu.memref_slice %arg7[%dma_start3A_224, %dma_start3A_225] : memref<10000x128xf32, #tpu.memory_space<vmem_shared>> -> memref<10000x128xf32, #tpu.memory_space<vmem_shared>>
    tpu.enqueue_indirect_dma source(%dma_start3A_226 : memref<10000x128xf32, #tpu.memory_space<vmem_shared>>) target(%dma_start3A_220 : memref<128x128xf32, #tpu.memory_space<vmem>>) offsets(%dma_start3A_223 : memref<128xi32, #tpu.memory_space<vmem>>) semaphore(%arg8 : memref<!tpu.dma_semaphore, #tpu.memory_space<semaphore_mem>>)
    %dma_wait3A_227 = arith.constant 9 : i32
    %dma_wait3A_228 = arith.constant 128 : i32
    %dma_wait3A_229 = arith.constant 0 : i32
    %dma_wait3A_230 = tpu.memref_slice %arg6[%dma_wait3A_228, %dma_wait3A_229] : memref<256x128xf32, #tpu.memory_space<vmem>> -> memref<128x128xf32, #tpu.memory_space<vmem>>
    %dma_wait3A_231 = arith.constant 0 : i32
    %dma_wait3A_232 = tpu.memref_slice %arg5[%dma_wait3A_227, %dma_wait3A_231] : memref<40x128xi32, #tpu.memory_space<vmem>> -> memref<1x128xi32, #tpu.memory_space<vmem>>
    %dma_wait3A_233 = tpu.memref_squeeze %dma_wait3A_232 : memref<1x128xi32, #tpu.memory_space<vmem>> -> memref<128xi32, #tpu.memory_space<vmem>>
    %dma_wait3A_234 = arith.constant 0 : i32
    %dma_wait3A_235 = arith.constant 0 : i32
    %dma_wait3A_236 = tpu.memref_slice %arg7[%dma_wait3A_234, %dma_wait3A_235] : memref<10000x128xf32, #tpu.memory_space<vmem_shared>> -> memref<10000x128xf32, #tpu.memory_space<vmem_shared>>
    tpu.wait_indirect_dma semaphore(%arg8 : memref<!tpu.dma_semaphore, #tpu.memory_space<semaphore_mem>>) src(%dma_wait3A_236 : memref<10000x128xf32, #tpu.memory_space<vmem_shared>>) dst(%dma_wait3A_230 : memref<128x128xf32, #tpu.memory_space<vmem>>)
    %add3A_237 = arith.constant 1152 : i32
    %add3A_238 = arith.addi %mul3A_2, %add3A_237 : i32
    "tpu.region"() ({
      %run_scoped3A = tpu.sem_alloc : memref<!tpu.dma_semaphore, #tpu.memory_space<semaphore_mem>>
      %dma_start3A_889 = arith.constant 128 : i32
      %dma_start3A_890 = arith.constant 0 : i32
      %dma_start3A_891 = tpu.memref_slice %arg6[%dma_start3A_889, %dma_start3A_890] : memref<256x128xf32, #tpu.memory_space<vmem>> -> memref<128x128xf32, #tpu.memory_space<vmem>>
      %dma_start3A_892 = arith.constant 0 : i32
      %dma_start3A_893 = tpu.memref_slice %arg4[%add3A_238, %dma_start3A_892] : memref<163840x128xf32, #tpu.memory_space<hbm>> -> memref<128x128xf32, #tpu.memory_space<hbm>>
      %dma_start3A_894 = arith.constant 0 : i32
      %dma_start3A_895 = tpu.memref_slice %arg4[%add3A_238, %dma_start3A_894] : memref<163840x128xf32, #tpu.memory_space<hbm>> -> memref<128x128xf32, #tpu.memory_space<hbm>>
      %dma_start3A_896 = arith.constant 128 : i32
      %dma_start3A_897 = arith.constant 0 : i32
      %dma_start3A_898 = tpu.memref_slice %arg6[%dma_start3A_896, %dma_start3A_897] : memref<256x128xf32, #tpu.memory_space<vmem>> -> memref<128x128xf32, #tpu.memory_space<vmem>>
      tpu.enqueue_dma source(%dma_start3A_898 : memref<128x128xf32, #tpu.memory_space<vmem>>) target(%dma_start3A_895 : memref<128x128xf32, #tpu.memory_space<hbm>>) target_semaphore(%run_scoped3A : memref<!tpu.dma_semaphore, #tpu.memory_space<semaphore_mem>>)
      %dma_wait3A_899 = arith.constant 128 : i32
      %dma_wait3A_900 = arith.constant 0 : i32
      %dma_wait3A_901 = tpu.memref_slice %arg6[%dma_wait3A_899, %dma_wait3A_900] : memref<256x128xf32, #tpu.memory_space<vmem>> -> memref<128x128xf32, #tpu.memory_space<vmem>>
      %dma_wait3A_902 = arith.constant 0 : i32
      %dma_wait3A_903 = tpu.memref_slice %arg4[%add3A_238, %dma_wait3A_902] : memref<163840x128xf32, #tpu.memory_space<hbm>> -> memref<128x128xf32, #tpu.memory_space<hbm>>
      %dma_wait3A_904 = arith.constant 0 : i32
      %dma_wait3A_905 = tpu.memref_slice %arg4[%add3A_238, %dma_wait3A_904] : memref<163840x128xf32, #tpu.memory_space<hbm>> -> memref<128x128xf32, #tpu.memory_space<hbm>>
      %dma_wait3A_906 = arith.constant 128 : i32
      %dma_wait3A_907 = arith.constant 0 : i32
      %dma_wait3A_908 = tpu.memref_slice %arg6[%dma_wait3A_906, %dma_wait3A_907] : memref<256x128xf32, #tpu.memory_space<vmem>> -> memref<128x128xf32, #tpu.memory_space<vmem>>
      tpu.wait_dma2 semaphore(%run_scoped3A : memref<!tpu.dma_semaphore, #tpu.memory_space<semaphore_mem>>) src(%dma_wait3A_908 : memref<128x128xf32, #tpu.memory_space<vmem>>) dst(%dma_wait3A_905 : memref<128x128xf32, #tpu.memory_space<hbm>>)
      tpu.yield
    }) : () -> ()
    %dma_start3A_239 = arith.constant 11 : i32
    %dma_start3A_240 = arith.constant 128 : i32
    %dma_start3A_241 = arith.constant 0 : i32
    %dma_start3A_242 = tpu.memref_slice %arg6[%dma_start3A_240, %dma_start3A_241] : memref<256x128xf32, #tpu.memory_space<vmem>> -> memref<128x128xf32, #tpu.memory_space<vmem>>
    %dma_start3A_243 = arith.constant 0 : i32
    %dma_start3A_244 = tpu.memref_slice %arg5[%dma_start3A_239, %dma_start3A_243] : memref<40x128xi32, #tpu.memory_space<vmem>> -> memref<1x128xi32, #tpu.memory_space<vmem>>
    %dma_start3A_245 = tpu.memref_squeeze %dma_start3A_244 : memref<1x128xi32, #tpu.memory_space<vmem>> -> memref<128xi32, #tpu.memory_space<vmem>>
    %dma_start3A_246 = arith.constant 0 : i32
    %dma_start3A_247 = arith.constant 0 : i32
    %dma_start3A_248 = tpu.memref_slice %arg7[%dma_start3A_246, %dma_start3A_247] : memref<10000x128xf32, #tpu.memory_space<vmem_shared>> -> memref<10000x128xf32, #tpu.memory_space<vmem_shared>>
    tpu.enqueue_indirect_dma source(%dma_start3A_248 : memref<10000x128xf32, #tpu.memory_space<vmem_shared>>) target(%dma_start3A_242 : memref<128x128xf32, #tpu.memory_space<vmem>>) offsets(%dma_start3A_245 : memref<128xi32, #tpu.memory_space<vmem>>) semaphore(%arg8 : memref<!tpu.dma_semaphore, #tpu.memory_space<semaphore_mem>>)
    %dma_wait3A_249 = arith.constant 10 : i32
    %dma_wait3A_250 = arith.constant 0 : i32
    %dma_wait3A_251 = arith.constant 0 : i32
    %dma_wait3A_252 = tpu.memref_slice %arg6[%dma_wait3A_250, %dma_wait3A_251] : memref<256x128xf32, #tpu.memory_space<vmem>> -> memref<128x128xf32, #tpu.memory_space<vmem>>
    %dma_wait3A_253 = arith.constant 0 : i32
    %dma_wait3A_254 = tpu.memref_slice %arg5[%dma_wait3A_249, %dma_wait3A_253] : memref<40x128xi32, #tpu.memory_space<vmem>> -> memref<1x128xi32, #tpu.memory_space<vmem>>
    %dma_wait3A_255 = tpu.memref_squeeze %dma_wait3A_254 : memref<1x128xi32, #tpu.memory_space<vmem>> -> memref<128xi32, #tpu.memory_space<vmem>>
    %dma_wait3A_256 = arith.constant 0 : i32
    %dma_wait3A_257 = arith.constant 0 : i32
    %dma_wait3A_258 = tpu.memref_slice %arg7[%dma_wait3A_256, %dma_wait3A_257] : memref<10000x128xf32, #tpu.memory_space<vmem_shared>> -> memref<10000x128xf32, #tpu.memory_space<vmem_shared>>
    tpu.wait_indirect_dma semaphore(%arg8 : memref<!tpu.dma_semaphore, #tpu.memory_space<semaphore_mem>>) src(%dma_wait3A_258 : memref<10000x128xf32, #tpu.memory_space<vmem_shared>>) dst(%dma_wait3A_252 : memref<128x128xf32, #tpu.memory_space<vmem>>)
    %add3A_259 = arith.constant 1280 : i32
    %add3A_260 = arith.addi %mul3A_2, %add3A_259 : i32
    "tpu.region"() ({
      %run_scoped3A = tpu.sem_alloc : memref<!tpu.dma_semaphore, #tpu.memory_space<semaphore_mem>>
      %dma_start3A_889 = arith.constant 0 : i32
      %dma_start3A_890 = arith.constant 0 : i32
      %dma_start3A_891 = tpu.memref_slice %arg6[%dma_start3A_889, %dma_start3A_890] : memref<256x128xf32, #tpu.memory_space<vmem>> -> memref<128x128xf32, #tpu.memory_space<vmem>>
      %dma_start3A_892 = arith.constant 0 : i32
      %dma_start3A_893 = tpu.memref_slice %arg4[%add3A_260, %dma_start3A_892] : memref<163840x128xf32, #tpu.memory_space<hbm>> -> memref<128x128xf32, #tpu.memory_space<hbm>>
      %dma_start3A_894 = arith.constant 0 : i32
      %dma_start3A_895 = tpu.memref_slice %arg4[%add3A_260, %dma_start3A_894] : memref<163840x128xf32, #tpu.memory_space<hbm>> -> memref<128x128xf32, #tpu.memory_space<hbm>>
      %dma_start3A_896 = arith.constant 0 : i32
      %dma_start3A_897 = arith.constant 0 : i32
      %dma_start3A_898 = tpu.memref_slice %arg6[%dma_start3A_896, %dma_start3A_897] : memref<256x128xf32, #tpu.memory_space<vmem>> -> memref<128x128xf32, #tpu.memory_space<vmem>>
      tpu.enqueue_dma source(%dma_start3A_898 : memref<128x128xf32, #tpu.memory_space<vmem>>) target(%dma_start3A_895 : memref<128x128xf32, #tpu.memory_space<hbm>>) target_semaphore(%run_scoped3A : memref<!tpu.dma_semaphore, #tpu.memory_space<semaphore_mem>>)
      %dma_wait3A_899 = arith.constant 0 : i32
      %dma_wait3A_900 = arith.constant 0 : i32
      %dma_wait3A_901 = tpu.memref_slice %arg6[%dma_wait3A_899, %dma_wait3A_900] : memref<256x128xf32, #tpu.memory_space<vmem>> -> memref<128x128xf32, #tpu.memory_space<vmem>>
      %dma_wait3A_902 = arith.constant 0 : i32
      %dma_wait3A_903 = tpu.memref_slice %arg4[%add3A_260, %dma_wait3A_902] : memref<163840x128xf32, #tpu.memory_space<hbm>> -> memref<128x128xf32, #tpu.memory_space<hbm>>
      %dma_wait3A_904 = arith.constant 0 : i32
      %dma_wait3A_905 = tpu.memref_slice %arg4[%add3A_260, %dma_wait3A_904] : memref<163840x128xf32, #tpu.memory_space<hbm>> -> memref<128x128xf32, #tpu.memory_space<hbm>>
      %dma_wait3A_906 = arith.constant 0 : i32
      %dma_wait3A_907 = arith.constant 0 : i32
      %dma_wait3A_908 = tpu.memref_slice %arg6[%dma_wait3A_906, %dma_wait3A_907] : memref<256x128xf32, #tpu.memory_space<vmem>> -> memref<128x128xf32, #tpu.memory_space<vmem>>
      tpu.wait_dma2 semaphore(%run_scoped3A : memref<!tpu.dma_semaphore, #tpu.memory_space<semaphore_mem>>) src(%dma_wait3A_908 : memref<128x128xf32, #tpu.memory_space<vmem>>) dst(%dma_wait3A_905 : memref<128x128xf32, #tpu.memory_space<hbm>>)
      tpu.yield
    }) : () -> ()
    %dma_start3A_261 = arith.constant 12 : i32
    %dma_start3A_262 = arith.constant 0 : i32
    %dma_start3A_263 = arith.constant 0 : i32
    %dma_start3A_264 = tpu.memref_slice %arg6[%dma_start3A_262, %dma_start3A_263] : memref<256x128xf32, #tpu.memory_space<vmem>> -> memref<128x128xf32, #tpu.memory_space<vmem>>
    %dma_start3A_265 = arith.constant 0 : i32
    %dma_start3A_266 = tpu.memref_slice %arg5[%dma_start3A_261, %dma_start3A_265] : memref<40x128xi32, #tpu.memory_space<vmem>> -> memref<1x128xi32, #tpu.memory_space<vmem>>
    %dma_start3A_267 = tpu.memref_squeeze %dma_start3A_266 : memref<1x128xi32, #tpu.memory_space<vmem>> -> memref<128xi32, #tpu.memory_space<vmem>>
    %dma_start3A_268 = arith.constant 0 : i32
    %dma_start3A_269 = arith.constant 0 : i32
    %dma_start3A_270 = tpu.memref_slice %arg7[%dma_start3A_268, %dma_start3A_269] : memref<10000x128xf32, #tpu.memory_space<vmem_shared>> -> memref<10000x128xf32, #tpu.memory_space<vmem_shared>>
    tpu.enqueue_indirect_dma source(%dma_start3A_270 : memref<10000x128xf32, #tpu.memory_space<vmem_shared>>) target(%dma_start3A_264 : memref<128x128xf32, #tpu.memory_space<vmem>>) offsets(%dma_start3A_267 : memref<128xi32, #tpu.memory_space<vmem>>) semaphore(%arg8 : memref<!tpu.dma_semaphore, #tpu.memory_space<semaphore_mem>>)
    %dma_wait3A_271 = arith.constant 11 : i32
    %dma_wait3A_272 = arith.constant 128 : i32
    %dma_wait3A_273 = arith.constant 0 : i32
    %dma_wait3A_274 = tpu.memref_slice %arg6[%dma_wait3A_272, %dma_wait3A_273] : memref<256x128xf32, #tpu.memory_space<vmem>> -> memref<128x128xf32, #tpu.memory_space<vmem>>
    %dma_wait3A_275 = arith.constant 0 : i32
    %dma_wait3A_276 = tpu.memref_slice %arg5[%dma_wait3A_271, %dma_wait3A_275] : memref<40x128xi32, #tpu.memory_space<vmem>> -> memref<1x128xi32, #tpu.memory_space<vmem>>
    %dma_wait3A_277 = tpu.memref_squeeze %dma_wait3A_276 : memref<1x128xi32, #tpu.memory_space<vmem>> -> memref<128xi32, #tpu.memory_space<vmem>>
    %dma_wait3A_278 = arith.constant 0 : i32
    %dma_wait3A_279 = arith.constant 0 : i32
    %dma_wait3A_280 = tpu.memref_slice %arg7[%dma_wait3A_278, %dma_wait3A_279] : memref<10000x128xf32, #tpu.memory_space<vmem_shared>> -> memref<10000x128xf32, #tpu.memory_space<vmem_shared>>
    tpu.wait_indirect_dma semaphore(%arg8 : memref<!tpu.dma_semaphore, #tpu.memory_space<semaphore_mem>>) src(%dma_wait3A_280 : memref<10000x128xf32, #tpu.memory_space<vmem_shared>>) dst(%dma_wait3A_274 : memref<128x128xf32, #tpu.memory_space<vmem>>)
    %add3A_281 = arith.constant 1408 : i32
    %add3A_282 = arith.addi %mul3A_2, %add3A_281 : i32
    "tpu.region"() ({
      %run_scoped3A = tpu.sem_alloc : memref<!tpu.dma_semaphore, #tpu.memory_space<semaphore_mem>>
      %dma_start3A_889 = arith.constant 128 : i32
      %dma_start3A_890 = arith.constant 0 : i32
      %dma_start3A_891 = tpu.memref_slice %arg6[%dma_start3A_889, %dma_start3A_890] : memref<256x128xf32, #tpu.memory_space<vmem>> -> memref<128x128xf32, #tpu.memory_space<vmem>>
      %dma_start3A_892 = arith.constant 0 : i32
      %dma_start3A_893 = tpu.memref_slice %arg4[%add3A_282, %dma_start3A_892] : memref<163840x128xf32, #tpu.memory_space<hbm>> -> memref<128x128xf32, #tpu.memory_space<hbm>>
      %dma_start3A_894 = arith.constant 0 : i32
      %dma_start3A_895 = tpu.memref_slice %arg4[%add3A_282, %dma_start3A_894] : memref<163840x128xf32, #tpu.memory_space<hbm>> -> memref<128x128xf32, #tpu.memory_space<hbm>>
      %dma_start3A_896 = arith.constant 128 : i32
      %dma_start3A_897 = arith.constant 0 : i32
      %dma_start3A_898 = tpu.memref_slice %arg6[%dma_start3A_896, %dma_start3A_897] : memref<256x128xf32, #tpu.memory_space<vmem>> -> memref<128x128xf32, #tpu.memory_space<vmem>>
      tpu.enqueue_dma source(%dma_start3A_898 : memref<128x128xf32, #tpu.memory_space<vmem>>) target(%dma_start3A_895 : memref<128x128xf32, #tpu.memory_space<hbm>>) target_semaphore(%run_scoped3A : memref<!tpu.dma_semaphore, #tpu.memory_space<semaphore_mem>>)
      %dma_wait3A_899 = arith.constant 128 : i32
      %dma_wait3A_900 = arith.constant 0 : i32
      %dma_wait3A_901 = tpu.memref_slice %arg6[%dma_wait3A_899, %dma_wait3A_900] : memref<256x128xf32, #tpu.memory_space<vmem>> -> memref<128x128xf32, #tpu.memory_space<vmem>>
      %dma_wait3A_902 = arith.constant 0 : i32
      %dma_wait3A_903 = tpu.memref_slice %arg4[%add3A_282, %dma_wait3A_902] : memref<163840x128xf32, #tpu.memory_space<hbm>> -> memref<128x128xf32, #tpu.memory_space<hbm>>
      %dma_wait3A_904 = arith.constant 0 : i32
      %dma_wait3A_905 = tpu.memref_slice %arg4[%add3A_282, %dma_wait3A_904] : memref<163840x128xf32, #tpu.memory_space<hbm>> -> memref<128x128xf32, #tpu.memory_space<hbm>>
      %dma_wait3A_906 = arith.constant 128 : i32
      %dma_wait3A_907 = arith.constant 0 : i32
      %dma_wait3A_908 = tpu.memref_slice %arg6[%dma_wait3A_906, %dma_wait3A_907] : memref<256x128xf32, #tpu.memory_space<vmem>> -> memref<128x128xf32, #tpu.memory_space<vmem>>
      tpu.wait_dma2 semaphore(%run_scoped3A : memref<!tpu.dma_semaphore, #tpu.memory_space<semaphore_mem>>) src(%dma_wait3A_908 : memref<128x128xf32, #tpu.memory_space<vmem>>) dst(%dma_wait3A_905 : memref<128x128xf32, #tpu.memory_space<hbm>>)
      tpu.yield
    }) : () -> ()
    %dma_start3A_283 = arith.constant 13 : i32
    %dma_start3A_284 = arith.constant 128 : i32
    %dma_start3A_285 = arith.constant 0 : i32
    %dma_start3A_286 = tpu.memref_slice %arg6[%dma_start3A_284, %dma_start3A_285] : memref<256x128xf32, #tpu.memory_space<vmem>> -> memref<128x128xf32, #tpu.memory_space<vmem>>
    %dma_start3A_287 = arith.constant 0 : i32
    %dma_start3A_288 = tpu.memref_slice %arg5[%dma_start3A_283, %dma_start3A_287] : memref<40x128xi32, #tpu.memory_space<vmem>> -> memref<1x128xi32, #tpu.memory_space<vmem>>
    %dma_start3A_289 = tpu.memref_squeeze %dma_start3A_288 : memref<1x128xi32, #tpu.memory_space<vmem>> -> memref<128xi32, #tpu.memory_space<vmem>>
    %dma_start3A_290 = arith.constant 0 : i32
    %dma_start3A_291 = arith.constant 0 : i32
    %dma_start3A_292 = tpu.memref_slice %arg7[%dma_start3A_290, %dma_start3A_291] : memref<10000x128xf32, #tpu.memory_space<vmem_shared>> -> memref<10000x128xf32, #tpu.memory_space<vmem_shared>>
    tpu.enqueue_indirect_dma source(%dma_start3A_292 : memref<10000x128xf32, #tpu.memory_space<vmem_shared>>) target(%dma_start3A_286 : memref<128x128xf32, #tpu.memory_space<vmem>>) offsets(%dma_start3A_289 : memref<128xi32, #tpu.memory_space<vmem>>) semaphore(%arg8 : memref<!tpu.dma_semaphore, #tpu.memory_space<semaphore_mem>>)
    %dma_wait3A_293 = arith.constant 12 : i32
    %dma_wait3A_294 = arith.constant 0 : i32
    %dma_wait3A_295 = arith.constant 0 : i32
    %dma_wait3A_296 = tpu.memref_slice %arg6[%dma_wait3A_294, %dma_wait3A_295] : memref<256x128xf32, #tpu.memory_space<vmem>> -> memref<128x128xf32, #tpu.memory_space<vmem>>
    %dma_wait3A_297 = arith.constant 0 : i32
    %dma_wait3A_298 = tpu.memref_slice %arg5[%dma_wait3A_293, %dma_wait3A_297] : memref<40x128xi32, #tpu.memory_space<vmem>> -> memref<1x128xi32, #tpu.memory_space<vmem>>
    %dma_wait3A_299 = tpu.memref_squeeze %dma_wait3A_298 : memref<1x128xi32, #tpu.memory_space<vmem>> -> memref<128xi32, #tpu.memory_space<vmem>>
    %dma_wait3A_300 = arith.constant 0 : i32
    %dma_wait3A_301 = arith.constant 0 : i32
    %dma_wait3A_302 = tpu.memref_slice %arg7[%dma_wait3A_300, %dma_wait3A_301] : memref<10000x128xf32, #tpu.memory_space<vmem_shared>> -> memref<10000x128xf32, #tpu.memory_space<vmem_shared>>
    tpu.wait_indirect_dma semaphore(%arg8 : memref<!tpu.dma_semaphore, #tpu.memory_space<semaphore_mem>>) src(%dma_wait3A_302 : memref<10000x128xf32, #tpu.memory_space<vmem_shared>>) dst(%dma_wait3A_296 : memref<128x128xf32, #tpu.memory_space<vmem>>)
    %add3A_303 = arith.constant 1536 : i32
    %add3A_304 = arith.addi %mul3A_2, %add3A_303 : i32
    "tpu.region"() ({
      %run_scoped3A = tpu.sem_alloc : memref<!tpu.dma_semaphore, #tpu.memory_space<semaphore_mem>>
      %dma_start3A_889 = arith.constant 0 : i32
      %dma_start3A_890 = arith.constant 0 : i32
      %dma_start3A_891 = tpu.memref_slice %arg6[%dma_start3A_889, %dma_start3A_890] : memref<256x128xf32, #tpu.memory_space<vmem>> -> memref<128x128xf32, #tpu.memory_space<vmem>>
      %dma_start3A_892 = arith.constant 0 : i32
      %dma_start3A_893 = tpu.memref_slice %arg4[%add3A_304, %dma_start3A_892] : memref<163840x128xf32, #tpu.memory_space<hbm>> -> memref<128x128xf32, #tpu.memory_space<hbm>>
      %dma_start3A_894 = arith.constant 0 : i32
      %dma_start3A_895 = tpu.memref_slice %arg4[%add3A_304, %dma_start3A_894] : memref<163840x128xf32, #tpu.memory_space<hbm>> -> memref<128x128xf32, #tpu.memory_space<hbm>>
      %dma_start3A_896 = arith.constant 0 : i32
      %dma_start3A_897 = arith.constant 0 : i32
      %dma_start3A_898 = tpu.memref_slice %arg6[%dma_start3A_896, %dma_start3A_897] : memref<256x128xf32, #tpu.memory_space<vmem>> -> memref<128x128xf32, #tpu.memory_space<vmem>>
      tpu.enqueue_dma source(%dma_start3A_898 : memref<128x128xf32, #tpu.memory_space<vmem>>) target(%dma_start3A_895 : memref<128x128xf32, #tpu.memory_space<hbm>>) target_semaphore(%run_scoped3A : memref<!tpu.dma_semaphore, #tpu.memory_space<semaphore_mem>>)
      %dma_wait3A_899 = arith.constant 0 : i32
      %dma_wait3A_900 = arith.constant 0 : i32
      %dma_wait3A_901 = tpu.memref_slice %arg6[%dma_wait3A_899, %dma_wait3A_900] : memref<256x128xf32, #tpu.memory_space<vmem>> -> memref<128x128xf32, #tpu.memory_space<vmem>>
      %dma_wait3A_902 = arith.constant 0 : i32
      %dma_wait3A_903 = tpu.memref_slice %arg4[%add3A_304, %dma_wait3A_902] : memref<163840x128xf32, #tpu.memory_space<hbm>> -> memref<128x128xf32, #tpu.memory_space<hbm>>
      %dma_wait3A_904 = arith.constant 0 : i32
      %dma_wait3A_905 = tpu.memref_slice %arg4[%add3A_304, %dma_wait3A_904] : memref<163840x128xf32, #tpu.memory_space<hbm>> -> memref<128x128xf32, #tpu.memory_space<hbm>>
      %dma_wait3A_906 = arith.constant 0 : i32
      %dma_wait3A_907 = arith.constant 0 : i32
      %dma_wait3A_908 = tpu.memref_slice %arg6[%dma_wait3A_906, %dma_wait3A_907] : memref<256x128xf32, #tpu.memory_space<vmem>> -> memref<128x128xf32, #tpu.memory_space<vmem>>
      tpu.wait_dma2 semaphore(%run_scoped3A : memref<!tpu.dma_semaphore, #tpu.memory_space<semaphore_mem>>) src(%dma_wait3A_908 : memref<128x128xf32, #tpu.memory_space<vmem>>) dst(%dma_wait3A_905 : memref<128x128xf32, #tpu.memory_space<hbm>>)
      tpu.yield
    }) : () -> ()
    %dma_start3A_305 = arith.constant 14 : i32
    %dma_start3A_306 = arith.constant 0 : i32
    %dma_start3A_307 = arith.constant 0 : i32
    %dma_start3A_308 = tpu.memref_slice %arg6[%dma_start3A_306, %dma_start3A_307] : memref<256x128xf32, #tpu.memory_space<vmem>> -> memref<128x128xf32, #tpu.memory_space<vmem>>
    %dma_start3A_309 = arith.constant 0 : i32
    %dma_start3A_310 = tpu.memref_slice %arg5[%dma_start3A_305, %dma_start3A_309] : memref<40x128xi32, #tpu.memory_space<vmem>> -> memref<1x128xi32, #tpu.memory_space<vmem>>
    %dma_start3A_311 = tpu.memref_squeeze %dma_start3A_310 : memref<1x128xi32, #tpu.memory_space<vmem>> -> memref<128xi32, #tpu.memory_space<vmem>>
    %dma_start3A_312 = arith.constant 0 : i32
    %dma_start3A_313 = arith.constant 0 : i32
    %dma_start3A_314 = tpu.memref_slice %arg7[%dma_start3A_312, %dma_start3A_313] : memref<10000x128xf32, #tpu.memory_space<vmem_shared>> -> memref<10000x128xf32, #tpu.memory_space<vmem_shared>>
    tpu.enqueue_indirect_dma source(%dma_start3A_314 : memref<10000x128xf32, #tpu.memory_space<vmem_shared>>) target(%dma_start3A_308 : memref<128x128xf32, #tpu.memory_space<vmem>>) offsets(%dma_start3A_311 : memref<128xi32, #tpu.memory_space<vmem>>) semaphore(%arg8 : memref<!tpu.dma_semaphore, #tpu.memory_space<semaphore_mem>>)
    %dma_wait3A_315 = arith.constant 13 : i32
    %dma_wait3A_316 = arith.constant 128 : i32
    %dma_wait3A_317 = arith.constant 0 : i32
    %dma_wait3A_318 = tpu.memref_slice %arg6[%dma_wait3A_316, %dma_wait3A_317] : memref<256x128xf32, #tpu.memory_space<vmem>> -> memref<128x128xf32, #tpu.memory_space<vmem>>
    %dma_wait3A_319 = arith.constant 0 : i32
    %dma_wait3A_320 = tpu.memref_slice %arg5[%dma_wait3A_315, %dma_wait3A_319] : memref<40x128xi32, #tpu.memory_space<vmem>> -> memref<1x128xi32, #tpu.memory_space<vmem>>
    %dma_wait3A_321 = tpu.memref_squeeze %dma_wait3A_320 : memref<1x128xi32, #tpu.memory_space<vmem>> -> memref<128xi32, #tpu.memory_space<vmem>>
    %dma_wait3A_322 = arith.constant 0 : i32
    %dma_wait3A_323 = arith.constant 0 : i32
    %dma_wait3A_324 = tpu.memref_slice %arg7[%dma_wait3A_322, %dma_wait3A_323] : memref<10000x128xf32, #tpu.memory_space<vmem_shared>> -> memref<10000x128xf32, #tpu.memory_space<vmem_shared>>
    tpu.wait_indirect_dma semaphore(%arg8 : memref<!tpu.dma_semaphore, #tpu.memory_space<semaphore_mem>>) src(%dma_wait3A_324 : memref<10000x128xf32, #tpu.memory_space<vmem_shared>>) dst(%dma_wait3A_318 : memref<128x128xf32, #tpu.memory_space<vmem>>)
    %add3A_325 = arith.constant 1664 : i32
    %add3A_326 = arith.addi %mul3A_2, %add3A_325 : i32
    "tpu.region"() ({
      %run_scoped3A = tpu.sem_alloc : memref<!tpu.dma_semaphore, #tpu.memory_space<semaphore_mem>>
      %dma_start3A_889 = arith.constant 128 : i32
      %dma_start3A_890 = arith.constant 0 : i32
      %dma_start3A_891 = tpu.memref_slice %arg6[%dma_start3A_889, %dma_start3A_890] : memref<256x128xf32, #tpu.memory_space<vmem>> -> memref<128x128xf32, #tpu.memory_space<vmem>>
      %dma_start3A_892 = arith.constant 0 : i32
      %dma_start3A_893 = tpu.memref_slice %arg4[%add3A_326, %dma_start3A_892] : memref<163840x128xf32, #tpu.memory_space<hbm>> -> memref<128x128xf32, #tpu.memory_space<hbm>>
      %dma_start3A_894 = arith.constant 0 : i32
      %dma_start3A_895 = tpu.memref_slice %arg4[%add3A_326, %dma_start3A_894] : memref<163840x128xf32, #tpu.memory_space<hbm>> -> memref<128x128xf32, #tpu.memory_space<hbm>>
      %dma_start3A_896 = arith.constant 128 : i32
      %dma_start3A_897 = arith.constant 0 : i32
      %dma_start3A_898 = tpu.memref_slice %arg6[%dma_start3A_896, %dma_start3A_897] : memref<256x128xf32, #tpu.memory_space<vmem>> -> memref<128x128xf32, #tpu.memory_space<vmem>>
      tpu.enqueue_dma source(%dma_start3A_898 : memref<128x128xf32, #tpu.memory_space<vmem>>) target(%dma_start3A_895 : memref<128x128xf32, #tpu.memory_space<hbm>>) target_semaphore(%run_scoped3A : memref<!tpu.dma_semaphore, #tpu.memory_space<semaphore_mem>>)
      %dma_wait3A_899 = arith.constant 128 : i32
      %dma_wait3A_900 = arith.constant 0 : i32
      %dma_wait3A_901 = tpu.memref_slice %arg6[%dma_wait3A_899, %dma_wait3A_900] : memref<256x128xf32, #tpu.memory_space<vmem>> -> memref<128x128xf32, #tpu.memory_space<vmem>>
      %dma_wait3A_902 = arith.constant 0 : i32
      %dma_wait3A_903 = tpu.memref_slice %arg4[%add3A_326, %dma_wait3A_902] : memref<163840x128xf32, #tpu.memory_space<hbm>> -> memref<128x128xf32, #tpu.memory_space<hbm>>
      %dma_wait3A_904 = arith.constant 0 : i32
      %dma_wait3A_905 = tpu.memref_slice %arg4[%add3A_326, %dma_wait3A_904] : memref<163840x128xf32, #tpu.memory_space<hbm>> -> memref<128x128xf32, #tpu.memory_space<hbm>>
      %dma_wait3A_906 = arith.constant 128 : i32
      %dma_wait3A_907 = arith.constant 0 : i32
      %dma_wait3A_908 = tpu.memref_slice %arg6[%dma_wait3A_906, %dma_wait3A_907] : memref<256x128xf32, #tpu.memory_space<vmem>> -> memref<128x128xf32, #tpu.memory_space<vmem>>
      tpu.wait_dma2 semaphore(%run_scoped3A : memref<!tpu.dma_semaphore, #tpu.memory_space<semaphore_mem>>) src(%dma_wait3A_908 : memref<128x128xf32, #tpu.memory_space<vmem>>) dst(%dma_wait3A_905 : memref<128x128xf32, #tpu.memory_space<hbm>>)
      tpu.yield
    }) : () -> ()
    %dma_start3A_327 = arith.constant 15 : i32
    %dma_start3A_328 = arith.constant 128 : i32
    %dma_start3A_329 = arith.constant 0 : i32
    %dma_start3A_330 = tpu.memref_slice %arg6[%dma_start3A_328, %dma_start3A_329] : memref<256x128xf32, #tpu.memory_space<vmem>> -> memref<128x128xf32, #tpu.memory_space<vmem>>
    %dma_start3A_331 = arith.constant 0 : i32
    %dma_start3A_332 = tpu.memref_slice %arg5[%dma_start3A_327, %dma_start3A_331] : memref<40x128xi32, #tpu.memory_space<vmem>> -> memref<1x128xi32, #tpu.memory_space<vmem>>
    %dma_start3A_333 = tpu.memref_squeeze %dma_start3A_332 : memref<1x128xi32, #tpu.memory_space<vmem>> -> memref<128xi32, #tpu.memory_space<vmem>>
    %dma_start3A_334 = arith.constant 0 : i32
    %dma_start3A_335 = arith.constant 0 : i32
    %dma_start3A_336 = tpu.memref_slice %arg7[%dma_start3A_334, %dma_start3A_335] : memref<10000x128xf32, #tpu.memory_space<vmem_shared>> -> memref<10000x128xf32, #tpu.memory_space<vmem_shared>>
    tpu.enqueue_indirect_dma source(%dma_start3A_336 : memref<10000x128xf32, #tpu.memory_space<vmem_shared>>) target(%dma_start3A_330 : memref<128x128xf32, #tpu.memory_space<vmem>>) offsets(%dma_start3A_333 : memref<128xi32, #tpu.memory_space<vmem>>) semaphore(%arg8 : memref<!tpu.dma_semaphore, #tpu.memory_space<semaphore_mem>>)
    %dma_wait3A_337 = arith.constant 14 : i32
    %dma_wait3A_338 = arith.constant 0 : i32
    %dma_wait3A_339 = arith.constant 0 : i32
    %dma_wait3A_340 = tpu.memref_slice %arg6[%dma_wait3A_338, %dma_wait3A_339] : memref<256x128xf32, #tpu.memory_space<vmem>> -> memref<128x128xf32, #tpu.memory_space<vmem>>
    %dma_wait3A_341 = arith.constant 0 : i32
    %dma_wait3A_342 = tpu.memref_slice %arg5[%dma_wait3A_337, %dma_wait3A_341] : memref<40x128xi32, #tpu.memory_space<vmem>> -> memref<1x128xi32, #tpu.memory_space<vmem>>
    %dma_wait3A_343 = tpu.memref_squeeze %dma_wait3A_342 : memref<1x128xi32, #tpu.memory_space<vmem>> -> memref<128xi32, #tpu.memory_space<vmem>>
    %dma_wait3A_344 = arith.constant 0 : i32
    %dma_wait3A_345 = arith.constant 0 : i32
    %dma_wait3A_346 = tpu.memref_slice %arg7[%dma_wait3A_344, %dma_wait3A_345] : memref<10000x128xf32, #tpu.memory_space<vmem_shared>> -> memref<10000x128xf32, #tpu.memory_space<vmem_shared>>
    tpu.wait_indirect_dma semaphore(%arg8 : memref<!tpu.dma_semaphore, #tpu.memory_space<semaphore_mem>>) src(%dma_wait3A_346 : memref<10000x128xf32, #tpu.memory_space<vmem_shared>>) dst(%dma_wait3A_340 : memref<128x128xf32, #tpu.memory_space<vmem>>)
    %add3A_347 = arith.constant 1792 : i32
    %add3A_348 = arith.addi %mul3A_2, %add3A_347 : i32
    "tpu.region"() ({
      %run_scoped3A = tpu.sem_alloc : memref<!tpu.dma_semaphore, #tpu.memory_space<semaphore_mem>>
      %dma_start3A_889 = arith.constant 0 : i32
      %dma_start3A_890 = arith.constant 0 : i32
      %dma_start3A_891 = tpu.memref_slice %arg6[%dma_start3A_889, %dma_start3A_890] : memref<256x128xf32, #tpu.memory_space<vmem>> -> memref<128x128xf32, #tpu.memory_space<vmem>>
      %dma_start3A_892 = arith.constant 0 : i32
      %dma_start3A_893 = tpu.memref_slice %arg4[%add3A_348, %dma_start3A_892] : memref<163840x128xf32, #tpu.memory_space<hbm>> -> memref<128x128xf32, #tpu.memory_space<hbm>>
      %dma_start3A_894 = arith.constant 0 : i32
      %dma_start3A_895 = tpu.memref_slice %arg4[%add3A_348, %dma_start3A_894] : memref<163840x128xf32, #tpu.memory_space<hbm>> -> memref<128x128xf32, #tpu.memory_space<hbm>>
      %dma_start3A_896 = arith.constant 0 : i32
      %dma_start3A_897 = arith.constant 0 : i32
      %dma_start3A_898 = tpu.memref_slice %arg6[%dma_start3A_896, %dma_start3A_897] : memref<256x128xf32, #tpu.memory_space<vmem>> -> memref<128x128xf32, #tpu.memory_space<vmem>>
      tpu.enqueue_dma source(%dma_start3A_898 : memref<128x128xf32, #tpu.memory_space<vmem>>) target(%dma_start3A_895 : memref<128x128xf32, #tpu.memory_space<hbm>>) target_semaphore(%run_scoped3A : memref<!tpu.dma_semaphore, #tpu.memory_space<semaphore_mem>>)
      %dma_wait3A_899 = arith.constant 0 : i32
      %dma_wait3A_900 = arith.constant 0 : i32
      %dma_wait3A_901 = tpu.memref_slice %arg6[%dma_wait3A_899, %dma_wait3A_900] : memref<256x128xf32, #tpu.memory_space<vmem>> -> memref<128x128xf32, #tpu.memory_space<vmem>>
      %dma_wait3A_902 = arith.constant 0 : i32
      %dma_wait3A_903 = tpu.memref_slice %arg4[%add3A_348, %dma_wait3A_902] : memref<163840x128xf32, #tpu.memory_space<hbm>> -> memref<128x128xf32, #tpu.memory_space<hbm>>
      %dma_wait3A_904 = arith.constant 0 : i32
      %dma_wait3A_905 = tpu.memref_slice %arg4[%add3A_348, %dma_wait3A_904] : memref<163840x128xf32, #tpu.memory_space<hbm>> -> memref<128x128xf32, #tpu.memory_space<hbm>>
      %dma_wait3A_906 = arith.constant 0 : i32
      %dma_wait3A_907 = arith.constant 0 : i32
      %dma_wait3A_908 = tpu.memref_slice %arg6[%dma_wait3A_906, %dma_wait3A_907] : memref<256x128xf32, #tpu.memory_space<vmem>> -> memref<128x128xf32, #tpu.memory_space<vmem>>
      tpu.wait_dma2 semaphore(%run_scoped3A : memref<!tpu.dma_semaphore, #tpu.memory_space<semaphore_mem>>) src(%dma_wait3A_908 : memref<128x128xf32, #tpu.memory_space<vmem>>) dst(%dma_wait3A_905 : memref<128x128xf32, #tpu.memory_space<hbm>>)
      tpu.yield
    }) : () -> ()
    %dma_start3A_349 = arith.constant 16 : i32
    %dma_start3A_350 = arith.constant 0 : i32
    %dma_start3A_351 = arith.constant 0 : i32
    %dma_start3A_352 = tpu.memref_slice %arg6[%dma_start3A_350, %dma_start3A_351] : memref<256x128xf32, #tpu.memory_space<vmem>> -> memref<128x128xf32, #tpu.memory_space<vmem>>
    %dma_start3A_353 = arith.constant 0 : i32
    %dma_start3A_354 = tpu.memref_slice %arg5[%dma_start3A_349, %dma_start3A_353] : memref<40x128xi32, #tpu.memory_space<vmem>> -> memref<1x128xi32, #tpu.memory_space<vmem>>
    %dma_start3A_355 = tpu.memref_squeeze %dma_start3A_354 : memref<1x128xi32, #tpu.memory_space<vmem>> -> memref<128xi32, #tpu.memory_space<vmem>>
    %dma_start3A_356 = arith.constant 0 : i32
    %dma_start3A_357 = arith.constant 0 : i32
    %dma_start3A_358 = tpu.memref_slice %arg7[%dma_start3A_356, %dma_start3A_357] : memref<10000x128xf32, #tpu.memory_space<vmem_shared>> -> memref<10000x128xf32, #tpu.memory_space<vmem_shared>>
    tpu.enqueue_indirect_dma source(%dma_start3A_358 : memref<10000x128xf32, #tpu.memory_space<vmem_shared>>) target(%dma_start3A_352 : memref<128x128xf32, #tpu.memory_space<vmem>>) offsets(%dma_start3A_355 : memref<128xi32, #tpu.memory_space<vmem>>) semaphore(%arg8 : memref<!tpu.dma_semaphore, #tpu.memory_space<semaphore_mem>>)
    %dma_wait3A_359 = arith.constant 15 : i32
    %dma_wait3A_360 = arith.constant 128 : i32
    %dma_wait3A_361 = arith.constant 0 : i32
    %dma_wait3A_362 = tpu.memref_slice %arg6[%dma_wait3A_360, %dma_wait3A_361] : memref<256x128xf32, #tpu.memory_space<vmem>> -> memref<128x128xf32, #tpu.memory_space<vmem>>
    %dma_wait3A_363 = arith.constant 0 : i32
    %dma_wait3A_364 = tpu.memref_slice %arg5[%dma_wait3A_359, %dma_wait3A_363] : memref<40x128xi32, #tpu.memory_space<vmem>> -> memref<1x128xi32, #tpu.memory_space<vmem>>
    %dma_wait3A_365 = tpu.memref_squeeze %dma_wait3A_364 : memref<1x128xi32, #tpu.memory_space<vmem>> -> memref<128xi32, #tpu.memory_space<vmem>>
    %dma_wait3A_366 = arith.constant 0 : i32
    %dma_wait3A_367 = arith.constant 0 : i32
    %dma_wait3A_368 = tpu.memref_slice %arg7[%dma_wait3A_366, %dma_wait3A_367] : memref<10000x128xf32, #tpu.memory_space<vmem_shared>> -> memref<10000x128xf32, #tpu.memory_space<vmem_shared>>
    tpu.wait_indirect_dma semaphore(%arg8 : memref<!tpu.dma_semaphore, #tpu.memory_space<semaphore_mem>>) src(%dma_wait3A_368 : memref<10000x128xf32, #tpu.memory_space<vmem_shared>>) dst(%dma_wait3A_362 : memref<128x128xf32, #tpu.memory_space<vmem>>)
    %add3A_369 = arith.constant 1920 : i32
    %add3A_370 = arith.addi %mul3A_2, %add3A_369 : i32
    "tpu.region"() ({
      %run_scoped3A = tpu.sem_alloc : memref<!tpu.dma_semaphore, #tpu.memory_space<semaphore_mem>>
      %dma_start3A_889 = arith.constant 128 : i32
      %dma_start3A_890 = arith.constant 0 : i32
      %dma_start3A_891 = tpu.memref_slice %arg6[%dma_start3A_889, %dma_start3A_890] : memref<256x128xf32, #tpu.memory_space<vmem>> -> memref<128x128xf32, #tpu.memory_space<vmem>>
      %dma_start3A_892 = arith.constant 0 : i32
      %dma_start3A_893 = tpu.memref_slice %arg4[%add3A_370, %dma_start3A_892] : memref<163840x128xf32, #tpu.memory_space<hbm>> -> memref<128x128xf32, #tpu.memory_space<hbm>>
      %dma_start3A_894 = arith.constant 0 : i32
      %dma_start3A_895 = tpu.memref_slice %arg4[%add3A_370, %dma_start3A_894] : memref<163840x128xf32, #tpu.memory_space<hbm>> -> memref<128x128xf32, #tpu.memory_space<hbm>>
      %dma_start3A_896 = arith.constant 128 : i32
      %dma_start3A_897 = arith.constant 0 : i32
      %dma_start3A_898 = tpu.memref_slice %arg6[%dma_start3A_896, %dma_start3A_897] : memref<256x128xf32, #tpu.memory_space<vmem>> -> memref<128x128xf32, #tpu.memory_space<vmem>>
      tpu.enqueue_dma source(%dma_start3A_898 : memref<128x128xf32, #tpu.memory_space<vmem>>) target(%dma_start3A_895 : memref<128x128xf32, #tpu.memory_space<hbm>>) target_semaphore(%run_scoped3A : memref<!tpu.dma_semaphore, #tpu.memory_space<semaphore_mem>>)
      %dma_wait3A_899 = arith.constant 128 : i32
      %dma_wait3A_900 = arith.constant 0 : i32
      %dma_wait3A_901 = tpu.memref_slice %arg6[%dma_wait3A_899, %dma_wait3A_900] : memref<256x128xf32, #tpu.memory_space<vmem>> -> memref<128x128xf32, #tpu.memory_space<vmem>>
      %dma_wait3A_902 = arith.constant 0 : i32
      %dma_wait3A_903 = tpu.memref_slice %arg4[%add3A_370, %dma_wait3A_902] : memref<163840x128xf32, #tpu.memory_space<hbm>> -> memref<128x128xf32, #tpu.memory_space<hbm>>
      %dma_wait3A_904 = arith.constant 0 : i32
      %dma_wait3A_905 = tpu.memref_slice %arg4[%add3A_370, %dma_wait3A_904] : memref<163840x128xf32, #tpu.memory_space<hbm>> -> memref<128x128xf32, #tpu.memory_space<hbm>>
      %dma_wait3A_906 = arith.constant 128 : i32
      %dma_wait3A_907 = arith.constant 0 : i32
      %dma_wait3A_908 = tpu.memref_slice %arg6[%dma_wait3A_906, %dma_wait3A_907] : memref<256x128xf32, #tpu.memory_space<vmem>> -> memref<128x128xf32, #tpu.memory_space<vmem>>
      tpu.wait_dma2 semaphore(%run_scoped3A : memref<!tpu.dma_semaphore, #tpu.memory_space<semaphore_mem>>) src(%dma_wait3A_908 : memref<128x128xf32, #tpu.memory_space<vmem>>) dst(%dma_wait3A_905 : memref<128x128xf32, #tpu.memory_space<hbm>>)
      tpu.yield
    }) : () -> ()
    %dma_start3A_371 = arith.constant 17 : i32
    %dma_start3A_372 = arith.constant 128 : i32
    %dma_start3A_373 = arith.constant 0 : i32
    %dma_start3A_374 = tpu.memref_slice %arg6[%dma_start3A_372, %dma_start3A_373] : memref<256x128xf32, #tpu.memory_space<vmem>> -> memref<128x128xf32, #tpu.memory_space<vmem>>
    %dma_start3A_375 = arith.constant 0 : i32
    %dma_start3A_376 = tpu.memref_slice %arg5[%dma_start3A_371, %dma_start3A_375] : memref<40x128xi32, #tpu.memory_space<vmem>> -> memref<1x128xi32, #tpu.memory_space<vmem>>
    %dma_start3A_377 = tpu.memref_squeeze %dma_start3A_376 : memref<1x128xi32, #tpu.memory_space<vmem>> -> memref<128xi32, #tpu.memory_space<vmem>>
    %dma_start3A_378 = arith.constant 0 : i32
    %dma_start3A_379 = arith.constant 0 : i32
    %dma_start3A_380 = tpu.memref_slice %arg7[%dma_start3A_378, %dma_start3A_379] : memref<10000x128xf32, #tpu.memory_space<vmem_shared>> -> memref<10000x128xf32, #tpu.memory_space<vmem_shared>>
    tpu.enqueue_indirect_dma source(%dma_start3A_380 : memref<10000x128xf32, #tpu.memory_space<vmem_shared>>) target(%dma_start3A_374 : memref<128x128xf32, #tpu.memory_space<vmem>>) offsets(%dma_start3A_377 : memref<128xi32, #tpu.memory_space<vmem>>) semaphore(%arg8 : memref<!tpu.dma_semaphore, #tpu.memory_space<semaphore_mem>>)
    %dma_wait3A_381 = arith.constant 16 : i32
    %dma_wait3A_382 = arith.constant 0 : i32
    %dma_wait3A_383 = arith.constant 0 : i32
    %dma_wait3A_384 = tpu.memref_slice %arg6[%dma_wait3A_382, %dma_wait3A_383] : memref<256x128xf32, #tpu.memory_space<vmem>> -> memref<128x128xf32, #tpu.memory_space<vmem>>
    %dma_wait3A_385 = arith.constant 0 : i32
    %dma_wait3A_386 = tpu.memref_slice %arg5[%dma_wait3A_381, %dma_wait3A_385] : memref<40x128xi32, #tpu.memory_space<vmem>> -> memref<1x128xi32, #tpu.memory_space<vmem>>
    %dma_wait3A_387 = tpu.memref_squeeze %dma_wait3A_386 : memref<1x128xi32, #tpu.memory_space<vmem>> -> memref<128xi32, #tpu.memory_space<vmem>>
    %dma_wait3A_388 = arith.constant 0 : i32
    %dma_wait3A_389 = arith.constant 0 : i32
    %dma_wait3A_390 = tpu.memref_slice %arg7[%dma_wait3A_388, %dma_wait3A_389] : memref<10000x128xf32, #tpu.memory_space<vmem_shared>> -> memref<10000x128xf32, #tpu.memory_space<vmem_shared>>
    tpu.wait_indirect_dma semaphore(%arg8 : memref<!tpu.dma_semaphore, #tpu.memory_space<semaphore_mem>>) src(%dma_wait3A_390 : memref<10000x128xf32, #tpu.memory_space<vmem_shared>>) dst(%dma_wait3A_384 : memref<128x128xf32, #tpu.memory_space<vmem>>)
    %add3A_391 = arith.constant 2048 : i32
    %add3A_392 = arith.addi %mul3A_2, %add3A_391 : i32
    "tpu.region"() ({
      %run_scoped3A = tpu.sem_alloc : memref<!tpu.dma_semaphore, #tpu.memory_space<semaphore_mem>>
      %dma_start3A_889 = arith.constant 0 : i32
      %dma_start3A_890 = arith.constant 0 : i32
      %dma_start3A_891 = tpu.memref_slice %arg6[%dma_start3A_889, %dma_start3A_890] : memref<256x128xf32, #tpu.memory_space<vmem>> -> memref<128x128xf32, #tpu.memory_space<vmem>>
      %dma_start3A_892 = arith.constant 0 : i32
      %dma_start3A_893 = tpu.memref_slice %arg4[%add3A_392, %dma_start3A_892] : memref<163840x128xf32, #tpu.memory_space<hbm>> -> memref<128x128xf32, #tpu.memory_space<hbm>>
      %dma_start3A_894 = arith.constant 0 : i32
      %dma_start3A_895 = tpu.memref_slice %arg4[%add3A_392, %dma_start3A_894] : memref<163840x128xf32, #tpu.memory_space<hbm>> -> memref<128x128xf32, #tpu.memory_space<hbm>>
      %dma_start3A_896 = arith.constant 0 : i32
      %dma_start3A_897 = arith.constant 0 : i32
      %dma_start3A_898 = tpu.memref_slice %arg6[%dma_start3A_896, %dma_start3A_897] : memref<256x128xf32, #tpu.memory_space<vmem>> -> memref<128x128xf32, #tpu.memory_space<vmem>>
      tpu.enqueue_dma source(%dma_start3A_898 : memref<128x128xf32, #tpu.memory_space<vmem>>) target(%dma_start3A_895 : memref<128x128xf32, #tpu.memory_space<hbm>>) target_semaphore(%run_scoped3A : memref<!tpu.dma_semaphore, #tpu.memory_space<semaphore_mem>>)
      %dma_wait3A_899 = arith.constant 0 : i32
      %dma_wait3A_900 = arith.constant 0 : i32
      %dma_wait3A_901 = tpu.memref_slice %arg6[%dma_wait3A_899, %dma_wait3A_900] : memref<256x128xf32, #tpu.memory_space<vmem>> -> memref<128x128xf32, #tpu.memory_space<vmem>>
      %dma_wait3A_902 = arith.constant 0 : i32
      %dma_wait3A_903 = tpu.memref_slice %arg4[%add3A_392, %dma_wait3A_902] : memref<163840x128xf32, #tpu.memory_space<hbm>> -> memref<128x128xf32, #tpu.memory_space<hbm>>
      %dma_wait3A_904 = arith.constant 0 : i32
      %dma_wait3A_905 = tpu.memref_slice %arg4[%add3A_392, %dma_wait3A_904] : memref<163840x128xf32, #tpu.memory_space<hbm>> -> memref<128x128xf32, #tpu.memory_space<hbm>>
      %dma_wait3A_906 = arith.constant 0 : i32
      %dma_wait3A_907 = arith.constant 0 : i32
      %dma_wait3A_908 = tpu.memref_slice %arg6[%dma_wait3A_906, %dma_wait3A_907] : memref<256x128xf32, #tpu.memory_space<vmem>> -> memref<128x128xf32, #tpu.memory_space<vmem>>
      tpu.wait_dma2 semaphore(%run_scoped3A : memref<!tpu.dma_semaphore, #tpu.memory_space<semaphore_mem>>) src(%dma_wait3A_908 : memref<128x128xf32, #tpu.memory_space<vmem>>) dst(%dma_wait3A_905 : memref<128x128xf32, #tpu.memory_space<hbm>>)
      tpu.yield
    }) : () -> ()
    %dma_start3A_393 = arith.constant 18 : i32
    %dma_start3A_394 = arith.constant 0 : i32
    %dma_start3A_395 = arith.constant 0 : i32
    %dma_start3A_396 = tpu.memref_slice %arg6[%dma_start3A_394, %dma_start3A_395] : memref<256x128xf32, #tpu.memory_space<vmem>> -> memref<128x128xf32, #tpu.memory_space<vmem>>
    %dma_start3A_397 = arith.constant 0 : i32
    %dma_start3A_398 = tpu.memref_slice %arg5[%dma_start3A_393, %dma_start3A_397] : memref<40x128xi32, #tpu.memory_space<vmem>> -> memref<1x128xi32, #tpu.memory_space<vmem>>
    %dma_start3A_399 = tpu.memref_squeeze %dma_start3A_398 : memref<1x128xi32, #tpu.memory_space<vmem>> -> memref<128xi32, #tpu.memory_space<vmem>>
    %dma_start3A_400 = arith.constant 0 : i32
    %dma_start3A_401 = arith.constant 0 : i32
    %dma_start3A_402 = tpu.memref_slice %arg7[%dma_start3A_400, %dma_start3A_401] : memref<10000x128xf32, #tpu.memory_space<vmem_shared>> -> memref<10000x128xf32, #tpu.memory_space<vmem_shared>>
    tpu.enqueue_indirect_dma source(%dma_start3A_402 : memref<10000x128xf32, #tpu.memory_space<vmem_shared>>) target(%dma_start3A_396 : memref<128x128xf32, #tpu.memory_space<vmem>>) offsets(%dma_start3A_399 : memref<128xi32, #tpu.memory_space<vmem>>) semaphore(%arg8 : memref<!tpu.dma_semaphore, #tpu.memory_space<semaphore_mem>>)
    %dma_wait3A_403 = arith.constant 17 : i32
    %dma_wait3A_404 = arith.constant 128 : i32
    %dma_wait3A_405 = arith.constant 0 : i32
    %dma_wait3A_406 = tpu.memref_slice %arg6[%dma_wait3A_404, %dma_wait3A_405] : memref<256x128xf32, #tpu.memory_space<vmem>> -> memref<128x128xf32, #tpu.memory_space<vmem>>
    %dma_wait3A_407 = arith.constant 0 : i32
    %dma_wait3A_408 = tpu.memref_slice %arg5[%dma_wait3A_403, %dma_wait3A_407] : memref<40x128xi32, #tpu.memory_space<vmem>> -> memref<1x128xi32, #tpu.memory_space<vmem>>
    %dma_wait3A_409 = tpu.memref_squeeze %dma_wait3A_408 : memref<1x128xi32, #tpu.memory_space<vmem>> -> memref<128xi32, #tpu.memory_space<vmem>>
    %dma_wait3A_410 = arith.constant 0 : i32
    %dma_wait3A_411 = arith.constant 0 : i32
    %dma_wait3A_412 = tpu.memref_slice %arg7[%dma_wait3A_410, %dma_wait3A_411] : memref<10000x128xf32, #tpu.memory_space<vmem_shared>> -> memref<10000x128xf32, #tpu.memory_space<vmem_shared>>
    tpu.wait_indirect_dma semaphore(%arg8 : memref<!tpu.dma_semaphore, #tpu.memory_space<semaphore_mem>>) src(%dma_wait3A_412 : memref<10000x128xf32, #tpu.memory_space<vmem_shared>>) dst(%dma_wait3A_406 : memref<128x128xf32, #tpu.memory_space<vmem>>)
    %add3A_413 = arith.constant 2176 : i32
    %add3A_414 = arith.addi %mul3A_2, %add3A_413 : i32
    "tpu.region"() ({
      %run_scoped3A = tpu.sem_alloc : memref<!tpu.dma_semaphore, #tpu.memory_space<semaphore_mem>>
      %dma_start3A_889 = arith.constant 128 : i32
      %dma_start3A_890 = arith.constant 0 : i32
      %dma_start3A_891 = tpu.memref_slice %arg6[%dma_start3A_889, %dma_start3A_890] : memref<256x128xf32, #tpu.memory_space<vmem>> -> memref<128x128xf32, #tpu.memory_space<vmem>>
      %dma_start3A_892 = arith.constant 0 : i32
      %dma_start3A_893 = tpu.memref_slice %arg4[%add3A_414, %dma_start3A_892] : memref<163840x128xf32, #tpu.memory_space<hbm>> -> memref<128x128xf32, #tpu.memory_space<hbm>>
      %dma_start3A_894 = arith.constant 0 : i32
      %dma_start3A_895 = tpu.memref_slice %arg4[%add3A_414, %dma_start3A_894] : memref<163840x128xf32, #tpu.memory_space<hbm>> -> memref<128x128xf32, #tpu.memory_space<hbm>>
      %dma_start3A_896 = arith.constant 128 : i32
      %dma_start3A_897 = arith.constant 0 : i32
      %dma_start3A_898 = tpu.memref_slice %arg6[%dma_start3A_896, %dma_start3A_897] : memref<256x128xf32, #tpu.memory_space<vmem>> -> memref<128x128xf32, #tpu.memory_space<vmem>>
      tpu.enqueue_dma source(%dma_start3A_898 : memref<128x128xf32, #tpu.memory_space<vmem>>) target(%dma_start3A_895 : memref<128x128xf32, #tpu.memory_space<hbm>>) target_semaphore(%run_scoped3A : memref<!tpu.dma_semaphore, #tpu.memory_space<semaphore_mem>>)
      %dma_wait3A_899 = arith.constant 128 : i32
      %dma_wait3A_900 = arith.constant 0 : i32
      %dma_wait3A_901 = tpu.memref_slice %arg6[%dma_wait3A_899, %dma_wait3A_900] : memref<256x128xf32, #tpu.memory_space<vmem>> -> memref<128x128xf32, #tpu.memory_space<vmem>>
      %dma_wait3A_902 = arith.constant 0 : i32
      %dma_wait3A_903 = tpu.memref_slice %arg4[%add3A_414, %dma_wait3A_902] : memref<163840x128xf32, #tpu.memory_space<hbm>> -> memref<128x128xf32, #tpu.memory_space<hbm>>
      %dma_wait3A_904 = arith.constant 0 : i32
      %dma_wait3A_905 = tpu.memref_slice %arg4[%add3A_414, %dma_wait3A_904] : memref<163840x128xf32, #tpu.memory_space<hbm>> -> memref<128x128xf32, #tpu.memory_space<hbm>>
      %dma_wait3A_906 = arith.constant 128 : i32
      %dma_wait3A_907 = arith.constant 0 : i32
      %dma_wait3A_908 = tpu.memref_slice %arg6[%dma_wait3A_906, %dma_wait3A_907] : memref<256x128xf32, #tpu.memory_space<vmem>> -> memref<128x128xf32, #tpu.memory_space<vmem>>
      tpu.wait_dma2 semaphore(%run_scoped3A : memref<!tpu.dma_semaphore, #tpu.memory_space<semaphore_mem>>) src(%dma_wait3A_908 : memref<128x128xf32, #tpu.memory_space<vmem>>) dst(%dma_wait3A_905 : memref<128x128xf32, #tpu.memory_space<hbm>>)
      tpu.yield
    }) : () -> ()
    %dma_start3A_415 = arith.constant 19 : i32
    %dma_start3A_416 = arith.constant 128 : i32
    %dma_start3A_417 = arith.constant 0 : i32
    %dma_start3A_418 = tpu.memref_slice %arg6[%dma_start3A_416, %dma_start3A_417] : memref<256x128xf32, #tpu.memory_space<vmem>> -> memref<128x128xf32, #tpu.memory_space<vmem>>
    %dma_start3A_419 = arith.constant 0 : i32
    %dma_start3A_420 = tpu.memref_slice %arg5[%dma_start3A_415, %dma_start3A_419] : memref<40x128xi32, #tpu.memory_space<vmem>> -> memref<1x128xi32, #tpu.memory_space<vmem>>
    %dma_start3A_421 = tpu.memref_squeeze %dma_start3A_420 : memref<1x128xi32, #tpu.memory_space<vmem>> -> memref<128xi32, #tpu.memory_space<vmem>>
    %dma_start3A_422 = arith.constant 0 : i32
    %dma_start3A_423 = arith.constant 0 : i32
    %dma_start3A_424 = tpu.memref_slice %arg7[%dma_start3A_422, %dma_start3A_423] : memref<10000x128xf32, #tpu.memory_space<vmem_shared>> -> memref<10000x128xf32, #tpu.memory_space<vmem_shared>>
    tpu.enqueue_indirect_dma source(%dma_start3A_424 : memref<10000x128xf32, #tpu.memory_space<vmem_shared>>) target(%dma_start3A_418 : memref<128x128xf32, #tpu.memory_space<vmem>>) offsets(%dma_start3A_421 : memref<128xi32, #tpu.memory_space<vmem>>) semaphore(%arg8 : memref<!tpu.dma_semaphore, #tpu.memory_space<semaphore_mem>>)
    %dma_wait3A_425 = arith.constant 18 : i32
    %dma_wait3A_426 = arith.constant 0 : i32
    %dma_wait3A_427 = arith.constant 0 : i32
    %dma_wait3A_428 = tpu.memref_slice %arg6[%dma_wait3A_426, %dma_wait3A_427] : memref<256x128xf32, #tpu.memory_space<vmem>> -> memref<128x128xf32, #tpu.memory_space<vmem>>
    %dma_wait3A_429 = arith.constant 0 : i32
    %dma_wait3A_430 = tpu.memref_slice %arg5[%dma_wait3A_425, %dma_wait3A_429] : memref<40x128xi32, #tpu.memory_space<vmem>> -> memref<1x128xi32, #tpu.memory_space<vmem>>
    %dma_wait3A_431 = tpu.memref_squeeze %dma_wait3A_430 : memref<1x128xi32, #tpu.memory_space<vmem>> -> memref<128xi32, #tpu.memory_space<vmem>>
    %dma_wait3A_432 = arith.constant 0 : i32
    %dma_wait3A_433 = arith.constant 0 : i32
    %dma_wait3A_434 = tpu.memref_slice %arg7[%dma_wait3A_432, %dma_wait3A_433] : memref<10000x128xf32, #tpu.memory_space<vmem_shared>> -> memref<10000x128xf32, #tpu.memory_space<vmem_shared>>
    tpu.wait_indirect_dma semaphore(%arg8 : memref<!tpu.dma_semaphore, #tpu.memory_space<semaphore_mem>>) src(%dma_wait3A_434 : memref<10000x128xf32, #tpu.memory_space<vmem_shared>>) dst(%dma_wait3A_428 : memref<128x128xf32, #tpu.memory_space<vmem>>)
    %add3A_435 = arith.constant 2304 : i32
    %add3A_436 = arith.addi %mul3A_2, %add3A_435 : i32
    "tpu.region"() ({
      %run_scoped3A = tpu.sem_alloc : memref<!tpu.dma_semaphore, #tpu.memory_space<semaphore_mem>>
      %dma_start3A_889 = arith.constant 0 : i32
      %dma_start3A_890 = arith.constant 0 : i32
      %dma_start3A_891 = tpu.memref_slice %arg6[%dma_start3A_889, %dma_start3A_890] : memref<256x128xf32, #tpu.memory_space<vmem>> -> memref<128x128xf32, #tpu.memory_space<vmem>>
      %dma_start3A_892 = arith.constant 0 : i32
      %dma_start3A_893 = tpu.memref_slice %arg4[%add3A_436, %dma_start3A_892] : memref<163840x128xf32, #tpu.memory_space<hbm>> -> memref<128x128xf32, #tpu.memory_space<hbm>>
      %dma_start3A_894 = arith.constant 0 : i32
      %dma_start3A_895 = tpu.memref_slice %arg4[%add3A_436, %dma_start3A_894] : memref<163840x128xf32, #tpu.memory_space<hbm>> -> memref<128x128xf32, #tpu.memory_space<hbm>>
      %dma_start3A_896 = arith.constant 0 : i32
      %dma_start3A_897 = arith.constant 0 : i32
      %dma_start3A_898 = tpu.memref_slice %arg6[%dma_start3A_896, %dma_start3A_897] : memref<256x128xf32, #tpu.memory_space<vmem>> -> memref<128x128xf32, #tpu.memory_space<vmem>>
      tpu.enqueue_dma source(%dma_start3A_898 : memref<128x128xf32, #tpu.memory_space<vmem>>) target(%dma_start3A_895 : memref<128x128xf32, #tpu.memory_space<hbm>>) target_semaphore(%run_scoped3A : memref<!tpu.dma_semaphore, #tpu.memory_space<semaphore_mem>>)
      %dma_wait3A_899 = arith.constant 0 : i32
      %dma_wait3A_900 = arith.constant 0 : i32
      %dma_wait3A_901 = tpu.memref_slice %arg6[%dma_wait3A_899, %dma_wait3A_900] : memref<256x128xf32, #tpu.memory_space<vmem>> -> memref<128x128xf32, #tpu.memory_space<vmem>>
      %dma_wait3A_902 = arith.constant 0 : i32
      %dma_wait3A_903 = tpu.memref_slice %arg4[%add3A_436, %dma_wait3A_902] : memref<163840x128xf32, #tpu.memory_space<hbm>> -> memref<128x128xf32, #tpu.memory_space<hbm>>
      %dma_wait3A_904 = arith.constant 0 : i32
      %dma_wait3A_905 = tpu.memref_slice %arg4[%add3A_436, %dma_wait3A_904] : memref<163840x128xf32, #tpu.memory_space<hbm>> -> memref<128x128xf32, #tpu.memory_space<hbm>>
      %dma_wait3A_906 = arith.constant 0 : i32
      %dma_wait3A_907 = arith.constant 0 : i32
      %dma_wait3A_908 = tpu.memref_slice %arg6[%dma_wait3A_906, %dma_wait3A_907] : memref<256x128xf32, #tpu.memory_space<vmem>> -> memref<128x128xf32, #tpu.memory_space<vmem>>
      tpu.wait_dma2 semaphore(%run_scoped3A : memref<!tpu.dma_semaphore, #tpu.memory_space<semaphore_mem>>) src(%dma_wait3A_908 : memref<128x128xf32, #tpu.memory_space<vmem>>) dst(%dma_wait3A_905 : memref<128x128xf32, #tpu.memory_space<hbm>>)
      tpu.yield
    }) : () -> ()
    %dma_start3A_437 = arith.constant 20 : i32
    %dma_start3A_438 = arith.constant 0 : i32
    %dma_start3A_439 = arith.constant 0 : i32
    %dma_start3A_440 = tpu.memref_slice %arg6[%dma_start3A_438, %dma_start3A_439] : memref<256x128xf32, #tpu.memory_space<vmem>> -> memref<128x128xf32, #tpu.memory_space<vmem>>
    %dma_start3A_441 = arith.constant 0 : i32
    %dma_start3A_442 = tpu.memref_slice %arg5[%dma_start3A_437, %dma_start3A_441] : memref<40x128xi32, #tpu.memory_space<vmem>> -> memref<1x128xi32, #tpu.memory_space<vmem>>
    %dma_start3A_443 = tpu.memref_squeeze %dma_start3A_442 : memref<1x128xi32, #tpu.memory_space<vmem>> -> memref<128xi32, #tpu.memory_space<vmem>>
    %dma_start3A_444 = arith.constant 0 : i32
    %dma_start3A_445 = arith.constant 0 : i32
    %dma_start3A_446 = tpu.memref_slice %arg7[%dma_start3A_444, %dma_start3A_445] : memref<10000x128xf32, #tpu.memory_space<vmem_shared>> -> memref<10000x128xf32, #tpu.memory_space<vmem_shared>>
    tpu.enqueue_indirect_dma source(%dma_start3A_446 : memref<10000x128xf32, #tpu.memory_space<vmem_shared>>) target(%dma_start3A_440 : memref<128x128xf32, #tpu.memory_space<vmem>>) offsets(%dma_start3A_443 : memref<128xi32, #tpu.memory_space<vmem>>) semaphore(%arg8 : memref<!tpu.dma_semaphore, #tpu.memory_space<semaphore_mem>>)
    %dma_wait3A_447 = arith.constant 19 : i32
    %dma_wait3A_448 = arith.constant 128 : i32
    %dma_wait3A_449 = arith.constant 0 : i32
    %dma_wait3A_450 = tpu.memref_slice %arg6[%dma_wait3A_448, %dma_wait3A_449] : memref<256x128xf32, #tpu.memory_space<vmem>> -> memref<128x128xf32, #tpu.memory_space<vmem>>
    %dma_wait3A_451 = arith.constant 0 : i32
    %dma_wait3A_452 = tpu.memref_slice %arg5[%dma_wait3A_447, %dma_wait3A_451] : memref<40x128xi32, #tpu.memory_space<vmem>> -> memref<1x128xi32, #tpu.memory_space<vmem>>
    %dma_wait3A_453 = tpu.memref_squeeze %dma_wait3A_452 : memref<1x128xi32, #tpu.memory_space<vmem>> -> memref<128xi32, #tpu.memory_space<vmem>>
    %dma_wait3A_454 = arith.constant 0 : i32
    %dma_wait3A_455 = arith.constant 0 : i32
    %dma_wait3A_456 = tpu.memref_slice %arg7[%dma_wait3A_454, %dma_wait3A_455] : memref<10000x128xf32, #tpu.memory_space<vmem_shared>> -> memref<10000x128xf32, #tpu.memory_space<vmem_shared>>
    tpu.wait_indirect_dma semaphore(%arg8 : memref<!tpu.dma_semaphore, #tpu.memory_space<semaphore_mem>>) src(%dma_wait3A_456 : memref<10000x128xf32, #tpu.memory_space<vmem_shared>>) dst(%dma_wait3A_450 : memref<128x128xf32, #tpu.memory_space<vmem>>)
    %add3A_457 = arith.constant 2432 : i32
    %add3A_458 = arith.addi %mul3A_2, %add3A_457 : i32
    "tpu.region"() ({
      %run_scoped3A = tpu.sem_alloc : memref<!tpu.dma_semaphore, #tpu.memory_space<semaphore_mem>>
      %dma_start3A_889 = arith.constant 128 : i32
      %dma_start3A_890 = arith.constant 0 : i32
      %dma_start3A_891 = tpu.memref_slice %arg6[%dma_start3A_889, %dma_start3A_890] : memref<256x128xf32, #tpu.memory_space<vmem>> -> memref<128x128xf32, #tpu.memory_space<vmem>>
      %dma_start3A_892 = arith.constant 0 : i32
      %dma_start3A_893 = tpu.memref_slice %arg4[%add3A_458, %dma_start3A_892] : memref<163840x128xf32, #tpu.memory_space<hbm>> -> memref<128x128xf32, #tpu.memory_space<hbm>>
      %dma_start3A_894 = arith.constant 0 : i32
      %dma_start3A_895 = tpu.memref_slice %arg4[%add3A_458, %dma_start3A_894] : memref<163840x128xf32, #tpu.memory_space<hbm>> -> memref<128x128xf32, #tpu.memory_space<hbm>>
      %dma_start3A_896 = arith.constant 128 : i32
      %dma_start3A_897 = arith.constant 0 : i32
      %dma_start3A_898 = tpu.memref_slice %arg6[%dma_start3A_896, %dma_start3A_897] : memref<256x128xf32, #tpu.memory_space<vmem>> -> memref<128x128xf32, #tpu.memory_space<vmem>>
      tpu.enqueue_dma source(%dma_start3A_898 : memref<128x128xf32, #tpu.memory_space<vmem>>) target(%dma_start3A_895 : memref<128x128xf32, #tpu.memory_space<hbm>>) target_semaphore(%run_scoped3A : memref<!tpu.dma_semaphore, #tpu.memory_space<semaphore_mem>>)
      %dma_wait3A_899 = arith.constant 128 : i32
      %dma_wait3A_900 = arith.constant 0 : i32
      %dma_wait3A_901 = tpu.memref_slice %arg6[%dma_wait3A_899, %dma_wait3A_900] : memref<256x128xf32, #tpu.memory_space<vmem>> -> memref<128x128xf32, #tpu.memory_space<vmem>>
      %dma_wait3A_902 = arith.constant 0 : i32
      %dma_wait3A_903 = tpu.memref_slice %arg4[%add3A_458, %dma_wait3A_902] : memref<163840x128xf32, #tpu.memory_space<hbm>> -> memref<128x128xf32, #tpu.memory_space<hbm>>
      %dma_wait3A_904 = arith.constant 0 : i32
      %dma_wait3A_905 = tpu.memref_slice %arg4[%add3A_458, %dma_wait3A_904] : memref<163840x128xf32, #tpu.memory_space<hbm>> -> memref<128x128xf32, #tpu.memory_space<hbm>>
      %dma_wait3A_906 = arith.constant 128 : i32
      %dma_wait3A_907 = arith.constant 0 : i32
      %dma_wait3A_908 = tpu.memref_slice %arg6[%dma_wait3A_906, %dma_wait3A_907] : memref<256x128xf32, #tpu.memory_space<vmem>> -> memref<128x128xf32, #tpu.memory_space<vmem>>
      tpu.wait_dma2 semaphore(%run_scoped3A : memref<!tpu.dma_semaphore, #tpu.memory_space<semaphore_mem>>) src(%dma_wait3A_908 : memref<128x128xf32, #tpu.memory_space<vmem>>) dst(%dma_wait3A_905 : memref<128x128xf32, #tpu.memory_space<hbm>>)
      tpu.yield
    }) : () -> ()
    %dma_start3A_459 = arith.constant 21 : i32
    %dma_start3A_460 = arith.constant 128 : i32
    %dma_start3A_461 = arith.constant 0 : i32
    %dma_start3A_462 = tpu.memref_slice %arg6[%dma_start3A_460, %dma_start3A_461] : memref<256x128xf32, #tpu.memory_space<vmem>> -> memref<128x128xf32, #tpu.memory_space<vmem>>
    %dma_start3A_463 = arith.constant 0 : i32
    %dma_start3A_464 = tpu.memref_slice %arg5[%dma_start3A_459, %dma_start3A_463] : memref<40x128xi32, #tpu.memory_space<vmem>> -> memref<1x128xi32, #tpu.memory_space<vmem>>
    %dma_start3A_465 = tpu.memref_squeeze %dma_start3A_464 : memref<1x128xi32, #tpu.memory_space<vmem>> -> memref<128xi32, #tpu.memory_space<vmem>>
    %dma_start3A_466 = arith.constant 0 : i32
    %dma_start3A_467 = arith.constant 0 : i32
    %dma_start3A_468 = tpu.memref_slice %arg7[%dma_start3A_466, %dma_start3A_467] : memref<10000x128xf32, #tpu.memory_space<vmem_shared>> -> memref<10000x128xf32, #tpu.memory_space<vmem_shared>>
    tpu.enqueue_indirect_dma source(%dma_start3A_468 : memref<10000x128xf32, #tpu.memory_space<vmem_shared>>) target(%dma_start3A_462 : memref<128x128xf32, #tpu.memory_space<vmem>>) offsets(%dma_start3A_465 : memref<128xi32, #tpu.memory_space<vmem>>) semaphore(%arg8 : memref<!tpu.dma_semaphore, #tpu.memory_space<semaphore_mem>>)
    %dma_wait3A_469 = arith.constant 20 : i32
    %dma_wait3A_470 = arith.constant 0 : i32
    %dma_wait3A_471 = arith.constant 0 : i32
    %dma_wait3A_472 = tpu.memref_slice %arg6[%dma_wait3A_470, %dma_wait3A_471] : memref<256x128xf32, #tpu.memory_space<vmem>> -> memref<128x128xf32, #tpu.memory_space<vmem>>
    %dma_wait3A_473 = arith.constant 0 : i32
    %dma_wait3A_474 = tpu.memref_slice %arg5[%dma_wait3A_469, %dma_wait3A_473] : memref<40x128xi32, #tpu.memory_space<vmem>> -> memref<1x128xi32, #tpu.memory_space<vmem>>
    %dma_wait3A_475 = tpu.memref_squeeze %dma_wait3A_474 : memref<1x128xi32, #tpu.memory_space<vmem>> -> memref<128xi32, #tpu.memory_space<vmem>>
    %dma_wait3A_476 = arith.constant 0 : i32
    %dma_wait3A_477 = arith.constant 0 : i32
    %dma_wait3A_478 = tpu.memref_slice %arg7[%dma_wait3A_476, %dma_wait3A_477] : memref<10000x128xf32, #tpu.memory_space<vmem_shared>> -> memref<10000x128xf32, #tpu.memory_space<vmem_shared>>
    tpu.wait_indirect_dma semaphore(%arg8 : memref<!tpu.dma_semaphore, #tpu.memory_space<semaphore_mem>>) src(%dma_wait3A_478 : memref<10000x128xf32, #tpu.memory_space<vmem_shared>>) dst(%dma_wait3A_472 : memref<128x128xf32, #tpu.memory_space<vmem>>)
    %add3A_479 = arith.constant 2560 : i32
    %add3A_480 = arith.addi %mul3A_2, %add3A_479 : i32
    "tpu.region"() ({
      %run_scoped3A = tpu.sem_alloc : memref<!tpu.dma_semaphore, #tpu.memory_space<semaphore_mem>>
      %dma_start3A_889 = arith.constant 0 : i32
      %dma_start3A_890 = arith.constant 0 : i32
      %dma_start3A_891 = tpu.memref_slice %arg6[%dma_start3A_889, %dma_start3A_890] : memref<256x128xf32, #tpu.memory_space<vmem>> -> memref<128x128xf32, #tpu.memory_space<vmem>>
      %dma_start3A_892 = arith.constant 0 : i32
      %dma_start3A_893 = tpu.memref_slice %arg4[%add3A_480, %dma_start3A_892] : memref<163840x128xf32, #tpu.memory_space<hbm>> -> memref<128x128xf32, #tpu.memory_space<hbm>>
      %dma_start3A_894 = arith.constant 0 : i32
      %dma_start3A_895 = tpu.memref_slice %arg4[%add3A_480, %dma_start3A_894] : memref<163840x128xf32, #tpu.memory_space<hbm>> -> memref<128x128xf32, #tpu.memory_space<hbm>>
      %dma_start3A_896 = arith.constant 0 : i32
      %dma_start3A_897 = arith.constant 0 : i32
      %dma_start3A_898 = tpu.memref_slice %arg6[%dma_start3A_896, %dma_start3A_897] : memref<256x128xf32, #tpu.memory_space<vmem>> -> memref<128x128xf32, #tpu.memory_space<vmem>>
      tpu.enqueue_dma source(%dma_start3A_898 : memref<128x128xf32, #tpu.memory_space<vmem>>) target(%dma_start3A_895 : memref<128x128xf32, #tpu.memory_space<hbm>>) target_semaphore(%run_scoped3A : memref<!tpu.dma_semaphore, #tpu.memory_space<semaphore_mem>>)
      %dma_wait3A_899 = arith.constant 0 : i32
      %dma_wait3A_900 = arith.constant 0 : i32
      %dma_wait3A_901 = tpu.memref_slice %arg6[%dma_wait3A_899, %dma_wait3A_900] : memref<256x128xf32, #tpu.memory_space<vmem>> -> memref<128x128xf32, #tpu.memory_space<vmem>>
      %dma_wait3A_902 = arith.constant 0 : i32
      %dma_wait3A_903 = tpu.memref_slice %arg4[%add3A_480, %dma_wait3A_902] : memref<163840x128xf32, #tpu.memory_space<hbm>> -> memref<128x128xf32, #tpu.memory_space<hbm>>
      %dma_wait3A_904 = arith.constant 0 : i32
      %dma_wait3A_905 = tpu.memref_slice %arg4[%add3A_480, %dma_wait3A_904] : memref<163840x128xf32, #tpu.memory_space<hbm>> -> memref<128x128xf32, #tpu.memory_space<hbm>>
      %dma_wait3A_906 = arith.constant 0 : i32
      %dma_wait3A_907 = arith.constant 0 : i32
      %dma_wait3A_908 = tpu.memref_slice %arg6[%dma_wait3A_906, %dma_wait3A_907] : memref<256x128xf32, #tpu.memory_space<vmem>> -> memref<128x128xf32, #tpu.memory_space<vmem>>
      tpu.wait_dma2 semaphore(%run_scoped3A : memref<!tpu.dma_semaphore, #tpu.memory_space<semaphore_mem>>) src(%dma_wait3A_908 : memref<128x128xf32, #tpu.memory_space<vmem>>) dst(%dma_wait3A_905 : memref<128x128xf32, #tpu.memory_space<hbm>>)
      tpu.yield
    }) : () -> ()
    %dma_start3A_481 = arith.constant 22 : i32
    %dma_start3A_482 = arith.constant 0 : i32
    %dma_start3A_483 = arith.constant 0 : i32
    %dma_start3A_484 = tpu.memref_slice %arg6[%dma_start3A_482, %dma_start3A_483] : memref<256x128xf32, #tpu.memory_space<vmem>> -> memref<128x128xf32, #tpu.memory_space<vmem>>
    %dma_start3A_485 = arith.constant 0 : i32
    %dma_start3A_486 = tpu.memref_slice %arg5[%dma_start3A_481, %dma_start3A_485] : memref<40x128xi32, #tpu.memory_space<vmem>> -> memref<1x128xi32, #tpu.memory_space<vmem>>
    %dma_start3A_487 = tpu.memref_squeeze %dma_start3A_486 : memref<1x128xi32, #tpu.memory_space<vmem>> -> memref<128xi32, #tpu.memory_space<vmem>>
    %dma_start3A_488 = arith.constant 0 : i32
    %dma_start3A_489 = arith.constant 0 : i32
    %dma_start3A_490 = tpu.memref_slice %arg7[%dma_start3A_488, %dma_start3A_489] : memref<10000x128xf32, #tpu.memory_space<vmem_shared>> -> memref<10000x128xf32, #tpu.memory_space<vmem_shared>>
    tpu.enqueue_indirect_dma source(%dma_start3A_490 : memref<10000x128xf32, #tpu.memory_space<vmem_shared>>) target(%dma_start3A_484 : memref<128x128xf32, #tpu.memory_space<vmem>>) offsets(%dma_start3A_487 : memref<128xi32, #tpu.memory_space<vmem>>) semaphore(%arg8 : memref<!tpu.dma_semaphore, #tpu.memory_space<semaphore_mem>>)
    %dma_wait3A_491 = arith.constant 21 : i32
    %dma_wait3A_492 = arith.constant 128 : i32
    %dma_wait3A_493 = arith.constant 0 : i32
    %dma_wait3A_494 = tpu.memref_slice %arg6[%dma_wait3A_492, %dma_wait3A_493] : memref<256x128xf32, #tpu.memory_space<vmem>> -> memref<128x128xf32, #tpu.memory_space<vmem>>
    %dma_wait3A_495 = arith.constant 0 : i32
    %dma_wait3A_496 = tpu.memref_slice %arg5[%dma_wait3A_491, %dma_wait3A_495] : memref<40x128xi32, #tpu.memory_space<vmem>> -> memref<1x128xi32, #tpu.memory_space<vmem>>
    %dma_wait3A_497 = tpu.memref_squeeze %dma_wait3A_496 : memref<1x128xi32, #tpu.memory_space<vmem>> -> memref<128xi32, #tpu.memory_space<vmem>>
    %dma_wait3A_498 = arith.constant 0 : i32
    %dma_wait3A_499 = arith.constant 0 : i32
    %dma_wait3A_500 = tpu.memref_slice %arg7[%dma_wait3A_498, %dma_wait3A_499] : memref<10000x128xf32, #tpu.memory_space<vmem_shared>> -> memref<10000x128xf32, #tpu.memory_space<vmem_shared>>
    tpu.wait_indirect_dma semaphore(%arg8 : memref<!tpu.dma_semaphore, #tpu.memory_space<semaphore_mem>>) src(%dma_wait3A_500 : memref<10000x128xf32, #tpu.memory_space<vmem_shared>>) dst(%dma_wait3A_494 : memref<128x128xf32, #tpu.memory_space<vmem>>)
    %add3A_501 = arith.constant 2688 : i32
    %add3A_502 = arith.addi %mul3A_2, %add3A_501 : i32
    "tpu.region"() ({
      %run_scoped3A = tpu.sem_alloc : memref<!tpu.dma_semaphore, #tpu.memory_space<semaphore_mem>>
      %dma_start3A_889 = arith.constant 128 : i32
      %dma_start3A_890 = arith.constant 0 : i32
      %dma_start3A_891 = tpu.memref_slice %arg6[%dma_start3A_889, %dma_start3A_890] : memref<256x128xf32, #tpu.memory_space<vmem>> -> memref<128x128xf32, #tpu.memory_space<vmem>>
      %dma_start3A_892 = arith.constant 0 : i32
      %dma_start3A_893 = tpu.memref_slice %arg4[%add3A_502, %dma_start3A_892] : memref<163840x128xf32, #tpu.memory_space<hbm>> -> memref<128x128xf32, #tpu.memory_space<hbm>>
      %dma_start3A_894 = arith.constant 0 : i32
      %dma_start3A_895 = tpu.memref_slice %arg4[%add3A_502, %dma_start3A_894] : memref<163840x128xf32, #tpu.memory_space<hbm>> -> memref<128x128xf32, #tpu.memory_space<hbm>>
      %dma_start3A_896 = arith.constant 128 : i32
      %dma_start3A_897 = arith.constant 0 : i32
      %dma_start3A_898 = tpu.memref_slice %arg6[%dma_start3A_896, %dma_start3A_897] : memref<256x128xf32, #tpu.memory_space<vmem>> -> memref<128x128xf32, #tpu.memory_space<vmem>>
      tpu.enqueue_dma source(%dma_start3A_898 : memref<128x128xf32, #tpu.memory_space<vmem>>) target(%dma_start3A_895 : memref<128x128xf32, #tpu.memory_space<hbm>>) target_semaphore(%run_scoped3A : memref<!tpu.dma_semaphore, #tpu.memory_space<semaphore_mem>>)
      %dma_wait3A_899 = arith.constant 128 : i32
      %dma_wait3A_900 = arith.constant 0 : i32
      %dma_wait3A_901 = tpu.memref_slice %arg6[%dma_wait3A_899, %dma_wait3A_900] : memref<256x128xf32, #tpu.memory_space<vmem>> -> memref<128x128xf32, #tpu.memory_space<vmem>>
      %dma_wait3A_902 = arith.constant 0 : i32
      %dma_wait3A_903 = tpu.memref_slice %arg4[%add3A_502, %dma_wait3A_902] : memref<163840x128xf32, #tpu.memory_space<hbm>> -> memref<128x128xf32, #tpu.memory_space<hbm>>
      %dma_wait3A_904 = arith.constant 0 : i32
      %dma_wait3A_905 = tpu.memref_slice %arg4[%add3A_502, %dma_wait3A_904] : memref<163840x128xf32, #tpu.memory_space<hbm>> -> memref<128x128xf32, #tpu.memory_space<hbm>>
      %dma_wait3A_906 = arith.constant 128 : i32
      %dma_wait3A_907 = arith.constant 0 : i32
      %dma_wait3A_908 = tpu.memref_slice %arg6[%dma_wait3A_906, %dma_wait3A_907] : memref<256x128xf32, #tpu.memory_space<vmem>> -> memref<128x128xf32, #tpu.memory_space<vmem>>
      tpu.wait_dma2 semaphore(%run_scoped3A : memref<!tpu.dma_semaphore, #tpu.memory_space<semaphore_mem>>) src(%dma_wait3A_908 : memref<128x128xf32, #tpu.memory_space<vmem>>) dst(%dma_wait3A_905 : memref<128x128xf32, #tpu.memory_space<hbm>>)
      tpu.yield
    }) : () -> ()
    %dma_start3A_503 = arith.constant 23 : i32
    %dma_start3A_504 = arith.constant 128 : i32
    %dma_start3A_505 = arith.constant 0 : i32
    %dma_start3A_506 = tpu.memref_slice %arg6[%dma_start3A_504, %dma_start3A_505] : memref<256x128xf32, #tpu.memory_space<vmem>> -> memref<128x128xf32, #tpu.memory_space<vmem>>
    %dma_start3A_507 = arith.constant 0 : i32
    %dma_start3A_508 = tpu.memref_slice %arg5[%dma_start3A_503, %dma_start3A_507] : memref<40x128xi32, #tpu.memory_space<vmem>> -> memref<1x128xi32, #tpu.memory_space<vmem>>
    %dma_start3A_509 = tpu.memref_squeeze %dma_start3A_508 : memref<1x128xi32, #tpu.memory_space<vmem>> -> memref<128xi32, #tpu.memory_space<vmem>>
    %dma_start3A_510 = arith.constant 0 : i32
    %dma_start3A_511 = arith.constant 0 : i32
    %dma_start3A_512 = tpu.memref_slice %arg7[%dma_start3A_510, %dma_start3A_511] : memref<10000x128xf32, #tpu.memory_space<vmem_shared>> -> memref<10000x128xf32, #tpu.memory_space<vmem_shared>>
    tpu.enqueue_indirect_dma source(%dma_start3A_512 : memref<10000x128xf32, #tpu.memory_space<vmem_shared>>) target(%dma_start3A_506 : memref<128x128xf32, #tpu.memory_space<vmem>>) offsets(%dma_start3A_509 : memref<128xi32, #tpu.memory_space<vmem>>) semaphore(%arg8 : memref<!tpu.dma_semaphore, #tpu.memory_space<semaphore_mem>>)
    %dma_wait3A_513 = arith.constant 22 : i32
    %dma_wait3A_514 = arith.constant 0 : i32
    %dma_wait3A_515 = arith.constant 0 : i32
    %dma_wait3A_516 = tpu.memref_slice %arg6[%dma_wait3A_514, %dma_wait3A_515] : memref<256x128xf32, #tpu.memory_space<vmem>> -> memref<128x128xf32, #tpu.memory_space<vmem>>
    %dma_wait3A_517 = arith.constant 0 : i32
    %dma_wait3A_518 = tpu.memref_slice %arg5[%dma_wait3A_513, %dma_wait3A_517] : memref<40x128xi32, #tpu.memory_space<vmem>> -> memref<1x128xi32, #tpu.memory_space<vmem>>
    %dma_wait3A_519 = tpu.memref_squeeze %dma_wait3A_518 : memref<1x128xi32, #tpu.memory_space<vmem>> -> memref<128xi32, #tpu.memory_space<vmem>>
    %dma_wait3A_520 = arith.constant 0 : i32
    %dma_wait3A_521 = arith.constant 0 : i32
    %dma_wait3A_522 = tpu.memref_slice %arg7[%dma_wait3A_520, %dma_wait3A_521] : memref<10000x128xf32, #tpu.memory_space<vmem_shared>> -> memref<10000x128xf32, #tpu.memory_space<vmem_shared>>
    tpu.wait_indirect_dma semaphore(%arg8 : memref<!tpu.dma_semaphore, #tpu.memory_space<semaphore_mem>>) src(%dma_wait3A_522 : memref<10000x128xf32, #tpu.memory_space<vmem_shared>>) dst(%dma_wait3A_516 : memref<128x128xf32, #tpu.memory_space<vmem>>)
    %add3A_523 = arith.constant 2816 : i32
    %add3A_524 = arith.addi %mul3A_2, %add3A_523 : i32
    "tpu.region"() ({
      %run_scoped3A = tpu.sem_alloc : memref<!tpu.dma_semaphore, #tpu.memory_space<semaphore_mem>>
      %dma_start3A_889 = arith.constant 0 : i32
      %dma_start3A_890 = arith.constant 0 : i32
      %dma_start3A_891 = tpu.memref_slice %arg6[%dma_start3A_889, %dma_start3A_890] : memref<256x128xf32, #tpu.memory_space<vmem>> -> memref<128x128xf32, #tpu.memory_space<vmem>>
      %dma_start3A_892 = arith.constant 0 : i32
      %dma_start3A_893 = tpu.memref_slice %arg4[%add3A_524, %dma_start3A_892] : memref<163840x128xf32, #tpu.memory_space<hbm>> -> memref<128x128xf32, #tpu.memory_space<hbm>>
      %dma_start3A_894 = arith.constant 0 : i32
      %dma_start3A_895 = tpu.memref_slice %arg4[%add3A_524, %dma_start3A_894] : memref<163840x128xf32, #tpu.memory_space<hbm>> -> memref<128x128xf32, #tpu.memory_space<hbm>>
      %dma_start3A_896 = arith.constant 0 : i32
      %dma_start3A_897 = arith.constant 0 : i32
      %dma_start3A_898 = tpu.memref_slice %arg6[%dma_start3A_896, %dma_start3A_897] : memref<256x128xf32, #tpu.memory_space<vmem>> -> memref<128x128xf32, #tpu.memory_space<vmem>>
      tpu.enqueue_dma source(%dma_start3A_898 : memref<128x128xf32, #tpu.memory_space<vmem>>) target(%dma_start3A_895 : memref<128x128xf32, #tpu.memory_space<hbm>>) target_semaphore(%run_scoped3A : memref<!tpu.dma_semaphore, #tpu.memory_space<semaphore_mem>>)
      %dma_wait3A_899 = arith.constant 0 : i32
      %dma_wait3A_900 = arith.constant 0 : i32
      %dma_wait3A_901 = tpu.memref_slice %arg6[%dma_wait3A_899, %dma_wait3A_900] : memref<256x128xf32, #tpu.memory_space<vmem>> -> memref<128x128xf32, #tpu.memory_space<vmem>>
      %dma_wait3A_902 = arith.constant 0 : i32
      %dma_wait3A_903 = tpu.memref_slice %arg4[%add3A_524, %dma_wait3A_902] : memref<163840x128xf32, #tpu.memory_space<hbm>> -> memref<128x128xf32, #tpu.memory_space<hbm>>
      %dma_wait3A_904 = arith.constant 0 : i32
      %dma_wait3A_905 = tpu.memref_slice %arg4[%add3A_524, %dma_wait3A_904] : memref<163840x128xf32, #tpu.memory_space<hbm>> -> memref<128x128xf32, #tpu.memory_space<hbm>>
      %dma_wait3A_906 = arith.constant 0 : i32
      %dma_wait3A_907 = arith.constant 0 : i32
      %dma_wait3A_908 = tpu.memref_slice %arg6[%dma_wait3A_906, %dma_wait3A_907] : memref<256x128xf32, #tpu.memory_space<vmem>> -> memref<128x128xf32, #tpu.memory_space<vmem>>
      tpu.wait_dma2 semaphore(%run_scoped3A : memref<!tpu.dma_semaphore, #tpu.memory_space<semaphore_mem>>) src(%dma_wait3A_908 : memref<128x128xf32, #tpu.memory_space<vmem>>) dst(%dma_wait3A_905 : memref<128x128xf32, #tpu.memory_space<hbm>>)
      tpu.yield
    }) : () -> ()
    %dma_start3A_525 = arith.constant 24 : i32
    %dma_start3A_526 = arith.constant 0 : i32
    %dma_start3A_527 = arith.constant 0 : i32
    %dma_start3A_528 = tpu.memref_slice %arg6[%dma_start3A_526, %dma_start3A_527] : memref<256x128xf32, #tpu.memory_space<vmem>> -> memref<128x128xf32, #tpu.memory_space<vmem>>
    %dma_start3A_529 = arith.constant 0 : i32
    %dma_start3A_530 = tpu.memref_slice %arg5[%dma_start3A_525, %dma_start3A_529] : memref<40x128xi32, #tpu.memory_space<vmem>> -> memref<1x128xi32, #tpu.memory_space<vmem>>
    %dma_start3A_531 = tpu.memref_squeeze %dma_start3A_530 : memref<1x128xi32, #tpu.memory_space<vmem>> -> memref<128xi32, #tpu.memory_space<vmem>>
    %dma_start3A_532 = arith.constant 0 : i32
    %dma_start3A_533 = arith.constant 0 : i32
    %dma_start3A_534 = tpu.memref_slice %arg7[%dma_start3A_532, %dma_start3A_533] : memref<10000x128xf32, #tpu.memory_space<vmem_shared>> -> memref<10000x128xf32, #tpu.memory_space<vmem_shared>>
    tpu.enqueue_indirect_dma source(%dma_start3A_534 : memref<10000x128xf32, #tpu.memory_space<vmem_shared>>) target(%dma_start3A_528 : memref<128x128xf32, #tpu.memory_space<vmem>>) offsets(%dma_start3A_531 : memref<128xi32, #tpu.memory_space<vmem>>) semaphore(%arg8 : memref<!tpu.dma_semaphore, #tpu.memory_space<semaphore_mem>>)
    %dma_wait3A_535 = arith.constant 23 : i32
    %dma_wait3A_536 = arith.constant 128 : i32
    %dma_wait3A_537 = arith.constant 0 : i32
    %dma_wait3A_538 = tpu.memref_slice %arg6[%dma_wait3A_536, %dma_wait3A_537] : memref<256x128xf32, #tpu.memory_space<vmem>> -> memref<128x128xf32, #tpu.memory_space<vmem>>
    %dma_wait3A_539 = arith.constant 0 : i32
    %dma_wait3A_540 = tpu.memref_slice %arg5[%dma_wait3A_535, %dma_wait3A_539] : memref<40x128xi32, #tpu.memory_space<vmem>> -> memref<1x128xi32, #tpu.memory_space<vmem>>
    %dma_wait3A_541 = tpu.memref_squeeze %dma_wait3A_540 : memref<1x128xi32, #tpu.memory_space<vmem>> -> memref<128xi32, #tpu.memory_space<vmem>>
    %dma_wait3A_542 = arith.constant 0 : i32
    %dma_wait3A_543 = arith.constant 0 : i32
    %dma_wait3A_544 = tpu.memref_slice %arg7[%dma_wait3A_542, %dma_wait3A_543] : memref<10000x128xf32, #tpu.memory_space<vmem_shared>> -> memref<10000x128xf32, #tpu.memory_space<vmem_shared>>
    tpu.wait_indirect_dma semaphore(%arg8 : memref<!tpu.dma_semaphore, #tpu.memory_space<semaphore_mem>>) src(%dma_wait3A_544 : memref<10000x128xf32, #tpu.memory_space<vmem_shared>>) dst(%dma_wait3A_538 : memref<128x128xf32, #tpu.memory_space<vmem>>)
    %add3A_545 = arith.constant 2944 : i32
    %add3A_546 = arith.addi %mul3A_2, %add3A_545 : i32
    "tpu.region"() ({
      %run_scoped3A = tpu.sem_alloc : memref<!tpu.dma_semaphore, #tpu.memory_space<semaphore_mem>>
      %dma_start3A_889 = arith.constant 128 : i32
      %dma_start3A_890 = arith.constant 0 : i32
      %dma_start3A_891 = tpu.memref_slice %arg6[%dma_start3A_889, %dma_start3A_890] : memref<256x128xf32, #tpu.memory_space<vmem>> -> memref<128x128xf32, #tpu.memory_space<vmem>>
      %dma_start3A_892 = arith.constant 0 : i32
      %dma_start3A_893 = tpu.memref_slice %arg4[%add3A_546, %dma_start3A_892] : memref<163840x128xf32, #tpu.memory_space<hbm>> -> memref<128x128xf32, #tpu.memory_space<hbm>>
      %dma_start3A_894 = arith.constant 0 : i32
      %dma_start3A_895 = tpu.memref_slice %arg4[%add3A_546, %dma_start3A_894] : memref<163840x128xf32, #tpu.memory_space<hbm>> -> memref<128x128xf32, #tpu.memory_space<hbm>>
      %dma_start3A_896 = arith.constant 128 : i32
      %dma_start3A_897 = arith.constant 0 : i32
      %dma_start3A_898 = tpu.memref_slice %arg6[%dma_start3A_896, %dma_start3A_897] : memref<256x128xf32, #tpu.memory_space<vmem>> -> memref<128x128xf32, #tpu.memory_space<vmem>>
      tpu.enqueue_dma source(%dma_start3A_898 : memref<128x128xf32, #tpu.memory_space<vmem>>) target(%dma_start3A_895 : memref<128x128xf32, #tpu.memory_space<hbm>>) target_semaphore(%run_scoped3A : memref<!tpu.dma_semaphore, #tpu.memory_space<semaphore_mem>>)
      %dma_wait3A_899 = arith.constant 128 : i32
      %dma_wait3A_900 = arith.constant 0 : i32
      %dma_wait3A_901 = tpu.memref_slice %arg6[%dma_wait3A_899, %dma_wait3A_900] : memref<256x128xf32, #tpu.memory_space<vmem>> -> memref<128x128xf32, #tpu.memory_space<vmem>>
      %dma_wait3A_902 = arith.constant 0 : i32
      %dma_wait3A_903 = tpu.memref_slice %arg4[%add3A_546, %dma_wait3A_902] : memref<163840x128xf32, #tpu.memory_space<hbm>> -> memref<128x128xf32, #tpu.memory_space<hbm>>
      %dma_wait3A_904 = arith.constant 0 : i32
      %dma_wait3A_905 = tpu.memref_slice %arg4[%add3A_546, %dma_wait3A_904] : memref<163840x128xf32, #tpu.memory_space<hbm>> -> memref<128x128xf32, #tpu.memory_space<hbm>>
      %dma_wait3A_906 = arith.constant 128 : i32
      %dma_wait3A_907 = arith.constant 0 : i32
      %dma_wait3A_908 = tpu.memref_slice %arg6[%dma_wait3A_906, %dma_wait3A_907] : memref<256x128xf32, #tpu.memory_space<vmem>> -> memref<128x128xf32, #tpu.memory_space<vmem>>
      tpu.wait_dma2 semaphore(%run_scoped3A : memref<!tpu.dma_semaphore, #tpu.memory_space<semaphore_mem>>) src(%dma_wait3A_908 : memref<128x128xf32, #tpu.memory_space<vmem>>) dst(%dma_wait3A_905 : memref<128x128xf32, #tpu.memory_space<hbm>>)
      tpu.yield
    }) : () -> ()
    %dma_start3A_547 = arith.constant 25 : i32
    %dma_start3A_548 = arith.constant 128 : i32
    %dma_start3A_549 = arith.constant 0 : i32
    %dma_start3A_550 = tpu.memref_slice %arg6[%dma_start3A_548, %dma_start3A_549] : memref<256x128xf32, #tpu.memory_space<vmem>> -> memref<128x128xf32, #tpu.memory_space<vmem>>
    %dma_start3A_551 = arith.constant 0 : i32
    %dma_start3A_552 = tpu.memref_slice %arg5[%dma_start3A_547, %dma_start3A_551] : memref<40x128xi32, #tpu.memory_space<vmem>> -> memref<1x128xi32, #tpu.memory_space<vmem>>
    %dma_start3A_553 = tpu.memref_squeeze %dma_start3A_552 : memref<1x128xi32, #tpu.memory_space<vmem>> -> memref<128xi32, #tpu.memory_space<vmem>>
    %dma_start3A_554 = arith.constant 0 : i32
    %dma_start3A_555 = arith.constant 0 : i32
    %dma_start3A_556 = tpu.memref_slice %arg7[%dma_start3A_554, %dma_start3A_555] : memref<10000x128xf32, #tpu.memory_space<vmem_shared>> -> memref<10000x128xf32, #tpu.memory_space<vmem_shared>>
    tpu.enqueue_indirect_dma source(%dma_start3A_556 : memref<10000x128xf32, #tpu.memory_space<vmem_shared>>) target(%dma_start3A_550 : memref<128x128xf32, #tpu.memory_space<vmem>>) offsets(%dma_start3A_553 : memref<128xi32, #tpu.memory_space<vmem>>) semaphore(%arg8 : memref<!tpu.dma_semaphore, #tpu.memory_space<semaphore_mem>>)
    %dma_wait3A_557 = arith.constant 24 : i32
    %dma_wait3A_558 = arith.constant 0 : i32
    %dma_wait3A_559 = arith.constant 0 : i32
    %dma_wait3A_560 = tpu.memref_slice %arg6[%dma_wait3A_558, %dma_wait3A_559] : memref<256x128xf32, #tpu.memory_space<vmem>> -> memref<128x128xf32, #tpu.memory_space<vmem>>
    %dma_wait3A_561 = arith.constant 0 : i32
    %dma_wait3A_562 = tpu.memref_slice %arg5[%dma_wait3A_557, %dma_wait3A_561] : memref<40x128xi32, #tpu.memory_space<vmem>> -> memref<1x128xi32, #tpu.memory_space<vmem>>
    %dma_wait3A_563 = tpu.memref_squeeze %dma_wait3A_562 : memref<1x128xi32, #tpu.memory_space<vmem>> -> memref<128xi32, #tpu.memory_space<vmem>>
    %dma_wait3A_564 = arith.constant 0 : i32
    %dma_wait3A_565 = arith.constant 0 : i32
    %dma_wait3A_566 = tpu.memref_slice %arg7[%dma_wait3A_564, %dma_wait3A_565] : memref<10000x128xf32, #tpu.memory_space<vmem_shared>> -> memref<10000x128xf32, #tpu.memory_space<vmem_shared>>
    tpu.wait_indirect_dma semaphore(%arg8 : memref<!tpu.dma_semaphore, #tpu.memory_space<semaphore_mem>>) src(%dma_wait3A_566 : memref<10000x128xf32, #tpu.memory_space<vmem_shared>>) dst(%dma_wait3A_560 : memref<128x128xf32, #tpu.memory_space<vmem>>)
    %add3A_567 = arith.constant 3072 : i32
    %add3A_568 = arith.addi %mul3A_2, %add3A_567 : i32
    "tpu.region"() ({
      %run_scoped3A = tpu.sem_alloc : memref<!tpu.dma_semaphore, #tpu.memory_space<semaphore_mem>>
      %dma_start3A_889 = arith.constant 0 : i32
      %dma_start3A_890 = arith.constant 0 : i32
      %dma_start3A_891 = tpu.memref_slice %arg6[%dma_start3A_889, %dma_start3A_890] : memref<256x128xf32, #tpu.memory_space<vmem>> -> memref<128x128xf32, #tpu.memory_space<vmem>>
      %dma_start3A_892 = arith.constant 0 : i32
      %dma_start3A_893 = tpu.memref_slice %arg4[%add3A_568, %dma_start3A_892] : memref<163840x128xf32, #tpu.memory_space<hbm>> -> memref<128x128xf32, #tpu.memory_space<hbm>>
      %dma_start3A_894 = arith.constant 0 : i32
      %dma_start3A_895 = tpu.memref_slice %arg4[%add3A_568, %dma_start3A_894] : memref<163840x128xf32, #tpu.memory_space<hbm>> -> memref<128x128xf32, #tpu.memory_space<hbm>>
      %dma_start3A_896 = arith.constant 0 : i32
      %dma_start3A_897 = arith.constant 0 : i32
      %dma_start3A_898 = tpu.memref_slice %arg6[%dma_start3A_896, %dma_start3A_897] : memref<256x128xf32, #tpu.memory_space<vmem>> -> memref<128x128xf32, #tpu.memory_space<vmem>>
      tpu.enqueue_dma source(%dma_start3A_898 : memref<128x128xf32, #tpu.memory_space<vmem>>) target(%dma_start3A_895 : memref<128x128xf32, #tpu.memory_space<hbm>>) target_semaphore(%run_scoped3A : memref<!tpu.dma_semaphore, #tpu.memory_space<semaphore_mem>>)
      %dma_wait3A_899 = arith.constant 0 : i32
      %dma_wait3A_900 = arith.constant 0 : i32
      %dma_wait3A_901 = tpu.memref_slice %arg6[%dma_wait3A_899, %dma_wait3A_900] : memref<256x128xf32, #tpu.memory_space<vmem>> -> memref<128x128xf32, #tpu.memory_space<vmem>>
      %dma_wait3A_902 = arith.constant 0 : i32
      %dma_wait3A_903 = tpu.memref_slice %arg4[%add3A_568, %dma_wait3A_902] : memref<163840x128xf32, #tpu.memory_space<hbm>> -> memref<128x128xf32, #tpu.memory_space<hbm>>
      %dma_wait3A_904 = arith.constant 0 : i32
      %dma_wait3A_905 = tpu.memref_slice %arg4[%add3A_568, %dma_wait3A_904] : memref<163840x128xf32, #tpu.memory_space<hbm>> -> memref<128x128xf32, #tpu.memory_space<hbm>>
      %dma_wait3A_906 = arith.constant 0 : i32
      %dma_wait3A_907 = arith.constant 0 : i32
      %dma_wait3A_908 = tpu.memref_slice %arg6[%dma_wait3A_906, %dma_wait3A_907] : memref<256x128xf32, #tpu.memory_space<vmem>> -> memref<128x128xf32, #tpu.memory_space<vmem>>
      tpu.wait_dma2 semaphore(%run_scoped3A : memref<!tpu.dma_semaphore, #tpu.memory_space<semaphore_mem>>) src(%dma_wait3A_908 : memref<128x128xf32, #tpu.memory_space<vmem>>) dst(%dma_wait3A_905 : memref<128x128xf32, #tpu.memory_space<hbm>>)
      tpu.yield
    }) : () -> ()
    %dma_start3A_569 = arith.constant 26 : i32
    %dma_start3A_570 = arith.constant 0 : i32
    %dma_start3A_571 = arith.constant 0 : i32
    %dma_start3A_572 = tpu.memref_slice %arg6[%dma_start3A_570, %dma_start3A_571] : memref<256x128xf32, #tpu.memory_space<vmem>> -> memref<128x128xf32, #tpu.memory_space<vmem>>
    %dma_start3A_573 = arith.constant 0 : i32
    %dma_start3A_574 = tpu.memref_slice %arg5[%dma_start3A_569, %dma_start3A_573] : memref<40x128xi32, #tpu.memory_space<vmem>> -> memref<1x128xi32, #tpu.memory_space<vmem>>
    %dma_start3A_575 = tpu.memref_squeeze %dma_start3A_574 : memref<1x128xi32, #tpu.memory_space<vmem>> -> memref<128xi32, #tpu.memory_space<vmem>>
    %dma_start3A_576 = arith.constant 0 : i32
    %dma_start3A_577 = arith.constant 0 : i32
    %dma_start3A_578 = tpu.memref_slice %arg7[%dma_start3A_576, %dma_start3A_577] : memref<10000x128xf32, #tpu.memory_space<vmem_shared>> -> memref<10000x128xf32, #tpu.memory_space<vmem_shared>>
    tpu.enqueue_indirect_dma source(%dma_start3A_578 : memref<10000x128xf32, #tpu.memory_space<vmem_shared>>) target(%dma_start3A_572 : memref<128x128xf32, #tpu.memory_space<vmem>>) offsets(%dma_start3A_575 : memref<128xi32, #tpu.memory_space<vmem>>) semaphore(%arg8 : memref<!tpu.dma_semaphore, #tpu.memory_space<semaphore_mem>>)
    %dma_wait3A_579 = arith.constant 25 : i32
    %dma_wait3A_580 = arith.constant 128 : i32
    %dma_wait3A_581 = arith.constant 0 : i32
    %dma_wait3A_582 = tpu.memref_slice %arg6[%dma_wait3A_580, %dma_wait3A_581] : memref<256x128xf32, #tpu.memory_space<vmem>> -> memref<128x128xf32, #tpu.memory_space<vmem>>
    %dma_wait3A_583 = arith.constant 0 : i32
    %dma_wait3A_584 = tpu.memref_slice %arg5[%dma_wait3A_579, %dma_wait3A_583] : memref<40x128xi32, #tpu.memory_space<vmem>> -> memref<1x128xi32, #tpu.memory_space<vmem>>
    %dma_wait3A_585 = tpu.memref_squeeze %dma_wait3A_584 : memref<1x128xi32, #tpu.memory_space<vmem>> -> memref<128xi32, #tpu.memory_space<vmem>>
    %dma_wait3A_586 = arith.constant 0 : i32
    %dma_wait3A_587 = arith.constant 0 : i32
    %dma_wait3A_588 = tpu.memref_slice %arg7[%dma_wait3A_586, %dma_wait3A_587] : memref<10000x128xf32, #tpu.memory_space<vmem_shared>> -> memref<10000x128xf32, #tpu.memory_space<vmem_shared>>
    tpu.wait_indirect_dma semaphore(%arg8 : memref<!tpu.dma_semaphore, #tpu.memory_space<semaphore_mem>>) src(%dma_wait3A_588 : memref<10000x128xf32, #tpu.memory_space<vmem_shared>>) dst(%dma_wait3A_582 : memref<128x128xf32, #tpu.memory_space<vmem>>)
    %add3A_589 = arith.constant 3200 : i32
    %add3A_590 = arith.addi %mul3A_2, %add3A_589 : i32
    "tpu.region"() ({
      %run_scoped3A = tpu.sem_alloc : memref<!tpu.dma_semaphore, #tpu.memory_space<semaphore_mem>>
      %dma_start3A_889 = arith.constant 128 : i32
      %dma_start3A_890 = arith.constant 0 : i32
      %dma_start3A_891 = tpu.memref_slice %arg6[%dma_start3A_889, %dma_start3A_890] : memref<256x128xf32, #tpu.memory_space<vmem>> -> memref<128x128xf32, #tpu.memory_space<vmem>>
      %dma_start3A_892 = arith.constant 0 : i32
      %dma_start3A_893 = tpu.memref_slice %arg4[%add3A_590, %dma_start3A_892] : memref<163840x128xf32, #tpu.memory_space<hbm>> -> memref<128x128xf32, #tpu.memory_space<hbm>>
      %dma_start3A_894 = arith.constant 0 : i32
      %dma_start3A_895 = tpu.memref_slice %arg4[%add3A_590, %dma_start3A_894] : memref<163840x128xf32, #tpu.memory_space<hbm>> -> memref<128x128xf32, #tpu.memory_space<hbm>>
      %dma_start3A_896 = arith.constant 128 : i32
      %dma_start3A_897 = arith.constant 0 : i32
      %dma_start3A_898 = tpu.memref_slice %arg6[%dma_start3A_896, %dma_start3A_897] : memref<256x128xf32, #tpu.memory_space<vmem>> -> memref<128x128xf32, #tpu.memory_space<vmem>>
      tpu.enqueue_dma source(%dma_start3A_898 : memref<128x128xf32, #tpu.memory_space<vmem>>) target(%dma_start3A_895 : memref<128x128xf32, #tpu.memory_space<hbm>>) target_semaphore(%run_scoped3A : memref<!tpu.dma_semaphore, #tpu.memory_space<semaphore_mem>>)
      %dma_wait3A_899 = arith.constant 128 : i32
      %dma_wait3A_900 = arith.constant 0 : i32
      %dma_wait3A_901 = tpu.memref_slice %arg6[%dma_wait3A_899, %dma_wait3A_900] : memref<256x128xf32, #tpu.memory_space<vmem>> -> memref<128x128xf32, #tpu.memory_space<vmem>>
      %dma_wait3A_902 = arith.constant 0 : i32
      %dma_wait3A_903 = tpu.memref_slice %arg4[%add3A_590, %dma_wait3A_902] : memref<163840x128xf32, #tpu.memory_space<hbm>> -> memref<128x128xf32, #tpu.memory_space<hbm>>
      %dma_wait3A_904 = arith.constant 0 : i32
      %dma_wait3A_905 = tpu.memref_slice %arg4[%add3A_590, %dma_wait3A_904] : memref<163840x128xf32, #tpu.memory_space<hbm>> -> memref<128x128xf32, #tpu.memory_space<hbm>>
      %dma_wait3A_906 = arith.constant 128 : i32
      %dma_wait3A_907 = arith.constant 0 : i32
      %dma_wait3A_908 = tpu.memref_slice %arg6[%dma_wait3A_906, %dma_wait3A_907] : memref<256x128xf32, #tpu.memory_space<vmem>> -> memref<128x128xf32, #tpu.memory_space<vmem>>
      tpu.wait_dma2 semaphore(%run_scoped3A : memref<!tpu.dma_semaphore, #tpu.memory_space<semaphore_mem>>) src(%dma_wait3A_908 : memref<128x128xf32, #tpu.memory_space<vmem>>) dst(%dma_wait3A_905 : memref<128x128xf32, #tpu.memory_space<hbm>>)
      tpu.yield
    }) : () -> ()
    %dma_start3A_591 = arith.constant 27 : i32
    %dma_start3A_592 = arith.constant 128 : i32
    %dma_start3A_593 = arith.constant 0 : i32
    %dma_start3A_594 = tpu.memref_slice %arg6[%dma_start3A_592, %dma_start3A_593] : memref<256x128xf32, #tpu.memory_space<vmem>> -> memref<128x128xf32, #tpu.memory_space<vmem>>
    %dma_start3A_595 = arith.constant 0 : i32
    %dma_start3A_596 = tpu.memref_slice %arg5[%dma_start3A_591, %dma_start3A_595] : memref<40x128xi32, #tpu.memory_space<vmem>> -> memref<1x128xi32, #tpu.memory_space<vmem>>
    %dma_start3A_597 = tpu.memref_squeeze %dma_start3A_596 : memref<1x128xi32, #tpu.memory_space<vmem>> -> memref<128xi32, #tpu.memory_space<vmem>>
    %dma_start3A_598 = arith.constant 0 : i32
    %dma_start3A_599 = arith.constant 0 : i32
    %dma_start3A_600 = tpu.memref_slice %arg7[%dma_start3A_598, %dma_start3A_599] : memref<10000x128xf32, #tpu.memory_space<vmem_shared>> -> memref<10000x128xf32, #tpu.memory_space<vmem_shared>>
    tpu.enqueue_indirect_dma source(%dma_start3A_600 : memref<10000x128xf32, #tpu.memory_space<vmem_shared>>) target(%dma_start3A_594 : memref<128x128xf32, #tpu.memory_space<vmem>>) offsets(%dma_start3A_597 : memref<128xi32, #tpu.memory_space<vmem>>) semaphore(%arg8 : memref<!tpu.dma_semaphore, #tpu.memory_space<semaphore_mem>>)
    %dma_wait3A_601 = arith.constant 26 : i32
    %dma_wait3A_602 = arith.constant 0 : i32
    %dma_wait3A_603 = arith.constant 0 : i32
    %dma_wait3A_604 = tpu.memref_slice %arg6[%dma_wait3A_602, %dma_wait3A_603] : memref<256x128xf32, #tpu.memory_space<vmem>> -> memref<128x128xf32, #tpu.memory_space<vmem>>
    %dma_wait3A_605 = arith.constant 0 : i32
    %dma_wait3A_606 = tpu.memref_slice %arg5[%dma_wait3A_601, %dma_wait3A_605] : memref<40x128xi32, #tpu.memory_space<vmem>> -> memref<1x128xi32, #tpu.memory_space<vmem>>
    %dma_wait3A_607 = tpu.memref_squeeze %dma_wait3A_606 : memref<1x128xi32, #tpu.memory_space<vmem>> -> memref<128xi32, #tpu.memory_space<vmem>>
    %dma_wait3A_608 = arith.constant 0 : i32
    %dma_wait3A_609 = arith.constant 0 : i32
    %dma_wait3A_610 = tpu.memref_slice %arg7[%dma_wait3A_608, %dma_wait3A_609] : memref<10000x128xf32, #tpu.memory_space<vmem_shared>> -> memref<10000x128xf32, #tpu.memory_space<vmem_shared>>
    tpu.wait_indirect_dma semaphore(%arg8 : memref<!tpu.dma_semaphore, #tpu.memory_space<semaphore_mem>>) src(%dma_wait3A_610 : memref<10000x128xf32, #tpu.memory_space<vmem_shared>>) dst(%dma_wait3A_604 : memref<128x128xf32, #tpu.memory_space<vmem>>)
    %add3A_611 = arith.constant 3328 : i32
    %add3A_612 = arith.addi %mul3A_2, %add3A_611 : i32
    "tpu.region"() ({
      %run_scoped3A = tpu.sem_alloc : memref<!tpu.dma_semaphore, #tpu.memory_space<semaphore_mem>>
      %dma_start3A_889 = arith.constant 0 : i32
      %dma_start3A_890 = arith.constant 0 : i32
      %dma_start3A_891 = tpu.memref_slice %arg6[%dma_start3A_889, %dma_start3A_890] : memref<256x128xf32, #tpu.memory_space<vmem>> -> memref<128x128xf32, #tpu.memory_space<vmem>>
      %dma_start3A_892 = arith.constant 0 : i32
      %dma_start3A_893 = tpu.memref_slice %arg4[%add3A_612, %dma_start3A_892] : memref<163840x128xf32, #tpu.memory_space<hbm>> -> memref<128x128xf32, #tpu.memory_space<hbm>>
      %dma_start3A_894 = arith.constant 0 : i32
      %dma_start3A_895 = tpu.memref_slice %arg4[%add3A_612, %dma_start3A_894] : memref<163840x128xf32, #tpu.memory_space<hbm>> -> memref<128x128xf32, #tpu.memory_space<hbm>>
      %dma_start3A_896 = arith.constant 0 : i32
      %dma_start3A_897 = arith.constant 0 : i32
      %dma_start3A_898 = tpu.memref_slice %arg6[%dma_start3A_896, %dma_start3A_897] : memref<256x128xf32, #tpu.memory_space<vmem>> -> memref<128x128xf32, #tpu.memory_space<vmem>>
      tpu.enqueue_dma source(%dma_start3A_898 : memref<128x128xf32, #tpu.memory_space<vmem>>) target(%dma_start3A_895 : memref<128x128xf32, #tpu.memory_space<hbm>>) target_semaphore(%run_scoped3A : memref<!tpu.dma_semaphore, #tpu.memory_space<semaphore_mem>>)
      %dma_wait3A_899 = arith.constant 0 : i32
      %dma_wait3A_900 = arith.constant 0 : i32
      %dma_wait3A_901 = tpu.memref_slice %arg6[%dma_wait3A_899, %dma_wait3A_900] : memref<256x128xf32, #tpu.memory_space<vmem>> -> memref<128x128xf32, #tpu.memory_space<vmem>>
      %dma_wait3A_902 = arith.constant 0 : i32
      %dma_wait3A_903 = tpu.memref_slice %arg4[%add3A_612, %dma_wait3A_902] : memref<163840x128xf32, #tpu.memory_space<hbm>> -> memref<128x128xf32, #tpu.memory_space<hbm>>
      %dma_wait3A_904 = arith.constant 0 : i32
      %dma_wait3A_905 = tpu.memref_slice %arg4[%add3A_612, %dma_wait3A_904] : memref<163840x128xf32, #tpu.memory_space<hbm>> -> memref<128x128xf32, #tpu.memory_space<hbm>>
      %dma_wait3A_906 = arith.constant 0 : i32
      %dma_wait3A_907 = arith.constant 0 : i32
      %dma_wait3A_908 = tpu.memref_slice %arg6[%dma_wait3A_906, %dma_wait3A_907] : memref<256x128xf32, #tpu.memory_space<vmem>> -> memref<128x128xf32, #tpu.memory_space<vmem>>
      tpu.wait_dma2 semaphore(%run_scoped3A : memref<!tpu.dma_semaphore, #tpu.memory_space<semaphore_mem>>) src(%dma_wait3A_908 : memref<128x128xf32, #tpu.memory_space<vmem>>) dst(%dma_wait3A_905 : memref<128x128xf32, #tpu.memory_space<hbm>>)
      tpu.yield
    }) : () -> ()
    %dma_start3A_613 = arith.constant 28 : i32
    %dma_start3A_614 = arith.constant 0 : i32
    %dma_start3A_615 = arith.constant 0 : i32
    %dma_start3A_616 = tpu.memref_slice %arg6[%dma_start3A_614, %dma_start3A_615] : memref<256x128xf32, #tpu.memory_space<vmem>> -> memref<128x128xf32, #tpu.memory_space<vmem>>
    %dma_start3A_617 = arith.constant 0 : i32
    %dma_start3A_618 = tpu.memref_slice %arg5[%dma_start3A_613, %dma_start3A_617] : memref<40x128xi32, #tpu.memory_space<vmem>> -> memref<1x128xi32, #tpu.memory_space<vmem>>
    %dma_start3A_619 = tpu.memref_squeeze %dma_start3A_618 : memref<1x128xi32, #tpu.memory_space<vmem>> -> memref<128xi32, #tpu.memory_space<vmem>>
    %dma_start3A_620 = arith.constant 0 : i32
    %dma_start3A_621 = arith.constant 0 : i32
    %dma_start3A_622 = tpu.memref_slice %arg7[%dma_start3A_620, %dma_start3A_621] : memref<10000x128xf32, #tpu.memory_space<vmem_shared>> -> memref<10000x128xf32, #tpu.memory_space<vmem_shared>>
    tpu.enqueue_indirect_dma source(%dma_start3A_622 : memref<10000x128xf32, #tpu.memory_space<vmem_shared>>) target(%dma_start3A_616 : memref<128x128xf32, #tpu.memory_space<vmem>>) offsets(%dma_start3A_619 : memref<128xi32, #tpu.memory_space<vmem>>) semaphore(%arg8 : memref<!tpu.dma_semaphore, #tpu.memory_space<semaphore_mem>>)
    %dma_wait3A_623 = arith.constant 27 : i32
    %dma_wait3A_624 = arith.constant 128 : i32
    %dma_wait3A_625 = arith.constant 0 : i32
    %dma_wait3A_626 = tpu.memref_slice %arg6[%dma_wait3A_624, %dma_wait3A_625] : memref<256x128xf32, #tpu.memory_space<vmem>> -> memref<128x128xf32, #tpu.memory_space<vmem>>
    %dma_wait3A_627 = arith.constant 0 : i32
    %dma_wait3A_628 = tpu.memref_slice %arg5[%dma_wait3A_623, %dma_wait3A_627] : memref<40x128xi32, #tpu.memory_space<vmem>> -> memref<1x128xi32, #tpu.memory_space<vmem>>
    %dma_wait3A_629 = tpu.memref_squeeze %dma_wait3A_628 : memref<1x128xi32, #tpu.memory_space<vmem>> -> memref<128xi32, #tpu.memory_space<vmem>>
    %dma_wait3A_630 = arith.constant 0 : i32
    %dma_wait3A_631 = arith.constant 0 : i32
    %dma_wait3A_632 = tpu.memref_slice %arg7[%dma_wait3A_630, %dma_wait3A_631] : memref<10000x128xf32, #tpu.memory_space<vmem_shared>> -> memref<10000x128xf32, #tpu.memory_space<vmem_shared>>
    tpu.wait_indirect_dma semaphore(%arg8 : memref<!tpu.dma_semaphore, #tpu.memory_space<semaphore_mem>>) src(%dma_wait3A_632 : memref<10000x128xf32, #tpu.memory_space<vmem_shared>>) dst(%dma_wait3A_626 : memref<128x128xf32, #tpu.memory_space<vmem>>)
    %add3A_633 = arith.constant 3456 : i32
    %add3A_634 = arith.addi %mul3A_2, %add3A_633 : i32
    "tpu.region"() ({
      %run_scoped3A = tpu.sem_alloc : memref<!tpu.dma_semaphore, #tpu.memory_space<semaphore_mem>>
      %dma_start3A_889 = arith.constant 128 : i32
      %dma_start3A_890 = arith.constant 0 : i32
      %dma_start3A_891 = tpu.memref_slice %arg6[%dma_start3A_889, %dma_start3A_890] : memref<256x128xf32, #tpu.memory_space<vmem>> -> memref<128x128xf32, #tpu.memory_space<vmem>>
      %dma_start3A_892 = arith.constant 0 : i32
      %dma_start3A_893 = tpu.memref_slice %arg4[%add3A_634, %dma_start3A_892] : memref<163840x128xf32, #tpu.memory_space<hbm>> -> memref<128x128xf32, #tpu.memory_space<hbm>>
      %dma_start3A_894 = arith.constant 0 : i32
      %dma_start3A_895 = tpu.memref_slice %arg4[%add3A_634, %dma_start3A_894] : memref<163840x128xf32, #tpu.memory_space<hbm>> -> memref<128x128xf32, #tpu.memory_space<hbm>>
      %dma_start3A_896 = arith.constant 128 : i32
      %dma_start3A_897 = arith.constant 0 : i32
      %dma_start3A_898 = tpu.memref_slice %arg6[%dma_start3A_896, %dma_start3A_897] : memref<256x128xf32, #tpu.memory_space<vmem>> -> memref<128x128xf32, #tpu.memory_space<vmem>>
      tpu.enqueue_dma source(%dma_start3A_898 : memref<128x128xf32, #tpu.memory_space<vmem>>) target(%dma_start3A_895 : memref<128x128xf32, #tpu.memory_space<hbm>>) target_semaphore(%run_scoped3A : memref<!tpu.dma_semaphore, #tpu.memory_space<semaphore_mem>>)
      %dma_wait3A_899 = arith.constant 128 : i32
      %dma_wait3A_900 = arith.constant 0 : i32
      %dma_wait3A_901 = tpu.memref_slice %arg6[%dma_wait3A_899, %dma_wait3A_900] : memref<256x128xf32, #tpu.memory_space<vmem>> -> memref<128x128xf32, #tpu.memory_space<vmem>>
      %dma_wait3A_902 = arith.constant 0 : i32
      %dma_wait3A_903 = tpu.memref_slice %arg4[%add3A_634, %dma_wait3A_902] : memref<163840x128xf32, #tpu.memory_space<hbm>> -> memref<128x128xf32, #tpu.memory_space<hbm>>
      %dma_wait3A_904 = arith.constant 0 : i32
      %dma_wait3A_905 = tpu.memref_slice %arg4[%add3A_634, %dma_wait3A_904] : memref<163840x128xf32, #tpu.memory_space<hbm>> -> memref<128x128xf32, #tpu.memory_space<hbm>>
      %dma_wait3A_906 = arith.constant 128 : i32
      %dma_wait3A_907 = arith.constant 0 : i32
      %dma_wait3A_908 = tpu.memref_slice %arg6[%dma_wait3A_906, %dma_wait3A_907] : memref<256x128xf32, #tpu.memory_space<vmem>> -> memref<128x128xf32, #tpu.memory_space<vmem>>
      tpu.wait_dma2 semaphore(%run_scoped3A : memref<!tpu.dma_semaphore, #tpu.memory_space<semaphore_mem>>) src(%dma_wait3A_908 : memref<128x128xf32, #tpu.memory_space<vmem>>) dst(%dma_wait3A_905 : memref<128x128xf32, #tpu.memory_space<hbm>>)
      tpu.yield
    }) : () -> ()
    %dma_start3A_635 = arith.constant 29 : i32
    %dma_start3A_636 = arith.constant 128 : i32
    %dma_start3A_637 = arith.constant 0 : i32
    %dma_start3A_638 = tpu.memref_slice %arg6[%dma_start3A_636, %dma_start3A_637] : memref<256x128xf32, #tpu.memory_space<vmem>> -> memref<128x128xf32, #tpu.memory_space<vmem>>
    %dma_start3A_639 = arith.constant 0 : i32
    %dma_start3A_640 = tpu.memref_slice %arg5[%dma_start3A_635, %dma_start3A_639] : memref<40x128xi32, #tpu.memory_space<vmem>> -> memref<1x128xi32, #tpu.memory_space<vmem>>
    %dma_start3A_641 = tpu.memref_squeeze %dma_start3A_640 : memref<1x128xi32, #tpu.memory_space<vmem>> -> memref<128xi32, #tpu.memory_space<vmem>>
    %dma_start3A_642 = arith.constant 0 : i32
    %dma_start3A_643 = arith.constant 0 : i32
    %dma_start3A_644 = tpu.memref_slice %arg7[%dma_start3A_642, %dma_start3A_643] : memref<10000x128xf32, #tpu.memory_space<vmem_shared>> -> memref<10000x128xf32, #tpu.memory_space<vmem_shared>>
    tpu.enqueue_indirect_dma source(%dma_start3A_644 : memref<10000x128xf32, #tpu.memory_space<vmem_shared>>) target(%dma_start3A_638 : memref<128x128xf32, #tpu.memory_space<vmem>>) offsets(%dma_start3A_641 : memref<128xi32, #tpu.memory_space<vmem>>) semaphore(%arg8 : memref<!tpu.dma_semaphore, #tpu.memory_space<semaphore_mem>>)
    %dma_wait3A_645 = arith.constant 28 : i32
    %dma_wait3A_646 = arith.constant 0 : i32
    %dma_wait3A_647 = arith.constant 0 : i32
    %dma_wait3A_648 = tpu.memref_slice %arg6[%dma_wait3A_646, %dma_wait3A_647] : memref<256x128xf32, #tpu.memory_space<vmem>> -> memref<128x128xf32, #tpu.memory_space<vmem>>
    %dma_wait3A_649 = arith.constant 0 : i32
    %dma_wait3A_650 = tpu.memref_slice %arg5[%dma_wait3A_645, %dma_wait3A_649] : memref<40x128xi32, #tpu.memory_space<vmem>> -> memref<1x128xi32, #tpu.memory_space<vmem>>
    %dma_wait3A_651 = tpu.memref_squeeze %dma_wait3A_650 : memref<1x128xi32, #tpu.memory_space<vmem>> -> memref<128xi32, #tpu.memory_space<vmem>>
    %dma_wait3A_652 = arith.constant 0 : i32
    %dma_wait3A_653 = arith.constant 0 : i32
    %dma_wait3A_654 = tpu.memref_slice %arg7[%dma_wait3A_652, %dma_wait3A_653] : memref<10000x128xf32, #tpu.memory_space<vmem_shared>> -> memref<10000x128xf32, #tpu.memory_space<vmem_shared>>
    tpu.wait_indirect_dma semaphore(%arg8 : memref<!tpu.dma_semaphore, #tpu.memory_space<semaphore_mem>>) src(%dma_wait3A_654 : memref<10000x128xf32, #tpu.memory_space<vmem_shared>>) dst(%dma_wait3A_648 : memref<128x128xf32, #tpu.memory_space<vmem>>)
    %add3A_655 = arith.constant 3584 : i32
    %add3A_656 = arith.addi %mul3A_2, %add3A_655 : i32
    "tpu.region"() ({
      %run_scoped3A = tpu.sem_alloc : memref<!tpu.dma_semaphore, #tpu.memory_space<semaphore_mem>>
      %dma_start3A_889 = arith.constant 0 : i32
      %dma_start3A_890 = arith.constant 0 : i32
      %dma_start3A_891 = tpu.memref_slice %arg6[%dma_start3A_889, %dma_start3A_890] : memref<256x128xf32, #tpu.memory_space<vmem>> -> memref<128x128xf32, #tpu.memory_space<vmem>>
      %dma_start3A_892 = arith.constant 0 : i32
      %dma_start3A_893 = tpu.memref_slice %arg4[%add3A_656, %dma_start3A_892] : memref<163840x128xf32, #tpu.memory_space<hbm>> -> memref<128x128xf32, #tpu.memory_space<hbm>>
      %dma_start3A_894 = arith.constant 0 : i32
      %dma_start3A_895 = tpu.memref_slice %arg4[%add3A_656, %dma_start3A_894] : memref<163840x128xf32, #tpu.memory_space<hbm>> -> memref<128x128xf32, #tpu.memory_space<hbm>>
      %dma_start3A_896 = arith.constant 0 : i32
      %dma_start3A_897 = arith.constant 0 : i32
      %dma_start3A_898 = tpu.memref_slice %arg6[%dma_start3A_896, %dma_start3A_897] : memref<256x128xf32, #tpu.memory_space<vmem>> -> memref<128x128xf32, #tpu.memory_space<vmem>>
      tpu.enqueue_dma source(%dma_start3A_898 : memref<128x128xf32, #tpu.memory_space<vmem>>) target(%dma_start3A_895 : memref<128x128xf32, #tpu.memory_space<hbm>>) target_semaphore(%run_scoped3A : memref<!tpu.dma_semaphore, #tpu.memory_space<semaphore_mem>>)
      %dma_wait3A_899 = arith.constant 0 : i32
      %dma_wait3A_900 = arith.constant 0 : i32
      %dma_wait3A_901 = tpu.memref_slice %arg6[%dma_wait3A_899, %dma_wait3A_900] : memref<256x128xf32, #tpu.memory_space<vmem>> -> memref<128x128xf32, #tpu.memory_space<vmem>>
      %dma_wait3A_902 = arith.constant 0 : i32
      %dma_wait3A_903 = tpu.memref_slice %arg4[%add3A_656, %dma_wait3A_902] : memref<163840x128xf32, #tpu.memory_space<hbm>> -> memref<128x128xf32, #tpu.memory_space<hbm>>
      %dma_wait3A_904 = arith.constant 0 : i32
      %dma_wait3A_905 = tpu.memref_slice %arg4[%add3A_656, %dma_wait3A_904] : memref<163840x128xf32, #tpu.memory_space<hbm>> -> memref<128x128xf32, #tpu.memory_space<hbm>>
      %dma_wait3A_906 = arith.constant 0 : i32
      %dma_wait3A_907 = arith.constant 0 : i32
      %dma_wait3A_908 = tpu.memref_slice %arg6[%dma_wait3A_906, %dma_wait3A_907] : memref<256x128xf32, #tpu.memory_space<vmem>> -> memref<128x128xf32, #tpu.memory_space<vmem>>
      tpu.wait_dma2 semaphore(%run_scoped3A : memref<!tpu.dma_semaphore, #tpu.memory_space<semaphore_mem>>) src(%dma_wait3A_908 : memref<128x128xf32, #tpu.memory_space<vmem>>) dst(%dma_wait3A_905 : memref<128x128xf32, #tpu.memory_space<hbm>>)
      tpu.yield
    }) : () -> ()
    %dma_start3A_657 = arith.constant 30 : i32
    %dma_start3A_658 = arith.constant 0 : i32
    %dma_start3A_659 = arith.constant 0 : i32
    %dma_start3A_660 = tpu.memref_slice %arg6[%dma_start3A_658, %dma_start3A_659] : memref<256x128xf32, #tpu.memory_space<vmem>> -> memref<128x128xf32, #tpu.memory_space<vmem>>
    %dma_start3A_661 = arith.constant 0 : i32
    %dma_start3A_662 = tpu.memref_slice %arg5[%dma_start3A_657, %dma_start3A_661] : memref<40x128xi32, #tpu.memory_space<vmem>> -> memref<1x128xi32, #tpu.memory_space<vmem>>
    %dma_start3A_663 = tpu.memref_squeeze %dma_start3A_662 : memref<1x128xi32, #tpu.memory_space<vmem>> -> memref<128xi32, #tpu.memory_space<vmem>>
    %dma_start3A_664 = arith.constant 0 : i32
    %dma_start3A_665 = arith.constant 0 : i32
    %dma_start3A_666 = tpu.memref_slice %arg7[%dma_start3A_664, %dma_start3A_665] : memref<10000x128xf32, #tpu.memory_space<vmem_shared>> -> memref<10000x128xf32, #tpu.memory_space<vmem_shared>>
    tpu.enqueue_indirect_dma source(%dma_start3A_666 : memref<10000x128xf32, #tpu.memory_space<vmem_shared>>) target(%dma_start3A_660 : memref<128x128xf32, #tpu.memory_space<vmem>>) offsets(%dma_start3A_663 : memref<128xi32, #tpu.memory_space<vmem>>) semaphore(%arg8 : memref<!tpu.dma_semaphore, #tpu.memory_space<semaphore_mem>>)
    %dma_wait3A_667 = arith.constant 29 : i32
    %dma_wait3A_668 = arith.constant 128 : i32
    %dma_wait3A_669 = arith.constant 0 : i32
    %dma_wait3A_670 = tpu.memref_slice %arg6[%dma_wait3A_668, %dma_wait3A_669] : memref<256x128xf32, #tpu.memory_space<vmem>> -> memref<128x128xf32, #tpu.memory_space<vmem>>
    %dma_wait3A_671 = arith.constant 0 : i32
    %dma_wait3A_672 = tpu.memref_slice %arg5[%dma_wait3A_667, %dma_wait3A_671] : memref<40x128xi32, #tpu.memory_space<vmem>> -> memref<1x128xi32, #tpu.memory_space<vmem>>
    %dma_wait3A_673 = tpu.memref_squeeze %dma_wait3A_672 : memref<1x128xi32, #tpu.memory_space<vmem>> -> memref<128xi32, #tpu.memory_space<vmem>>
    %dma_wait3A_674 = arith.constant 0 : i32
    %dma_wait3A_675 = arith.constant 0 : i32
    %dma_wait3A_676 = tpu.memref_slice %arg7[%dma_wait3A_674, %dma_wait3A_675] : memref<10000x128xf32, #tpu.memory_space<vmem_shared>> -> memref<10000x128xf32, #tpu.memory_space<vmem_shared>>
    tpu.wait_indirect_dma semaphore(%arg8 : memref<!tpu.dma_semaphore, #tpu.memory_space<semaphore_mem>>) src(%dma_wait3A_676 : memref<10000x128xf32, #tpu.memory_space<vmem_shared>>) dst(%dma_wait3A_670 : memref<128x128xf32, #tpu.memory_space<vmem>>)
    %add3A_677 = arith.constant 3712 : i32
    %add3A_678 = arith.addi %mul3A_2, %add3A_677 : i32
    "tpu.region"() ({
      %run_scoped3A = tpu.sem_alloc : memref<!tpu.dma_semaphore, #tpu.memory_space<semaphore_mem>>
      %dma_start3A_889 = arith.constant 128 : i32
      %dma_start3A_890 = arith.constant 0 : i32
      %dma_start3A_891 = tpu.memref_slice %arg6[%dma_start3A_889, %dma_start3A_890] : memref<256x128xf32, #tpu.memory_space<vmem>> -> memref<128x128xf32, #tpu.memory_space<vmem>>
      %dma_start3A_892 = arith.constant 0 : i32
      %dma_start3A_893 = tpu.memref_slice %arg4[%add3A_678, %dma_start3A_892] : memref<163840x128xf32, #tpu.memory_space<hbm>> -> memref<128x128xf32, #tpu.memory_space<hbm>>
      %dma_start3A_894 = arith.constant 0 : i32
      %dma_start3A_895 = tpu.memref_slice %arg4[%add3A_678, %dma_start3A_894] : memref<163840x128xf32, #tpu.memory_space<hbm>> -> memref<128x128xf32, #tpu.memory_space<hbm>>
      %dma_start3A_896 = arith.constant 128 : i32
      %dma_start3A_897 = arith.constant 0 : i32
      %dma_start3A_898 = tpu.memref_slice %arg6[%dma_start3A_896, %dma_start3A_897] : memref<256x128xf32, #tpu.memory_space<vmem>> -> memref<128x128xf32, #tpu.memory_space<vmem>>
      tpu.enqueue_dma source(%dma_start3A_898 : memref<128x128xf32, #tpu.memory_space<vmem>>) target(%dma_start3A_895 : memref<128x128xf32, #tpu.memory_space<hbm>>) target_semaphore(%run_scoped3A : memref<!tpu.dma_semaphore, #tpu.memory_space<semaphore_mem>>)
      %dma_wait3A_899 = arith.constant 128 : i32
      %dma_wait3A_900 = arith.constant 0 : i32
      %dma_wait3A_901 = tpu.memref_slice %arg6[%dma_wait3A_899, %dma_wait3A_900] : memref<256x128xf32, #tpu.memory_space<vmem>> -> memref<128x128xf32, #tpu.memory_space<vmem>>
      %dma_wait3A_902 = arith.constant 0 : i32
      %dma_wait3A_903 = tpu.memref_slice %arg4[%add3A_678, %dma_wait3A_902] : memref<163840x128xf32, #tpu.memory_space<hbm>> -> memref<128x128xf32, #tpu.memory_space<hbm>>
      %dma_wait3A_904 = arith.constant 0 : i32
      %dma_wait3A_905 = tpu.memref_slice %arg4[%add3A_678, %dma_wait3A_904] : memref<163840x128xf32, #tpu.memory_space<hbm>> -> memref<128x128xf32, #tpu.memory_space<hbm>>
      %dma_wait3A_906 = arith.constant 128 : i32
      %dma_wait3A_907 = arith.constant 0 : i32
      %dma_wait3A_908 = tpu.memref_slice %arg6[%dma_wait3A_906, %dma_wait3A_907] : memref<256x128xf32, #tpu.memory_space<vmem>> -> memref<128x128xf32, #tpu.memory_space<vmem>>
      tpu.wait_dma2 semaphore(%run_scoped3A : memref<!tpu.dma_semaphore, #tpu.memory_space<semaphore_mem>>) src(%dma_wait3A_908 : memref<128x128xf32, #tpu.memory_space<vmem>>) dst(%dma_wait3A_905 : memref<128x128xf32, #tpu.memory_space<hbm>>)
      tpu.yield
    }) : () -> ()
    %dma_start3A_679 = arith.constant 31 : i32
    %dma_start3A_680 = arith.constant 128 : i32
    %dma_start3A_681 = arith.constant 0 : i32
    %dma_start3A_682 = tpu.memref_slice %arg6[%dma_start3A_680, %dma_start3A_681] : memref<256x128xf32, #tpu.memory_space<vmem>> -> memref<128x128xf32, #tpu.memory_space<vmem>>
    %dma_start3A_683 = arith.constant 0 : i32
    %dma_start3A_684 = tpu.memref_slice %arg5[%dma_start3A_679, %dma_start3A_683] : memref<40x128xi32, #tpu.memory_space<vmem>> -> memref<1x128xi32, #tpu.memory_space<vmem>>
    %dma_start3A_685 = tpu.memref_squeeze %dma_start3A_684 : memref<1x128xi32, #tpu.memory_space<vmem>> -> memref<128xi32, #tpu.memory_space<vmem>>
    %dma_start3A_686 = arith.constant 0 : i32
    %dma_start3A_687 = arith.constant 0 : i32
    %dma_start3A_688 = tpu.memref_slice %arg7[%dma_start3A_686, %dma_start3A_687] : memref<10000x128xf32, #tpu.memory_space<vmem_shared>> -> memref<10000x128xf32, #tpu.memory_space<vmem_shared>>
    tpu.enqueue_indirect_dma source(%dma_start3A_688 : memref<10000x128xf32, #tpu.memory_space<vmem_shared>>) target(%dma_start3A_682 : memref<128x128xf32, #tpu.memory_space<vmem>>) offsets(%dma_start3A_685 : memref<128xi32, #tpu.memory_space<vmem>>) semaphore(%arg8 : memref<!tpu.dma_semaphore, #tpu.memory_space<semaphore_mem>>)
    %dma_wait3A_689 = arith.constant 30 : i32
    %dma_wait3A_690 = arith.constant 0 : i32
    %dma_wait3A_691 = arith.constant 0 : i32
    %dma_wait3A_692 = tpu.memref_slice %arg6[%dma_wait3A_690, %dma_wait3A_691] : memref<256x128xf32, #tpu.memory_space<vmem>> -> memref<128x128xf32, #tpu.memory_space<vmem>>
    %dma_wait3A_693 = arith.constant 0 : i32
    %dma_wait3A_694 = tpu.memref_slice %arg5[%dma_wait3A_689, %dma_wait3A_693] : memref<40x128xi32, #tpu.memory_space<vmem>> -> memref<1x128xi32, #tpu.memory_space<vmem>>
    %dma_wait3A_695 = tpu.memref_squeeze %dma_wait3A_694 : memref<1x128xi32, #tpu.memory_space<vmem>> -> memref<128xi32, #tpu.memory_space<vmem>>
    %dma_wait3A_696 = arith.constant 0 : i32
    %dma_wait3A_697 = arith.constant 0 : i32
    %dma_wait3A_698 = tpu.memref_slice %arg7[%dma_wait3A_696, %dma_wait3A_697] : memref<10000x128xf32, #tpu.memory_space<vmem_shared>> -> memref<10000x128xf32, #tpu.memory_space<vmem_shared>>
    tpu.wait_indirect_dma semaphore(%arg8 : memref<!tpu.dma_semaphore, #tpu.memory_space<semaphore_mem>>) src(%dma_wait3A_698 : memref<10000x128xf32, #tpu.memory_space<vmem_shared>>) dst(%dma_wait3A_692 : memref<128x128xf32, #tpu.memory_space<vmem>>)
    %add3A_699 = arith.constant 3840 : i32
    %add3A_700 = arith.addi %mul3A_2, %add3A_699 : i32
    "tpu.region"() ({
      %run_scoped3A = tpu.sem_alloc : memref<!tpu.dma_semaphore, #tpu.memory_space<semaphore_mem>>
      %dma_start3A_889 = arith.constant 0 : i32
      %dma_start3A_890 = arith.constant 0 : i32
      %dma_start3A_891 = tpu.memref_slice %arg6[%dma_start3A_889, %dma_start3A_890] : memref<256x128xf32, #tpu.memory_space<vmem>> -> memref<128x128xf32, #tpu.memory_space<vmem>>
      %dma_start3A_892 = arith.constant 0 : i32
      %dma_start3A_893 = tpu.memref_slice %arg4[%add3A_700, %dma_start3A_892] : memref<163840x128xf32, #tpu.memory_space<hbm>> -> memref<128x128xf32, #tpu.memory_space<hbm>>
      %dma_start3A_894 = arith.constant 0 : i32
      %dma_start3A_895 = tpu.memref_slice %arg4[%add3A_700, %dma_start3A_894] : memref<163840x128xf32, #tpu.memory_space<hbm>> -> memref<128x128xf32, #tpu.memory_space<hbm>>
      %dma_start3A_896 = arith.constant 0 : i32
      %dma_start3A_897 = arith.constant 0 : i32
      %dma_start3A_898 = tpu.memref_slice %arg6[%dma_start3A_896, %dma_start3A_897] : memref<256x128xf32, #tpu.memory_space<vmem>> -> memref<128x128xf32, #tpu.memory_space<vmem>>
      tpu.enqueue_dma source(%dma_start3A_898 : memref<128x128xf32, #tpu.memory_space<vmem>>) target(%dma_start3A_895 : memref<128x128xf32, #tpu.memory_space<hbm>>) target_semaphore(%run_scoped3A : memref<!tpu.dma_semaphore, #tpu.memory_space<semaphore_mem>>)
      %dma_wait3A_899 = arith.constant 0 : i32
      %dma_wait3A_900 = arith.constant 0 : i32
      %dma_wait3A_901 = tpu.memref_slice %arg6[%dma_wait3A_899, %dma_wait3A_900] : memref<256x128xf32, #tpu.memory_space<vmem>> -> memref<128x128xf32, #tpu.memory_space<vmem>>
      %dma_wait3A_902 = arith.constant 0 : i32
      %dma_wait3A_903 = tpu.memref_slice %arg4[%add3A_700, %dma_wait3A_902] : memref<163840x128xf32, #tpu.memory_space<hbm>> -> memref<128x128xf32, #tpu.memory_space<hbm>>
      %dma_wait3A_904 = arith.constant 0 : i32
      %dma_wait3A_905 = tpu.memref_slice %arg4[%add3A_700, %dma_wait3A_904] : memref<163840x128xf32, #tpu.memory_space<hbm>> -> memref<128x128xf32, #tpu.memory_space<hbm>>
      %dma_wait3A_906 = arith.constant 0 : i32
      %dma_wait3A_907 = arith.constant 0 : i32
      %dma_wait3A_908 = tpu.memref_slice %arg6[%dma_wait3A_906, %dma_wait3A_907] : memref<256x128xf32, #tpu.memory_space<vmem>> -> memref<128x128xf32, #tpu.memory_space<vmem>>
      tpu.wait_dma2 semaphore(%run_scoped3A : memref<!tpu.dma_semaphore, #tpu.memory_space<semaphore_mem>>) src(%dma_wait3A_908 : memref<128x128xf32, #tpu.memory_space<vmem>>) dst(%dma_wait3A_905 : memref<128x128xf32, #tpu.memory_space<hbm>>)
      tpu.yield
    }) : () -> ()
    %dma_start3A_701 = arith.constant 32 : i32
    %dma_start3A_702 = arith.constant 0 : i32
    %dma_start3A_703 = arith.constant 0 : i32
    %dma_start3A_704 = tpu.memref_slice %arg6[%dma_start3A_702, %dma_start3A_703] : memref<256x128xf32, #tpu.memory_space<vmem>> -> memref<128x128xf32, #tpu.memory_space<vmem>>
    %dma_start3A_705 = arith.constant 0 : i32
    %dma_start3A_706 = tpu.memref_slice %arg5[%dma_start3A_701, %dma_start3A_705] : memref<40x128xi32, #tpu.memory_space<vmem>> -> memref<1x128xi32, #tpu.memory_space<vmem>>
    %dma_start3A_707 = tpu.memref_squeeze %dma_start3A_706 : memref<1x128xi32, #tpu.memory_space<vmem>> -> memref<128xi32, #tpu.memory_space<vmem>>
    %dma_start3A_708 = arith.constant 0 : i32
    %dma_start3A_709 = arith.constant 0 : i32
    %dma_start3A_710 = tpu.memref_slice %arg7[%dma_start3A_708, %dma_start3A_709] : memref<10000x128xf32, #tpu.memory_space<vmem_shared>> -> memref<10000x128xf32, #tpu.memory_space<vmem_shared>>
    tpu.enqueue_indirect_dma source(%dma_start3A_710 : memref<10000x128xf32, #tpu.memory_space<vmem_shared>>) target(%dma_start3A_704 : memref<128x128xf32, #tpu.memory_space<vmem>>) offsets(%dma_start3A_707 : memref<128xi32, #tpu.memory_space<vmem>>) semaphore(%arg8 : memref<!tpu.dma_semaphore, #tpu.memory_space<semaphore_mem>>)
    %dma_wait3A_711 = arith.constant 31 : i32
    %dma_wait3A_712 = arith.constant 128 : i32
    %dma_wait3A_713 = arith.constant 0 : i32
    %dma_wait3A_714 = tpu.memref_slice %arg6[%dma_wait3A_712, %dma_wait3A_713] : memref<256x128xf32, #tpu.memory_space<vmem>> -> memref<128x128xf32, #tpu.memory_space<vmem>>
    %dma_wait3A_715 = arith.constant 0 : i32
    %dma_wait3A_716 = tpu.memref_slice %arg5[%dma_wait3A_711, %dma_wait3A_715] : memref<40x128xi32, #tpu.memory_space<vmem>> -> memref<1x128xi32, #tpu.memory_space<vmem>>
    %dma_wait3A_717 = tpu.memref_squeeze %dma_wait3A_716 : memref<1x128xi32, #tpu.memory_space<vmem>> -> memref<128xi32, #tpu.memory_space<vmem>>
    %dma_wait3A_718 = arith.constant 0 : i32
    %dma_wait3A_719 = arith.constant 0 : i32
    %dma_wait3A_720 = tpu.memref_slice %arg7[%dma_wait3A_718, %dma_wait3A_719] : memref<10000x128xf32, #tpu.memory_space<vmem_shared>> -> memref<10000x128xf32, #tpu.memory_space<vmem_shared>>
    tpu.wait_indirect_dma semaphore(%arg8 : memref<!tpu.dma_semaphore, #tpu.memory_space<semaphore_mem>>) src(%dma_wait3A_720 : memref<10000x128xf32, #tpu.memory_space<vmem_shared>>) dst(%dma_wait3A_714 : memref<128x128xf32, #tpu.memory_space<vmem>>)
    %add3A_721 = arith.constant 3968 : i32
    %add3A_722 = arith.addi %mul3A_2, %add3A_721 : i32
    "tpu.region"() ({
      %run_scoped3A = tpu.sem_alloc : memref<!tpu.dma_semaphore, #tpu.memory_space<semaphore_mem>>
      %dma_start3A_889 = arith.constant 128 : i32
      %dma_start3A_890 = arith.constant 0 : i32
      %dma_start3A_891 = tpu.memref_slice %arg6[%dma_start3A_889, %dma_start3A_890] : memref<256x128xf32, #tpu.memory_space<vmem>> -> memref<128x128xf32, #tpu.memory_space<vmem>>
      %dma_start3A_892 = arith.constant 0 : i32
      %dma_start3A_893 = tpu.memref_slice %arg4[%add3A_722, %dma_start3A_892] : memref<163840x128xf32, #tpu.memory_space<hbm>> -> memref<128x128xf32, #tpu.memory_space<hbm>>
      %dma_start3A_894 = arith.constant 0 : i32
      %dma_start3A_895 = tpu.memref_slice %arg4[%add3A_722, %dma_start3A_894] : memref<163840x128xf32, #tpu.memory_space<hbm>> -> memref<128x128xf32, #tpu.memory_space<hbm>>
      %dma_start3A_896 = arith.constant 128 : i32
      %dma_start3A_897 = arith.constant 0 : i32
      %dma_start3A_898 = tpu.memref_slice %arg6[%dma_start3A_896, %dma_start3A_897] : memref<256x128xf32, #tpu.memory_space<vmem>> -> memref<128x128xf32, #tpu.memory_space<vmem>>
      tpu.enqueue_dma source(%dma_start3A_898 : memref<128x128xf32, #tpu.memory_space<vmem>>) target(%dma_start3A_895 : memref<128x128xf32, #tpu.memory_space<hbm>>) target_semaphore(%run_scoped3A : memref<!tpu.dma_semaphore, #tpu.memory_space<semaphore_mem>>)
      %dma_wait3A_899 = arith.constant 128 : i32
      %dma_wait3A_900 = arith.constant 0 : i32
      %dma_wait3A_901 = tpu.memref_slice %arg6[%dma_wait3A_899, %dma_wait3A_900] : memref<256x128xf32, #tpu.memory_space<vmem>> -> memref<128x128xf32, #tpu.memory_space<vmem>>
      %dma_wait3A_902 = arith.constant 0 : i32
      %dma_wait3A_903 = tpu.memref_slice %arg4[%add3A_722, %dma_wait3A_902] : memref<163840x128xf32, #tpu.memory_space<hbm>> -> memref<128x128xf32, #tpu.memory_space<hbm>>
      %dma_wait3A_904 = arith.constant 0 : i32
      %dma_wait3A_905 = tpu.memref_slice %arg4[%add3A_722, %dma_wait3A_904] : memref<163840x128xf32, #tpu.memory_space<hbm>> -> memref<128x128xf32, #tpu.memory_space<hbm>>
      %dma_wait3A_906 = arith.constant 128 : i32
      %dma_wait3A_907 = arith.constant 0 : i32
      %dma_wait3A_908 = tpu.memref_slice %arg6[%dma_wait3A_906, %dma_wait3A_907] : memref<256x128xf32, #tpu.memory_space<vmem>> -> memref<128x128xf32, #tpu.memory_space<vmem>>
      tpu.wait_dma2 semaphore(%run_scoped3A : memref<!tpu.dma_semaphore, #tpu.memory_space<semaphore_mem>>) src(%dma_wait3A_908 : memref<128x128xf32, #tpu.memory_space<vmem>>) dst(%dma_wait3A_905 : memref<128x128xf32, #tpu.memory_space<hbm>>)
      tpu.yield
    }) : () -> ()
    %dma_start3A_723 = arith.constant 33 : i32
    %dma_start3A_724 = arith.constant 128 : i32
    %dma_start3A_725 = arith.constant 0 : i32
    %dma_start3A_726 = tpu.memref_slice %arg6[%dma_start3A_724, %dma_start3A_725] : memref<256x128xf32, #tpu.memory_space<vmem>> -> memref<128x128xf32, #tpu.memory_space<vmem>>
    %dma_start3A_727 = arith.constant 0 : i32
    %dma_start3A_728 = tpu.memref_slice %arg5[%dma_start3A_723, %dma_start3A_727] : memref<40x128xi32, #tpu.memory_space<vmem>> -> memref<1x128xi32, #tpu.memory_space<vmem>>
    %dma_start3A_729 = tpu.memref_squeeze %dma_start3A_728 : memref<1x128xi32, #tpu.memory_space<vmem>> -> memref<128xi32, #tpu.memory_space<vmem>>
    %dma_start3A_730 = arith.constant 0 : i32
    %dma_start3A_731 = arith.constant 0 : i32
    %dma_start3A_732 = tpu.memref_slice %arg7[%dma_start3A_730, %dma_start3A_731] : memref<10000x128xf32, #tpu.memory_space<vmem_shared>> -> memref<10000x128xf32, #tpu.memory_space<vmem_shared>>
    tpu.enqueue_indirect_dma source(%dma_start3A_732 : memref<10000x128xf32, #tpu.memory_space<vmem_shared>>) target(%dma_start3A_726 : memref<128x128xf32, #tpu.memory_space<vmem>>) offsets(%dma_start3A_729 : memref<128xi32, #tpu.memory_space<vmem>>) semaphore(%arg8 : memref<!tpu.dma_semaphore, #tpu.memory_space<semaphore_mem>>)
    %dma_wait3A_733 = arith.constant 32 : i32
    %dma_wait3A_734 = arith.constant 0 : i32
    %dma_wait3A_735 = arith.constant 0 : i32
    %dma_wait3A_736 = tpu.memref_slice %arg6[%dma_wait3A_734, %dma_wait3A_735] : memref<256x128xf32, #tpu.memory_space<vmem>> -> memref<128x128xf32, #tpu.memory_space<vmem>>
    %dma_wait3A_737 = arith.constant 0 : i32
    %dma_wait3A_738 = tpu.memref_slice %arg5[%dma_wait3A_733, %dma_wait3A_737] : memref<40x128xi32, #tpu.memory_space<vmem>> -> memref<1x128xi32, #tpu.memory_space<vmem>>
    %dma_wait3A_739 = tpu.memref_squeeze %dma_wait3A_738 : memref<1x128xi32, #tpu.memory_space<vmem>> -> memref<128xi32, #tpu.memory_space<vmem>>
    %dma_wait3A_740 = arith.constant 0 : i32
    %dma_wait3A_741 = arith.constant 0 : i32
    %dma_wait3A_742 = tpu.memref_slice %arg7[%dma_wait3A_740, %dma_wait3A_741] : memref<10000x128xf32, #tpu.memory_space<vmem_shared>> -> memref<10000x128xf32, #tpu.memory_space<vmem_shared>>
    tpu.wait_indirect_dma semaphore(%arg8 : memref<!tpu.dma_semaphore, #tpu.memory_space<semaphore_mem>>) src(%dma_wait3A_742 : memref<10000x128xf32, #tpu.memory_space<vmem_shared>>) dst(%dma_wait3A_736 : memref<128x128xf32, #tpu.memory_space<vmem>>)
    %add3A_743 = arith.constant 4096 : i32
    %add3A_744 = arith.addi %mul3A_2, %add3A_743 : i32
    "tpu.region"() ({
      %run_scoped3A = tpu.sem_alloc : memref<!tpu.dma_semaphore, #tpu.memory_space<semaphore_mem>>
      %dma_start3A_889 = arith.constant 0 : i32
      %dma_start3A_890 = arith.constant 0 : i32
      %dma_start3A_891 = tpu.memref_slice %arg6[%dma_start3A_889, %dma_start3A_890] : memref<256x128xf32, #tpu.memory_space<vmem>> -> memref<128x128xf32, #tpu.memory_space<vmem>>
      %dma_start3A_892 = arith.constant 0 : i32
      %dma_start3A_893 = tpu.memref_slice %arg4[%add3A_744, %dma_start3A_892] : memref<163840x128xf32, #tpu.memory_space<hbm>> -> memref<128x128xf32, #tpu.memory_space<hbm>>
      %dma_start3A_894 = arith.constant 0 : i32
      %dma_start3A_895 = tpu.memref_slice %arg4[%add3A_744, %dma_start3A_894] : memref<163840x128xf32, #tpu.memory_space<hbm>> -> memref<128x128xf32, #tpu.memory_space<hbm>>
      %dma_start3A_896 = arith.constant 0 : i32
      %dma_start3A_897 = arith.constant 0 : i32
      %dma_start3A_898 = tpu.memref_slice %arg6[%dma_start3A_896, %dma_start3A_897] : memref<256x128xf32, #tpu.memory_space<vmem>> -> memref<128x128xf32, #tpu.memory_space<vmem>>
      tpu.enqueue_dma source(%dma_start3A_898 : memref<128x128xf32, #tpu.memory_space<vmem>>) target(%dma_start3A_895 : memref<128x128xf32, #tpu.memory_space<hbm>>) target_semaphore(%run_scoped3A : memref<!tpu.dma_semaphore, #tpu.memory_space<semaphore_mem>>)
      %dma_wait3A_899 = arith.constant 0 : i32
      %dma_wait3A_900 = arith.constant 0 : i32
      %dma_wait3A_901 = tpu.memref_slice %arg6[%dma_wait3A_899, %dma_wait3A_900] : memref<256x128xf32, #tpu.memory_space<vmem>> -> memref<128x128xf32, #tpu.memory_space<vmem>>
      %dma_wait3A_902 = arith.constant 0 : i32
      %dma_wait3A_903 = tpu.memref_slice %arg4[%add3A_744, %dma_wait3A_902] : memref<163840x128xf32, #tpu.memory_space<hbm>> -> memref<128x128xf32, #tpu.memory_space<hbm>>
      %dma_wait3A_904 = arith.constant 0 : i32
      %dma_wait3A_905 = tpu.memref_slice %arg4[%add3A_744, %dma_wait3A_904] : memref<163840x128xf32, #tpu.memory_space<hbm>> -> memref<128x128xf32, #tpu.memory_space<hbm>>
      %dma_wait3A_906 = arith.constant 0 : i32
      %dma_wait3A_907 = arith.constant 0 : i32
      %dma_wait3A_908 = tpu.memref_slice %arg6[%dma_wait3A_906, %dma_wait3A_907] : memref<256x128xf32, #tpu.memory_space<vmem>> -> memref<128x128xf32, #tpu.memory_space<vmem>>
      tpu.wait_dma2 semaphore(%run_scoped3A : memref<!tpu.dma_semaphore, #tpu.memory_space<semaphore_mem>>) src(%dma_wait3A_908 : memref<128x128xf32, #tpu.memory_space<vmem>>) dst(%dma_wait3A_905 : memref<128x128xf32, #tpu.memory_space<hbm>>)
      tpu.yield
    }) : () -> ()
    %dma_start3A_745 = arith.constant 34 : i32
    %dma_start3A_746 = arith.constant 0 : i32
    %dma_start3A_747 = arith.constant 0 : i32
    %dma_start3A_748 = tpu.memref_slice %arg6[%dma_start3A_746, %dma_start3A_747] : memref<256x128xf32, #tpu.memory_space<vmem>> -> memref<128x128xf32, #tpu.memory_space<vmem>>
    %dma_start3A_749 = arith.constant 0 : i32
    %dma_start3A_750 = tpu.memref_slice %arg5[%dma_start3A_745, %dma_start3A_749] : memref<40x128xi32, #tpu.memory_space<vmem>> -> memref<1x128xi32, #tpu.memory_space<vmem>>
    %dma_start3A_751 = tpu.memref_squeeze %dma_start3A_750 : memref<1x128xi32, #tpu.memory_space<vmem>> -> memref<128xi32, #tpu.memory_space<vmem>>
    %dma_start3A_752 = arith.constant 0 : i32
    %dma_start3A_753 = arith.constant 0 : i32
    %dma_start3A_754 = tpu.memref_slice %arg7[%dma_start3A_752, %dma_start3A_753] : memref<10000x128xf32, #tpu.memory_space<vmem_shared>> -> memref<10000x128xf32, #tpu.memory_space<vmem_shared>>
    tpu.enqueue_indirect_dma source(%dma_start3A_754 : memref<10000x128xf32, #tpu.memory_space<vmem_shared>>) target(%dma_start3A_748 : memref<128x128xf32, #tpu.memory_space<vmem>>) offsets(%dma_start3A_751 : memref<128xi32, #tpu.memory_space<vmem>>) semaphore(%arg8 : memref<!tpu.dma_semaphore, #tpu.memory_space<semaphore_mem>>)
    %dma_wait3A_755 = arith.constant 33 : i32
    %dma_wait3A_756 = arith.constant 128 : i32
    %dma_wait3A_757 = arith.constant 0 : i32
    %dma_wait3A_758 = tpu.memref_slice %arg6[%dma_wait3A_756, %dma_wait3A_757] : memref<256x128xf32, #tpu.memory_space<vmem>> -> memref<128x128xf32, #tpu.memory_space<vmem>>
    %dma_wait3A_759 = arith.constant 0 : i32
    %dma_wait3A_760 = tpu.memref_slice %arg5[%dma_wait3A_755, %dma_wait3A_759] : memref<40x128xi32, #tpu.memory_space<vmem>> -> memref<1x128xi32, #tpu.memory_space<vmem>>
    %dma_wait3A_761 = tpu.memref_squeeze %dma_wait3A_760 : memref<1x128xi32, #tpu.memory_space<vmem>> -> memref<128xi32, #tpu.memory_space<vmem>>
    %dma_wait3A_762 = arith.constant 0 : i32
    %dma_wait3A_763 = arith.constant 0 : i32
    %dma_wait3A_764 = tpu.memref_slice %arg7[%dma_wait3A_762, %dma_wait3A_763] : memref<10000x128xf32, #tpu.memory_space<vmem_shared>> -> memref<10000x128xf32, #tpu.memory_space<vmem_shared>>
    tpu.wait_indirect_dma semaphore(%arg8 : memref<!tpu.dma_semaphore, #tpu.memory_space<semaphore_mem>>) src(%dma_wait3A_764 : memref<10000x128xf32, #tpu.memory_space<vmem_shared>>) dst(%dma_wait3A_758 : memref<128x128xf32, #tpu.memory_space<vmem>>)
    %add3A_765 = arith.constant 4224 : i32
    %add3A_766 = arith.addi %mul3A_2, %add3A_765 : i32
    "tpu.region"() ({
      %run_scoped3A = tpu.sem_alloc : memref<!tpu.dma_semaphore, #tpu.memory_space<semaphore_mem>>
      %dma_start3A_889 = arith.constant 128 : i32
      %dma_start3A_890 = arith.constant 0 : i32
      %dma_start3A_891 = tpu.memref_slice %arg6[%dma_start3A_889, %dma_start3A_890] : memref<256x128xf32, #tpu.memory_space<vmem>> -> memref<128x128xf32, #tpu.memory_space<vmem>>
      %dma_start3A_892 = arith.constant 0 : i32
      %dma_start3A_893 = tpu.memref_slice %arg4[%add3A_766, %dma_start3A_892] : memref<163840x128xf32, #tpu.memory_space<hbm>> -> memref<128x128xf32, #tpu.memory_space<hbm>>
      %dma_start3A_894 = arith.constant 0 : i32
      %dma_start3A_895 = tpu.memref_slice %arg4[%add3A_766, %dma_start3A_894] : memref<163840x128xf32, #tpu.memory_space<hbm>> -> memref<128x128xf32, #tpu.memory_space<hbm>>
      %dma_start3A_896 = arith.constant 128 : i32
      %dma_start3A_897 = arith.constant 0 : i32
      %dma_start3A_898 = tpu.memref_slice %arg6[%dma_start3A_896, %dma_start3A_897] : memref<256x128xf32, #tpu.memory_space<vmem>> -> memref<128x128xf32, #tpu.memory_space<vmem>>
      tpu.enqueue_dma source(%dma_start3A_898 : memref<128x128xf32, #tpu.memory_space<vmem>>) target(%dma_start3A_895 : memref<128x128xf32, #tpu.memory_space<hbm>>) target_semaphore(%run_scoped3A : memref<!tpu.dma_semaphore, #tpu.memory_space<semaphore_mem>>)
      %dma_wait3A_899 = arith.constant 128 : i32
      %dma_wait3A_900 = arith.constant 0 : i32
      %dma_wait3A_901 = tpu.memref_slice %arg6[%dma_wait3A_899, %dma_wait3A_900] : memref<256x128xf32, #tpu.memory_space<vmem>> -> memref<128x128xf32, #tpu.memory_space<vmem>>
      %dma_wait3A_902 = arith.constant 0 : i32
      %dma_wait3A_903 = tpu.memref_slice %arg4[%add3A_766, %dma_wait3A_902] : memref<163840x128xf32, #tpu.memory_space<hbm>> -> memref<128x128xf32, #tpu.memory_space<hbm>>
      %dma_wait3A_904 = arith.constant 0 : i32
      %dma_wait3A_905 = tpu.memref_slice %arg4[%add3A_766, %dma_wait3A_904] : memref<163840x128xf32, #tpu.memory_space<hbm>> -> memref<128x128xf32, #tpu.memory_space<hbm>>
      %dma_wait3A_906 = arith.constant 128 : i32
      %dma_wait3A_907 = arith.constant 0 : i32
      %dma_wait3A_908 = tpu.memref_slice %arg6[%dma_wait3A_906, %dma_wait3A_907] : memref<256x128xf32, #tpu.memory_space<vmem>> -> memref<128x128xf32, #tpu.memory_space<vmem>>
      tpu.wait_dma2 semaphore(%run_scoped3A : memref<!tpu.dma_semaphore, #tpu.memory_space<semaphore_mem>>) src(%dma_wait3A_908 : memref<128x128xf32, #tpu.memory_space<vmem>>) dst(%dma_wait3A_905 : memref<128x128xf32, #tpu.memory_space<hbm>>)
      tpu.yield
    }) : () -> ()
    %dma_start3A_767 = arith.constant 35 : i32
    %dma_start3A_768 = arith.constant 128 : i32
    %dma_start3A_769 = arith.constant 0 : i32
    %dma_start3A_770 = tpu.memref_slice %arg6[%dma_start3A_768, %dma_start3A_769] : memref<256x128xf32, #tpu.memory_space<vmem>> -> memref<128x128xf32, #tpu.memory_space<vmem>>
    %dma_start3A_771 = arith.constant 0 : i32
    %dma_start3A_772 = tpu.memref_slice %arg5[%dma_start3A_767, %dma_start3A_771] : memref<40x128xi32, #tpu.memory_space<vmem>> -> memref<1x128xi32, #tpu.memory_space<vmem>>
    %dma_start3A_773 = tpu.memref_squeeze %dma_start3A_772 : memref<1x128xi32, #tpu.memory_space<vmem>> -> memref<128xi32, #tpu.memory_space<vmem>>
    %dma_start3A_774 = arith.constant 0 : i32
    %dma_start3A_775 = arith.constant 0 : i32
    %dma_start3A_776 = tpu.memref_slice %arg7[%dma_start3A_774, %dma_start3A_775] : memref<10000x128xf32, #tpu.memory_space<vmem_shared>> -> memref<10000x128xf32, #tpu.memory_space<vmem_shared>>
    tpu.enqueue_indirect_dma source(%dma_start3A_776 : memref<10000x128xf32, #tpu.memory_space<vmem_shared>>) target(%dma_start3A_770 : memref<128x128xf32, #tpu.memory_space<vmem>>) offsets(%dma_start3A_773 : memref<128xi32, #tpu.memory_space<vmem>>) semaphore(%arg8 : memref<!tpu.dma_semaphore, #tpu.memory_space<semaphore_mem>>)
    %dma_wait3A_777 = arith.constant 34 : i32
    %dma_wait3A_778 = arith.constant 0 : i32
    %dma_wait3A_779 = arith.constant 0 : i32
    %dma_wait3A_780 = tpu.memref_slice %arg6[%dma_wait3A_778, %dma_wait3A_779] : memref<256x128xf32, #tpu.memory_space<vmem>> -> memref<128x128xf32, #tpu.memory_space<vmem>>
    %dma_wait3A_781 = arith.constant 0 : i32
    %dma_wait3A_782 = tpu.memref_slice %arg5[%dma_wait3A_777, %dma_wait3A_781] : memref<40x128xi32, #tpu.memory_space<vmem>> -> memref<1x128xi32, #tpu.memory_space<vmem>>
    %dma_wait3A_783 = tpu.memref_squeeze %dma_wait3A_782 : memref<1x128xi32, #tpu.memory_space<vmem>> -> memref<128xi32, #tpu.memory_space<vmem>>
    %dma_wait3A_784 = arith.constant 0 : i32
    %dma_wait3A_785 = arith.constant 0 : i32
    %dma_wait3A_786 = tpu.memref_slice %arg7[%dma_wait3A_784, %dma_wait3A_785] : memref<10000x128xf32, #tpu.memory_space<vmem_shared>> -> memref<10000x128xf32, #tpu.memory_space<vmem_shared>>
    tpu.wait_indirect_dma semaphore(%arg8 : memref<!tpu.dma_semaphore, #tpu.memory_space<semaphore_mem>>) src(%dma_wait3A_786 : memref<10000x128xf32, #tpu.memory_space<vmem_shared>>) dst(%dma_wait3A_780 : memref<128x128xf32, #tpu.memory_space<vmem>>)
    %add3A_787 = arith.constant 4352 : i32
    %add3A_788 = arith.addi %mul3A_2, %add3A_787 : i32
    "tpu.region"() ({
      %run_scoped3A = tpu.sem_alloc : memref<!tpu.dma_semaphore, #tpu.memory_space<semaphore_mem>>
      %dma_start3A_889 = arith.constant 0 : i32
      %dma_start3A_890 = arith.constant 0 : i32
      %dma_start3A_891 = tpu.memref_slice %arg6[%dma_start3A_889, %dma_start3A_890] : memref<256x128xf32, #tpu.memory_space<vmem>> -> memref<128x128xf32, #tpu.memory_space<vmem>>
      %dma_start3A_892 = arith.constant 0 : i32
      %dma_start3A_893 = tpu.memref_slice %arg4[%add3A_788, %dma_start3A_892] : memref<163840x128xf32, #tpu.memory_space<hbm>> -> memref<128x128xf32, #tpu.memory_space<hbm>>
      %dma_start3A_894 = arith.constant 0 : i32
      %dma_start3A_895 = tpu.memref_slice %arg4[%add3A_788, %dma_start3A_894] : memref<163840x128xf32, #tpu.memory_space<hbm>> -> memref<128x128xf32, #tpu.memory_space<hbm>>
      %dma_start3A_896 = arith.constant 0 : i32
      %dma_start3A_897 = arith.constant 0 : i32
      %dma_start3A_898 = tpu.memref_slice %arg6[%dma_start3A_896, %dma_start3A_897] : memref<256x128xf32, #tpu.memory_space<vmem>> -> memref<128x128xf32, #tpu.memory_space<vmem>>
      tpu.enqueue_dma source(%dma_start3A_898 : memref<128x128xf32, #tpu.memory_space<vmem>>) target(%dma_start3A_895 : memref<128x128xf32, #tpu.memory_space<hbm>>) target_semaphore(%run_scoped3A : memref<!tpu.dma_semaphore, #tpu.memory_space<semaphore_mem>>)
      %dma_wait3A_899 = arith.constant 0 : i32
      %dma_wait3A_900 = arith.constant 0 : i32
      %dma_wait3A_901 = tpu.memref_slice %arg6[%dma_wait3A_899, %dma_wait3A_900] : memref<256x128xf32, #tpu.memory_space<vmem>> -> memref<128x128xf32, #tpu.memory_space<vmem>>
      %dma_wait3A_902 = arith.constant 0 : i32
      %dma_wait3A_903 = tpu.memref_slice %arg4[%add3A_788, %dma_wait3A_902] : memref<163840x128xf32, #tpu.memory_space<hbm>> -> memref<128x128xf32, #tpu.memory_space<hbm>>
      %dma_wait3A_904 = arith.constant 0 : i32
      %dma_wait3A_905 = tpu.memref_slice %arg4[%add3A_788, %dma_wait3A_904] : memref<163840x128xf32, #tpu.memory_space<hbm>> -> memref<128x128xf32, #tpu.memory_space<hbm>>
      %dma_wait3A_906 = arith.constant 0 : i32
      %dma_wait3A_907 = arith.constant 0 : i32
      %dma_wait3A_908 = tpu.memref_slice %arg6[%dma_wait3A_906, %dma_wait3A_907] : memref<256x128xf32, #tpu.memory_space<vmem>> -> memref<128x128xf32, #tpu.memory_space<vmem>>
      tpu.wait_dma2 semaphore(%run_scoped3A : memref<!tpu.dma_semaphore, #tpu.memory_space<semaphore_mem>>) src(%dma_wait3A_908 : memref<128x128xf32, #tpu.memory_space<vmem>>) dst(%dma_wait3A_905 : memref<128x128xf32, #tpu.memory_space<hbm>>)
      tpu.yield
    }) : () -> ()
    %dma_start3A_789 = arith.constant 36 : i32
    %dma_start3A_790 = arith.constant 0 : i32
    %dma_start3A_791 = arith.constant 0 : i32
    %dma_start3A_792 = tpu.memref_slice %arg6[%dma_start3A_790, %dma_start3A_791] : memref<256x128xf32, #tpu.memory_space<vmem>> -> memref<128x128xf32, #tpu.memory_space<vmem>>
    %dma_start3A_793 = arith.constant 0 : i32
    %dma_start3A_794 = tpu.memref_slice %arg5[%dma_start3A_789, %dma_start3A_793] : memref<40x128xi32, #tpu.memory_space<vmem>> -> memref<1x128xi32, #tpu.memory_space<vmem>>
    %dma_start3A_795 = tpu.memref_squeeze %dma_start3A_794 : memref<1x128xi32, #tpu.memory_space<vmem>> -> memref<128xi32, #tpu.memory_space<vmem>>
    %dma_start3A_796 = arith.constant 0 : i32
    %dma_start3A_797 = arith.constant 0 : i32
    %dma_start3A_798 = tpu.memref_slice %arg7[%dma_start3A_796, %dma_start3A_797] : memref<10000x128xf32, #tpu.memory_space<vmem_shared>> -> memref<10000x128xf32, #tpu.memory_space<vmem_shared>>
    tpu.enqueue_indirect_dma source(%dma_start3A_798 : memref<10000x128xf32, #tpu.memory_space<vmem_shared>>) target(%dma_start3A_792 : memref<128x128xf32, #tpu.memory_space<vmem>>) offsets(%dma_start3A_795 : memref<128xi32, #tpu.memory_space<vmem>>) semaphore(%arg8 : memref<!tpu.dma_semaphore, #tpu.memory_space<semaphore_mem>>)
    %dma_wait3A_799 = arith.constant 35 : i32
    %dma_wait3A_800 = arith.constant 128 : i32
    %dma_wait3A_801 = arith.constant 0 : i32
    %dma_wait3A_802 = tpu.memref_slice %arg6[%dma_wait3A_800, %dma_wait3A_801] : memref<256x128xf32, #tpu.memory_space<vmem>> -> memref<128x128xf32, #tpu.memory_space<vmem>>
    %dma_wait3A_803 = arith.constant 0 : i32
    %dma_wait3A_804 = tpu.memref_slice %arg5[%dma_wait3A_799, %dma_wait3A_803] : memref<40x128xi32, #tpu.memory_space<vmem>> -> memref<1x128xi32, #tpu.memory_space<vmem>>
    %dma_wait3A_805 = tpu.memref_squeeze %dma_wait3A_804 : memref<1x128xi32, #tpu.memory_space<vmem>> -> memref<128xi32, #tpu.memory_space<vmem>>
    %dma_wait3A_806 = arith.constant 0 : i32
    %dma_wait3A_807 = arith.constant 0 : i32
    %dma_wait3A_808 = tpu.memref_slice %arg7[%dma_wait3A_806, %dma_wait3A_807] : memref<10000x128xf32, #tpu.memory_space<vmem_shared>> -> memref<10000x128xf32, #tpu.memory_space<vmem_shared>>
    tpu.wait_indirect_dma semaphore(%arg8 : memref<!tpu.dma_semaphore, #tpu.memory_space<semaphore_mem>>) src(%dma_wait3A_808 : memref<10000x128xf32, #tpu.memory_space<vmem_shared>>) dst(%dma_wait3A_802 : memref<128x128xf32, #tpu.memory_space<vmem>>)
    %add3A_809 = arith.constant 4480 : i32
    %add3A_810 = arith.addi %mul3A_2, %add3A_809 : i32
    "tpu.region"() ({
      %run_scoped3A = tpu.sem_alloc : memref<!tpu.dma_semaphore, #tpu.memory_space<semaphore_mem>>
      %dma_start3A_889 = arith.constant 128 : i32
      %dma_start3A_890 = arith.constant 0 : i32
      %dma_start3A_891 = tpu.memref_slice %arg6[%dma_start3A_889, %dma_start3A_890] : memref<256x128xf32, #tpu.memory_space<vmem>> -> memref<128x128xf32, #tpu.memory_space<vmem>>
      %dma_start3A_892 = arith.constant 0 : i32
      %dma_start3A_893 = tpu.memref_slice %arg4[%add3A_810, %dma_start3A_892] : memref<163840x128xf32, #tpu.memory_space<hbm>> -> memref<128x128xf32, #tpu.memory_space<hbm>>
      %dma_start3A_894 = arith.constant 0 : i32
      %dma_start3A_895 = tpu.memref_slice %arg4[%add3A_810, %dma_start3A_894] : memref<163840x128xf32, #tpu.memory_space<hbm>> -> memref<128x128xf32, #tpu.memory_space<hbm>>
      %dma_start3A_896 = arith.constant 128 : i32
      %dma_start3A_897 = arith.constant 0 : i32
      %dma_start3A_898 = tpu.memref_slice %arg6[%dma_start3A_896, %dma_start3A_897] : memref<256x128xf32, #tpu.memory_space<vmem>> -> memref<128x128xf32, #tpu.memory_space<vmem>>
      tpu.enqueue_dma source(%dma_start3A_898 : memref<128x128xf32, #tpu.memory_space<vmem>>) target(%dma_start3A_895 : memref<128x128xf32, #tpu.memory_space<hbm>>) target_semaphore(%run_scoped3A : memref<!tpu.dma_semaphore, #tpu.memory_space<semaphore_mem>>)
      %dma_wait3A_899 = arith.constant 128 : i32
      %dma_wait3A_900 = arith.constant 0 : i32
      %dma_wait3A_901 = tpu.memref_slice %arg6[%dma_wait3A_899, %dma_wait3A_900] : memref<256x128xf32, #tpu.memory_space<vmem>> -> memref<128x128xf32, #tpu.memory_space<vmem>>
      %dma_wait3A_902 = arith.constant 0 : i32
      %dma_wait3A_903 = tpu.memref_slice %arg4[%add3A_810, %dma_wait3A_902] : memref<163840x128xf32, #tpu.memory_space<hbm>> -> memref<128x128xf32, #tpu.memory_space<hbm>>
      %dma_wait3A_904 = arith.constant 0 : i32
      %dma_wait3A_905 = tpu.memref_slice %arg4[%add3A_810, %dma_wait3A_904] : memref<163840x128xf32, #tpu.memory_space<hbm>> -> memref<128x128xf32, #tpu.memory_space<hbm>>
      %dma_wait3A_906 = arith.constant 128 : i32
      %dma_wait3A_907 = arith.constant 0 : i32
      %dma_wait3A_908 = tpu.memref_slice %arg6[%dma_wait3A_906, %dma_wait3A_907] : memref<256x128xf32, #tpu.memory_space<vmem>> -> memref<128x128xf32, #tpu.memory_space<vmem>>
      tpu.wait_dma2 semaphore(%run_scoped3A : memref<!tpu.dma_semaphore, #tpu.memory_space<semaphore_mem>>) src(%dma_wait3A_908 : memref<128x128xf32, #tpu.memory_space<vmem>>) dst(%dma_wait3A_905 : memref<128x128xf32, #tpu.memory_space<hbm>>)
      tpu.yield
    }) : () -> ()
    %dma_start3A_811 = arith.constant 37 : i32
    %dma_start3A_812 = arith.constant 128 : i32
    %dma_start3A_813 = arith.constant 0 : i32
    %dma_start3A_814 = tpu.memref_slice %arg6[%dma_start3A_812, %dma_start3A_813] : memref<256x128xf32, #tpu.memory_space<vmem>> -> memref<128x128xf32, #tpu.memory_space<vmem>>
    %dma_start3A_815 = arith.constant 0 : i32
    %dma_start3A_816 = tpu.memref_slice %arg5[%dma_start3A_811, %dma_start3A_815] : memref<40x128xi32, #tpu.memory_space<vmem>> -> memref<1x128xi32, #tpu.memory_space<vmem>>
    %dma_start3A_817 = tpu.memref_squeeze %dma_start3A_816 : memref<1x128xi32, #tpu.memory_space<vmem>> -> memref<128xi32, #tpu.memory_space<vmem>>
    %dma_start3A_818 = arith.constant 0 : i32
    %dma_start3A_819 = arith.constant 0 : i32
    %dma_start3A_820 = tpu.memref_slice %arg7[%dma_start3A_818, %dma_start3A_819] : memref<10000x128xf32, #tpu.memory_space<vmem_shared>> -> memref<10000x128xf32, #tpu.memory_space<vmem_shared>>
    tpu.enqueue_indirect_dma source(%dma_start3A_820 : memref<10000x128xf32, #tpu.memory_space<vmem_shared>>) target(%dma_start3A_814 : memref<128x128xf32, #tpu.memory_space<vmem>>) offsets(%dma_start3A_817 : memref<128xi32, #tpu.memory_space<vmem>>) semaphore(%arg8 : memref<!tpu.dma_semaphore, #tpu.memory_space<semaphore_mem>>)
    %dma_wait3A_821 = arith.constant 36 : i32
    %dma_wait3A_822 = arith.constant 0 : i32
    %dma_wait3A_823 = arith.constant 0 : i32
    %dma_wait3A_824 = tpu.memref_slice %arg6[%dma_wait3A_822, %dma_wait3A_823] : memref<256x128xf32, #tpu.memory_space<vmem>> -> memref<128x128xf32, #tpu.memory_space<vmem>>
    %dma_wait3A_825 = arith.constant 0 : i32
    %dma_wait3A_826 = tpu.memref_slice %arg5[%dma_wait3A_821, %dma_wait3A_825] : memref<40x128xi32, #tpu.memory_space<vmem>> -> memref<1x128xi32, #tpu.memory_space<vmem>>
    %dma_wait3A_827 = tpu.memref_squeeze %dma_wait3A_826 : memref<1x128xi32, #tpu.memory_space<vmem>> -> memref<128xi32, #tpu.memory_space<vmem>>
    %dma_wait3A_828 = arith.constant 0 : i32
    %dma_wait3A_829 = arith.constant 0 : i32
    %dma_wait3A_830 = tpu.memref_slice %arg7[%dma_wait3A_828, %dma_wait3A_829] : memref<10000x128xf32, #tpu.memory_space<vmem_shared>> -> memref<10000x128xf32, #tpu.memory_space<vmem_shared>>
    tpu.wait_indirect_dma semaphore(%arg8 : memref<!tpu.dma_semaphore, #tpu.memory_space<semaphore_mem>>) src(%dma_wait3A_830 : memref<10000x128xf32, #tpu.memory_space<vmem_shared>>) dst(%dma_wait3A_824 : memref<128x128xf32, #tpu.memory_space<vmem>>)
    %add3A_831 = arith.constant 4608 : i32
    %add3A_832 = arith.addi %mul3A_2, %add3A_831 : i32
    "tpu.region"() ({
      %run_scoped3A = tpu.sem_alloc : memref<!tpu.dma_semaphore, #tpu.memory_space<semaphore_mem>>
      %dma_start3A_889 = arith.constant 0 : i32
      %dma_start3A_890 = arith.constant 0 : i32
      %dma_start3A_891 = tpu.memref_slice %arg6[%dma_start3A_889, %dma_start3A_890] : memref<256x128xf32, #tpu.memory_space<vmem>> -> memref<128x128xf32, #tpu.memory_space<vmem>>
      %dma_start3A_892 = arith.constant 0 : i32
      %dma_start3A_893 = tpu.memref_slice %arg4[%add3A_832, %dma_start3A_892] : memref<163840x128xf32, #tpu.memory_space<hbm>> -> memref<128x128xf32, #tpu.memory_space<hbm>>
      %dma_start3A_894 = arith.constant 0 : i32
      %dma_start3A_895 = tpu.memref_slice %arg4[%add3A_832, %dma_start3A_894] : memref<163840x128xf32, #tpu.memory_space<hbm>> -> memref<128x128xf32, #tpu.memory_space<hbm>>
      %dma_start3A_896 = arith.constant 0 : i32
      %dma_start3A_897 = arith.constant 0 : i32
      %dma_start3A_898 = tpu.memref_slice %arg6[%dma_start3A_896, %dma_start3A_897] : memref<256x128xf32, #tpu.memory_space<vmem>> -> memref<128x128xf32, #tpu.memory_space<vmem>>
      tpu.enqueue_dma source(%dma_start3A_898 : memref<128x128xf32, #tpu.memory_space<vmem>>) target(%dma_start3A_895 : memref<128x128xf32, #tpu.memory_space<hbm>>) target_semaphore(%run_scoped3A : memref<!tpu.dma_semaphore, #tpu.memory_space<semaphore_mem>>)
      %dma_wait3A_899 = arith.constant 0 : i32
      %dma_wait3A_900 = arith.constant 0 : i32
      %dma_wait3A_901 = tpu.memref_slice %arg6[%dma_wait3A_899, %dma_wait3A_900] : memref<256x128xf32, #tpu.memory_space<vmem>> -> memref<128x128xf32, #tpu.memory_space<vmem>>
      %dma_wait3A_902 = arith.constant 0 : i32
      %dma_wait3A_903 = tpu.memref_slice %arg4[%add3A_832, %dma_wait3A_902] : memref<163840x128xf32, #tpu.memory_space<hbm>> -> memref<128x128xf32, #tpu.memory_space<hbm>>
      %dma_wait3A_904 = arith.constant 0 : i32
      %dma_wait3A_905 = tpu.memref_slice %arg4[%add3A_832, %dma_wait3A_904] : memref<163840x128xf32, #tpu.memory_space<hbm>> -> memref<128x128xf32, #tpu.memory_space<hbm>>
      %dma_wait3A_906 = arith.constant 0 : i32
      %dma_wait3A_907 = arith.constant 0 : i32
      %dma_wait3A_908 = tpu.memref_slice %arg6[%dma_wait3A_906, %dma_wait3A_907] : memref<256x128xf32, #tpu.memory_space<vmem>> -> memref<128x128xf32, #tpu.memory_space<vmem>>
      tpu.wait_dma2 semaphore(%run_scoped3A : memref<!tpu.dma_semaphore, #tpu.memory_space<semaphore_mem>>) src(%dma_wait3A_908 : memref<128x128xf32, #tpu.memory_space<vmem>>) dst(%dma_wait3A_905 : memref<128x128xf32, #tpu.memory_space<hbm>>)
      tpu.yield
    }) : () -> ()
    %dma_start3A_833 = arith.constant 38 : i32
    %dma_start3A_834 = arith.constant 0 : i32
    %dma_start3A_835 = arith.constant 0 : i32
    %dma_start3A_836 = tpu.memref_slice %arg6[%dma_start3A_834, %dma_start3A_835] : memref<256x128xf32, #tpu.memory_space<vmem>> -> memref<128x128xf32, #tpu.memory_space<vmem>>
    %dma_start3A_837 = arith.constant 0 : i32
    %dma_start3A_838 = tpu.memref_slice %arg5[%dma_start3A_833, %dma_start3A_837] : memref<40x128xi32, #tpu.memory_space<vmem>> -> memref<1x128xi32, #tpu.memory_space<vmem>>
    %dma_start3A_839 = tpu.memref_squeeze %dma_start3A_838 : memref<1x128xi32, #tpu.memory_space<vmem>> -> memref<128xi32, #tpu.memory_space<vmem>>
    %dma_start3A_840 = arith.constant 0 : i32
    %dma_start3A_841 = arith.constant 0 : i32
    %dma_start3A_842 = tpu.memref_slice %arg7[%dma_start3A_840, %dma_start3A_841] : memref<10000x128xf32, #tpu.memory_space<vmem_shared>> -> memref<10000x128xf32, #tpu.memory_space<vmem_shared>>
    tpu.enqueue_indirect_dma source(%dma_start3A_842 : memref<10000x128xf32, #tpu.memory_space<vmem_shared>>) target(%dma_start3A_836 : memref<128x128xf32, #tpu.memory_space<vmem>>) offsets(%dma_start3A_839 : memref<128xi32, #tpu.memory_space<vmem>>) semaphore(%arg8 : memref<!tpu.dma_semaphore, #tpu.memory_space<semaphore_mem>>)
    %dma_wait3A_843 = arith.constant 37 : i32
    %dma_wait3A_844 = arith.constant 128 : i32
    %dma_wait3A_845 = arith.constant 0 : i32
    %dma_wait3A_846 = tpu.memref_slice %arg6[%dma_wait3A_844, %dma_wait3A_845] : memref<256x128xf32, #tpu.memory_space<vmem>> -> memref<128x128xf32, #tpu.memory_space<vmem>>
    %dma_wait3A_847 = arith.constant 0 : i32
    %dma_wait3A_848 = tpu.memref_slice %arg5[%dma_wait3A_843, %dma_wait3A_847] : memref<40x128xi32, #tpu.memory_space<vmem>> -> memref<1x128xi32, #tpu.memory_space<vmem>>
    %dma_wait3A_849 = tpu.memref_squeeze %dma_wait3A_848 : memref<1x128xi32, #tpu.memory_space<vmem>> -> memref<128xi32, #tpu.memory_space<vmem>>
    %dma_wait3A_850 = arith.constant 0 : i32
    %dma_wait3A_851 = arith.constant 0 : i32
    %dma_wait3A_852 = tpu.memref_slice %arg7[%dma_wait3A_850, %dma_wait3A_851] : memref<10000x128xf32, #tpu.memory_space<vmem_shared>> -> memref<10000x128xf32, #tpu.memory_space<vmem_shared>>
    tpu.wait_indirect_dma semaphore(%arg8 : memref<!tpu.dma_semaphore, #tpu.memory_space<semaphore_mem>>) src(%dma_wait3A_852 : memref<10000x128xf32, #tpu.memory_space<vmem_shared>>) dst(%dma_wait3A_846 : memref<128x128xf32, #tpu.memory_space<vmem>>)
    %add3A_853 = arith.constant 4736 : i32
    %add3A_854 = arith.addi %mul3A_2, %add3A_853 : i32
    "tpu.region"() ({
      %run_scoped3A = tpu.sem_alloc : memref<!tpu.dma_semaphore, #tpu.memory_space<semaphore_mem>>
      %dma_start3A_889 = arith.constant 128 : i32
      %dma_start3A_890 = arith.constant 0 : i32
      %dma_start3A_891 = tpu.memref_slice %arg6[%dma_start3A_889, %dma_start3A_890] : memref<256x128xf32, #tpu.memory_space<vmem>> -> memref<128x128xf32, #tpu.memory_space<vmem>>
      %dma_start3A_892 = arith.constant 0 : i32
      %dma_start3A_893 = tpu.memref_slice %arg4[%add3A_854, %dma_start3A_892] : memref<163840x128xf32, #tpu.memory_space<hbm>> -> memref<128x128xf32, #tpu.memory_space<hbm>>
      %dma_start3A_894 = arith.constant 0 : i32
      %dma_start3A_895 = tpu.memref_slice %arg4[%add3A_854, %dma_start3A_894] : memref<163840x128xf32, #tpu.memory_space<hbm>> -> memref<128x128xf32, #tpu.memory_space<hbm>>
      %dma_start3A_896 = arith.constant 128 : i32
      %dma_start3A_897 = arith.constant 0 : i32
      %dma_start3A_898 = tpu.memref_slice %arg6[%dma_start3A_896, %dma_start3A_897] : memref<256x128xf32, #tpu.memory_space<vmem>> -> memref<128x128xf32, #tpu.memory_space<vmem>>
      tpu.enqueue_dma source(%dma_start3A_898 : memref<128x128xf32, #tpu.memory_space<vmem>>) target(%dma_start3A_895 : memref<128x128xf32, #tpu.memory_space<hbm>>) target_semaphore(%run_scoped3A : memref<!tpu.dma_semaphore, #tpu.memory_space<semaphore_mem>>)
      %dma_wait3A_899 = arith.constant 128 : i32
      %dma_wait3A_900 = arith.constant 0 : i32
      %dma_wait3A_901 = tpu.memref_slice %arg6[%dma_wait3A_899, %dma_wait3A_900] : memref<256x128xf32, #tpu.memory_space<vmem>> -> memref<128x128xf32, #tpu.memory_space<vmem>>
      %dma_wait3A_902 = arith.constant 0 : i32
      %dma_wait3A_903 = tpu.memref_slice %arg4[%add3A_854, %dma_wait3A_902] : memref<163840x128xf32, #tpu.memory_space<hbm>> -> memref<128x128xf32, #tpu.memory_space<hbm>>
      %dma_wait3A_904 = arith.constant 0 : i32
      %dma_wait3A_905 = tpu.memref_slice %arg4[%add3A_854, %dma_wait3A_904] : memref<163840x128xf32, #tpu.memory_space<hbm>> -> memref<128x128xf32, #tpu.memory_space<hbm>>
      %dma_wait3A_906 = arith.constant 128 : i32
      %dma_wait3A_907 = arith.constant 0 : i32
      %dma_wait3A_908 = tpu.memref_slice %arg6[%dma_wait3A_906, %dma_wait3A_907] : memref<256x128xf32, #tpu.memory_space<vmem>> -> memref<128x128xf32, #tpu.memory_space<vmem>>
      tpu.wait_dma2 semaphore(%run_scoped3A : memref<!tpu.dma_semaphore, #tpu.memory_space<semaphore_mem>>) src(%dma_wait3A_908 : memref<128x128xf32, #tpu.memory_space<vmem>>) dst(%dma_wait3A_905 : memref<128x128xf32, #tpu.memory_space<hbm>>)
      tpu.yield
    }) : () -> ()
    %dma_start3A_855 = arith.constant 39 : i32
    %dma_start3A_856 = arith.constant 128 : i32
    %dma_start3A_857 = arith.constant 0 : i32
    %dma_start3A_858 = tpu.memref_slice %arg6[%dma_start3A_856, %dma_start3A_857] : memref<256x128xf32, #tpu.memory_space<vmem>> -> memref<128x128xf32, #tpu.memory_space<vmem>>
    %dma_start3A_859 = arith.constant 0 : i32
    %dma_start3A_860 = tpu.memref_slice %arg5[%dma_start3A_855, %dma_start3A_859] : memref<40x128xi32, #tpu.memory_space<vmem>> -> memref<1x128xi32, #tpu.memory_space<vmem>>
    %dma_start3A_861 = tpu.memref_squeeze %dma_start3A_860 : memref<1x128xi32, #tpu.memory_space<vmem>> -> memref<128xi32, #tpu.memory_space<vmem>>
    %dma_start3A_862 = arith.constant 0 : i32
    %dma_start3A_863 = arith.constant 0 : i32
    %dma_start3A_864 = tpu.memref_slice %arg7[%dma_start3A_862, %dma_start3A_863] : memref<10000x128xf32, #tpu.memory_space<vmem_shared>> -> memref<10000x128xf32, #tpu.memory_space<vmem_shared>>
    tpu.enqueue_indirect_dma source(%dma_start3A_864 : memref<10000x128xf32, #tpu.memory_space<vmem_shared>>) target(%dma_start3A_858 : memref<128x128xf32, #tpu.memory_space<vmem>>) offsets(%dma_start3A_861 : memref<128xi32, #tpu.memory_space<vmem>>) semaphore(%arg8 : memref<!tpu.dma_semaphore, #tpu.memory_space<semaphore_mem>>)
    %dma_wait3A_865 = arith.constant 38 : i32
    %dma_wait3A_866 = arith.constant 0 : i32
    %dma_wait3A_867 = arith.constant 0 : i32
    %dma_wait3A_868 = tpu.memref_slice %arg6[%dma_wait3A_866, %dma_wait3A_867] : memref<256x128xf32, #tpu.memory_space<vmem>> -> memref<128x128xf32, #tpu.memory_space<vmem>>
    %dma_wait3A_869 = arith.constant 0 : i32
    %dma_wait3A_870 = tpu.memref_slice %arg5[%dma_wait3A_865, %dma_wait3A_869] : memref<40x128xi32, #tpu.memory_space<vmem>> -> memref<1x128xi32, #tpu.memory_space<vmem>>
    %dma_wait3A_871 = tpu.memref_squeeze %dma_wait3A_870 : memref<1x128xi32, #tpu.memory_space<vmem>> -> memref<128xi32, #tpu.memory_space<vmem>>
    %dma_wait3A_872 = arith.constant 0 : i32
    %dma_wait3A_873 = arith.constant 0 : i32
    %dma_wait3A_874 = tpu.memref_slice %arg7[%dma_wait3A_872, %dma_wait3A_873] : memref<10000x128xf32, #tpu.memory_space<vmem_shared>> -> memref<10000x128xf32, #tpu.memory_space<vmem_shared>>
    tpu.wait_indirect_dma semaphore(%arg8 : memref<!tpu.dma_semaphore, #tpu.memory_space<semaphore_mem>>) src(%dma_wait3A_874 : memref<10000x128xf32, #tpu.memory_space<vmem_shared>>) dst(%dma_wait3A_868 : memref<128x128xf32, #tpu.memory_space<vmem>>)
    %add3A_875 = arith.constant 4864 : i32
    %add3A_876 = arith.addi %mul3A_2, %add3A_875 : i32
    "tpu.region"() ({
      %run_scoped3A = tpu.sem_alloc : memref<!tpu.dma_semaphore, #tpu.memory_space<semaphore_mem>>
      %dma_start3A_889 = arith.constant 0 : i32
      %dma_start3A_890 = arith.constant 0 : i32
      %dma_start3A_891 = tpu.memref_slice %arg6[%dma_start3A_889, %dma_start3A_890] : memref<256x128xf32, #tpu.memory_space<vmem>> -> memref<128x128xf32, #tpu.memory_space<vmem>>
      %dma_start3A_892 = arith.constant 0 : i32
      %dma_start3A_893 = tpu.memref_slice %arg4[%add3A_876, %dma_start3A_892] : memref<163840x128xf32, #tpu.memory_space<hbm>> -> memref<128x128xf32, #tpu.memory_space<hbm>>
      %dma_start3A_894 = arith.constant 0 : i32
      %dma_start3A_895 = tpu.memref_slice %arg4[%add3A_876, %dma_start3A_894] : memref<163840x128xf32, #tpu.memory_space<hbm>> -> memref<128x128xf32, #tpu.memory_space<hbm>>
      %dma_start3A_896 = arith.constant 0 : i32
      %dma_start3A_897 = arith.constant 0 : i32
      %dma_start3A_898 = tpu.memref_slice %arg6[%dma_start3A_896, %dma_start3A_897] : memref<256x128xf32, #tpu.memory_space<vmem>> -> memref<128x128xf32, #tpu.memory_space<vmem>>
      tpu.enqueue_dma source(%dma_start3A_898 : memref<128x128xf32, #tpu.memory_space<vmem>>) target(%dma_start3A_895 : memref<128x128xf32, #tpu.memory_space<hbm>>) target_semaphore(%run_scoped3A : memref<!tpu.dma_semaphore, #tpu.memory_space<semaphore_mem>>)
      %dma_wait3A_899 = arith.constant 0 : i32
      %dma_wait3A_900 = arith.constant 0 : i32
      %dma_wait3A_901 = tpu.memref_slice %arg6[%dma_wait3A_899, %dma_wait3A_900] : memref<256x128xf32, #tpu.memory_space<vmem>> -> memref<128x128xf32, #tpu.memory_space<vmem>>
      %dma_wait3A_902 = arith.constant 0 : i32
      %dma_wait3A_903 = tpu.memref_slice %arg4[%add3A_876, %dma_wait3A_902] : memref<163840x128xf32, #tpu.memory_space<hbm>> -> memref<128x128xf32, #tpu.memory_space<hbm>>
      %dma_wait3A_904 = arith.constant 0 : i32
      %dma_wait3A_905 = tpu.memref_slice %arg4[%add3A_876, %dma_wait3A_904] : memref<163840x128xf32, #tpu.memory_space<hbm>> -> memref<128x128xf32, #tpu.memory_space<hbm>>
      %dma_wait3A_906 = arith.constant 0 : i32
      %dma_wait3A_907 = arith.constant 0 : i32
      %dma_wait3A_908 = tpu.memref_slice %arg6[%dma_wait3A_906, %dma_wait3A_907] : memref<256x128xf32, #tpu.memory_space<vmem>> -> memref<128x128xf32, #tpu.memory_space<vmem>>
      tpu.wait_dma2 semaphore(%run_scoped3A : memref<!tpu.dma_semaphore, #tpu.memory_space<semaphore_mem>>) src(%dma_wait3A_908 : memref<128x128xf32, #tpu.memory_space<vmem>>) dst(%dma_wait3A_905 : memref<128x128xf32, #tpu.memory_space<hbm>>)
      tpu.yield
    }) : () -> ()
    %dma_wait3A_877 = arith.constant 39 : i32
    %dma_wait3A_878 = arith.constant 128 : i32
    %dma_wait3A_879 = arith.constant 0 : i32
    %dma_wait3A_880 = tpu.memref_slice %arg6[%dma_wait3A_878, %dma_wait3A_879] : memref<256x128xf32, #tpu.memory_space<vmem>> -> memref<128x128xf32, #tpu.memory_space<vmem>>
    %dma_wait3A_881 = arith.constant 0 : i32
    %dma_wait3A_882 = tpu.memref_slice %arg5[%dma_wait3A_877, %dma_wait3A_881] : memref<40x128xi32, #tpu.memory_space<vmem>> -> memref<1x128xi32, #tpu.memory_space<vmem>>
    %dma_wait3A_883 = tpu.memref_squeeze %dma_wait3A_882 : memref<1x128xi32, #tpu.memory_space<vmem>> -> memref<128xi32, #tpu.memory_space<vmem>>
    %dma_wait3A_884 = arith.constant 0 : i32
    %dma_wait3A_885 = arith.constant 0 : i32
    %dma_wait3A_886 = tpu.memref_slice %arg7[%dma_wait3A_884, %dma_wait3A_885] : memref<10000x128xf32, #tpu.memory_space<vmem_shared>> -> memref<10000x128xf32, #tpu.memory_space<vmem_shared>>
    tpu.wait_indirect_dma semaphore(%arg8 : memref<!tpu.dma_semaphore, #tpu.memory_space<semaphore_mem>>) src(%dma_wait3A_886 : memref<10000x128xf32, #tpu.memory_space<vmem_shared>>) dst(%dma_wait3A_880 : memref<128x128xf32, #tpu.memory_space<vmem>>)
    %add3A_887 = arith.constant 4992 : i32
    %add3A_888 = arith.addi %mul3A_2, %add3A_887 : i32
    "tpu.region"() ({
      %run_scoped3A = tpu.sem_alloc : memref<!tpu.dma_semaphore, #tpu.memory_space<semaphore_mem>>
      %dma_start3A_889 = arith.constant 128 : i32
      %dma_start3A_890 = arith.constant 0 : i32
      %dma_start3A_891 = tpu.memref_slice %arg6[%dma_start3A_889, %dma_start3A_890] : memref<256x128xf32, #tpu.memory_space<vmem>> -> memref<128x128xf32, #tpu.memory_space<vmem>>
      %dma_start3A_892 = arith.constant 0 : i32
      %dma_start3A_893 = tpu.memref_slice %arg4[%add3A_888, %dma_start3A_892] : memref<163840x128xf32, #tpu.memory_space<hbm>> -> memref<128x128xf32, #tpu.memory_space<hbm>>
      %dma_start3A_894 = arith.constant 0 : i32
      %dma_start3A_895 = tpu.memref_slice %arg4[%add3A_888, %dma_start3A_894] : memref<163840x128xf32, #tpu.memory_space<hbm>> -> memref<128x128xf32, #tpu.memory_space<hbm>>
      %dma_start3A_896 = arith.constant 128 : i32
      %dma_start3A_897 = arith.constant 0 : i32
      %dma_start3A_898 = tpu.memref_slice %arg6[%dma_start3A_896, %dma_start3A_897] : memref<256x128xf32, #tpu.memory_space<vmem>> -> memref<128x128xf32, #tpu.memory_space<vmem>>
      tpu.enqueue_dma source(%dma_start3A_898 : memref<128x128xf32, #tpu.memory_space<vmem>>) target(%dma_start3A_895 : memref<128x128xf32, #tpu.memory_space<hbm>>) target_semaphore(%run_scoped3A : memref<!tpu.dma_semaphore, #tpu.memory_space<semaphore_mem>>)
      %dma_wait3A_899 = arith.constant 128 : i32
      %dma_wait3A_900 = arith.constant 0 : i32
      %dma_wait3A_901 = tpu.memref_slice %arg6[%dma_wait3A_899, %dma_wait3A_900] : memref<256x128xf32, #tpu.memory_space<vmem>> -> memref<128x128xf32, #tpu.memory_space<vmem>>
      %dma_wait3A_902 = arith.constant 0 : i32
      %dma_wait3A_903 = tpu.memref_slice %arg4[%add3A_888, %dma_wait3A_902] : memref<163840x128xf32, #tpu.memory_space<hbm>> -> memref<128x128xf32, #tpu.memory_space<hbm>>
      %dma_wait3A_904 = arith.constant 0 : i32
      %dma_wait3A_905 = tpu.memref_slice %arg4[%add3A_888, %dma_wait3A_904] : memref<163840x128xf32, #tpu.memory_space<hbm>> -> memref<128x128xf32, #tpu.memory_space<hbm>>
      %dma_wait3A_906 = arith.constant 128 : i32
      %dma_wait3A_907 = arith.constant 0 : i32
      %dma_wait3A_908 = tpu.memref_slice %arg6[%dma_wait3A_906, %dma_wait3A_907] : memref<256x128xf32, #tpu.memory_space<vmem>> -> memref<128x128xf32, #tpu.memory_space<vmem>>
      tpu.wait_dma2 semaphore(%run_scoped3A : memref<!tpu.dma_semaphore, #tpu.memory_space<semaphore_mem>>) src(%dma_wait3A_908 : memref<128x128xf32, #tpu.memory_space<vmem>>) dst(%dma_wait3A_905 : memref<128x128xf32, #tpu.memory_space<hbm>>)
      tpu.yield
    }) : () -> ()
    return
  }
}

module attributes {stable_mosaic.version = 14 : i64} {
  func.func @_pass_a_body(%arg0: memref<10000x256xf32, #tpu.memory_space<vmem>>, %arg1: memref<64x256xf32, #tpu.memory_space<vmem>>, %arg2: memref<1x64xf32, #tpu.memory_space<vmem>>, %arg3: memref<1x64xf32, #tpu.memory_space<vmem>>, %arg4: memref<10000x3xf32, #tpu.memory_space<vmem>>, %arg5: memref<64x64xf32, #tpu.memory_space<vmem>>, %arg6: memref<10000x128xf32, #tpu.memory_space<vmem>>) attributes {dimension_semantics = [], scalar_prefetch = 0 : i64, scratch_operands = 0 : i64, tpu.core_type = #tpu.core_type<tc>} {
    %get3A = arith.constant 0 : index
    %get3A_0 = arith.constant 0 : index
    %get3A_1 = vector.load %arg0[%get3A, %get3A_0] : memref<10000x256xf32, #tpu.memory_space<vmem>>, vector<10000x256xf32>
    %get3A_2 = arith.constant 0 : index
    %get3A_3 = arith.constant 0 : index
    %get3A_4 = vector.load %arg1[%get3A_2, %get3A_3] : memref<64x256xf32, #tpu.memory_space<vmem>>, vector<64x256xf32>
    %dot_general3A = arith.constant dense<0.000000e+00> : vector<10000x64xf32>
    %dot_general3A_5 = tpu.matmul %get3A_1, %get3A_4, %dot_general3A {dimension_numbers = #tpu.dot_dimension_numbers<[1], [1], [0], [0], [0, 0, 1, 0], [], []>, precision = #tpu.contract_precision<fp32>, transpose_lhs_hint = false} : vector<10000x256xf32>, vector<64x256xf32>, vector<10000x64xf32> -> vector<10000x64xf32>
    %reduce_sum3A = arith.constant dense<0.000000e+00> : vector<64xf32>
    %reduce_sum3A_6 = vector.multi_reduction <add>, %dot_general3A_5, %reduce_sum3A [0] : vector<10000x64xf32> to vector<64xf32>
    %broadcast_in_dim3A = vector.shape_cast %reduce_sum3A_6 : vector<64xf32> to vector<1x64xf32>
    %mul3A = arith.mulf %dot_general3A_5, %dot_general3A_5 : vector<10000x64xf32>
    %reduce_sum3A_7 = arith.constant dense<0.000000e+00> : vector<64xf32>
    %reduce_sum3A_8 = vector.multi_reduction <add>, %mul3A, %reduce_sum3A_7 [0] : vector<10000x64xf32> to vector<64xf32>
    %broadcast_in_dim3A_9 = vector.shape_cast %reduce_sum3A_8 : vector<64xf32> to vector<1x64xf32>
    %get3A_10 = arith.constant 0 : index
    %get3A_11 = arith.constant 0 : index
    %get3A_12 = vector.load %arg5[%get3A_10, %get3A_11] : memref<64x64xf32, #tpu.memory_space<vmem>>, vector<64x64xf32>
    %dot_general3A_13 = arith.constant dense<0.000000e+00> : vector<1x64xf32>
    %dot_general3A_14 = tpu.matmul %broadcast_in_dim3A, %get3A_12, %dot_general3A_13 {dimension_numbers = #tpu.dot_dimension_numbers<[1], [0], [0], [1], [0, 0, 1, 1], [], []>, transpose_lhs_hint = false} : vector<1x64xf32>, vector<64x64xf32>, vector<1x64xf32> -> vector<1x64xf32>
    %mul3A_15 = arith.constant 1.250000e-05 : f32
    %mul3A_16 = vector.broadcast %mul3A_15 : f32 to vector<1x64xf32>
    %mul3A_17 = arith.mulf %dot_general3A_14, %mul3A_16 : vector<1x64xf32>
    %get3A_18 = arith.constant 0 : index
    %get3A_19 = arith.constant 0 : index
    %get3A_20 = vector.load %arg5[%get3A_18, %get3A_19] : memref<64x64xf32, #tpu.memory_space<vmem>>, vector<64x64xf32>
    %dot_general3A_21 = arith.constant dense<0.000000e+00> : vector<1x64xf32>
    %dot_general3A_22 = tpu.matmul %broadcast_in_dim3A_9, %get3A_20, %dot_general3A_21 {dimension_numbers = #tpu.dot_dimension_numbers<[1], [0], [0], [1], [0, 0, 1, 1], [], []>, transpose_lhs_hint = false} : vector<1x64xf32>, vector<64x64xf32>, vector<1x64xf32> -> vector<1x64xf32>
    %mul3A_23 = arith.constant 1.250000e-05 : f32
    %mul3A_24 = vector.broadcast %mul3A_23 : f32 to vector<1x64xf32>
    %mul3A_25 = arith.mulf %dot_general3A_22, %mul3A_24 : vector<1x64xf32>
    %mul3A_26 = arith.mulf %mul3A_17, %mul3A_17 : vector<1x64xf32>
    %sub3A = arith.subf %mul3A_25, %mul3A_26 : vector<1x64xf32>
    %add3A = arith.constant 9.99999974E-6 : f32
    %add3A_27 = vector.broadcast %add3A : f32 to vector<1x64xf32>
    %add3A_28 = arith.addf %sub3A, %add3A_27 : vector<1x64xf32>
    %rsqrt3A = math.rsqrt %add3A_28 : vector<1x64xf32>
    %sub3A_29 = vector.broadcast %mul3A_17 : vector<1x64xf32> to vector<10000x64xf32>
    %sub3A_30 = arith.subf %dot_general3A_5, %sub3A_29 : vector<10000x64xf32>
    %mul3A_31 = vector.broadcast %rsqrt3A : vector<1x64xf32> to vector<10000x64xf32>
    %mul3A_32 = arith.mulf %sub3A_30, %mul3A_31 : vector<10000x64xf32>
    %get3A_33 = arith.constant 0 : index
    %get3A_34 = arith.constant 0 : index
    %get3A_35 = vector.load %arg2[%get3A_33, %get3A_34] : memref<1x64xf32, #tpu.memory_space<vmem>>, vector<1x64xf32>
    %mul3A_36 = vector.broadcast %get3A_35 : vector<1x64xf32> to vector<10000x64xf32>
    %mul3A_37 = arith.mulf %mul3A_32, %mul3A_36 : vector<10000x64xf32>
    %get3A_38 = arith.constant 0 : index
    %get3A_39 = arith.constant 0 : index
    %get3A_40 = vector.load %arg3[%get3A_38, %get3A_39] : memref<1x64xf32, #tpu.memory_space<vmem>>, vector<1x64xf32>
    %add3A_41 = vector.broadcast %get3A_40 : vector<1x64xf32> to vector<10000x64xf32>
    %add3A_42 = arith.addf %mul3A_37, %add3A_41 : vector<10000x64xf32>
    %ge3A = arith.constant 0.000000e+00 : f32
    %ge3A_43 = vector.broadcast %ge3A : f32 to vector<10000x64xf32>
    %ge3A_44 = arith.cmpf oge, %add3A_42, %ge3A_43 : vector<10000x64xf32>
    %mul3A_45 = arith.constant 1.000000e-01 : f32
    %mul3A_46 = vector.broadcast %mul3A_45 : f32 to vector<10000x64xf32>
    %mul3A_47 = arith.mulf %mul3A_46, %add3A_42 : vector<10000x64xf32>
    %select_n3A = arith.select %ge3A_44, %add3A_42, %mul3A_47 : vector<10000x64xi1>, vector<10000x64xf32>
    %reduce_sum3A_48 = arith.constant dense<0.000000e+00> : vector<10000xf32>
    %reduce_sum3A_49 = vector.multi_reduction <add>, %select_n3A, %reduce_sum3A_48 [1] : vector<10000x64xf32> to vector<10000xf32>
    %broadcast_in_dim3A_50 = vector.shape_cast %reduce_sum3A_49 : vector<10000xf32> to vector<10000x1xf32>
    %broadcast_in_dim3A_51 = arith.constant 0.000000e+00 : f32
    %broadcast_in_dim3A_52 = vector.broadcast %broadcast_in_dim3A_51 : f32 to vector<10000x60xf32>
    %get3A_53 = arith.constant 0 : index
    %get3A_54 = arith.constant 0 : index
    %get3A_55 = vector.load %arg4[%get3A_53, %get3A_54] : memref<10000x3xf32, #tpu.memory_space<vmem>>, vector<10000x3xf32>
    %concatenate3A = tpu.concatenate %select_n3A, %get3A_55, %broadcast_in_dim3A_50, %broadcast_in_dim3A_52 in 1 : vector<10000x64xf32>, vector<10000x3xf32>, vector<10000x1xf32>, vector<10000x60xf32> -> vector<10000x128xf32>
    %swap3A = arith.constant 0 : index
    %swap3A_56 = arith.constant 0 : index
    %swap3A_57 = vector.load %arg6[%swap3A, %swap3A_56] : memref<10000x128xf32, #tpu.memory_space<vmem>>, vector<10000x128xf32>
    tpu.vector_store %arg6[%swap3A, %swap3A_56], %concatenate3A {strides = array<i32>} : memref<10000x128xf32, #tpu.memory_space<vmem>>, vector<10000x128xf32>,
    return
  }
}

module attributes {stable_mosaic.version = 14 : i64} {
  func.func @_pass_d_body(%arg0: i32, %arg1: memref<1000x64xf32, #tpu.memory_space<vmem>>, %arg2: memref<50x2x8xf32, #tpu.memory_space<vmem>>, %arg3: memref<1x64xf32, #tpu.memory_space<vmem>>, %arg4: memref<1x64xf32, #tpu.memory_space<vmem>>, %arg5: memref<256x64xf32, #tpu.memory_space<vmem>>, %arg6: memref<8x64xf32, #tpu.memory_space<vmem>>, %arg7: memref<256x8xf32, #tpu.memory_space<vmem>>, %arg8: memref<1000x256xf32, #tpu.memory_space<vmem>>, %arg9: memref<1x2x8xf32, #tpu.memory_space<vmem>>) attributes {dimension_semantics = [#tpu.dimension_semantics<arbitrary>], iteration_bounds = array<i64: 10>, scalar_prefetch = 0 : i64, scratch_operands = 0 : i64, tpu.core_type = #tpu.core_type<tc>, window_params = [{transform_indices = @transform_0, window_bounds = array<i64: 1000, 64>}, {pipeline_mode = #tpu.pipeline_mode<synchronous>, transform_indices = @transform_1, window_bounds = array<i64: 50, 2, 8>}, {pipeline_mode = #tpu.pipeline_mode<synchronous>, transform_indices = @transform_2, window_bounds = array<i64: 1, 64>}, {pipeline_mode = #tpu.pipeline_mode<synchronous>, transform_indices = @transform_3, window_bounds = array<i64: 1, 64>}, {pipeline_mode = #tpu.pipeline_mode<synchronous>, transform_indices = @transform_4, window_bounds = array<i64: 256, 64>}, {pipeline_mode = #tpu.pipeline_mode<synchronous>, transform_indices = @transform_5, window_bounds = array<i64: 8, 64>}, {pipeline_mode = #tpu.pipeline_mode<synchronous>, transform_indices = @transform_6, window_bounds = array<i64: 256, 8>}, {transform_indices = @transform_7, window_bounds = array<i64: 1000, 256>}, {transform_indices = @transform_8, window_bounds = array<i64: 1, 2, 8>}]} {
    %get3A = arith.constant 0 : index
    %get3A_0 = arith.constant 0 : index
    %get3A_1 = arith.constant 0 : index
    %get3A_2 = vector.load %arg2[%get3A, %get3A_0, %get3A_1] : memref<50x2x8xf32, #tpu.memory_space<vmem>>, vector<50x2x8xf32>
    %reduce_sum3A = arith.constant dense<0.000000e+00> : vector<2x8xf32>
    %reduce_sum3A_3 = vector.multi_reduction <add>, %get3A_2, %reduce_sum3A [0] : vector<50x2x8xf32> to vector<2x8xf32>
    %slice3A = vector.extract_strided_slice %reduce_sum3A_3 {offsets = [0, 0], sizes = [1, 8], strides = [1, 1]} : vector<2x8xf32> to vector<1x8xf32>
    %mul3A = arith.constant 1.250000e-05 : f32
    %mul3A_4 = vector.broadcast %mul3A : f32 to vector<1x8xf32>
    %mul3A_5 = arith.mulf %slice3A, %mul3A_4 : vector<1x8xf32>
    %slice3A_6 = vector.extract_strided_slice %reduce_sum3A_3 {offsets = [1, 0], sizes = [1, 8], strides = [1, 1]} : vector<2x8xf32> to vector<1x8xf32>
    %mul3A_7 = arith.constant 1.250000e-05 : f32
    %mul3A_8 = vector.broadcast %mul3A_7 : f32 to vector<1x8xf32>
    %mul3A_9 = arith.mulf %slice3A_6, %mul3A_8 : vector<1x8xf32>
    %mul3A_10 = arith.mulf %mul3A_5, %mul3A_5 : vector<1x8xf32>
    %sub3A = arith.subf %mul3A_9, %mul3A_10 : vector<1x8xf32>
    %add3A = arith.constant 9.99999974E-6 : f32
    %add3A_11 = vector.broadcast %add3A : f32 to vector<1x8xf32>
    %add3A_12 = arith.addf %sub3A, %add3A_11 : vector<1x8xf32>
    %rsqrt3A = math.rsqrt %add3A_12 : vector<1x8xf32>
    %get3A_13 = arith.constant 0 : index
    %get3A_14 = arith.constant 0 : index
    %get3A_15 = vector.load %arg6[%get3A_13, %get3A_14] : memref<8x64xf32, #tpu.memory_space<vmem>>, vector<8x64xf32>
    %dot_general3A = arith.constant dense<0.000000e+00> : vector<1x64xf32>
    %dot_general3A_16 = tpu.matmul %mul3A_5, %get3A_15, %dot_general3A {dimension_numbers = #tpu.dot_dimension_numbers<[1], [0], [0], [1], [0, 0, 1, 1], [], []>, transpose_lhs_hint = false} : vector<1x8xf32>, vector<8x64xf32>, vector<1x64xf32> -> vector<1x64xf32>
    %get3A_17 = arith.constant 0 : index
    %get3A_18 = arith.constant 0 : index
    %get3A_19 = vector.load %arg6[%get3A_17, %get3A_18] : memref<8x64xf32, #tpu.memory_space<vmem>>, vector<8x64xf32>
    %dot_general3A_20 = arith.constant dense<0.000000e+00> : vector<1x64xf32>
    %dot_general3A_21 = tpu.matmul %rsqrt3A, %get3A_19, %dot_general3A_20 {dimension_numbers = #tpu.dot_dimension_numbers<[1], [0], [0], [1], [0, 0, 1, 1], [], []>, transpose_lhs_hint = false} : vector<1x8xf32>, vector<8x64xf32>, vector<1x64xf32> -> vector<1x64xf32>
    %get3A_22 = arith.constant 0 : index
    %get3A_23 = arith.constant 0 : index
    %get3A_24 = vector.load %arg1[%get3A_22, %get3A_23] : memref<1000x64xf32, #tpu.memory_space<vmem>>, vector<1000x64xf32>
    %sub3A_25 = vector.broadcast %dot_general3A_16 : vector<1x64xf32> to vector<1000x64xf32>
    %sub3A_26 = arith.subf %get3A_24, %sub3A_25 : vector<1000x64xf32>
    %mul3A_27 = vector.broadcast %dot_general3A_21 : vector<1x64xf32> to vector<1000x64xf32>
    %mul3A_28 = arith.mulf %sub3A_26, %mul3A_27 : vector<1000x64xf32>
    %get3A_29 = arith.constant 0 : index
    %get3A_30 = arith.constant 0 : index
    %get3A_31 = vector.load %arg3[%get3A_29, %get3A_30] : memref<1x64xf32, #tpu.memory_space<vmem>>, vector<1x64xf32>
    %mul3A_32 = vector.broadcast %get3A_31 : vector<1x64xf32> to vector<1000x64xf32>
    %mul3A_33 = arith.mulf %mul3A_28, %mul3A_32 : vector<1000x64xf32>
    %get3A_34 = arith.constant 0 : index
    %get3A_35 = arith.constant 0 : index
    %get3A_36 = vector.load %arg4[%get3A_34, %get3A_35] : memref<1x64xf32, #tpu.memory_space<vmem>>, vector<1x64xf32>
    %add3A_37 = vector.broadcast %get3A_36 : vector<1x64xf32> to vector<1000x64xf32>
    %add3A_38 = arith.addf %mul3A_33, %add3A_37 : vector<1000x64xf32>
    %ge3A = arith.constant 0.000000e+00 : f32
    %ge3A_39 = vector.broadcast %ge3A : f32 to vector<1000x64xf32>
    %ge3A_40 = arith.cmpf oge, %add3A_38, %ge3A_39 : vector<1000x64xf32>
    %mul3A_41 = arith.constant 1.000000e-01 : f32
    %mul3A_42 = vector.broadcast %mul3A_41 : f32 to vector<1000x64xf32>
    %mul3A_43 = arith.mulf %mul3A_42, %add3A_38 : vector<1000x64xf32>
    %select_n3A = arith.select %ge3A_40, %add3A_38, %mul3A_43 : vector<1000x64xi1>, vector<1000x64xf32>
    %get3A_44 = arith.constant 0 : index
    %get3A_45 = arith.constant 0 : index
    %get3A_46 = vector.load %arg5[%get3A_44, %get3A_45] : memref<256x64xf32, #tpu.memory_space<vmem>>, vector<256x64xf32>
    %dot_general3A_47 = arith.constant dense<0.000000e+00> : vector<1000x256xf32>
    %dot_general3A_48 = tpu.matmul %select_n3A, %get3A_46, %dot_general3A_47 {dimension_numbers = #tpu.dot_dimension_numbers<[1], [1], [0], [0], [0, 0, 1, 0], [], []>, precision = #tpu.contract_precision<fp32>, transpose_lhs_hint = false} : vector<1000x64xf32>, vector<256x64xf32>, vector<1000x256xf32> -> vector<1000x256xf32>
    %swap3A = arith.constant 0 : index
    %swap3A_49 = arith.constant 0 : index
    %swap3A_50 = vector.load %arg8[%swap3A, %swap3A_49] : memref<1000x256xf32, #tpu.memory_space<vmem>>, vector<1000x256xf32>
    tpu.vector_store %arg8[%swap3A, %swap3A_49], %dot_general3A_48 {strides = array<i32>} : memref<1000x256xf32, #tpu.memory_space<vmem>>, vector<1000x256xf32>,
    %reduce_sum3A_51 = arith.constant dense<0.000000e+00> : vector<256xf32>
    %reduce_sum3A_52 = vector.multi_reduction <add>, %dot_general3A_48, %reduce_sum3A_51 [0] : vector<1000x256xf32> to vector<256xf32>
    %broadcast_in_dim3A = vector.shape_cast %reduce_sum3A_52 : vector<256xf32> to vector<1x256xf32>
    %get3A_53 = arith.constant 0 : index
    %get3A_54 = arith.constant 0 : index
    %get3A_55 = vector.load %arg7[%get3A_53, %get3A_54] : memref<256x8xf32, #tpu.memory_space<vmem>>, vector<256x8xf32>
    %dot_general3A_56 = arith.constant dense<0.000000e+00> : vector<1x8xf32>
    %dot_general3A_57 = tpu.matmul %broadcast_in_dim3A, %get3A_55, %dot_general3A_56 {dimension_numbers = #tpu.dot_dimension_numbers<[1], [0], [0], [1], [0, 0, 1, 1], [], []>, transpose_lhs_hint = false} : vector<1x256xf32>, vector<256x8xf32>, vector<1x8xf32> -> vector<1x8xf32>
    %swap3A_58 = arith.constant 0 : index
    %swap3A_59 = arith.constant 0 : index
    %swap3A_60 = arith.constant 0 : index
    %swap3A_61 = vector.load %arg9[%swap3A_58, %swap3A_59, %swap3A_60] : memref<1x2x8xf32, #tpu.memory_space<vmem>>, vector<1x1x8xf32>
    %swap3A_62 = vector.shape_cast %swap3A_61 : vector<1x1x8xf32> to vector<1x8xf32>
    %swap3A_63 = vector.shape_cast %dot_general3A_57 : vector<1x8xf32> to vector<1x1x8xf32>
    tpu.vector_store %arg9[%swap3A_58, %swap3A_59, %swap3A_60], %swap3A_63 {strides = array<i32>} : memref<1x2x8xf32, #tpu.memory_space<vmem>>, vector<1x1x8xf32>,
    %mul3A_64 = arith.mulf %dot_general3A_48, %dot_general3A_48 : vector<1000x256xf32>
    %reduce_sum3A_65 = arith.constant dense<0.000000e+00> : vector<256xf32>
    %reduce_sum3A_66 = vector.multi_reduction <add>, %mul3A_64, %reduce_sum3A_65 [0] : vector<1000x256xf32> to vector<256xf32>
    %broadcast_in_dim3A_67 = vector.shape_cast %reduce_sum3A_66 : vector<256xf32> to vector<1x256xf32>
    %get3A_68 = arith.constant 0 : index
    %get3A_69 = arith.constant 0 : index
    %get3A_70 = vector.load %arg7[%get3A_68, %get3A_69] : memref<256x8xf32, #tpu.memory_space<vmem>>, vector<256x8xf32>
    %dot_general3A_71 = arith.constant dense<0.000000e+00> : vector<1x8xf32>
    %dot_general3A_72 = tpu.matmul %broadcast_in_dim3A_67, %get3A_70, %dot_general3A_71 {dimension_numbers = #tpu.dot_dimension_numbers<[1], [0], [0], [1], [0, 0, 1, 1], [], []>, transpose_lhs_hint = false} : vector<1x256xf32>, vector<256x8xf32>, vector<1x8xf32> -> vector<1x8xf32>
    %swap3A_73 = arith.constant 0 : index
    %swap3A_74 = arith.constant 1 : index
    %swap3A_75 = arith.constant 0 : index
    %swap3A_76 = vector.load %arg9[%swap3A_73, %swap3A_74, %swap3A_75] : memref<1x2x8xf32, #tpu.memory_space<vmem>>, vector<1x1x8xf32>
    %swap3A_77 = vector.shape_cast %swap3A_76 : vector<1x1x8xf32> to vector<1x8xf32>
    %swap3A_78 = vector.shape_cast %dot_general3A_72 : vector<1x8xf32> to vector<1x1x8xf32>
    tpu.vector_store %arg9[%swap3A_73, %swap3A_74, %swap3A_75], %swap3A_78 {strides = array<i32>} : memref<1x2x8xf32, #tpu.memory_space<vmem>>, vector<1x1x8xf32>,
    return
  }
  func.func @transform_0(%arg0: i32) -> (i32, i32) {
    %c0_i32 = arith.constant 0 : i32
    %c0_i32_0 = arith.constant 0 : i32
    return %arg0, %c0_i32 : i32, i32
  }
  func.func @transform_1(%arg0: i32) -> (i32, i32, i32) {
    %c0_i32 = arith.constant 0 : i32
    %c0_i32_0 = arith.constant 0 : i32
    %c0_i32_1 = arith.constant 0 : i32
    %c0_i32_2 = arith.constant 0 : i32
    return %c0_i32, %c0_i32_0, %c0_i32_1 : i32, i32, i32
  }
  func.func @transform_2(%arg0: i32) -> (i32, i32) {
    %c0_i32 = arith.constant 0 : i32
    %c0_i32_0 = arith.constant 0 : i32
    %c0_i32_1 = arith.constant 0 : i32
    return %c0_i32, %c0_i32_0 : i32, i32
  }
  func.func @transform_3(%arg0: i32) -> (i32, i32) {
    %c0_i32 = arith.constant 0 : i32
    %c0_i32_0 = arith.constant 0 : i32
    %c0_i32_1 = arith.constant 0 : i32
    return %c0_i32, %c0_i32_0 : i32, i32
  }
  func.func @transform_4(%arg0: i32) -> (i32, i32) {
    %c0_i32 = arith.constant 0 : i32
    %c0_i32_0 = arith.constant 0 : i32
    %c0_i32_1 = arith.constant 0 : i32
    return %c0_i32, %c0_i32_0 : i32, i32
  }
  func.func @transform_5(%arg0: i32) -> (i32, i32) {
    %c0_i32 = arith.constant 0 : i32
    %c0_i32_0 = arith.constant 0 : i32
    %c0_i32_1 = arith.constant 0 : i32
    return %c0_i32, %c0_i32_0 : i32, i32
  }
  func.func @transform_6(%arg0: i32) -> (i32, i32) {
    %c0_i32 = arith.constant 0 : i32
    %c0_i32_0 = arith.constant 0 : i32
    %c0_i32_1 = arith.constant 0 : i32
    return %c0_i32, %c0_i32_0 : i32, i32
  }
  func.func @transform_7(%arg0: i32) -> (i32, i32) {
    %c0_i32 = arith.constant 0 : i32
    %c0_i32_0 = arith.constant 0 : i32
    return %arg0, %c0_i32 : i32, i32
  }
  func.func @transform_8(%arg0: i32) -> (i32, i32, i32) {
    %c0_i32 = arith.constant 0 : i32
    %c0_i32_0 = arith.constant 0 : i32
    %c0_i32_1 = arith.constant 0 : i32
    return %arg0, %c0_i32, %c0_i32_0 : i32, i32, i32
  }
}

module attributes {stable_mosaic.version = 14 : i64} {
  func.func @_pass_c_body(%arg0: i32, %arg1: memref<16x200x128xf32, #tpu.memory_space<vmem>>, %arg2: memref<200x3xf32, #tpu.memory_space<vmem>>, %arg3: memref<7x15xf32, #tpu.memory_space<vmem>>, %arg4: memref<1024x64xf32, #tpu.memory_space<vmem>>, %arg5: memref<15x1024xbf16, #tpu.memory_space<vmem>>, %arg6: memref<64x8xf32, #tpu.memory_space<vmem>>, %arg7: memref<200x64xf32, #tpu.memory_space<vmem>>, %arg8: memref<1x2x8xf32, #tpu.memory_space<vmem>>) attributes {dimension_semantics = [#tpu.dimension_semantics<arbitrary>], iteration_bounds = array<i64: 50>, scalar_prefetch = 0 : i64, scratch_operands = 0 : i64, tpu.core_type = #tpu.core_type<tc>, window_params = [{transform_indices = @transform_0, window_bounds = array<i64: 16, 200, 128>}, {transform_indices = @transform_1, window_bounds = array<i64: 200, 3>}, {pipeline_mode = #tpu.pipeline_mode<synchronous>, transform_indices = @transform_2, window_bounds = array<i64: 7, 15>}, {pipeline_mode = #tpu.pipeline_mode<synchronous>, transform_indices = @transform_3, window_bounds = array<i64: 1024, 64>}, {pipeline_mode = #tpu.pipeline_mode<synchronous>, transform_indices = @transform_4, window_bounds = array<i64: 15, 1024>}, {pipeline_mode = #tpu.pipeline_mode<synchronous>, transform_indices = @transform_5, window_bounds = array<i64: 64, 8>}, {transform_indices = @transform_6, window_bounds = array<i64: 200, 64>}, {transform_indices = @transform_7, window_bounds = array<i64: 1, 2, 8>}]} {
    %get3A = arith.constant 0 : index
    %get3A_0 = arith.constant 0 : index
    %get3A_1 = vector.load %arg2[%get3A, %get3A_0] : memref<200x3xf32, #tpu.memory_space<vmem>>, vector<200x3xf32>
    %broadcast_in_dim3A = vector.shape_cast %get3A_1 : vector<200x3xf32> to vector<1x200x3xf32>
    %broadcast_in_dim3A_2 = vector.shape_cast %broadcast_in_dim3A : vector<1x200x3xf32> to vector<1x200x3xf32>
    %broadcast_in_dim3A_3 = vector.broadcast %broadcast_in_dim3A_2 : vector<1x200x3xf32> to vector<16x200x3xf32>
    %reshape3A = vector.shape_cast %broadcast_in_dim3A_3 : vector<16x200x3xf32> to vector<3200x3xf32>
    %get3A_4 = arith.constant 0 : index
    %get3A_5 = arith.constant 0 : index
    %get3A_6 = arith.constant 64 : index
    %get3A_7 = vector.load %arg1[%get3A_4, %get3A_5, %get3A_6] : memref<16x200x128xf32, #tpu.memory_space<vmem>>, vector<16x200x3xf32>
    %reshape3A_8 = vector.shape_cast %get3A_7 : vector<16x200x3xf32> to vector<3200x3xf32>
    %sub3A = arith.subf %reshape3A_8, %reshape3A : vector<3200x3xf32>
    %mul3A = arith.mulf %sub3A, %sub3A : vector<3200x3xf32>
    %broadcast_in_dim3A_9 = arith.constant 1.000000e+00 : f32
    %broadcast_in_dim3A_10 = vector.broadcast %broadcast_in_dim3A_9 : f32 to vector<3200x1xf32>
    %concatenate3A = tpu.concatenate %sub3A, %mul3A, %broadcast_in_dim3A_10 in 1 : vector<3200x3xf32>, vector<3200x3xf32>, vector<3200x1xf32> -> vector<3200x7xf32>
    %get3A_11 = arith.constant 0 : index
    %get3A_12 = arith.constant 0 : index
    %get3A_13 = vector.load %arg3[%get3A_11, %get3A_12] : memref<7x15xf32, #tpu.memory_space<vmem>>, vector<7x15xf32>
    %dot_general3A = arith.constant dense<0.000000e+00> : vector<3200x15xf32>
    %dot_general3A_14 = tpu.matmul %concatenate3A, %get3A_13, %dot_general3A {dimension_numbers = #tpu.dot_dimension_numbers<[1], [0], [0], [1], [0, 0, 1, 1], [], []>, transpose_lhs_hint = false} : vector<3200x7xf32>, vector<7x15xf32>, vector<3200x15xf32> -> vector<3200x15xf32>
    %max3A = arith.constant 9.99999996E-13 : f32
    %max3A_15 = vector.broadcast %max3A : f32 to vector<3200x15xf32>
    %max3A_16 = arith.maximumf %dot_general3A_14, %max3A_15 : vector<3200x15xf32>
    %sqrt3A = math.sqrt %max3A_16 : vector<3200x15xf32>
    %mul3A_17 = arith.constant 2.000000e+00 : f32
    %mul3A_18 = vector.broadcast %mul3A_17 : f32 to vector<3200x15xf32>
    %mul3A_19 = arith.mulf %sqrt3A, %mul3A_18 : vector<3200x15xf32>
    %sub3A_20 = arith.constant 1.000000e+00 : f32
    %sub3A_21 = vector.broadcast %sub3A_20 : f32 to vector<3200x15xf32>
    %sub3A_22 = arith.subf %sub3A_21, %mul3A_19 : vector<3200x15xf32>
    %max3A_23 = arith.constant 0.000000e+00 : f32
    %max3A_24 = vector.broadcast %max3A_23 : f32 to vector<3200x15xf32>
    %max3A_25 = arith.maximumf %sub3A_22, %max3A_24 : vector<3200x15xf32>
    %get3A_26 = arith.constant 0 : index
    %get3A_27 = arith.constant 0 : index
    %get3A_28 = arith.constant 0 : index
    %get3A_29 = vector.load %arg1[%get3A_26, %get3A_27, %get3A_28] : memref<16x200x128xf32, #tpu.memory_space<vmem>>, vector<16x200x64xf32>
    %reshape3A_30 = vector.shape_cast %get3A_29 : vector<16x200x64xf32> to vector<3200x64xf32>
    %concatenate3A_31 = tpu.concatenate %reshape3A_30, %reshape3A_30 in 1 : vector<3200x64xf32>, vector<3200x64xf32> -> vector<3200x128xf32>
    %convert_element_type3A = arith.truncf %max3A_25 : vector<3200x15xf32> to vector<3200x15xbf16>
    %get3A_32 = arith.constant 0 : index
    %get3A_33 = arith.constant 0 : index
    %get3A_34 = vector.load %arg5[%get3A_32, %get3A_33] : memref<15x1024xbf16, #tpu.memory_space<vmem>>, vector<15x1024xbf16>
    %dot_general3A_35 = arith.constant dense<0.000000e+00> : vector<3200x1024xf32>
    %dot_general3A_36 = tpu.matmul %convert_element_type3A, %get3A_34, %dot_general3A_35 {dimension_numbers = #tpu.dot_dimension_numbers<[1], [0], [0], [1], [0, 0, 1, 1], [], []>, transpose_lhs_hint = false} : vector<3200x15xbf16>, vector<15x1024xbf16>, vector<3200x1024xf32> -> vector<3200x1024xf32>
    %slice3A = vector.extract_strided_slice %dot_general3A_36 {offsets = [0, 0], sizes = [3200, 128], strides = [1, 1]} : vector<3200x1024xf32> to vector<3200x128xf32>
    %mul3A_37 = arith.mulf %slice3A, %concatenate3A_31 : vector<3200x128xf32>
    %reshape3A_38 = vector.shape_cast %mul3A_37 : vector<3200x128xf32> to vector<16x200x128xf32>
    %reduce_sum3A = arith.constant dense<0.000000e+00> : vector<200x128xf32>
    %reduce_sum3A_39 = vector.multi_reduction <add>, %reshape3A_38, %reduce_sum3A [0] : vector<16x200x128xf32> to vector<200x128xf32>
    %slice3A_40 = vector.extract_strided_slice %dot_general3A_36 {offsets = [0, 128], sizes = [3200, 128], strides = [1, 1]} : vector<3200x1024xf32> to vector<3200x128xf32>
    %mul3A_41 = arith.mulf %slice3A_40, %concatenate3A_31 : vector<3200x128xf32>
    %reshape3A_42 = vector.shape_cast %mul3A_41 : vector<3200x128xf32> to vector<16x200x128xf32>
    %reduce_sum3A_43 = arith.constant dense<0.000000e+00> : vector<200x128xf32>
    %reduce_sum3A_44 = vector.multi_reduction <add>, %reshape3A_42, %reduce_sum3A_43 [0] : vector<16x200x128xf32> to vector<200x128xf32>
    %slice3A_45 = vector.extract_strided_slice %dot_general3A_36 {offsets = [0, 256], sizes = [3200, 128], strides = [1, 1]} : vector<3200x1024xf32> to vector<3200x128xf32>
    %mul3A_46 = arith.mulf %slice3A_45, %concatenate3A_31 : vector<3200x128xf32>
    %reshape3A_47 = vector.shape_cast %mul3A_46 : vector<3200x128xf32> to vector<16x200x128xf32>
    %reduce_sum3A_48 = arith.constant dense<0.000000e+00> : vector<200x128xf32>
    %reduce_sum3A_49 = vector.multi_reduction <add>, %reshape3A_47, %reduce_sum3A_48 [0] : vector<16x200x128xf32> to vector<200x128xf32>
    %slice3A_50 = vector.extract_strided_slice %dot_general3A_36 {offsets = [0, 384], sizes = [3200, 128], strides = [1, 1]} : vector<3200x1024xf32> to vector<3200x128xf32>
    %mul3A_51 = arith.mulf %slice3A_50, %concatenate3A_31 : vector<3200x128xf32>
    %reshape3A_52 = vector.shape_cast %mul3A_51 : vector<3200x128xf32> to vector<16x200x128xf32>
    %reduce_sum3A_53 = arith.constant dense<0.000000e+00> : vector<200x128xf32>
    %reduce_sum3A_54 = vector.multi_reduction <add>, %reshape3A_52, %reduce_sum3A_53 [0] : vector<16x200x128xf32> to vector<200x128xf32>
    %slice3A_55 = vector.extract_strided_slice %dot_general3A_36 {offsets = [0, 512], sizes = [3200, 128], strides = [1, 1]} : vector<3200x1024xf32> to vector<3200x128xf32>
    %mul3A_56 = arith.mulf %slice3A_55, %concatenate3A_31 : vector<3200x128xf32>
    %reshape3A_57 = vector.shape_cast %mul3A_56 : vector<3200x128xf32> to vector<16x200x128xf32>
    %reduce_sum3A_58 = arith.constant dense<0.000000e+00> : vector<200x128xf32>
    %reduce_sum3A_59 = vector.multi_reduction <add>, %reshape3A_57, %reduce_sum3A_58 [0] : vector<16x200x128xf32> to vector<200x128xf32>
    %slice3A_60 = vector.extract_strided_slice %dot_general3A_36 {offsets = [0, 640], sizes = [3200, 128], strides = [1, 1]} : vector<3200x1024xf32> to vector<3200x128xf32>
    %mul3A_61 = arith.mulf %slice3A_60, %concatenate3A_31 : vector<3200x128xf32>
    %reshape3A_62 = vector.shape_cast %mul3A_61 : vector<3200x128xf32> to vector<16x200x128xf32>
    %reduce_sum3A_63 = arith.constant dense<0.000000e+00> : vector<200x128xf32>
    %reduce_sum3A_64 = vector.multi_reduction <add>, %reshape3A_62, %reduce_sum3A_63 [0] : vector<16x200x128xf32> to vector<200x128xf32>
    %slice3A_65 = vector.extract_strided_slice %dot_general3A_36 {offsets = [0, 768], sizes = [3200, 128], strides = [1, 1]} : vector<3200x1024xf32> to vector<3200x128xf32>
    %mul3A_66 = arith.mulf %slice3A_65, %concatenate3A_31 : vector<3200x128xf32>
    %reshape3A_67 = vector.shape_cast %mul3A_66 : vector<3200x128xf32> to vector<16x200x128xf32>
    %reduce_sum3A_68 = arith.constant dense<0.000000e+00> : vector<200x128xf32>
    %reduce_sum3A_69 = vector.multi_reduction <add>, %reshape3A_67, %reduce_sum3A_68 [0] : vector<16x200x128xf32> to vector<200x128xf32>
    %slice3A_70 = vector.extract_strided_slice %dot_general3A_36 {offsets = [0, 896], sizes = [3200, 128], strides = [1, 1]} : vector<3200x1024xf32> to vector<3200x128xf32>
    %mul3A_71 = arith.mulf %slice3A_70, %concatenate3A_31 : vector<3200x128xf32>
    %reshape3A_72 = vector.shape_cast %mul3A_71 : vector<3200x128xf32> to vector<16x200x128xf32>
    %reduce_sum3A_73 = arith.constant dense<0.000000e+00> : vector<200x128xf32>
    %reduce_sum3A_74 = vector.multi_reduction <add>, %reshape3A_72, %reduce_sum3A_73 [0] : vector<16x200x128xf32> to vector<200x128xf32>
    %concatenate3A_75 = tpu.concatenate %reduce_sum3A_39, %reduce_sum3A_44, %reduce_sum3A_49, %reduce_sum3A_54, %reduce_sum3A_59, %reduce_sum3A_64, %reduce_sum3A_69, %reduce_sum3A_74 in 1 : vector<200x128xf32>, vector<200x128xf32>, vector<200x128xf32>, vector<200x128xf32>, vector<200x128xf32>, vector<200x128xf32>, vector<200x128xf32>, vector<200x128xf32> -> vector<200x1024xf32>
    %get3A_76 = arith.constant 0 : index
    %get3A_77 = arith.constant 0 : index
    %get3A_78 = vector.load %arg4[%get3A_76, %get3A_77] : memref<1024x64xf32, #tpu.memory_space<vmem>>, vector<1024x64xf32>
    %dot_general3A_79 = arith.constant dense<0.000000e+00> : vector<200x64xf32>
    %dot_general3A_80 = tpu.matmul %concatenate3A_75, %get3A_78, %dot_general3A_79 {dimension_numbers = #tpu.dot_dimension_numbers<[1], [0], [0], [1], [0, 0, 1, 1], [], []>, transpose_lhs_hint = false} : vector<200x1024xf32>, vector<1024x64xf32>, vector<200x64xf32> -> vector<200x64xf32>
    %get3A_81 = arith.constant 0 : index
    %get3A_82 = arith.constant 0 : index
    %get3A_83 = arith.constant 67 : index
    %get3A_84 = vector.load %arg1[%get3A_81, %get3A_82, %get3A_83] : memref<16x200x128xf32, #tpu.memory_space<vmem>>, vector<16x200x1xf32>
    %gt3A = arith.constant 0.000000e+00 : f32
    %gt3A_85 = vector.broadcast %gt3A : f32 to vector<16x200x1xf32>
    %gt3A_86 = arith.cmpf ogt, %get3A_84, %gt3A_85 : vector<16x200x1xf32>
    %convert_element_type3A_87 = arith.extui %gt3A_86 : vector<16x200x1xi1> to vector<16x200x1xi32>
    %convert_element_type3A_88 = arith.sitofp %convert_element_type3A_87 : vector<16x200x1xi32> to vector<16x200x1xf32>
    %reduce_sum3A_89 = arith.constant dense<0.000000e+00> : vector<200x1xf32>
    %reduce_sum3A_90 = vector.multi_reduction <add>, %convert_element_type3A_88, %reduce_sum3A_89 [0] : vector<16x200x1xf32> to vector<200x1xf32>
    %max3A_91 = arith.constant 1.000000e+00 : f32
    %max3A_92 = vector.broadcast %max3A_91 : f32 to vector<200x1xf32>
    %max3A_93 = arith.maximumf %reduce_sum3A_90, %max3A_92 : vector<200x1xf32>
    %div3A = vector.broadcast %max3A_93 : vector<200x1xf32> to vector<200x64xf32>
    %div3A_94 = arith.divf %dot_general3A_80, %div3A : vector<200x64xf32>
    %swap3A = arith.constant 0 : index
    %swap3A_95 = arith.constant 0 : index
    %swap3A_96 = vector.load %arg7[%swap3A, %swap3A_95] : memref<200x64xf32, #tpu.memory_space<vmem>>, vector<200x64xf32>
    tpu.vector_store %arg7[%swap3A, %swap3A_95], %div3A_94 {strides = array<i32>} : memref<200x64xf32, #tpu.memory_space<vmem>>, vector<200x64xf32>,
    %reduce_sum3A_97 = arith.constant dense<0.000000e+00> : vector<64xf32>
    %reduce_sum3A_98 = vector.multi_reduction <add>, %div3A_94, %reduce_sum3A_97 [0] : vector<200x64xf32> to vector<64xf32>
    %broadcast_in_dim3A_99 = vector.shape_cast %reduce_sum3A_98 : vector<64xf32> to vector<1x64xf32>
    %get3A_100 = arith.constant 0 : index
    %get3A_101 = arith.constant 0 : index
    %get3A_102 = vector.load %arg6[%get3A_100, %get3A_101] : memref<64x8xf32, #tpu.memory_space<vmem>>, vector<64x8xf32>
    %dot_general3A_103 = arith.constant dense<0.000000e+00> : vector<1x8xf32>
    %dot_general3A_104 = tpu.matmul %broadcast_in_dim3A_99, %get3A_102, %dot_general3A_103 {dimension_numbers = #tpu.dot_dimension_numbers<[1], [0], [0], [1], [0, 0, 1, 1], [], []>, transpose_lhs_hint = false} : vector<1x64xf32>, vector<64x8xf32>, vector<1x8xf32> -> vector<1x8xf32>
    %swap3A_105 = arith.constant 0 : index
    %swap3A_106 = arith.constant 0 : index
    %swap3A_107 = arith.constant 0 : index
    %swap3A_108 = vector.load %arg8[%swap3A_105, %swap3A_106, %swap3A_107] : memref<1x2x8xf32, #tpu.memory_space<vmem>>, vector<1x1x8xf32>
    %swap3A_109 = vector.shape_cast %swap3A_108 : vector<1x1x8xf32> to vector<1x8xf32>
    %swap3A_110 = vector.shape_cast %dot_general3A_104 : vector<1x8xf32> to vector<1x1x8xf32>
    tpu.vector_store %arg8[%swap3A_105, %swap3A_106, %swap3A_107], %swap3A_110 {strides = array<i32>} : memref<1x2x8xf32, #tpu.memory_space<vmem>>, vector<1x1x8xf32>,
    %mul3A_111 = arith.mulf %div3A_94, %div3A_94 : vector<200x64xf32>
    %reduce_sum3A_112 = arith.constant dense<0.000000e+00> : vector<64xf32>
    %reduce_sum3A_113 = vector.multi_reduction <add>, %mul3A_111, %reduce_sum3A_112 [0] : vector<200x64xf32> to vector<64xf32>
    %broadcast_in_dim3A_114 = vector.shape_cast %reduce_sum3A_113 : vector<64xf32> to vector<1x64xf32>
    %get3A_115 = arith.constant 0 : index
    %get3A_116 = arith.constant 0 : index
    %get3A_117 = vector.load %arg6[%get3A_115, %get3A_116] : memref<64x8xf32, #tpu.memory_space<vmem>>, vector<64x8xf32>
    %dot_general3A_118 = arith.constant dense<0.000000e+00> : vector<1x8xf32>
    %dot_general3A_119 = tpu.matmul %broadcast_in_dim3A_114, %get3A_117, %dot_general3A_118 {dimension_numbers = #tpu.dot_dimension_numbers<[1], [0], [0], [1], [0, 0, 1, 1], [], []>, transpose_lhs_hint = false} : vector<1x64xf32>, vector<64x8xf32>, vector<1x8xf32> -> vector<1x8xf32>
    %swap3A_120 = arith.constant 0 : index
    %swap3A_121 = arith.constant 1 : index
    %swap3A_122 = arith.constant 0 : index
    %swap3A_123 = vector.load %arg8[%swap3A_120, %swap3A_121, %swap3A_122] : memref<1x2x8xf32, #tpu.memory_space<vmem>>, vector<1x1x8xf32>
    %swap3A_124 = vector.shape_cast %swap3A_123 : vector<1x1x8xf32> to vector<1x8xf32>
    %swap3A_125 = vector.shape_cast %dot_general3A_119 : vector<1x8xf32> to vector<1x1x8xf32>
    tpu.vector_store %arg8[%swap3A_120, %swap3A_121, %swap3A_122], %swap3A_125 {strides = array<i32>} : memref<1x2x8xf32, #tpu.memory_space<vmem>>, vector<1x1x8xf32>,
    return
  }
  func.func @transform_0(%arg0: i32) -> (i32, i32, i32) {
    %c0_i32 = arith.constant 0 : i32
    %c0_i32_0 = arith.constant 0 : i32
    %c0_i32_1 = arith.constant 0 : i32
    return %c0_i32, %arg0, %c0_i32_0 : i32, i32, i32
  }
  func.func @transform_1(%arg0: i32) -> (i32, i32) {
    %c0_i32 = arith.constant 0 : i32
    %c0_i32_0 = arith.constant 0 : i32
    return %arg0, %c0_i32 : i32, i32
  }
  func.func @transform_2(%arg0: i32) -> (i32, i32) {
    %c0_i32 = arith.constant 0 : i32
    %c0_i32_0 = arith.constant 0 : i32
    %c0_i32_1 = arith.constant 0 : i32
    return %c0_i32, %c0_i32_0 : i32, i32
  }
  func.func @transform_3(%arg0: i32) -> (i32, i32) {
    %c0_i32 = arith.constant 0 : i32
    %c0_i32_0 = arith.constant 0 : i32
    %c0_i32_1 = arith.constant 0 : i32
    return %c0_i32, %c0_i32_0 : i32, i32
  }
  func.func @transform_4(%arg0: i32) -> (i32, i32) {
    %c0_i32 = arith.constant 0 : i32
    %c0_i32_0 = arith.constant 0 : i32
    %c0_i32_1 = arith.constant 0 : i32
    return %c0_i32, %c0_i32_0 : i32, i32
  }
  func.func @transform_5(%arg0: i32) -> (i32, i32) {
    %c0_i32 = arith.constant 0 : i32
    %c0_i32_0 = arith.constant 0 : i32
    %c0_i32_1 = arith.constant 0 : i32
    return %c0_i32, %c0_i32_0 : i32, i32
  }
  func.func @transform_6(%arg0: i32) -> (i32, i32) {
    %c0_i32 = arith.constant 0 : i32
    %c0_i32_0 = arith.constant 0 : i32
    return %arg0, %c0_i32 : i32, i32
  }
  func.func @transform_7(%arg0: i32) -> (i32, i32, i32) {
    %c0_i32 = arith.constant 0 : i32
    %c0_i32_0 = arith.constant 0 : i32
    %c0_i32_1 = arith.constant 0 : i32
    return %arg0, %c0_i32, %c0_i32_0 : i32, i32, i32
  }
}

module attributes {stable_mosaic.version = 14 : i64} {
  func.func @_pass_e_body(%arg0: i32, %arg1: memref<1000x256xf32, #tpu.memory_space<vmem>>, %arg2: memref<10x2x8xf32, #tpu.memory_space<vmem>>, %arg3: memref<1x256xf32, #tpu.memory_space<vmem>>, %arg4: memref<1x256xf32, #tpu.memory_space<vmem>>, %arg5: memref<1000x256xf32, #tpu.memory_space<vmem>>, %arg6: memref<8x256xf32, #tpu.memory_space<vmem>>, %arg7: memref<1000x256xf32, #tpu.memory_space<vmem>>) attributes {dimension_semantics = [#tpu.dimension_semantics<arbitrary>], iteration_bounds = array<i64: 10>, scalar_prefetch = 0 : i64, scratch_operands = 0 : i64, tpu.core_type = #tpu.core_type<tc>, window_params = [{transform_indices = @transform_0, window_bounds = array<i64: 1000, 256>}, {pipeline_mode = #tpu.pipeline_mode<synchronous>, transform_indices = @transform_1, window_bounds = array<i64: 10, 2, 8>}, {pipeline_mode = #tpu.pipeline_mode<synchronous>, transform_indices = @transform_2, window_bounds = array<i64: 1, 256>}, {pipeline_mode = #tpu.pipeline_mode<synchronous>, transform_indices = @transform_3, window_bounds = array<i64: 1, 256>}, {transform_indices = @transform_4, window_bounds = array<i64: 1000, 256>}, {pipeline_mode = #tpu.pipeline_mode<synchronous>, transform_indices = @transform_5, window_bounds = array<i64: 8, 256>}, {transform_indices = @transform_6, window_bounds = array<i64: 1000, 256>}]} {
    %get3A = arith.constant 0 : index
    %get3A_0 = arith.constant 0 : index
    %get3A_1 = arith.constant 0 : index
    %get3A_2 = vector.load %arg2[%get3A, %get3A_0, %get3A_1] : memref<10x2x8xf32, #tpu.memory_space<vmem>>, vector<10x2x8xf32>
    %reduce_sum3A = arith.constant dense<0.000000e+00> : vector<2x8xf32>
    %reduce_sum3A_3 = vector.multi_reduction <add>, %get3A_2, %reduce_sum3A [0] : vector<10x2x8xf32> to vector<2x8xf32>
    %slice3A = vector.extract_strided_slice %reduce_sum3A_3 {offsets = [0, 0], sizes = [1, 8], strides = [1, 1]} : vector<2x8xf32> to vector<1x8xf32>
    %mul3A = arith.constant 3.125000e-06 : f32
    %mul3A_4 = vector.broadcast %mul3A : f32 to vector<1x8xf32>
    %mul3A_5 = arith.mulf %slice3A, %mul3A_4 : vector<1x8xf32>
    %slice3A_6 = vector.extract_strided_slice %reduce_sum3A_3 {offsets = [1, 0], sizes = [1, 8], strides = [1, 1]} : vector<2x8xf32> to vector<1x8xf32>
    %mul3A_7 = arith.constant 3.125000e-06 : f32
    %mul3A_8 = vector.broadcast %mul3A_7 : f32 to vector<1x8xf32>
    %mul3A_9 = arith.mulf %slice3A_6, %mul3A_8 : vector<1x8xf32>
    %mul3A_10 = arith.mulf %mul3A_5, %mul3A_5 : vector<1x8xf32>
    %sub3A = arith.subf %mul3A_9, %mul3A_10 : vector<1x8xf32>
    %add3A = arith.constant 9.99999974E-6 : f32
    %add3A_11 = vector.broadcast %add3A : f32 to vector<1x8xf32>
    %add3A_12 = arith.addf %sub3A, %add3A_11 : vector<1x8xf32>
    %rsqrt3A = math.rsqrt %add3A_12 : vector<1x8xf32>
    %get3A_13 = arith.constant 0 : index
    %get3A_14 = arith.constant 0 : index
    %get3A_15 = vector.load %arg6[%get3A_13, %get3A_14] : memref<8x256xf32, #tpu.memory_space<vmem>>, vector<8x256xf32>
    %dot_general3A = arith.constant dense<0.000000e+00> : vector<1x256xf32>
    %dot_general3A_16 = tpu.matmul %mul3A_5, %get3A_15, %dot_general3A {dimension_numbers = #tpu.dot_dimension_numbers<[1], [0], [0], [1], [0, 0, 1, 1], [], []>, transpose_lhs_hint = false} : vector<1x8xf32>, vector<8x256xf32>, vector<1x256xf32> -> vector<1x256xf32>
    %get3A_17 = arith.constant 0 : index
    %get3A_18 = arith.constant 0 : index
    %get3A_19 = vector.load %arg6[%get3A_17, %get3A_18] : memref<8x256xf32, #tpu.memory_space<vmem>>, vector<8x256xf32>
    %dot_general3A_20 = arith.constant dense<0.000000e+00> : vector<1x256xf32>
    %dot_general3A_21 = tpu.matmul %rsqrt3A, %get3A_19, %dot_general3A_20 {dimension_numbers = #tpu.dot_dimension_numbers<[1], [0], [0], [1], [0, 0, 1, 1], [], []>, transpose_lhs_hint = false} : vector<1x8xf32>, vector<8x256xf32>, vector<1x256xf32> -> vector<1x256xf32>
    %get3A_22 = arith.constant 0 : index
    %get3A_23 = arith.constant 0 : index
    %get3A_24 = vector.load %arg1[%get3A_22, %get3A_23] : memref<1000x256xf32, #tpu.memory_space<vmem>>, vector<1000x256xf32>
    %sub3A_25 = vector.broadcast %dot_general3A_16 : vector<1x256xf32> to vector<1000x256xf32>
    %sub3A_26 = arith.subf %get3A_24, %sub3A_25 : vector<1000x256xf32>
    %mul3A_27 = vector.broadcast %dot_general3A_21 : vector<1x256xf32> to vector<1000x256xf32>
    %mul3A_28 = arith.mulf %sub3A_26, %mul3A_27 : vector<1000x256xf32>
    %get3A_29 = arith.constant 0 : index
    %get3A_30 = arith.constant 0 : index
    %get3A_31 = vector.load %arg3[%get3A_29, %get3A_30] : memref<1x256xf32, #tpu.memory_space<vmem>>, vector<1x256xf32>
    %mul3A_32 = vector.broadcast %get3A_31 : vector<1x256xf32> to vector<1000x256xf32>
    %mul3A_33 = arith.mulf %mul3A_28, %mul3A_32 : vector<1000x256xf32>
    %get3A_34 = arith.constant 0 : index
    %get3A_35 = arith.constant 0 : index
    %get3A_36 = vector.load %arg4[%get3A_34, %get3A_35] : memref<1x256xf32, #tpu.memory_space<vmem>>, vector<1x256xf32>
    %add3A_37 = vector.broadcast %get3A_36 : vector<1x256xf32> to vector<1000x256xf32>
    %add3A_38 = arith.addf %mul3A_33, %add3A_37 : vector<1000x256xf32>
    %get3A_39 = arith.constant 0 : index
    %get3A_40 = arith.constant 0 : index
    %get3A_41 = vector.load %arg5[%get3A_39, %get3A_40] : memref<1000x256xf32, #tpu.memory_space<vmem>>, vector<1000x256xf32>
    %add3A_42 = arith.addf %add3A_38, %get3A_41 : vector<1000x256xf32>
    %ge3A = arith.constant 0.000000e+00 : f32
    %ge3A_43 = vector.broadcast %ge3A : f32 to vector<1000x256xf32>
    %ge3A_44 = arith.cmpf oge, %add3A_42, %ge3A_43 : vector<1000x256xf32>
    %mul3A_45 = arith.constant 1.000000e-01 : f32
    %mul3A_46 = vector.broadcast %mul3A_45 : f32 to vector<1000x256xf32>
    %mul3A_47 = arith.mulf %mul3A_46, %add3A_42 : vector<1000x256xf32>
    %select_n3A = arith.select %ge3A_44, %add3A_42, %mul3A_47 : vector<1000x256xi1>, vector<1000x256xf32>
    %swap3A = arith.constant 0 : index
    %swap3A_48 = arith.constant 0 : index
    %swap3A_49 = vector.load %arg7[%swap3A, %swap3A_48] : memref<1000x256xf32, #tpu.memory_space<vmem>>, vector<1000x256xf32>
    tpu.vector_store %arg7[%swap3A, %swap3A_48], %select_n3A {strides = array<i32>} : memref<1000x256xf32, #tpu.memory_space<vmem>>, vector<1000x256xf32>,
    return
  }
  func.func @transform_0(%arg0: i32) -> (i32, i32) {
    %c0_i32 = arith.constant 0 : i32
    %c0_i32_0 = arith.constant 0 : i32
    return %arg0, %c0_i32 : i32, i32
  }
  func.func @transform_1(%arg0: i32) -> (i32, i32, i32) {
    %c0_i32 = arith.constant 0 : i32
    %c0_i32_0 = arith.constant 0 : i32
    %c0_i32_1 = arith.constant 0 : i32
    %c0_i32_2 = arith.constant 0 : i32
    return %c0_i32, %c0_i32_0, %c0_i32_1 : i32, i32, i32
  }
  func.func @transform_2(%arg0: i32) -> (i32, i32) {
    %c0_i32 = arith.constant 0 : i32
    %c0_i32_0 = arith.constant 0 : i32
    %c0_i32_1 = arith.constant 0 : i32
    return %c0_i32, %c0_i32_0 : i32, i32
  }
  func.func @transform_3(%arg0: i32) -> (i32, i32) {
    %c0_i32 = arith.constant 0 : i32
    %c0_i32_0 = arith.constant 0 : i32
    %c0_i32_1 = arith.constant 0 : i32
    return %c0_i32, %c0_i32_0 : i32, i32
  }
  func.func @transform_4(%arg0: i32) -> (i32, i32) {
    %c0_i32 = arith.constant 0 : i32
    %c0_i32_0 = arith.constant 0 : i32
    return %arg0, %c0_i32 : i32, i32
  }
  func.func @transform_5(%arg0: i32) -> (i32, i32) {
    %c0_i32 = arith.constant 0 : i32
    %c0_i32_0 = arith.constant 0 : i32
    %c0_i32_1 = arith.constant 0 : i32
    return %c0_i32, %c0_i32_0 : i32, i32
  }
  func.func @transform_6(%arg0: i32) -> (i32, i32) {
    %c0_i32 = arith.constant 0 : i32
    %c0_i32_0 = arith.constant 0 : i32
    return %arg0, %c0_i32 : i32, i32
  }
}

</mosaic_0001>

<sc_bundles>
// kernel: kernel.7.cloned.1.call-start
scs
__scs_entry_jumppad:
0x0: {  	(pc) =	sbr.rel $0x88, $3  }
0x1: {  	(tag) =	ssettag $0x0;
	lr =	simm.s32 $0x1  }
0x2: {  	[smem:$0x3F93] =	sst lr;
	_ =	strace $0xD0000000  }
0x3: {  	_ = 	snop  }
0x4: {  	_ = 	snop  }
0x5: {  	_ = 	snop  }
0x6: {  	_ = 	snop  }
0x7: {  	_ = 	snop  }
__scs_overlays_trampoline_lowered:
0x8: {  	[smem:$0x3FA2] =	sst s0  }
0x9: {  	[smem:$0x3FA3] =	sst s1  }
0xa: {  	[smem:$0x3FA4] =	sst s2  }
0xb: {  	[smem:$0x3FA5] =	sst s3  }
0xc: {  	[smem:$0x3FA6] =	sst s4  }
0xd: {  	[smem:$0x3FA7] =	sst s5  }
0xe: {  	[smem:$0x3FA8] =	sst s6  }
0xf: {  	[smem:$0x3FA9] =	sst s7  }
0x10: {  	[smem:$0x3FAA] =	sst s8  }
0x11: {  	[smem:$0x3FAB] =	sst s9;
	s0 =	simm.s32 @!p0 $0x0  }
0x12: {  	s1 =	sld [smem:$0x3F91];
	s0 =	simm.s32 @p0 $0x1  }
0x13: {  	[smem:$0x3FAC] =	sst s0;
	s0 =	simm.s32 @!p1 $0x0  }
0x14: {  	s2 =	sld [smem:$0x3F90];
	s0 =	simm.s32 @p1 $0x1  }
0x15: {  	[smem:$0x3FAD] =	sst s0;
	s0 =	simm.s32 @!p2 $0x0  }
0x16: {  	s3 =	sld [smem:$0x3FDB];
	s0 =	simm.s32 @p2 $0x1  }
0x17: {  	s4 =	simm.s32 $0x1BF5;
	[smem:$0x3FAF] =	sst s0  }
0x18: {  	s0 =	sld [smem:$0x3F92];
	_ =	swait.ge [sflag:s4], $0x0  }
0x19: {  	s7 =	sld [smem:$0x3F93]  }
0x1a: {  	s8 =	sadd.s32 $0xFFFFE003, lr  }
0x1b: {  	s9 =	sadd.s32 $0xFFFFFEF7, lr;
	s5 =	simm.s32 $0xFFFFFFFF;
	p2 =	slt.u32 s8, $0xFFFFF086  }
0x1c: {  	p1 =	slt.u32 s9, $0xF7A;
	s5 =	simm.s32 @!p2 $0x0  }
0x1d: {  	s5 =	simm.s32 @p1 $0x1;
	p0 =	seq.s32 s7, s2  }
0x1e: {  	s7 =	smul.u32 @!p0 $0xF7A, s2;
	p2 =	seq.s32 @!p0 s5, $0x0  }
0x1f: {  	s9 =	smul.u32 $0xF7A, s1;
	s8 =	simm.s32 @!p0 $0x1BF5;
	p2 =	por !p2, p0  }
0x20: {  	[sflag:s8] =	ssyncset.s32 @!p0 $0xFFFFF086;
	s6 =	sadd.s32 @!p0 s3, s7;
	s7 =	simm.s32 @!p0 $0x108  }
0x21: {  	s3 =	sadd.s32 s3, s9;
	s6 =	sadd.s32 @!p0 $0x88, s6;
	s7 =	simm.s32 @p2 $0x1082  }
0x22: {  	[simem:s7], [sflag:s8] =	dma.local @!p0 [hbm:s6], $0xF7A  }
0x23: {  	s9 =	sor.u32 $0xD0000000, s2;
	s6 =	simm.s32 $0x108;
	_ =	swait.ge @!p0 [sflag:s8], $0x0  }
0x24: {  	s3 =	sadd.s32 $0x88, s3;
	s6 =	simm.s32 @!p1 $0x1082;
	[sflag:s4] =	ssyncset.s32 $0xFFFFF086  }
0x25: {  	[simem:s6], [sflag:s4] =	dma.local [hbm:s3], $0xF7A  }
0x26: {  	[smem:$0x3F93] =	sst s1;
	(tag) =	ssettag s2;
	_ =	strace s9  }
0x27: {  	s1 =	sld [smem:$0x3FA3]  }
0x28: {  	s2 =	sld [smem:$0x3FA4]  }
0x29: {  	s4 =	sld [smem:$0x3FA6]  }
0x2a: {  	p0 =	seq.s32 s5, $0x0;
	s5 =	sld [smem:$0x3FA7]  }
0x2b: {  	s6 =	sld [smem:$0x3FA8]  }
0x2c: {  	s7 =	sld [smem:$0x3FA9]  }
0x2d: {  	s3 =	simm.s32 $0x108;
	s8 =	sld [smem:$0x3FAA]  }
0x2e: {  	s3 =	simm.s32 @!p0 $0x1082;
	s9 =	sld [smem:$0x3FAB]  }
0x2f: {  	lr =	sadd.s32 s0, s3;
	s0 =	sld [smem:$0x3FA2]  }
0x30: {  	s3 =	sld [smem:$0x3FA5]  }
0x31: {  	[smem:$0x3FAE] =	sst s10  }
0x32: {  	s10 =	sld [smem:$0x3FAC];
	_ =	sdelay $0x3  }
0x33: {  	p0 =	seq.s32 s10, $0x1;
	s10 =	sld [smem:$0x3FAE];
	_ =	sdelay $0x3  }
0x34: {  	[smem:$0x3FAE] =	sst s10  }
0x35: {  	s10 =	sld [smem:$0x3FAD];
	_ =	sdelay $0x3  }
0x36: {  	p1 =	seq.s32 s10, $0x1;
	s10 =	sld [smem:$0x3FAE];
	_ =	sdelay $0x3  }
0x37: {  	[smem:$0x3FAE] =	sst s10  }
0x38: {  	s10 =	sld [smem:$0x3FAF]  }
0x39: {  	_ = 	snop;
	(pc) =	sbr.ind lr, $3  }
0x3a: {  	_ = 	snop  }
0x3b: {  	_ = 	snop  }
0x3c: {  	p2 =	seq.s32 s10, $0x1;
	s10 =	sld [smem:$0x3FAE]  }
0x3d: {  	_ =	shalt  }
0x3e: {  	_ =	shalt  }
0x3f: {  	_ =	shalt  }
0x40: {  	_ =	shalt  }
0x41: {  	_ =	shalt  }
0x42: {  	_ =	shalt  }
0x43: {  	_ =	shalt  }
0x44: {  	_ =	shalt  }
0x45: {  	_ =	shalt  }
0x46: {  	_ =	shalt  }
0x47: {  	_ =	shalt  }
0x48: {  	_ =	shalt  }
0x49: {  	_ =	shalt  }
0x4a: {  	_ =	shalt  }
0x4b: {  	_ =	shalt  }
0x4c: {  	_ =	shalt  }
0x4d: {  	_ =	shalt  }
0x4e: {  	_ =	shalt  }
0x4f: {  	_ =	shalt  }
0x50: {  	_ =	shalt  }
0x51: {  	_ =	shalt  }
0x52: {  	_ =	shalt  }
0x53: {  	_ =	shalt  }
0x54: {  	_ =	shalt  }
0x55: {  	_ =	shalt  }
0x56: {  	_ =	shalt  }
0x57: {  	_ =	shalt  }
0x58: {  	_ =	shalt  }
0x59: {  	_ =	shalt  }
0x5a: {  	_ =	shalt  }
0x5b: {  	_ =	shalt  }
0x5c: {  	_ =	shalt  }
0x5d: {  	_ =	shalt  }
0x5e: {  	_ =	shalt  }
0x5f: {  	_ =	shalt  }
0x60: {  	_ =	shalt  }
0x61: {  	_ =	shalt  }
0x62: {  	_ =	shalt  }
0x63: {  	_ =	shalt  }
0x64: {  	_ =	shalt  }
0x65: {  	_ =	shalt  }
0x66: {  	_ =	shalt  }
0x67: {  	_ =	shalt  }
0x68: {  	_ =	shalt  }
0x69: {  	_ =	shalt  }
0x6a: {  	_ =	shalt  }
0x6b: {  	_ =	shalt  }
0x6c: {  	_ =	shalt  }
0x6d: {  	_ =	shalt  }
0x6e: {  	_ =	shalt  }
0x6f: {  	_ =	shalt  }
0x70: {  	_ =	shalt  }
0x71: {  	_ =	shalt  }
0x72: {  	_ =	shalt  }
0x73: {  	_ =	shalt  }
0x74: {  	_ =	shalt  }
0x75: {  	_ =	shalt  }
0x76: {  	_ =	shalt  }
0x77: {  	_ =	shalt  }
0x78: {  	_ =	shalt  }
0x79: {  	_ =	shalt  }
0x7a: {  	_ =	shalt  }
0x7b: {  	_ =	shalt  }
0x7c: {  	_ =	shalt  }
0x7d: {  	_ =	shalt  }
0x7e: {  	_ =	shalt  }
0x7f: {  	_ =	shalt  }
0x80: {  	_ =	shalt  }
0x81: {  	_ =	shalt  }
0x82: {  	_ =	shalt  }
0x83: {  	_ =	shalt  }
0x84: {  	_ =	shalt  }
0x85: {  	_ =	shalt  }
0x86: {  	_ =	shalt  }
0x87: {  	_ =	shalt  }
.Lfunc_end0:
.L_simem_size_0:
called_computation_lowered:
.L_overlay_start_0:
0x88: {  	s2 =	sld [smem:$0x3FD9]  }
0x89: {  	s3 =	sld [smem:$0x3FFE];
	_ =	sdelay $0x1  }
0x8a: {  	s1 =	srdreg.scid  }
0x8b: {  	s0 =	sand.u32 $0x1, s1  }
0x8c: {  	s17 =	sshll.u32 s0, $0xA;
	s2 =	sadd.s32 s3, s2  }
0x8d: {  	s2 =	sadd.s32 s2, s17  }
0x8e: {  	[smem:$0x3FBA] =	sst s2  }
0x8f: {  	_ = 	snop  }
0x90: {  	s2 =	sld [smem:$0x3FD0];
	(tm) =	ssettm $0x1  }
0x91: {  	s18 =	sld [smem:$0x3FFB];
	_ =	sdelay $0x3  }
0x92: {  	_ =	strace s18  }
0x93: {  	s3 =	sld [smem:$0x3FFC];
	_ =	sdelay $0x3  }
0x94: {  	_ =	strace s3  }
0x95: {  	s3 =	sld [smem:$0x3FFD];
	_ =	sdelay $0x3  }
0x96: {  	_ =	strace s3  }
0x97: {  	_ =	strace $0x8FFFFFFF  }
0x98: {  	s19 =	sld [smem:$0x3FDB];
	_ =	sdelay $0x1  }
0x99: {  	s4 =	simm.s32 $_scs_section_size  }
0x9a: {  	s5 =	simm.s32 $_size__tile_overlayer_lowered;
	s6 =	simm.s32 $_tile_overlayer_lowered  }
0x9b: {  	s22 =	simm.s32 $0x1BFF;
	s21 =	sshll.u32 s6, $0x1;
	s3 =	sadd.s32 s4, s19  }
0x9c: {  	s7 =	simm.s32 $0x0;
	s20 =	sshll.u32 s5, $0x1;
	s5 =	sadd.s32 s21, s3  }
0x9d: {  	[timem:s7], [sflag:s22] =	dma.local [hbm:s5], s20  }
0x9e: {  	_ =	swait.ge [sflag:s22], s20  }
0x9f: {  	s4 =	ssub.s32 $0x0, s20;
	[sflag:s22] =	ssyncset.done $0x0  }
0xa0: {  	[sflag:s22] =	ssyncadd.s32 s4;
	_ =	sdelay $0x1  }
0xa1: {  	s23 =	simm.s32 $0x1B8B  }
0xa2: {  	_ =	swait.ge [sflag:s23], $0x1  }
0xa3: {  	[sflag:s23] =	ssyncset.done $0x0  }
0xa4: {  	s25 =	simm.s32 $0x1B8E;
	s24 =	sld [smem:$0x3FFE];
	[sflag:s23] =	ssyncadd.s32 $0xFFFFFFFF  }
0xa5: {  	s26 =	simm.s32 $execute0_lowered;
	[smem:$0x3FD2] =	sst s25  }
0xa6: {  	s5 =	sshll.u32 s26, $0x1;
	_ =	strace $0x80000046;
	[dreg:$0x1] =	wrdreg $0xFFFFFFFF  }
0xa7: {  	s28 =	simm.s32 $_size_execute0_lowered;
	s3 =	sadd.s32 s3, s5;
	[dreg:$0x0] =	wrdreg $0x0  }
0xa8: {  	s5 =	sshll.u32 s28, $0x1;
	[dreg:$0x2] =	wrdreg s3  }
0xa9: {  	[dreg:$0x3] =	wrdreg s5  }
0xaa: {  	[dreg:$0x4] =	wrdreg $0xC0  }
0xab: {  	_ =	task [dreg:s7], $0x5FFFF  }
0xac: {  	[dreg:$0x1] =	wrdreg $0xFFFFFFFF  }
0xad: {  	[dreg:$0x0] =	wrdreg $0x60  }
0xae: {  	[dreg:$0x2] =	wrdreg s2  }
0xaf: {  	[dreg:$0x3] =	wrdreg s24  }
0xb0: {  	[dreg:$0x4] =	wrdreg $0x94000  }
0xb1: {  	[dreg:$0x5] =	wrdreg $0x9  }
0xb2: {  	_ =	task.clear_ibuf [dreg:s7], $0x6FFFF;
	_ =	strace $0x90000046  }
0xb3: {  	s29 =	simm.s32 $0x9;
	_ =	strace $0x80000048  }
0xb4: {  	_ =	swait.ge [sflag:s29], $0x1  }
0xb5: {  	[sflag:s29] =	ssyncadd.s32 $0xFFFFFFFF  }
0xb6: {  	_ =	strace $0x90000048  }
0xb7: {  	_ =	sfence  }
0xb8: {  	s30 =	sld [smem:$0x0];
	_ =	sdelay $0x2  }
0xb9: {  	s31 =	sshll.u32 s1, $0xD;
	s1 =	sshrl.u32 s1, $0x2  }
0xba: {  	s3 =	sand.u32 $0x4000, s31;
	s1 =	sadd.s32 s1, s30  }
0xbb: {  	s0 =	sor.u32 s3, s0;
	s1 =	sshll.u32 s1, $0x11  }
0xbc: {  	s0 =	sor.u32 s1, s0  }
0xbd: {  	s0 =	sadd.s32 $0x8F2B, s0  }
0xbe: {  	[sflag:s0] =	ssyncadd.remote.s32 $0x1  }
0xbf: {  	_ =	sfence.sel $0xFFFF  }
0xc0: {  	[dreg:$0x0] =	wrdreg $0xFFFFFFFF;
	(pc) =	sbr.abs _section_cstart, $3  }
0xc1: {  	[dreg:$0x1] =	wrdreg $0xFFFFFFFF  }
0xc2: {  	_ =	task.clear_ibuf [dreg:s7], $0x2FFFF;
	_ =	strace $0x9FFFFFFF  }
0xc3: {  	(tm) =	ssettm $0x7FFFFFFF  }
tec
execute0_lowered:
.L_overlay_start_1:
0x0: {  	(tag) =	ssettag $0x1  }
0x1: {  	s3 =	rddreg [dreg:$0x0];
	s0 =	srdreg.scid  }
0x2: {  	s4 =	stileid.u32;
	s5 =	rddreg [dreg:$0x1]  }
0x3: {  	s2 =	simm.s32 $0x0;
	s31 =	sand.u32 $0x1, s0;
	s22 =	sshll.u32 s4, $0x1  }
0x4: {  	[smem:$0x7FF] =	sst s2;
	s8 =	smul.u32 $0x2700, s4;
	s6 =	sor.u32 s31, s22  }
0x5: {  	s1 =	rddreg [dreg:$0x2];
	_ =	strace $0x80000047;
	s7 =	smul.u32 $0x280, s6  }
0x6: {  	s8 =	sadd.s32 s3, s8;
	s9 =	smul.u32 $0x14000, s6;
	s3 =	sadd.s32 $0x27000, s3  }
0x7: {  	[dreg:$0x4] =	wrdreg s8;
	s7 =	sadd.s32 s7, s5;
	s5 =	sadd.s32 $0x8C00, s5  }
0x8: {  	[dreg:$0x5] =	wrdreg s3;
	s7 =	sadd.s32 $0x3C00, s7;
	s3 =	sadd.s32 s5, s9  }
0x9: {  	[dreg:$0x6] =	wrdreg s7;
	s23 =	sadd.s32 $0x800, s3  }
0xa: {  	s24 =	sadd.s32 $0x1000, s3;
	[dreg:$0x7] =	wrdreg s23  }
0xb: {  	s25 =	sadd.s32 $0x1800, s3;
	[dreg:$0x8] =	wrdreg s24  }
0xc: {  	s6 =	smul.u32 $0xA0000, s6;
	s26 =	sadd.s32 $0x2000, s3;
	[dreg:$0x9] =	wrdreg s25  }
0xd: {  	s0 =	sadd.s32 $0x2800, s3;
	[dreg:$0xa] =	wrdreg s26  }
0xe: {  	s6 =	sshrl.u32 s6, $0x3;
	s8 =	sadd.s32 $0x3000, s3;
	[dreg:$0xb] =	wrdreg s0  }
0xf: {  	s5 =	sadd.s32 s5, s6;
	s9 =	sadd.s32 $0x3800, s3;
	[dreg:$0xc] =	wrdreg s8  }
0x10: {  	s6 =	sadd.s32 $0x4000, s5;
	[dreg:$0xd] =	wrdreg s9  }
0x11: {  	s10 =	sadd.s32 $0x4800, s5;
	[dreg:$0xe] =	wrdreg s6  }
0x12: {  	s11 =	sadd.s32 $0x5000, s5;
	[dreg:$0xf] =	wrdreg s10  }
0x13: {  	s12 =	sadd.s32 $0x5800, s5;
	[dreg:$0x10] =	wrdreg s11  }
0x14: {  	s13 =	sadd.s32 $0x6000, s5;
	[dreg:$0x11] =	wrdreg s12  }
0x15: {  	s14 =	sadd.s32 $0x6800, s5;
	[dreg:$0x12] =	wrdreg s13  }
0x16: {  	s15 =	sadd.s32 $0x7000, s5;
	[dreg:$0x13] =	wrdreg s14  }
0x17: {  	s16 =	sadd.s32 $0x7800, s5;
	[dreg:$0x14] =	wrdreg s15  }
0x18: {  	s17 =	sadd.s32 $0x8000, s5;
	[dreg:$0x15] =	wrdreg s16  }
0x19: {  	s18 =	sadd.s32 $0x8800, s5;
	[dreg:$0x16] =	wrdreg s17  }
0x1a: {  	s19 =	sadd.s32 $0x9000, s5;
	[dreg:$0x17] =	wrdreg s18  }
0x1b: {  	s20 =	sadd.s32 $0x9800, s5;
	[dreg:$0x18] =	wrdreg s19  }
0x1c: {  	s21 =	sadd.s32 $0xA000, s5;
	[dreg:$0x19] =	wrdreg s20  }
0x1d: {  	s22 =	sadd.s32 $0xA800, s5;
	[dreg:$0x1a] =	wrdreg s21  }
0x1e: {  	s7 =	sadd.s32 $0xD800, s5;
	[dreg:$0x1b] =	wrdreg s22  }
0x1f: {  	s23 =	sadd.s32 $0xB000, s5;
	[smem:$0x7F1] =	sst s7  }
0x20: {  	s24 =	sadd.s32 $0xB800, s5;
	[dreg:$0x1c] =	wrdreg s23  }
0x21: {  	s25 =	sadd.s32 $0xC000, s5;
	[dreg:$0x1d] =	wrdreg s24  }
0x22: {  	s26 =	sadd.s32 $0xC800, s5;
	[dreg:$0x1e] =	wrdreg s25  }
0x23: {  	s0 =	sadd.s32 $0xD000, s5;
	[dreg:$0x1f] =	wrdreg s26  }
0x24: {  	s8 =	sadd.s32 $0xE000, s5;
	[smem:$0x7F0] =	sst s0  }
0x25: {  	s9 =	sadd.s32 $0xE800, s5;
	[smem:$0x7F2] =	sst s8  }
0x26: {  	s10 =	sadd.s32 $0xF000, s5;
	[smem:$0x7F3] =	sst s9  }
0x27: {  	s11 =	sadd.s32 $0xF800, s5;
	[smem:$0x7F4] =	sst s10  }
0x28: {  	s12 =	sadd.s32 $0x10000, s5;
	[smem:$0x7F5] =	sst s11  }
0x29: {  	s13 =	sadd.s32 $0x10800, s5;
	[smem:$0x7F6] =	sst s12  }
0x2a: {  	s14 =	sadd.s32 $0x11000, s5;
	[smem:$0x7F7] =	sst s13  }
0x2b: {  	s16 =	sadd.s32 $0x11800, s5;
	[smem:$0x7F8] =	sst s14  }
0x2c: {  	s17 =	sadd.s32 $0x12000, s5;
	[smem:$0x7F9] =	sst s16  }
0x2d: {  	s18 =	sadd.s32 $0x12800, s5;
	[smem:$0x7FA] =	sst s17  }
0x2e: {  	s19 =	sadd.s32 $0x13000, s5;
	[smem:$0x7FB] =	sst s18  }
0x2f: {  	s5 =	sadd.s32 $0x13800, s5;
	[smem:$0x7FC] =	sst s19  }
0x30: {  	s21 =	simm.s32 $0x100;
	[smem:$0x7FD] =	sst s5  }
0x31: {  	s22 =	simm.s32 $0x180;
	[smem:$0x7DD] =	sst s21  }
0x32: {  	s6 =	simm.s32 $0x480;
	[smem:$0x7DE] =	sst s22  }
0x33: {  	[smem:$0x7E4] =	sst s6  }
0x34: {  	s23 =	simm.s32 $0x200;
	s16 =	rddreg [dreg:$0x4]  }
0x35: {  	s24 =	simm.s32 $0x280;
	[smem:$0x7DF] =	sst s23  }
0x36: {  	s25 =	simm.s32 $0x300;
	[smem:$0x7E0] =	sst s24  }
0x37: {  	s26 =	simm.s32 $0x380;
	[smem:$0x7E1] =	sst s25  }
0x38: {  	s0 =	simm.s32 $0x400;
	[smem:$0x7E2] =	sst s26  }
0x39: {  	s9 =	simm.s32 $0x600;
	[smem:$0x7E3] =	sst s0  }
0x3a: {  	s10 =	simm.s32 $0x680;
	[smem:$0x7E7] =	sst s9  }
0x3b: {  	s11 =	simm.s32 $0x700;
	[smem:$0x7E8] =	sst s10  }
0x3c: {  	s12 =	simm.s32 $0x780;
	[smem:$0x7E9] =	sst s11  }
0x3d: {  	s13 =	simm.s32 $0x800;
	[smem:$0x7EA] =	sst s12  }
0x3e: {  	p0 =	sne.s32 s4, $0x0;
	s14 =	simm.s32 $0x880;
	[smem:$0x7EB] =	sst s13  }
0x3f: {  	s15 =	smul.u32 $0x4E000, s4;
	s17 =	simm.s32 $0x980;
	[smem:$0x7EC] =	sst s14  }
0x40: {  	s8 =	sadd.s32 $0x138000, s1;
	s19 =	simm.s32 $0xA00;
	[smem:$0x7EE] =	sst s17  }
0x41: {  	s7 =	sshrl.u32 s15, $0x2;
	s5 =	sshrl.u32 @!p0 s8, $0x3;
	[smem:$0x7EF] =	sst s19  }
0x42: {  	s8 =	simm.s32 $0x580;
	s7 =	sadd.s32 s7, s1;
	[smem:$0x7DC] =	sst s5  }
0x43: {  	[smem:$0x7E6] =	sst s8;
	s20 =	sshrl.u32 s7, $0x3  }
0x44: {  	[smem:$0x7DB] =	sst s20  }
0x45: {  	s15 =	simm.s32 $0x900;
	s18 =	sld [smem:$0x7DB]  }
0x46: {  	s4 =	sshll.u32 s4, $0x6;
	[smem:$0x7ED] =	sst s15;
	s7 =	simm.s32 $0x500  }
0x47: {  	s5 =	sor.u32 $0x1C02, s4;
	s4 =	simm.s32 $0x2;
	[smem:$0x7E5] =	sst s7  }
0x48: {  	[spmem:s18], [sflag:s5] =	dma.local [hbm:s16], $0x2700  }
0x49: {  	_ =	swait.ge [sflag:s4], $0x2700  }
0x4a: {  	s8 =	sld [smem:$0x7DC]  }
0x4b: {  	[sflag:s4] =	ssyncset.done $0x0  }
0x4c: {  	s6 =	simm.s32 @!p0 $0x2;
	s7 =	rddreg [dreg:$0x5];
	[sflag:s4] =	ssyncadd.s32 $0xFFFFD900  }
0x4d: {  	[spmem:s8], [sflag:s5] =	dma.local @!p0 [hbm:s7], $0x100  }
0x4e: {  	_ =	swait.ge @!p0 [sflag:s6], $0x100  }
0x4f: {  	[sflag:s6] =	ssyncset.done @!p0 $0x0  }
0x50: {  	s20 =	rddreg [dreg:$0x6];
	[sflag:s6] =	ssyncadd.s32 @!p0 $0xFFFFFF00  }
0x51: {  	[tilespmem:s2], [sflag:$0x2] =	stream.linear.gather [hbm4b:s20+s2], $0x1400, $0x38;
	[tilespmem:$0x1CC80] =	vst v63  }
0x52: {  	_ =	swait.ge [sflag:s4], $0x1400  }
0x53: {  	[sflag:s4] =	ssyncset.done $0x0  }
0x54: {  	[sflag:s4] =	ssyncadd.s32 $0xFFFFEC00  }
0x55: {  	s7 =	simm.s32 $0x80;
	s8 =	simm.s32 $0x1400;
	[bflag:$0x0] =	sbarrier.arrive $0xFFFF  }
0x56: {  	[tilespmem:s8], [sflag:$0x1] =	stream.indirect.gather [spmem:s1], $0x80, s2, s7, $0xb8;
	[tilespmem:$0x1CC80] =	vst v63  }
0x57: {  	s9 =	simm.s32 $0x5400;
	s10 =	simm.s32 $0x1  }
0x58: {  	[tilespmem:s9], [sflag:$0x1] =	stream.indirect.gather [spmem:s1], $0x80, s7, s7, $0xb8;
	[tilespmem:$0x1CC80] =	vst v63  }
0x59: {  	_ =	swait.ge [sflag:s10], $0x4000  }
0x5a: {  	[sflag:s10] =	ssyncset.done $0x0  }
0x5b: {  	[sflag:s10] =	ssyncadd.s32 $0xFFFFC000  }
0x5c: {  	[hbm4b:s3+s2] =	stream.linear.scatter [tilespmem:s8], [sflag:$0x2], $0x4000, $0x38;
	[tilespmem:$0x1CC80] =	vst v63  }
0x5d: {  	_ =	swait.ge [sflag:s4], $0x4000  }
0x5e: {  	s11 =	sld [smem:$0x7DD]  }
0x5f: {  	[sflag:s4] =	ssyncset.done $0x0  }
0x60: {  	[sflag:s4] =	ssyncadd.s32 $0xFFFFC000  }
0x61: {  	[tilespmem:s8], [sflag:$0x1] =	stream.indirect.gather [spmem:s1], $0x80, s11, s7, $0xb8;
	[tilespmem:$0x1CC80] =	vst v63  }
0x62: {  	_ =	swait.ge [sflag:s10], $0x4000  }
0x63: {  	[sflag:s10] =	ssyncset.done $0x0  }
0x64: {  	s21 =	rddreg [dreg:$0x7];
	[sflag:s10] =	ssyncadd.s32 $0xFFFFC000  }
0x65: {  	[hbm4b:s21+s2] =	stream.linear.scatter [tilespmem:s9], [sflag:$0x2], $0x4000, $0x38;
	[tilespmem:$0x1CC80] =	vst v63  }
0x66: {  	_ =	swait.ge [sflag:s4], $0x4000  }
0x67: {  	s22 =	sld [smem:$0x7DE]  }
0x68: {  	[sflag:s4] =	ssyncset.done $0x0  }
0x69: {  	[sflag:s4] =	ssyncadd.s32 $0xFFFFC000  }
0x6a: {  	[tilespmem:s9], [sflag:$0x1] =	stream.indirect.gather [spmem:s1], $0x80, s22, s7, $0xb8;
	[tilespmem:$0x1CC80] =	vst v63  }
0x6b: {  	_ =	swait.ge [sflag:s10], $0x4000  }
0x6c: {  	[sflag:s10] =	ssyncset.done $0x0  }
0x6d: {  	s23 =	rddreg [dreg:$0x8];
	[sflag:s10] =	ssyncadd.s32 $0xFFFFC000  }
0x6e: {  	[hbm4b:s23+s2] =	stream.linear.scatter [tilespmem:s8], [sflag:$0x2], $0x4000, $0x38;
	[tilespmem:$0x1CC80] =	vst v63  }
0x6f: {  	_ =	swait.ge [sflag:s4], $0x4000  }
0x70: {  	s24 =	sld [smem:$0x7DF]  }
0x71: {  	[sflag:s4] =	ssyncset.done $0x0  }
0x72: {  	[sflag:s4] =	ssyncadd.s32 $0xFFFFC000  }
0x73: {  	[tilespmem:s8], [sflag:$0x1] =	stream.indirect.gather [spmem:s1], $0x80, s24, s7, $0xb8;
	[tilespmem:$0x1CC80] =	vst v63  }
0x74: {  	_ =	swait.ge [sflag:s10], $0x4000  }
0x75: {  	[sflag:s10] =	ssyncset.done $0x0  }
0x76: {  	s25 =	rddreg [dreg:$0x9];
	[sflag:s10] =	ssyncadd.s32 $0xFFFFC000  }
0x77: {  	[hbm4b:s25+s2] =	stream.linear.scatter [tilespmem:s9], [sflag:$0x2], $0x4000, $0x38;
	[tilespmem:$0x1CC80] =	vst v63  }
0x78: {  	_ =	swait.ge [sflag:s4], $0x4000  }
0x79: {  	s26 =	sld [smem:$0x7E0]  }
0x7a: {  	[sflag:s4] =	ssyncset.done $0x0  }
0x7b: {  	[sflag:s4] =	ssyncadd.s32 $0xFFFFC000  }
0x7c: {  	[tilespmem:s9], [sflag:$0x1] =	stream.indirect.gather [spmem:s1], $0x80, s26, s7, $0xb8;
	[tilespmem:$0x1CC80] =	vst v63  }
0x7d: {  	_ =	swait.ge [sflag:s10], $0x4000  }
0x7e: {  	[sflag:s10] =	ssyncset.done $0x0  }
0x7f: {  	s0 =	rddreg [dreg:$0xa];
	[sflag:s10] =	ssyncadd.s32 $0xFFFFC000  }
0x80: {  	[hbm4b:s0+s2] =	stream.linear.scatter [tilespmem:s8], [sflag:$0x2], $0x4000, $0x38;
	[tilespmem:$0x1CC80] =	vst v63  }
0x81: {  	_ =	swait.ge [sflag:s4], $0x4000  }
0x82: {  	s12 =	sld [smem:$0x7E1]  }
0x83: {  	[sflag:s4] =	ssyncset.done $0x0  }
0x84: {  	[sflag:s4] =	ssyncadd.s32 $0xFFFFC000  }
0x85: {  	[tilespmem:s8], [sflag:$0x1] =	stream.indirect.gather [spmem:s1], $0x80, s12, s7, $0xb8;
	[tilespmem:$0x1CC80] =	vst v63  }
0x86: {  	_ =	swait.ge [sflag:s10], $0x4000  }
0x87: {  	[sflag:s10] =	ssyncset.done $0x0  }
0x88: {  	s13 =	rddreg [dreg:$0xb];
	[sflag:s10] =	ssyncadd.s32 $0xFFFFC000  }
0x89: {  	[hbm4b:s13+s2] =	stream.linear.scatter [tilespmem:s9], [sflag:$0x2], $0x4000, $0x38;
	[tilespmem:$0x1CC80] =	vst v63  }
0x8a: {  	_ =	swait.ge [sflag:s4], $0x4000  }
0x8b: {  	s14 =	sld [smem:$0x7E2]  }
0x8c: {  	[sflag:s4] =	ssyncset.done $0x0  }
0x8d: {  	[sflag:s4] =	ssyncadd.s32 $0xFFFFC000  }
0x8e: {  	[tilespmem:s9], [sflag:$0x1] =	stream.indirect.gather [spmem:s1], $0x80, s14, s7, $0xb8;
	[tilespmem:$0x1CC80] =	vst v63  }
0x8f: {  	_ =	swait.ge [sflag:s10], $0x4000  }
0x90: {  	[sflag:s10] =	ssyncset.done $0x0  }
0x91: {  	s15 =	rddreg [dreg:$0xc];
	[sflag:s10] =	ssyncadd.s32 $0xFFFFC000  }
0x92: {  	[hbm4b:s15+s2] =	stream.linear.scatter [tilespmem:s8], [sflag:$0x2], $0x4000, $0x38;
	[tilespmem:$0x1CC80] =	vst v63  }
0x93: {  	_ =	swait.ge [sflag:s4], $0x4000  }
0x94: {  	s16 =	sld [smem:$0x7E3]  }
0x95: {  	[sflag:s4] =	ssyncset.done $0x0  }
0x96: {  	[sflag:s4] =	ssyncadd.s32 $0xFFFFC000  }
0x97: {  	[tilespmem:s8], [sflag:$0x1] =	stream.indirect.gather [spmem:s1], $0x80, s16, s7, $0xb8;
	[tilespmem:$0x1CC80] =	vst v63  }
0x98: {  	_ =	swait.ge [sflag:s10], $0x4000  }
0x99: {  	[sflag:s10] =	ssyncset.done $0x0  }
0x9a: {  	s17 =	rddreg [dreg:$0xd];
	[sflag:s10] =	ssyncadd.s32 $0xFFFFC000  }
0x9b: {  	[hbm4b:s17+s2] =	stream.linear.scatter [tilespmem:s9], [sflag:$0x2], $0x4000, $0x38;
	[tilespmem:$0x1CC80] =	vst v63  }
0x9c: {  	_ =	swait.ge [sflag:s4], $0x4000  }
0x9d: {  	s18 =	sld [smem:$0x7E4]  }
0x9e: {  	[sflag:s4] =	ssyncset.done $0x0  }
0x9f: {  	[sflag:s4] =	ssyncadd.s32 $0xFFFFC000  }
0xa0: {  	[tilespmem:s9], [sflag:$0x1] =	stream.indirect.gather [spmem:s1], $0x80, s18, s7, $0xb8;
	[tilespmem:$0x1CC80] =	vst v63  }
0xa1: {  	_ =	swait.ge [sflag:s10], $0x4000  }
0xa2: {  	[sflag:s10] =	ssyncset.done $0x0  }
0xa3: {  	s19 =	rddreg [dreg:$0xe];
	[sflag:s10] =	ssyncadd.s32 $0xFFFFC000  }
0xa4: {  	[hbm4b:s19+s2] =	stream.linear.scatter [tilespmem:s8], [sflag:$0x2], $0x4000, $0x38;
	[tilespmem:$0x1CC80] =	vst v63  }
0xa5: {  	_ =	swait.ge [sflag:s4], $0x4000  }
0xa6: {  	s20 =	sld [smem:$0x7E5]  }
0xa7: {  	[sflag:s4] =	ssyncset.done $0x0  }
0xa8: {  	[sflag:s4] =	ssyncadd.s32 $0xFFFFC000  }
0xa9: {  	[tilespmem:s8], [sflag:$0x1] =	stream.indirect.gather [spmem:s1], $0x80, s20, s7, $0xb8;
	[tilespmem:$0x1CC80] =	vst v63  }
0xaa: {  	_ =	swait.ge [sflag:s10], $0x4000  }
0xab: {  	[sflag:s10] =	ssyncset.done $0x0  }
0xac: {  	s21 =	rddreg [dreg:$0xf];
	[sflag:s10] =	ssyncadd.s32 $0xFFFFC000  }
0xad: {  	[hbm4b:s21+s2] =	stream.linear.scatter [tilespmem:s9], [sflag:$0x2], $0x4000, $0x38;
	[tilespmem:$0x1CC80] =	vst v63  }
0xae: {  	_ =	swait.ge [sflag:s4], $0x4000  }
0xaf: {  	s22 =	sld [smem:$0x7E6]  }
0xb0: {  	[sflag:s4] =	ssyncset.done $0x0  }
0xb1: {  	[sflag:s4] =	ssyncadd.s32 $0xFFFFC000  }
0xb2: {  	[tilespmem:s9], [sflag:$0x1] =	stream.indirect.gather [spmem:s1], $0x80, s22, s7, $0xb8;
	[tilespmem:$0x1CC80] =	vst v63  }
0xb3: {  	_ =	swait.ge [sflag:s10], $0x4000  }
0xb4: {  	[sflag:s10] =	ssyncset.done $0x0  }
0xb5: {  	s23 =	rddreg [dreg:$0x10];
	[sflag:s10] =	ssyncadd.s32 $0xFFFFC000  }
0xb6: {  	[hbm4b:s23+s2] =	stream.linear.scatter [tilespmem:s8], [sflag:$0x2], $0x4000, $0x38;
	[tilespmem:$0x1CC80] =	vst v63  }
0xb7: {  	_ =	swait.ge [sflag:s4], $0x4000  }
0xb8: {  	s24 =	sld [smem:$0x7E7]  }
0xb9: {  	[sflag:s4] =	ssyncset.done $0x0  }
0xba: {  	[sflag:s4] =	ssyncadd.s32 $0xFFFFC000  }
0xbb: {  	[tilespmem:s8], [sflag:$0x1] =	stream.indirect.gather [spmem:s1], $0x80, s24, s7, $0xb8;
	[tilespmem:$0x1CC80] =	vst v63  }
0xbc: {  	_ =	swait.ge [sflag:s10], $0x4000  }
0xbd: {  	[sflag:s10] =	ssyncset.done $0x0  }
0xbe: {  	s25 =	rddreg [dreg:$0x11];
	[sflag:s10] =	ssyncadd.s32 $0xFFFFC000  }
0xbf: {  	[hbm4b:s25+s2] =	stream.linear.scatter [tilespmem:s9], [sflag:$0x2], $0x4000, $0x38;
	[tilespmem:$0x1CC80] =	vst v63  }
0xc0: {  	_ =	swait.ge [sflag:s4], $0x4000  }
0xc1: {  	s26 =	sld [smem:$0x7E8]  }
0xc2: {  	[sflag:s4] =	ssyncset.done $0x0  }
0xc3: {  	[sflag:s4] =	ssyncadd.s32 $0xFFFFC000  }
0xc4: {  	[tilespmem:s9], [sflag:$0x1] =	stream.indirect.gather [spmem:s1], $0x80, s26, s7, $0xb8;
	[tilespmem:$0x1CC80] =	vst v63  }
0xc5: {  	_ =	swait.ge [sflag:s10], $0x4000  }
0xc6: {  	[sflag:s10] =	ssyncset.done $0x0  }
0xc7: {  	s0 =	rddreg [dreg:$0x12];
	[sflag:s10] =	ssyncadd.s32 $0xFFFFC000  }
0xc8: {  	[hbm4b:s0+s2] =	stream.linear.scatter [tilespmem:s8], [sflag:$0x2], $0x4000, $0x38;
	[tilespmem:$0x1CC80] =	vst v63  }
0xc9: {  	_ =	swait.ge [sflag:s4], $0x4000  }
0xca: {  	s12 =	sld [smem:$0x7E9]  }
0xcb: {  	[sflag:s4] =	ssyncset.done $0x0  }
0xcc: {  	[sflag:s4] =	ssyncadd.s32 $0xFFFFC000  }
0xcd: {  	[tilespmem:s8], [sflag:$0x1] =	stream.indirect.gather [spmem:s1], $0x80, s12, s7, $0xb8;
	[tilespmem:$0x1CC80] =	vst v63  }
0xce: {  	_ =	swait.ge [sflag:s10], $0x4000  }
0xcf: {  	[sflag:s10] =	ssyncset.done $0x0  }
0xd0: {  	s13 =	rddreg [dreg:$0x13];
	[sflag:s10] =	ssyncadd.s32 $0xFFFFC000  }
0xd1: {  	[hbm4b:s13+s2] =	stream.linear.scatter [tilespmem:s9], [sflag:$0x2], $0x4000, $0x38;
	[tilespmem:$0x1CC80] =	vst v63  }
0xd2: {  	_ =	swait.ge [sflag:s4], $0x4000  }
0xd3: {  	s14 =	sld [smem:$0x7EA]  }
0xd4: {  	[sflag:s4] =	ssyncset.done $0x0  }
0xd5: {  	[sflag:s4] =	ssyncadd.s32 $0xFFFFC000  }
0xd6: {  	[tilespmem:s9], [sflag:$0x1] =	stream.indirect.gather [spmem:s1], $0x80, s14, s7, $0xb8;
	[tilespmem:$0x1CC80] =	vst v63  }
0xd7: {  	_ =	swait.ge [sflag:s10], $0x4000  }
0xd8: {  	[sflag:s10] =	ssyncset.done $0x0  }
0xd9: {  	s15 =	rddreg [dreg:$0x14];
	[sflag:s10] =	ssyncadd.s32 $0xFFFFC000  }
0xda: {  	[hbm4b:s15+s2] =	stream.linear.scatter [tilespmem:s8], [sflag:$0x2], $0x4000, $0x38;
	[tilespmem:$0x1CC80] =	vst v63  }
0xdb: {  	_ =	swait.ge [sflag:s4], $0x4000  }
0xdc: {  	s16 =	sld [smem:$0x7EB]  }
0xdd: {  	[sflag:s4] =	ssyncset.done $0x0  }
0xde: {  	[sflag:s4] =	ssyncadd.s32 $0xFFFFC000  }
0xdf: {  	[tilespmem:s8], [sflag:$0x1] =	stream.indirect.gather [spmem:s1], $0x80, s16, s7, $0xb8;
	[tilespmem:$0x1CC80] =	vst v63  }
0xe0: {  	_ =	swait.ge [sflag:s10], $0x4000  }
0xe1: {  	[sflag:s10] =	ssyncset.done $0x0  }
0xe2: {  	s17 =	rddreg [dreg:$0x15];
	[sflag:s10] =	ssyncadd.s32 $0xFFFFC000  }
0xe3: {  	[hbm4b:s17+s2] =	stream.linear.scatter [tilespmem:s9], [sflag:$0x2], $0x4000, $0x38;
	[tilespmem:$0x1CC80] =	vst v63  }
0xe4: {  	_ =	swait.ge [sflag:s4], $0x4000  }
0xe5: {  	s18 =	sld [smem:$0x7EC]  }
0xe6: {  	[sflag:s4] =	ssyncset.done $0x0  }
0xe7: {  	[sflag:s4] =	ssyncadd.s32 $0xFFFFC000  }
0xe8: {  	[tilespmem:s9], [sflag:$0x1] =	stream.indirect.gather [spmem:s1], $0x80, s18, s7, $0xb8;
	[tilespmem:$0x1CC80] =	vst v63  }
0xe9: {  	_ =	swait.ge [sflag:s10], $0x4000  }
0xea: {  	[sflag:s10] =	ssyncset.done $0x0  }
0xeb: {  	s19 =	rddreg [dreg:$0x16];
	[sflag:s10] =	ssyncadd.s32 $0xFFFFC000  }
0xec: {  	[hbm4b:s19+s2] =	stream.linear.scatter [tilespmem:s8], [sflag:$0x2], $0x4000, $0x38;
	[tilespmem:$0x1CC80] =	vst v63  }
0xed: {  	_ =	swait.ge [sflag:s4], $0x4000  }
0xee: {  	s20 =	sld [smem:$0x7ED]  }
0xef: {  	[sflag:s4] =	ssyncset.done $0x0  }
0xf0: {  	[sflag:s4] =	ssyncadd.s32 $0xFFFFC000  }
0xf1: {  	[tilespmem:s8], [sflag:$0x1] =	stream.indirect.gather [spmem:s1], $0x80, s20, s7, $0xb8;
	[tilespmem:$0x1CC80] =	vst v63  }
0xf2: {  	_ =	swait.ge [sflag:s10], $0x4000  }
0xf3: {  	[sflag:s10] =	ssyncset.done $0x0  }
0xf4: {  	s21 =	rddreg [dreg:$0x17];
	[sflag:s10] =	ssyncadd.s32 $0xFFFFC000  }
0xf5: {  	[hbm4b:s21+s2] =	stream.linear.scatter [tilespmem:s9], [sflag:$0x2], $0x4000, $0x38;
	[tilespmem:$0x1CC80] =	vst v63  }
0xf6: {  	_ =	swait.ge [sflag:s4], $0x4000  }
0xf7: {  	s22 =	sld [smem:$0x7EE]  }
0xf8: {  	[sflag:s4] =	ssyncset.done $0x0  }
0xf9: {  	[sflag:s4] =	ssyncadd.s32 $0xFFFFC000  }
0xfa: {  	[tilespmem:s9], [sflag:$0x1] =	stream.indirect.gather [spmem:s1], $0x80, s22, s7, $0xb8;
	[tilespmem:$0x1CC80] =	vst v63  }
0xfb: {  	_ =	swait.ge [sflag:s10], $0x4000  }
0xfc: {  	[sflag:s10] =	ssyncset.done $0x0  }
0xfd: {  	s23 =	rddreg [dreg:$0x18];
	[sflag:s10] =	ssyncadd.s32 $0xFFFFC000  }
0xfe: {  	[hbm4b:s23+s2] =	stream.linear.scatter [tilespmem:s8], [sflag:$0x2], $0x4000, $0x38;
	[tilespmem:$0x1CC80] =	vst v63  }
0xff: {  	_ =	swait.ge [sflag:s4], $0x4000  }
0x100: {  	s24 =	sld [smem:$0x7EF]  }
0x101: {  	[sflag:s4] =	ssyncset.done $0x0  }
0x102: {  	[sflag:s4] =	ssyncadd.s32 $0xFFFFC000  }
0x103: {  	[tilespmem:s8], [sflag:$0x1] =	stream.indirect.gather [spmem:s1], $0x80, s24, s7, $0xb8;
	[tilespmem:$0x1CC80] =	vst v63  }
0x104: {  	_ =	swait.ge [sflag:s10], $0x4000  }
0x105: {  	[sflag:s10] =	ssyncset.done $0x0  }
0x106: {  	s25 =	rddreg [dreg:$0x19];
	[sflag:s10] =	ssyncadd.s32 $0xFFFFC000  }
0x107: {  	[hbm4b:s25+s2] =	stream.linear.scatter [tilespmem:s9], [sflag:$0x2], $0x4000, $0x38;
	[tilespmem:$0x1CC80] =	vst v63  }
0x108: {  	_ =	swait.ge [sflag:s4], $0x4000  }
0x109: {  	[sflag:s4] =	ssyncset.done $0x0  }
0x10a: {  	s26 =	simm.s32 $0xA80;
	[sflag:s4] =	ssyncadd.s32 $0xFFFFC000  }
0x10b: {  	[tilespmem:s9], [sflag:$0x1] =	stream.indirect.gather [spmem:s1], $0x80, s26, s7, $0xb8;
	[tilespmem:$0x1CC80] =	vst v63  }
0x10c: {  	_ =	swait.ge [sflag:s10], $0x4000  }
0x10d: {  	[sflag:s10] =	ssyncset.done $0x0  }
0x10e: {  	s12 =	rddreg [dreg:$0x1a];
	[sflag:s10] =	ssyncadd.s32 $0xFFFFC000  }
0x10f: {  	[hbm4b:s12+s2] =	stream.linear.scatter [tilespmem:s8], [sflag:$0x2], $0x4000, $0x38;
	[tilespmem:$0x1CC80] =	vst v63  }
0x110: {  	_ =	swait.ge [sflag:s4], $0x4000  }
0x111: {  	[sflag:s4] =	ssyncset.done $0x0  }
0x112: {  	s12 =	simm.s32 $0xB00;
	[sflag:s4] =	ssyncadd.s32 $0xFFFFC000  }
0x113: {  	[tilespmem:s8], [sflag:$0x1] =	stream.indirect.gather [spmem:s1], $0x80, s12, s7, $0xb8;
	[tilespmem:$0x1CC80] =	vst v63  }
0x114: {  	_ =	swait.ge [sflag:s10], $0x4000  }
0x115: {  	[sflag:s10] =	ssyncset.done $0x0  }
0x116: {  	s13 =	rddreg [dreg:$0x1b];
	[sflag:s10] =	ssyncadd.s32 $0xFFFFC000  }
0x117: {  	[hbm4b:s13+s2] =	stream.linear.scatter [tilespmem:s9], [sflag:$0x2], $0x4000, $0x38;
	[tilespmem:$0x1CC80] =	vst v63  }
0x118: {  	_ =	swait.ge [sflag:s4], $0x4000  }
0x119: {  	[sflag:s4] =	ssyncset.done $0x0  }
0x11a: {  	s13 =	simm.s32 $0xB80;
	[sflag:s4] =	ssyncadd.s32 $0xFFFFC000  }
0x11b: {  	[tilespmem:s9], [sflag:$0x1] =	stream.indirect.gather [spmem:s1], $0x80, s13, s7, $0xb8;
	[tilespmem:$0x1CC80] =	vst v63  }
0x11c: {  	_ =	swait.ge [sflag:s10], $0x4000  }
0x11d: {  	[sflag:s10] =	ssyncset.done $0x0  }
0x11e: {  	s14 =	rddreg [dreg:$0x1c];
	[sflag:s10] =	ssyncadd.s32 $0xFFFFC000  }
0x11f: {  	[hbm4b:s14+s2] =	stream.linear.scatter [tilespmem:s8], [sflag:$0x2], $0x4000, $0x38;
	[tilespmem:$0x1CC80] =	vst v63  }
0x120: {  	_ =	swait.ge [sflag:s4], $0x4000  }
0x121: {  	[sflag:s4] =	ssyncset.done $0x0  }
0x122: {  	s14 =	simm.s32 $0xC00;
	[sflag:s4] =	ssyncadd.s32 $0xFFFFC000  }
0x123: {  	[tilespmem:s8], [sflag:$0x1] =	stream.indirect.gather [spmem:s1], $0x80, s14, s7, $0xb8;
	[tilespmem:$0x1CC80] =	vst v63  }
0x124: {  	_ =	swait.ge [sflag:s10], $0x4000  }
0x125: {  	[sflag:s10] =	ssyncset.done $0x0  }
0x126: {  	s15 =	rddreg [dreg:$0x1d];
	[sflag:s10] =	ssyncadd.s32 $0xFFFFC000  }
0x127: {  	[hbm4b:s15+s2] =	stream.linear.scatter [tilespmem:s9], [sflag:$0x2], $0x4000, $0x38;
	[tilespmem:$0x1CC80] =	vst v63  }
0x128: {  	_ =	swait.ge [sflag:s4], $0x4000  }
0x129: {  	[sflag:s4] =	ssyncset.done $0x0  }
0x12a: {  	s15 =	simm.s32 $0xC80;
	[sflag:s4] =	ssyncadd.s32 $0xFFFFC000  }
0x12b: {  	[tilespmem:s9], [sflag:$0x1] =	stream.indirect.gather [spmem:s1], $0x80, s15, s7, $0xb8;
	[tilespmem:$0x1CC80] =	vst v63  }
0x12c: {  	_ =	swait.ge [sflag:s10], $0x4000  }
0x12d: {  	[sflag:s10] =	ssyncset.done $0x0  }
0x12e: {  	s16 =	rddreg [dreg:$0x1e];
	[sflag:s10] =	ssyncadd.s32 $0xFFFFC000  }
0x12f: {  	[hbm4b:s16+s2] =	stream.linear.scatter [tilespmem:s8], [sflag:$0x2], $0x4000, $0x38;
	[tilespmem:$0x1CC80] =	vst v63  }
0x130: {  	_ =	swait.ge [sflag:s4], $0x4000  }
0x131: {  	[sflag:s4] =	ssyncset.done $0x0  }
0x132: {  	s16 =	simm.s32 $0xD00;
	[sflag:s4] =	ssyncadd.s32 $0xFFFFC000  }
0x133: {  	[tilespmem:s8], [sflag:$0x1] =	stream.indirect.gather [spmem:s1], $0x80, s16, s7, $0xb8;
	[tilespmem:$0x1CC80] =	vst v63  }
0x134: {  	_ =	swait.ge [sflag:s10], $0x4000  }
0x135: {  	[sflag:s10] =	ssyncset.done $0x0  }
0x136: {  	s17 =	rddreg [dreg:$0x1f];
	[sflag:s10] =	ssyncadd.s32 $0xFFFFC000  }
0x137: {  	[hbm4b:s17+s2] =	stream.linear.scatter [tilespmem:s9], [sflag:$0x2], $0x4000, $0x38;
	[tilespmem:$0x1CC80] =	vst v63  }
0x138: {  	_ =	swait.ge [sflag:s4], $0x4000  }
0x139: {  	[sflag:s4] =	ssyncset.done $0x0  }
0x13a: {  	s17 =	simm.s32 $0xD80;
	[sflag:s4] =	ssyncadd.s32 $0xFFFFC000  }
0x13b: {  	[tilespmem:s9], [sflag:$0x1] =	stream.indirect.gather [spmem:s1], $0x80, s17, s7, $0xb8;
	[tilespmem:$0x1CC80] =	vst v63  }
0x13c: {  	_ =	swait.ge [sflag:s10], $0x4000  }
0x13d: {  	s18 =	sld [smem:$0x7F0]  }
0x13e: {  	[sflag:s10] =	ssyncset.done $0x0  }
0x13f: {  	[sflag:s10] =	ssyncadd.s32 $0xFFFFC000  }
0x140: {  	[hbm4b:s18+s2] =	stream.linear.scatter [tilespmem:s8], [sflag:$0x2], $0x4000, $0x38;
	[tilespmem:$0x1CC80] =	vst v63  }
0x141: {  	_ =	swait.ge [sflag:s4], $0x4000  }
0x142: {  	[sflag:s4] =	ssyncset.done $0x0  }
0x143: {  	s18 =	simm.s32 $0xE00;
	[sflag:s4] =	ssyncadd.s32 $0xFFFFC000  }
0x144: {  	[tilespmem:s8], [sflag:$0x1] =	stream.indirect.gather [spmem:s1], $0x80, s18, s7, $0xb8;
	[tilespmem:$0x1CC80] =	vst v63  }
0x145: {  	_ =	swait.ge [sflag:s10], $0x4000  }
0x146: {  	s19 =	sld [smem:$0x7F1]  }
0x147: {  	[sflag:s10] =	ssyncset.done $0x0  }
0x148: {  	[sflag:s10] =	ssyncadd.s32 $0xFFFFC000  }
0x149: {  	[hbm4b:s19+s2] =	stream.linear.scatter [tilespmem:s9], [sflag:$0x2], $0x4000, $0x38;
	[tilespmem:$0x1CC80] =	vst v63  }
0x14a: {  	_ =	swait.ge [sflag:s4], $0x4000  }
0x14b: {  	[sflag:s4] =	ssyncset.done $0x0  }
0x14c: {  	s19 =	simm.s32 $0xE80;
	[sflag:s4] =	ssyncadd.s32 $0xFFFFC000  }
0x14d: {  	[tilespmem:s9], [sflag:$0x1] =	stream.indirect.gather [spmem:s1], $0x80, s19, s7, $0xb8;
	[tilespmem:$0x1CC80] =	vst v63  }
0x14e: {  	_ =	swait.ge [sflag:s10], $0x4000  }
0x14f: {  	s20 =	sld [smem:$0x7F2]  }
0x150: {  	[sflag:s10] =	ssyncset.done $0x0  }
0x151: {  	[sflag:s10] =	ssyncadd.s32 $0xFFFFC000  }
0x152: {  	[hbm4b:s20+s2] =	stream.linear.scatter [tilespmem:s8], [sflag:$0x2], $0x4000, $0x38;
	[tilespmem:$0x1CC80] =	vst v63  }
0x153: {  	_ =	swait.ge [sflag:s4], $0x4000  }
0x154: {  	[sflag:s4] =	ssyncset.done $0x0  }
0x155: {  	s20 =	simm.s32 $0xF00;
	[sflag:s4] =	ssyncadd.s32 $0xFFFFC000  }
0x156: {  	[tilespmem:s8], [sflag:$0x1] =	stream.indirect.gather [spmem:s1], $0x80, s20, s7, $0xb8;
	[tilespmem:$0x1CC80] =	vst v63  }
0x157: {  	_ =	swait.ge [sflag:s10], $0x4000  }
0x158: {  	s21 =	sld [smem:$0x7F3]  }
0x159: {  	[sflag:s10] =	ssyncset.done $0x0  }
0x15a: {  	[sflag:s10] =	ssyncadd.s32 $0xFFFFC000  }
0x15b: {  	[hbm4b:s21+s2] =	stream.linear.scatter [tilespmem:s9], [sflag:$0x2], $0x4000, $0x38;
	[tilespmem:$0x1CC80] =	vst v63  }
0x15c: {  	_ =	swait.ge [sflag:s4], $0x4000  }
0x15d: {  	[sflag:s4] =	ssyncset.done $0x0  }
0x15e: {  	s21 =	simm.s32 $0xF80;
	[sflag:s4] =	ssyncadd.s32 $0xFFFFC000  }
0x15f: {  	[tilespmem:s9], [sflag:$0x1] =	stream.indirect.gather [spmem:s1], $0x80, s21, s7, $0xb8;
	[tilespmem:$0x1CC80] =	vst v63  }
0x160: {  	_ =	swait.ge [sflag:s10], $0x4000  }
0x161: {  	s22 =	sld [smem:$0x7F4]  }
0x162: {  	[sflag:s10] =	ssyncset.done $0x0  }
0x163: {  	[sflag:s10] =	ssyncadd.s32 $0xFFFFC000  }
0x164: {  	[hbm4b:s22+s2] =	stream.linear.scatter [tilespmem:s8], [sflag:$0x2], $0x4000, $0x38;
	[tilespmem:$0x1CC80] =	vst v63  }
0x165: {  	_ =	swait.ge [sflag:s4], $0x4000  }
0x166: {  	[sflag:s4] =	ssyncset.done $0x0  }
0x167: {  	s22 =	simm.s32 $0x1000;
	[sflag:s4] =	ssyncadd.s32 $0xFFFFC000  }
0x168: {  	[tilespmem:s8], [sflag:$0x1] =	stream.indirect.gather [spmem:s1], $0x80, s22, s7, $0xb8;
	[tilespmem:$0x1CC80] =	vst v63  }
0x169: {  	_ =	swait.ge [sflag:s10], $0x4000  }
0x16a: {  	s23 =	sld [smem:$0x7F5]  }
0x16b: {  	[sflag:s10] =	ssyncset.done $0x0  }
0x16c: {  	[sflag:s10] =	ssyncadd.s32 $0xFFFFC000  }
0x16d: {  	[hbm4b:s23+s2] =	stream.linear.scatter [tilespmem:s9], [sflag:$0x2], $0x4000, $0x38;
	[tilespmem:$0x1CC80] =	vst v63  }
0x16e: {  	_ =	swait.ge [sflag:s4], $0x4000  }
0x16f: {  	[sflag:s4] =	ssyncset.done $0x0  }
0x170: {  	s23 =	simm.s32 $0x1080;
	[sflag:s4] =	ssyncadd.s32 $0xFFFFC000  }
0x171: {  	[tilespmem:s9], [sflag:$0x1] =	stream.indirect.gather [spmem:s1], $0x80, s23, s7, $0xb8;
	[tilespmem:$0x1CC80] =	vst v63  }
0x172: {  	_ =	swait.ge [sflag:s10], $0x4000  }
0x173: {  	s24 =	sld [smem:$0x7F6]  }
0x174: {  	[sflag:s10] =	ssyncset.done $0x0  }
0x175: {  	[sflag:s10] =	ssyncadd.s32 $0xFFFFC000  }
0x176: {  	[hbm4b:s24+s2] =	stream.linear.scatter [tilespmem:s8], [sflag:$0x2], $0x4000, $0x38;
	[tilespmem:$0x1CC80] =	vst v63  }
0x177: {  	_ =	swait.ge [sflag:s4], $0x4000  }
0x178: {  	[sflag:s4] =	ssyncset.done $0x0  }
0x179: {  	s24 =	simm.s32 $0x1100;
	[sflag:s4] =	ssyncadd.s32 $0xFFFFC000  }
0x17a: {  	[tilespmem:s8], [sflag:$0x1] =	stream.indirect.gather [spmem:s1], $0x80, s24, s7, $0xb8;
	[tilespmem:$0x1CC80] =	vst v63  }
0x17b: {  	_ =	swait.ge [sflag:s10], $0x4000  }
0x17c: {  	s25 =	sld [smem:$0x7F7]  }
0x17d: {  	[sflag:s10] =	ssyncset.done $0x0  }
0x17e: {  	[sflag:s10] =	ssyncadd.s32 $0xFFFFC000  }
0x17f: {  	[hbm4b:s25+s2] =	stream.linear.scatter [tilespmem:s9], [sflag:$0x2], $0x4000, $0x38;
	[tilespmem:$0x1CC80] =	vst v63  }
0x180: {  	_ =	swait.ge [sflag:s4], $0x4000  }
0x181: {  	[sflag:s4] =	ssyncset.done $0x0  }
0x182: {  	s25 =	simm.s32 $0x1180;
	[sflag:s4] =	ssyncadd.s32 $0xFFFFC000  }
0x183: {  	[tilespmem:s9], [sflag:$0x1] =	stream.indirect.gather [spmem:s1], $0x80, s25, s7, $0xb8;
	[tilespmem:$0x1CC80] =	vst v63  }
0x184: {  	_ =	swait.ge [sflag:s10], $0x4000  }
0x185: {  	s26 =	sld [smem:$0x7F8]  }
0x186: {  	[sflag:s10] =	ssyncset.done $0x0  }
0x187: {  	[sflag:s10] =	ssyncadd.s32 $0xFFFFC000  }
0x188: {  	[hbm4b:s26+s2] =	stream.linear.scatter [tilespmem:s8], [sflag:$0x2], $0x4000, $0x38;
	[tilespmem:$0x1CC80] =	vst v63  }
0x189: {  	_ =	swait.ge [sflag:s4], $0x4000  }
0x18a: {  	[sflag:s4] =	ssyncset.done $0x0  }
0x18b: {  	s26 =	simm.s32 $0x1200;
	[sflag:s4] =	ssyncadd.s32 $0xFFFFC000  }
0x18c: {  	[tilespmem:s8], [sflag:$0x1] =	stream.indirect.gather [spmem:s1], $0x80, s26, s7, $0xb8;
	[tilespmem:$0x1CC80] =	vst v63  }
0x18d: {  	_ =	swait.ge [sflag:s10], $0x4000  }
0x18e: {  	s28 =	sld [smem:$0x7F9]  }
0x18f: {  	[sflag:s10] =	ssyncset.done $0x0  }
0x190: {  	[sflag:s10] =	ssyncadd.s32 $0xFFFFC000  }
0x191: {  	[hbm4b:s28+s2] =	stream.linear.scatter [tilespmem:s9], [sflag:$0x2], $0x4000, $0x38;
	[tilespmem:$0x1CC80] =	vst v63  }
0x192: {  	_ =	swait.ge [sflag:s4], $0x4000  }
0x193: {  	[sflag:s4] =	ssyncset.done $0x0  }
0x194: {  	s28 =	simm.s32 $0x1280;
	[sflag:s4] =	ssyncadd.s32 $0xFFFFC000  }
0x195: {  	[tilespmem:s9], [sflag:$0x1] =	stream.indirect.gather [spmem:s1], $0x80, s28, s7, $0xb8;
	[tilespmem:$0x1CC80] =	vst v63  }
0x196: {  	_ =	swait.ge [sflag:s10], $0x4000  }
0x197: {  	s29 =	sld [smem:$0x7FA]  }
0x198: {  	[sflag:s10] =	ssyncset.done $0x0  }
0x199: {  	[sflag:s10] =	ssyncadd.s32 $0xFFFFC000  }
0x19a: {  	[hbm4b:s29+s2] =	stream.linear.scatter [tilespmem:s8], [sflag:$0x2], $0x4000, $0x38;
	[tilespmem:$0x1CC80] =	vst v63  }
0x19b: {  	_ =	swait.ge [sflag:s4], $0x4000  }
0x19c: {  	[sflag:s4] =	ssyncset.done $0x0  }
0x19d: {  	s29 =	simm.s32 $0x1300;
	[sflag:s4] =	ssyncadd.s32 $0xFFFFC000  }
0x19e: {  	[tilespmem:s8], [sflag:$0x1] =	stream.indirect.gather [spmem:s1], $0x80, s29, s7, $0xb8;
	[tilespmem:$0x1CC80] =	vst v63  }
0x19f: {  	_ =	swait.ge [sflag:s10], $0x4000  }
0x1a0: {  	s30 =	sld [smem:$0x7FB]  }
0x1a1: {  	[sflag:s10] =	ssyncset.done $0x0  }
0x1a2: {  	[sflag:s10] =	ssyncadd.s32 $0xFFFFC000  }
0x1a3: {  	[hbm4b:s30+s2] =	stream.linear.scatter [tilespmem:s9], [sflag:$0x2], $0x4000, $0x38;
	[tilespmem:$0x1CC80] =	vst v63  }
0x1a4: {  	_ =	swait.ge [sflag:s4], $0x4000  }
0x1a5: {  	[sflag:s4] =	ssyncset.done $0x0  }
0x1a6: {  	s30 =	simm.s32 $0x1380;
	[sflag:s4] =	ssyncadd.s32 $0xFFFFC000  }
0x1a7: {  	[tilespmem:s9], [sflag:$0x1] =	stream.indirect.gather [spmem:s1], $0x80, s30, s7, $0xb8;
	[tilespmem:$0x1CC80] =	vst v63  }
0x1a8: {  	_ =	swait.ge [sflag:s10], $0x4000  }
0x1a9: {  	s11 =	sld [smem:$0x7FC]  }
0x1aa: {  	s0 =	ssub.s32 $0x2, s31;
	[sflag:s10] =	ssyncset.done $0x0  }
0x1ab: {  	s31 =	sshrl.u32 s0, $0x1;
	[sflag:s10] =	ssyncadd.s32 $0xFFFFC000  }
0x1ac: {  	[hbm4b:s11+s2] =	stream.linear.scatter [tilespmem:s8], [sflag:$0x2], $0x4000, $0x38;
	[tilespmem:$0x1CC80] =	vst v63  }
0x1ad: {  	s0 =	ssub.s32 s0, s31;
	_ =	swait.ge [sflag:s4], $0x4000  }
0x1ae: {  	s0 =	smax.u32 s0, $0x1;
	[sflag:s4] =	ssyncset.done $0x0  }
0x1af: {  	s31 =	sadd.s32 $0xFFFFFFFF, s0;
	[sflag:s4] =	ssyncadd.s32 $0xFFFFC000  }
0x1b0: {  	p1 =	sne.s32 s31, $0x0;
	_ =	swait.ge [sflag:s10], $0x4000  }
.Ltmp0:
0x1b1: {  	s11 =	sld [smem:$0x7FD];
	(pc) =	sbr.rel @!p1 .LBB2_2-.Ltmp0, $4  }
0x1b2: {  	[sflag:s10] =	ssyncset.done $0x0  }
0x1b3: {  	[sflag:s10] =	ssyncadd.s32 $0xFFFFC000  }
0x1b4: {  	[hbm4b:s11+s2] =	stream.linear.scatter [tilespmem:s9], [sflag:$0x2], $0x4000, $0x38;
	[tilespmem:$0x1CC80] =	vst v63  }
0x1b5: {  	_ =	swait.ge [sflag:s4], $0x4000  }
.LBB2_1:
0x1b6: {  	s11 =	sld [smem:$0x7DB]  }
0x1b7: {  	[sflag:s4] =	ssyncset.done $0x0  }
0x1b8: {  	s0 =	rddreg [dreg:$0x4];
	[sflag:s4] =	ssyncadd.s32 $0xFFFFC000  }
0x1b9: {  	[spmem:s11], [sflag:s5] =	dma.local [hbm:s0], $0x2700  }
0x1ba: {  	_ =	swait.ge [sflag:s4], $0x2700  }
0x1bb: {  	s11 =	sld [smem:$0x7DC]  }
0x1bc: {  	[sflag:s4] =	ssyncset.done $0x0  }
0x1bd: {  	s0 =	rddreg [dreg:$0x5];
	[sflag:s4] =	ssyncadd.s32 $0xFFFFD900  }
0x1be: {  	[spmem:s11], [sflag:s5] =	dma.local @!p0 [hbm:s0], $0x100  }
0x1bf: {  	_ =	swait.ge @!p0 [sflag:s6], $0x100  }
0x1c0: {  	[sflag:s6] =	ssyncset.done @!p0 $0x0  }
0x1c1: {  	s11 =	rddreg [dreg:$0x6];
	[sflag:s6] =	ssyncadd.s32 @!p0 $0xFFFFFF00  }
0x1c2: {  	[tilespmem:s2], [sflag:$0x2] =	stream.linear.gather [hbm4b:s11+s2], $0x1400, $0x38;
	[tilespmem:$0x1CC80] =	vst v63  }
0x1c3: {  	_ =	swait.ge [sflag:s4], $0x1400  }
0x1c4: {  	[sflag:s4] =	ssyncset.done $0x0  }
0x1c5: {  	[sflag:s4] =	ssyncadd.s32 $0xFFFFEC00  }
0x1c6: {  	[bflag:$0x0] =	sbarrier.arrive $0xFFFF  }
0x1c7: {  	[tilespmem:s8], [sflag:$0x1] =	stream.indirect.gather [spmem:s1], $0x80, s2, s7, $0xb8;
	[tilespmem:$0x1CC80] =	vst v63  }
0x1c8: {  	_ = 	snop  }
0x1c9: {  	[tilespmem:s9], [sflag:$0x1] =	stream.indirect.gather [spmem:s1], $0x80, s7, s7, $0xb8;
	[tilespmem:$0x1CC80] =	vst v63  }
0x1ca: {  	_ =	swait.ge [sflag:s10], $0x4000  }
0x1cb: {  	[sflag:s10] =	ssyncset.done $0x0  }
0x1cc: {  	[sflag:s10] =	ssyncadd.s32 $0xFFFFC000  }
0x1cd: {  	[hbm4b:s3+s2] =	stream.linear.scatter [tilespmem:s8], [sflag:$0x2], $0x4000, $0x38;
	[tilespmem:$0x1CC80] =	vst v63  }
0x1ce: {  	_ =	swait.ge [sflag:s4], $0x4000  }
0x1cf: {  	s11 =	sld [smem:$0x7DD]  }
0x1d0: {  	[sflag:s4] =	ssyncset.done $0x0  }
0x1d1: {  	[sflag:s4] =	ssyncadd.s32 $0xFFFFC000  }
0x1d2: {  	[tilespmem:s8], [sflag:$0x1] =	stream.indirect.gather [spmem:s1], $0x80, s11, s7, $0xb8;
	[tilespmem:$0x1CC80] =	vst v63  }
0x1d3: {  	_ =	swait.ge [sflag:s10], $0x4000  }
0x1d4: {  	[sflag:s10] =	ssyncset.done $0x0  }
0x1d5: {  	s11 =	rddreg [dreg:$0x7];
	[sflag:s10] =	ssyncadd.s32 $0xFFFFC000  }
0x1d6: {  	[hbm4b:s11+s2] =	stream.linear.scatter [tilespmem:s9], [sflag:$0x2], $0x4000, $0x38;
	[tilespmem:$0x1CC80] =	vst v63  }
0x1d7: {  	_ =	swait.ge [sflag:s4], $0x4000  }
0x1d8: {  	s11 =	sld [smem:$0x7DE]  }
0x1d9: {  	[sflag:s4] =	ssyncset.done $0x0  }
0x1da: {  	[sflag:s4] =	ssyncadd.s32 $0xFFFFC000  }
0x1db: {  	[tilespmem:s9], [sflag:$0x1] =	stream.indirect.gather [spmem:s1], $0x80, s11, s7, $0xb8;
	[tilespmem:$0x1CC80] =	vst v63  }
0x1dc: {  	_ =	swait.ge [sflag:s10], $0x4000  }
0x1dd: {  	[sflag:s10] =	ssyncset.done $0x0  }
0x1de: {  	s11 =	rddreg [dreg:$0x8];
	[sflag:s10] =	ssyncadd.s32 $0xFFFFC000  }
0x1df: {  	[hbm4b:s11+s2] =	stream.linear.scatter [tilespmem:s8], [sflag:$0x2], $0x4000, $0x38;
	[tilespmem:$0x1CC80] =	vst v63  }
0x1e0: {  	_ =	swait.ge [sflag:s4], $0x4000  }
0x1e1: {  	s11 =	sld [smem:$0x7DF]  }
0x1e2: {  	[sflag:s4] =	ssyncset.done $0x0  }
0x1e3: {  	[sflag:s4] =	ssyncadd.s32 $0xFFFFC000  }
0x1e4: {  	[tilespmem:s8], [sflag:$0x1] =	stream.indirect.gather [spmem:s1], $0x80, s11, s7, $0xb8;
	[tilespmem:$0x1CC80] =	vst v63  }
0x1e5: {  	_ =	swait.ge [sflag:s10], $0x4000  }
0x1e6: {  	[sflag:s10] =	ssyncset.done $0x0  }
0x1e7: {  	s11 =	rddreg [dreg:$0x9];
	[sflag:s10] =	ssyncadd.s32 $0xFFFFC000  }
0x1e8: {  	[hbm4b:s11+s2] =	stream.linear.scatter [tilespmem:s9], [sflag:$0x2], $0x4000, $0x38;
	[tilespmem:$0x1CC80] =	vst v63  }
0x1e9: {  	_ =	swait.ge [sflag:s4], $0x4000  }
0x1ea: {  	s11 =	sld [smem:$0x7E0]  }
0x1eb: {  	[sflag:s4] =	ssyncset.done $0x0  }
0x1ec: {  	[sflag:s4] =	ssyncadd.s32 $0xFFFFC000  }
0x1ed: {  	[tilespmem:s9], [sflag:$0x1] =	stream.indirect.gather [spmem:s1], $0x80, s11, s7, $0xb8;
	[tilespmem:$0x1CC80] =	vst v63  }
0x1ee: {  	_ =	swait.ge [sflag:s10], $0x4000  }
0x1ef: {  	[sflag:s10] =	ssyncset.done $0x0  }
0x1f0: {  	s11 =	rddreg [dreg:$0xa];
	[sflag:s10] =	ssyncadd.s32 $0xFFFFC000  }
0x1f1: {  	[hbm4b:s11+s2] =	stream.linear.scatter [tilespmem:s8], [sflag:$0x2], $0x4000, $0x38;
	[tilespmem:$0x1CC80] =	vst v63  }
0x1f2: {  	_ =	swait.ge [sflag:s4], $0x4000  }
0x1f3: {  	s11 =	sld [smem:$0x7E1]  }
0x1f4: {  	[sflag:s4] =	ssyncset.done $0x0  }
0x1f5: {  	[sflag:s4] =	ssyncadd.s32 $0xFFFFC000  }
0x1f6: {  	[tilespmem:s8], [sflag:$0x1] =	stream.indirect.gather [spmem:s1], $0x80, s11, s7, $0xb8;
	[tilespmem:$0x1CC80] =	vst v63  }
0x1f7: {  	_ =	swait.ge [sflag:s10], $0x4000  }
0x1f8: {  	[sflag:s10] =	ssyncset.done $0x0  }
0x1f9: {  	s11 =	rddreg [dreg:$0xb];
	[sflag:s10] =	ssyncadd.s32 $0xFFFFC000  }
0x1fa: {  	[hbm4b:s11+s2] =	stream.linear.scatter [tilespmem:s9], [sflag:$0x2], $0x4000, $0x38;
	[tilespmem:$0x1CC80] =	vst v63  }
0x1fb: {  	_ =	swait.ge [sflag:s4], $0x4000  }
0x1fc: {  	s11 =	sld [smem:$0x7E2]  }
0x1fd: {  	[sflag:s4] =	ssyncset.done $0x0  }
0x1fe: {  	[sflag:s4] =	ssyncadd.s32 $0xFFFFC000  }
0x1ff: {  	[tilespmem:s9], [sflag:$0x1] =	stream.indirect.gather [spmem:s1], $0x80, s11, s7, $0xb8;
	[tilespmem:$0x1CC80] =	vst v63  }
0x200: {  	_ =	swait.ge [sflag:s10], $0x4000  }
0x201: {  	[sflag:s10] =	ssyncset.done $0x0  }
0x202: {  	s11 =	rddreg [dreg:$0xc];
	[sflag:s10] =	ssyncadd.s32 $0xFFFFC000  }
0x203: {  	[hbm4b:s11+s2] =	stream.linear.scatter [tilespmem:s8], [sflag:$0x2], $0x4000, $0x38;
	[tilespmem:$0x1CC80] =	vst v63  }
0x204: {  	_ =	swait.ge [sflag:s4], $0x4000  }
0x205: {  	s11 =	sld [smem:$0x7E3]  }
0x206: {  	[sflag:s4] =	ssyncset.done $0x0  }
0x207: {  	[sflag:s4] =	ssyncadd.s32 $0xFFFFC000  }
0x208: {  	[tilespmem:s8], [sflag:$0x1] =	stream.indirect.gather [spmem:s1], $0x80, s11, s7, $0xb8;
	[tilespmem:$0x1CC80] =	vst v63  }
0x209: {  	_ =	swait.ge [sflag:s10], $0x4000  }
0x20a: {  	[sflag:s10] =	ssyncset.done $0x0  }
0x20b: {  	s11 =	rddreg [dreg:$0xd];
	[sflag:s10] =	ssyncadd.s32 $0xFFFFC000  }
0x20c: {  	[hbm4b:s11+s2] =	stream.linear.scatter [tilespmem:s9], [sflag:$0x2], $0x4000, $0x38;
	[tilespmem:$0x1CC80] =	vst v63  }
0x20d: {  	_ =	swait.ge [sflag:s4], $0x4000  }
0x20e: {  	s11 =	sld [smem:$0x7E4]  }
0x20f: {  	[sflag:s4] =	ssyncset.done $0x0  }
0x210: {  	[sflag:s4] =	ssyncadd.s32 $0xFFFFC000  }
0x211: {  	[tilespmem:s9], [sflag:$0x1] =	stream.indirect.gather [spmem:s1], $0x80, s11, s7, $0xb8;
	[tilespmem:$0x1CC80] =	vst v63  }
0x212: {  	_ =	swait.ge [sflag:s10], $0x4000  }
0x213: {  	[sflag:s10] =	ssyncset.done $0x0  }
0x214: {  	s11 =	rddreg [dreg:$0xe];
	[sflag:s10] =	ssyncadd.s32 $0xFFFFC000  }
0x215: {  	[hbm4b:s11+s2] =	stream.linear.scatter [tilespmem:s8], [sflag:$0x2], $0x4000, $0x38;
	[tilespmem:$0x1CC80] =	vst v63  }
0x216: {  	_ =	swait.ge [sflag:s4], $0x4000  }
0x217: {  	s11 =	sld [smem:$0x7E5]  }
0x218: {  	[sflag:s4] =	ssyncset.done $0x0  }
0x219: {  	[sflag:s4] =	ssyncadd.s32 $0xFFFFC000  }
0x21a: {  	[tilespmem:s8], [sflag:$0x1] =	stream.indirect.gather [spmem:s1], $0x80, s11, s7, $0xb8;
	[tilespmem:$0x1CC80] =	vst v63  }
0x21b: {  	_ =	swait.ge [sflag:s10], $0x4000  }
0x21c: {  	[sflag:s10] =	ssyncset.done $0x0  }
0x21d: {  	s11 =	rddreg [dreg:$0xf];
	[sflag:s10] =	ssyncadd.s32 $0xFFFFC000  }
0x21e: {  	[hbm4b:s11+s2] =	stream.linear.scatter [tilespmem:s9], [sflag:$0x2], $0x4000, $0x38;
	[tilespmem:$0x1CC80] =	vst v63  }
0x21f: {  	_ =	swait.ge [sflag:s4], $0x4000  }
0x220: {  	s11 =	sld [smem:$0x7E6]  }
0x221: {  	[sflag:s4] =	ssyncset.done $0x0  }
0x222: {  	[sflag:s4] =	ssyncadd.s32 $0xFFFFC000  }
0x223: {  	[tilespmem:s9], [sflag:$0x1] =	stream.indirect.gather [spmem:s1], $0x80, s11, s7, $0xb8;
	[tilespmem:$0x1CC80] =	vst v63  }
0x224: {  	_ =	swait.ge [sflag:s10], $0x4000  }
0x225: {  	[sflag:s10] =	ssyncset.done $0x0  }
0x226: {  	s11 =	rddreg [dreg:$0x10];
	[sflag:s10] =	ssyncadd.s32 $0xFFFFC000  }
0x227: {  	[hbm4b:s11+s2] =	stream.linear.scatter [tilespmem:s8], [sflag:$0x2], $0x4000, $0x38;
	[tilespmem:$0x1CC80] =	vst v63  }
0x228: {  	_ =	swait.ge [sflag:s4], $0x4000  }
0x229: {  	s11 =	sld [smem:$0x7E7]  }
0x22a: {  	[sflag:s4] =	ssyncset.done $0x0  }
0x22b: {  	[sflag:s4] =	ssyncadd.s32 $0xFFFFC000  }
0x22c: {  	[tilespmem:s8], [sflag:$0x1] =	stream.indirect.gather [spmem:s1], $0x80, s11, s7, $0xb8;
	[tilespmem:$0x1CC80] =	vst v63  }
0x22d: {  	_ =	swait.ge [sflag:s10], $0x4000  }
0x22e: {  	[sflag:s10] =	ssyncset.done $0x0  }
0x22f: {  	s11 =	rddreg [dreg:$0x11];
	[sflag:s10] =	ssyncadd.s32 $0xFFFFC000  }
0x230: {  	[hbm4b:s11+s2] =	stream.linear.scatter [tilespmem:s9], [sflag:$0x2], $0x4000, $0x38;
	[tilespmem:$0x1CC80] =	vst v63  }
0x231: {  	_ =	swait.ge [sflag:s4], $0x4000  }
0x232: {  	s11 =	sld [smem:$0x7E8]  }
0x233: {  	[sflag:s4] =	ssyncset.done $0x0  }
0x234: {  	[sflag:s4] =	ssyncadd.s32 $0xFFFFC000  }
0x235: {  	[tilespmem:s9], [sflag:$0x1] =	stream.indirect.gather [spmem:s1], $0x80, s11, s7, $0xb8;
	[tilespmem:$0x1CC80] =	vst v63  }
0x236: {  	_ =	swait.ge [sflag:s10], $0x4000  }
0x237: {  	[sflag:s10] =	ssyncset.done $0x0  }
0x238: {  	s11 =	rddreg [dreg:$0x12];
	[sflag:s10] =	ssyncadd.s32 $0xFFFFC000  }
0x239: {  	[hbm4b:s11+s2] =	stream.linear.scatter [tilespmem:s8], [sflag:$0x2], $0x4000, $0x38;
	[tilespmem:$0x1CC80] =	vst v63  }
0x23a: {  	_ =	swait.ge [sflag:s4], $0x4000  }
0x23b: {  	s11 =	sld [smem:$0x7E9]  }
0x23c: {  	[sflag:s4] =	ssyncset.done $0x0  }
0x23d: {  	[sflag:s4] =	ssyncadd.s32 $0xFFFFC000  }
0x23e: {  	[tilespmem:s8], [sflag:$0x1] =	stream.indirect.gather [spmem:s1], $0x80, s11, s7, $0xb8;
	[tilespmem:$0x1CC80] =	vst v63  }
0x23f: {  	_ =	swait.ge [sflag:s10], $0x4000  }
0x240: {  	[sflag:s10] =	ssyncset.done $0x0  }
0x241: {  	s11 =	rddreg [dreg:$0x13];
	[sflag:s10] =	ssyncadd.s32 $0xFFFFC000  }
0x242: {  	[hbm4b:s11+s2] =	stream.linear.scatter [tilespmem:s9], [sflag:$0x2], $0x4000, $0x38;
	[tilespmem:$0x1CC80] =	vst v63  }
0x243: {  	_ =	swait.ge [sflag:s4], $0x4000  }
0x244: {  	s11 =	sld [smem:$0x7EA]  }
0x245: {  	[sflag:s4] =	ssyncset.done $0x0  }
0x246: {  	[sflag:s4] =	ssyncadd.s32 $0xFFFFC000  }
0x247: {  	[tilespmem:s9], [sflag:$0x1] =	stream.indirect.gather [spmem:s1], $0x80, s11, s7, $0xb8;
	[tilespmem:$0x1CC80] =	vst v63  }
0x248: {  	_ =	swait.ge [sflag:s10], $0x4000  }
0x249: {  	[sflag:s10] =	ssyncset.done $0x0  }
0x24a: {  	s11 =	rddreg [dreg:$0x14];
	[sflag:s10] =	ssyncadd.s32 $0xFFFFC000  }
0x24b: {  	[hbm4b:s11+s2] =	stream.linear.scatter [tilespmem:s8], [sflag:$0x2], $0x4000, $0x38;
	[tilespmem:$0x1CC80] =	vst v63  }
0x24c: {  	_ =	swait.ge [sflag:s4], $0x4000  }
0x24d: {  	s11 =	sld [smem:$0x7EB]  }
0x24e: {  	[sflag:s4] =	ssyncset.done $0x0  }
0x24f: {  	[sflag:s4] =	ssyncadd.s32 $0xFFFFC000  }
0x250: {  	[tilespmem:s8], [sflag:$0x1] =	stream.indirect.gather [spmem:s1], $0x80, s11, s7, $0xb8;
	[tilespmem:$0x1CC80] =	vst v63  }
0x251: {  	_ =	swait.ge [sflag:s10], $0x4000  }
0x252: {  	[sflag:s10] =	ssyncset.done $0x0  }
0x253: {  	s11 =	rddreg [dreg:$0x15];
	[sflag:s10] =	ssyncadd.s32 $0xFFFFC000  }
0x254: {  	[hbm4b:s11+s2] =	stream.linear.scatter [tilespmem:s9], [sflag:$0x2], $0x4000, $0x38;
	[tilespmem:$0x1CC80] =	vst v63  }
0x255: {  	_ =	swait.ge [sflag:s4], $0x4000  }
0x256: {  	s11 =	sld [smem:$0x7EC]  }
0x257: {  	[sflag:s4] =	ssyncset.done $0x0  }
0x258: {  	[sflag:s4] =	ssyncadd.s32 $0xFFFFC000  }
0x259: {  	[tilespmem:s9], [sflag:$0x1] =	stream.indirect.gather [spmem:s1], $0x80, s11, s7, $0xb8;
	[tilespmem:$0x1CC80] =	vst v63  }
0x25a: {  	_ =	swait.ge [sflag:s10], $0x4000  }
0x25b: {  	[sflag:s10] =	ssyncset.done $0x0  }
0x25c: {  	s11 =	rddreg [dreg:$0x16];
	[sflag:s10] =	ssyncadd.s32 $0xFFFFC000  }
0x25d: {  	[hbm4b:s11+s2] =	stream.linear.scatter [tilespmem:s8], [sflag:$0x2], $0x4000, $0x38;
	[tilespmem:$0x1CC80] =	vst v63  }
0x25e: {  	_ =	swait.ge [sflag:s4], $0x4000  }
0x25f: {  	s11 =	sld [smem:$0x7ED]  }
0x260: {  	[sflag:s4] =	ssyncset.done $0x0  }
0x261: {  	[sflag:s4] =	ssyncadd.s32 $0xFFFFC000  }
0x262: {  	[tilespmem:s8], [sflag:$0x1] =	stream.indirect.gather [spmem:s1], $0x80, s11, s7, $0xb8;
	[tilespmem:$0x1CC80] =	vst v63  }
0x263: {  	_ =	swait.ge [sflag:s10], $0x4000  }
0x264: {  	[sflag:s10] =	ssyncset.done $0x0  }
0x265: {  	s11 =	rddreg [dreg:$0x17];
	[sflag:s10] =	ssyncadd.s32 $0xFFFFC000  }
0x266: {  	[hbm4b:s11+s2] =	stream.linear.scatter [tilespmem:s9], [sflag:$0x2], $0x4000, $0x38;
	[tilespmem:$0x1CC80] =	vst v63  }
0x267: {  	_ =	swait.ge [sflag:s4], $0x4000  }
0x268: {  	s11 =	sld [smem:$0x7EE]  }
0x269: {  	[sflag:s4] =	ssyncset.done $0x0  }
0x26a: {  	[sflag:s4] =	ssyncadd.s32 $0xFFFFC000  }
0x26b: {  	[tilespmem:s9], [sflag:$0x1] =	stream.indirect.gather [spmem:s1], $0x80, s11, s7, $0xb8;
	[tilespmem:$0x1CC80] =	vst v63  }
0x26c: {  	_ =	swait.ge [sflag:s10], $0x4000  }
0x26d: {  	[sflag:s10] =	ssyncset.done $0x0  }
0x26e: {  	s11 =	rddreg [dreg:$0x18];
	[sflag:s10] =	ssyncadd.s32 $0xFFFFC000  }
0x26f: {  	[hbm4b:s11+s2] =	stream.linear.scatter [tilespmem:s8], [sflag:$0x2], $0x4000, $0x38;
	[tilespmem:$0x1CC80] =	vst v63  }
0x270: {  	_ =	swait.ge [sflag:s4], $0x4000  }
0x271: {  	s11 =	sld [smem:$0x7EF]  }
0x272: {  	[sflag:s4] =	ssyncset.done $0x0  }
0x273: {  	[sflag:s4] =	ssyncadd.s32 $0xFFFFC000  }
0x274: {  	[tilespmem:s8], [sflag:$0x1] =	stream.indirect.gather [spmem:s1], $0x80, s11, s7, $0xb8;
	[tilespmem:$0x1CC80] =	vst v63  }
0x275: {  	_ =	swait.ge [sflag:s10], $0x4000  }
0x276: {  	[sflag:s10] =	ssyncset.done $0x0  }
0x277: {  	s11 =	rddreg [dreg:$0x19];
	[sflag:s10] =	ssyncadd.s32 $0xFFFFC000  }
0x278: {  	[hbm4b:s11+s2] =	stream.linear.scatter [tilespmem:s9], [sflag:$0x2], $0x4000, $0x38;
	[tilespmem:$0x1CC80] =	vst v63  }
0x279: {  	_ =	swait.ge [sflag:s4], $0x4000  }
0x27a: {  	[sflag:s4] =	ssyncset.done $0x0  }
0x27b: {  	s11 =	simm.s32 $0xA80;
	[sflag:s4] =	ssyncadd.s32 $0xFFFFC000  }
0x27c: {  	[tilespmem:s9], [sflag:$0x1] =	stream.indirect.gather [spmem:s1], $0x80, s11, s7, $0xb8;
	[tilespmem:$0x1CC80] =	vst v63  }
0x27d: {  	_ =	swait.ge [sflag:s10], $0x4000  }
0x27e: {  	[sflag:s10] =	ssyncset.done $0x0  }
0x27f: {  	s11 =	rddreg [dreg:$0x1a];
	[sflag:s10] =	ssyncadd.s32 $0xFFFFC000  }
0x280: {  	[hbm4b:s11+s2] =	stream.linear.scatter [tilespmem:s8], [sflag:$0x2], $0x4000, $0x38;
	[tilespmem:$0x1CC80] =	vst v63  }
0x281: {  	_ =	swait.ge [sflag:s4], $0x4000  }
0x282: {  	[sflag:s4] =	ssyncset.done $0x0  }
0x283: {  	[sflag:s4] =	ssyncadd.s32 $0xFFFFC000  }
0x284: {  	[tilespmem:s8], [sflag:$0x1] =	stream.indirect.gather [spmem:s1], $0x80, s12, s7, $0xb8;
	[tilespmem:$0x1CC80] =	vst v63  }
0x285: {  	_ =	swait.ge [sflag:s10], $0x4000  }
0x286: {  	[sflag:s10] =	ssyncset.done $0x0  }
0x287: {  	s11 =	rddreg [dreg:$0x1b];
	[sflag:s10] =	ssyncadd.s32 $0xFFFFC000  }
0x288: {  	[hbm4b:s11+s2] =	stream.linear.scatter [tilespmem:s9], [sflag:$0x2], $0x4000, $0x38;
	[tilespmem:$0x1CC80] =	vst v63  }
0x289: {  	_ =	swait.ge [sflag:s4], $0x4000  }
0x28a: {  	[sflag:s4] =	ssyncset.done $0x0  }
0x28b: {  	[sflag:s4] =	ssyncadd.s32 $0xFFFFC000  }
0x28c: {  	[tilespmem:s9], [sflag:$0x1] =	stream.indirect.gather [spmem:s1], $0x80, s13, s7, $0xb8;
	[tilespmem:$0x1CC80] =	vst v63  }
0x28d: {  	_ =	swait.ge [sflag:s10], $0x4000  }
0x28e: {  	[sflag:s10] =	ssyncset.done $0x0  }
0x28f: {  	s11 =	rddreg [dreg:$0x1c];
	[sflag:s10] =	ssyncadd.s32 $0xFFFFC000  }
0x290: {  	[hbm4b:s11+s2] =	stream.linear.scatter [tilespmem:s8], [sflag:$0x2], $0x4000, $0x38;
	[tilespmem:$0x1CC80] =	vst v63  }
0x291: {  	_ =	swait.ge [sflag:s4], $0x4000  }
0x292: {  	[sflag:s4] =	ssyncset.done $0x0  }
0x293: {  	[sflag:s4] =	ssyncadd.s32 $0xFFFFC000  }
0x294: {  	[tilespmem:s8], [sflag:$0x1] =	stream.indirect.gather [spmem:s1], $0x80, s14, s7, $0xb8;
	[tilespmem:$0x1CC80] =	vst v63  }
0x295: {  	_ =	swait.ge [sflag:s10], $0x4000  }
0x296: {  	[sflag:s10] =	ssyncset.done $0x0  }
0x297: {  	s11 =	rddreg [dreg:$0x1d];
	[sflag:s10] =	ssyncadd.s32 $0xFFFFC000  }
0x298: {  	[hbm4b:s11+s2] =	stream.linear.scatter [tilespmem:s9], [sflag:$0x2], $0x4000, $0x38;
	[tilespmem:$0x1CC80] =	vst v63  }
0x299: {  	_ =	swait.ge [sflag:s4], $0x4000  }
0x29a: {  	[sflag:s4] =	ssyncset.done $0x0  }
0x29b: {  	[sflag:s4] =	ssyncadd.s32 $0xFFFFC000  }
0x29c: {  	[tilespmem:s9], [sflag:$0x1] =	stream.indirect.gather [spmem:s1], $0x80, s15, s7, $0xb8;
	[tilespmem:$0x1CC80] =	vst v63  }
0x29d: {  	_ =	swait.ge [sflag:s10], $0x4000  }
0x29e: {  	[sflag:s10] =	ssyncset.done $0x0  }
0x29f: {  	s11 =	rddreg [dreg:$0x1e];
	[sflag:s10] =	ssyncadd.s32 $0xFFFFC000  }
0x2a0: {  	[hbm4b:s11+s2] =	stream.linear.scatter [tilespmem:s8], [sflag:$0x2], $0x4000, $0x38;
	[tilespmem:$0x1CC80] =	vst v63  }
0x2a1: {  	_ =	swait.ge [sflag:s4], $0x4000  }
0x2a2: {  	[sflag:s4] =	ssyncset.done $0x0  }
0x2a3: {  	[sflag:s4] =	ssyncadd.s32 $0xFFFFC000  }
0x2a4: {  	[tilespmem:s8], [sflag:$0x1] =	stream.indirect.gather [spmem:s1], $0x80, s16, s7, $0xb8;
	[tilespmem:$0x1CC80] =	vst v63  }
0x2a5: {  	_ =	swait.ge [sflag:s10], $0x4000  }
0x2a6: {  	[sflag:s10] =	ssyncset.done $0x0  }
0x2a7: {  	s11 =	rddreg [dreg:$0x1f];
	[sflag:s10] =	ssyncadd.s32 $0xFFFFC000  }
0x2a8: {  	[hbm4b:s11+s2] =	stream.linear.scatter [tilespmem:s9], [sflag:$0x2], $0x4000, $0x38;
	[tilespmem:$0x1CC80] =	vst v63  }
0x2a9: {  	_ =	swait.ge [sflag:s4], $0x4000  }
0x2aa: {  	[sflag:s4] =	ssyncset.done $0x0  }
0x2ab: {  	[sflag:s4] =	ssyncadd.s32 $0xFFFFC000  }
0x2ac: {  	[tilespmem:s9], [sflag:$0x1] =	stream.indirect.gather [spmem:s1], $0x80, s17, s7, $0xb8;
	[tilespmem:$0x1CC80] =	vst v63  }
0x2ad: {  	_ =	swait.ge [sflag:s10], $0x4000  }
0x2ae: {  	s11 =	sld [smem:$0x7F0]  }
0x2af: {  	[sflag:s10] =	ssyncset.done $0x0  }
0x2b0: {  	[sflag:s10] =	ssyncadd.s32 $0xFFFFC000  }
0x2b1: {  	[hbm4b:s11+s2] =	stream.linear.scatter [tilespmem:s8], [sflag:$0x2], $0x4000, $0x38;
	[tilespmem:$0x1CC80] =	vst v63  }
0x2b2: {  	_ =	swait.ge [sflag:s4], $0x4000  }
0x2b3: {  	[sflag:s4] =	ssyncset.done $0x0  }
0x2b4: {  	[sflag:s4] =	ssyncadd.s32 $0xFFFFC000  }
0x2b5: {  	[tilespmem:s8], [sflag:$0x1] =	stream.indirect.gather [spmem:s1], $0x80, s18, s7, $0xb8;
	[tilespmem:$0x1CC80] =	vst v63  }
0x2b6: {  	_ =	swait.ge [sflag:s10], $0x4000  }
0x2b7: {  	s11 =	sld [smem:$0x7F1]  }
0x2b8: {  	[sflag:s10] =	ssyncset.done $0x0  }
0x2b9: {  	[sflag:s10] =	ssyncadd.s32 $0xFFFFC000  }
0x2ba: {  	[hbm4b:s11+s2] =	stream.linear.scatter [tilespmem:s9], [sflag:$0x2], $0x4000, $0x38;
	[tilespmem:$0x1CC80] =	vst v63  }
0x2bb: {  	_ =	swait.ge [sflag:s4], $0x4000  }
0x2bc: {  	[sflag:s4] =	ssyncset.done $0x0  }
0x2bd: {  	[sflag:s4] =	ssyncadd.s32 $0xFFFFC000  }
0x2be: {  	[tilespmem:s9], [sflag:$0x1] =	stream.indirect.gather [spmem:s1], $0x80, s19, s7, $0xb8;
	[tilespmem:$0x1CC80] =	vst v63  }
0x2bf: {  	_ =	swait.ge [sflag:s10], $0x4000  }
0x2c0: {  	s11 =	sld [smem:$0x7F2]  }
0x2c1: {  	[sflag:s10] =	ssyncset.done $0x0  }
0x2c2: {  	[sflag:s10] =	ssyncadd.s32 $0xFFFFC000  }
0x2c3: {  	[hbm4b:s11+s2] =	stream.linear.scatter [tilespmem:s8], [sflag:$0x2], $0x4000, $0x38;
	[tilespmem:$0x1CC80] =	vst v63  }
0x2c4: {  	_ =	swait.ge [sflag:s4], $0x4000  }
0x2c5: {  	[sflag:s4] =	ssyncset.done $0x0  }
0x2c6: {  	[sflag:s4] =	ssyncadd.s32 $0xFFFFC000  }
0x2c7: {  	[tilespmem:s8], [sflag:$0x1] =	stream.indirect.gather [spmem:s1], $0x80, s20, s7, $0xb8;
	[tilespmem:$0x1CC80] =	vst v63  }
0x2c8: {  	_ =	swait.ge [sflag:s10], $0x4000  }
0x2c9: {  	s11 =	sld [smem:$0x7F3]  }
0x2ca: {  	[sflag:s10] =	ssyncset.done $0x0  }
0x2cb: {  	[sflag:s10] =	ssyncadd.s32 $0xFFFFC000  }
0x2cc: {  	[hbm4b:s11+s2] =	stream.linear.scatter [tilespmem:s9], [sflag:$0x2], $0x4000, $0x38;
	[tilespmem:$0x1CC80] =	vst v63  }
0x2cd: {  	_ =	swait.ge [sflag:s4], $0x4000  }
0x2ce: {  	[sflag:s4] =	ssyncset.done $0x0  }
0x2cf: {  	[sflag:s4] =	ssyncadd.s32 $0xFFFFC000  }
0x2d0: {  	[tilespmem:s9], [sflag:$0x1] =	stream.indirect.gather [spmem:s1], $0x80, s21, s7, $0xb8;
	[tilespmem:$0x1CC80] =	vst v63  }
0x2d1: {  	_ =	swait.ge [sflag:s10], $0x4000  }
0x2d2: {  	s11 =	sld [smem:$0x7F4]  }
0x2d3: {  	[sflag:s10] =	ssyncset.done $0x0  }
0x2d4: {  	[sflag:s10] =	ssyncadd.s32 $0xFFFFC000  }
0x2d5: {  	[hbm4b:s11+s2] =	stream.linear.scatter [tilespmem:s8], [sflag:$0x2], $0x4000, $0x38;
	[tilespmem:$0x1CC80] =	vst v63  }
0x2d6: {  	_ =	swait.ge [sflag:s4], $0x4000  }
0x2d7: {  	[sflag:s4] =	ssyncset.done $0x0  }
0x2d8: {  	[sflag:s4] =	ssyncadd.s32 $0xFFFFC000  }
0x2d9: {  	[tilespmem:s8], [sflag:$0x1] =	stream.indirect.gather [spmem:s1], $0x80, s22, s7, $0xb8;
	[tilespmem:$0x1CC80] =	vst v63  }
0x2da: {  	_ =	swait.ge [sflag:s10], $0x4000  }
0x2db: {  	s11 =	sld [smem:$0x7F5]  }
0x2dc: {  	[sflag:s10] =	ssyncset.done $0x0  }
0x2dd: {  	[sflag:s10] =	ssyncadd.s32 $0xFFFFC000  }
0x2de: {  	[hbm4b:s11+s2] =	stream.linear.scatter [tilespmem:s9], [sflag:$0x2], $0x4000, $0x38;
	[tilespmem:$0x1CC80] =	vst v63  }
0x2df: {  	_ =	swait.ge [sflag:s4], $0x4000  }
0x2e0: {  	[sflag:s4] =	ssyncset.done $0x0  }
0x2e1: {  	[sflag:s4] =	ssyncadd.s32 $0xFFFFC000  }
0x2e2: {  	[tilespmem:s9], [sflag:$0x1] =	stream.indirect.gather [spmem:s1], $0x80, s23, s7, $0xb8;
	[tilespmem:$0x1CC80] =	vst v63  }
0x2e3: {  	_ =	swait.ge [sflag:s10], $0x4000  }
0x2e4: {  	s11 =	sld [smem:$0x7F6]  }
0x2e5: {  	[sflag:s10] =	ssyncset.done $0x0  }
0x2e6: {  	[sflag:s10] =	ssyncadd.s32 $0xFFFFC000  }
0x2e7: {  	[hbm4b:s11+s2] =	stream.linear.scatter [tilespmem:s8], [sflag:$0x2], $0x4000, $0x38;
	[tilespmem:$0x1CC80] =	vst v63  }
0x2e8: {  	_ =	swait.ge [sflag:s4], $0x4000  }
0x2e9: {  	[sflag:s4] =	ssyncset.done $0x0  }
0x2ea: {  	[sflag:s4] =	ssyncadd.s32 $0xFFFFC000  }
0x2eb: {  	[tilespmem:s8], [sflag:$0x1] =	stream.indirect.gather [spmem:s1], $0x80, s24, s7, $0xb8;
	[tilespmem:$0x1CC80] =	vst v63  }
0x2ec: {  	_ =	swait.ge [sflag:s10], $0x4000  }
0x2ed: {  	s11 =	sld [smem:$0x7F7]  }
0x2ee: {  	[sflag:s10] =	ssyncset.done $0x0  }
0x2ef: {  	[sflag:s10] =	ssyncadd.s32 $0xFFFFC000  }
0x2f0: {  	[hbm4b:s11+s2] =	stream.linear.scatter [tilespmem:s9], [sflag:$0x2], $0x4000, $0x38;
	[tilespmem:$0x1CC80] =	vst v63  }
0x2f1: {  	_ =	swait.ge [sflag:s4], $0x4000  }
0x2f2: {  	[sflag:s4] =	ssyncset.done $0x0  }
0x2f3: {  	[sflag:s4] =	ssyncadd.s32 $0xFFFFC000  }
0x2f4: {  	[tilespmem:s9], [sflag:$0x1] =	stream.indirect.gather [spmem:s1], $0x80, s25, s7, $0xb8;
	[tilespmem:$0x1CC80] =	vst v63  }
0x2f5: {  	_ =	swait.ge [sflag:s10], $0x4000  }
0x2f6: {  	s11 =	sld [smem:$0x7F8]  }
0x2f7: {  	[sflag:s10] =	ssyncset.done $0x0  }
0x2f8: {  	[sflag:s10] =	ssyncadd.s32 $0xFFFFC000  }
0x2f9: {  	[hbm4b:s11+s2] =	stream.linear.scatter [tilespmem:s8], [sflag:$0x2], $0x4000, $0x38;
	[tilespmem:$0x1CC80] =	vst v63  }
0x2fa: {  	_ =	swait.ge [sflag:s4], $0x4000  }
0x2fb: {  	[sflag:s4] =	ssyncset.done $0x0  }
0x2fc: {  	[sflag:s4] =	ssyncadd.s32 $0xFFFFC000  }
0x2fd: {  	[tilespmem:s8], [sflag:$0x1] =	stream.indirect.gather [spmem:s1], $0x80, s26, s7, $0xb8;
	[tilespmem:$0x1CC80] =	vst v63  }
0x2fe: {  	_ =	swait.ge [sflag:s10], $0x4000  }
0x2ff: {  	s11 =	sld [smem:$0x7F9]  }
0x300: {  	[sflag:s10] =	ssyncset.done $0x0  }
0x301: {  	[sflag:s10] =	ssyncadd.s32 $0xFFFFC000  }
0x302: {  	[hbm4b:s11+s2] =	stream.linear.scatter [tilespmem:s9], [sflag:$0x2], $0x4000, $0x38;
	[tilespmem:$0x1CC80] =	vst v63  }
0x303: {  	_ =	swait.ge [sflag:s4], $0x4000  }
0x304: {  	[sflag:s4] =	ssyncset.done $0x0  }
0x305: {  	[sflag:s4] =	ssyncadd.s32 $0xFFFFC000  }
0x306: {  	[tilespmem:s9], [sflag:$0x1] =	stream.indirect.gather [spmem:s1], $0x80, s28, s7, $0xb8;
	[tilespmem:$0x1CC80] =	vst v63  }
0x307: {  	_ =	swait.ge [sflag:s10], $0x4000  }
0x308: {  	s11 =	sld [smem:$0x7FA]  }
0x309: {  	[sflag:s10] =	ssyncset.done $0x0  }
0x30a: {  	[sflag:s10] =	ssyncadd.s32 $0xFFFFC000  }
0x30b: {  	[hbm4b:s11+s2] =	stream.linear.scatter [tilespmem:s8], [sflag:$0x2], $0x4000, $0x38;
	[tilespmem:$0x1CC80] =	vst v63  }
0x30c: {  	_ =	swait.ge [sflag:s4], $0x4000  }
0x30d: {  	[sflag:s4] =	ssyncset.done $0x0  }
0x30e: {  	[sflag:s4] =	ssyncadd.s32 $0xFFFFC000  }
0x30f: {  	[tilespmem:s8], [sflag:$0x1] =	stream.indirect.gather [spmem:s1], $0x80, s29, s7, $0xb8;
	[tilespmem:$0x1CC80] =	vst v63  }
0x310: {  	_ =	swait.ge [sflag:s10], $0x4000  }
0x311: {  	s11 =	sld [smem:$0x7FB]  }
0x312: {  	[sflag:s10] =	ssyncset.done $0x0  }
0x313: {  	[sflag:s10] =	ssyncadd.s32 $0xFFFFC000  }
0x314: {  	[hbm4b:s11+s2] =	stream.linear.scatter [tilespmem:s9], [sflag:$0x2], $0x4000, $0x38;
	[tilespmem:$0x1CC80] =	vst v63  }
0x315: {  	_ =	swait.ge [sflag:s4], $0x4000  }
0x316: {  	[sflag:s4] =	ssyncset.done $0x0  }
0x317: {  	[sflag:s4] =	ssyncadd.s32 $0xFFFFC000  }
0x318: {  	[tilespmem:s9], [sflag:$0x1] =	stream.indirect.gather [spmem:s1], $0x80, s30, s7, $0xb8;
	[tilespmem:$0x1CC80] =	vst v63  }
0x319: {  	_ =	swait.ge [sflag:s10], $0x4000  }
0x31a: {  	s11 =	sld [smem:$0x7FC]  }
0x31b: {  	[sflag:s10] =	ssyncset.done $0x0  }
0x31c: {  	[sflag:s10] =	ssyncadd.s32 $0xFFFFC000  }
0x31d: {  	[hbm4b:s11+s2] =	stream.linear.scatter [tilespmem:s8], [sflag:$0x2], $0x4000, $0x38;
	[tilespmem:$0x1CC80] =	vst v63  }
0x31e: {  	_ =	swait.ge [sflag:s4], $0x4000  }
0x31f: {  	[sflag:s4] =	ssyncset.done $0x0  }
0x320: {  	s31 =	sadd.s32 $0xFFFFFFFF, s31;
	[sflag:s4] =	ssyncadd.s32 $0xFFFFC000  }
0x321: {  	p1 =	sne.s32 s31, $0x0;
	_ =	swait.ge [sflag:s10], $0x4000  }
.Ltmp1:
0x322: {  	s11 =	sld [smem:$0x7FD];
	(pc) =	sbr.rel @p1 .LBB2_1-.Ltmp1, $4  }
0x323: {  	[sflag:s10] =	ssyncset.done $0x0  }
0x324: {  	[sflag:s10] =	ssyncadd.s32 $0xFFFFC000  }
0x325: {  	[hbm4b:s11+s2] =	stream.linear.scatter [tilespmem:s9], [sflag:$0x2], $0x4000, $0x38;
	[tilespmem:$0x1CC80] =	vst v63  }
0x326: {  	_ =	swait.ge [sflag:s4], $0x4000  }
.LBB2_2:
0x327: {  	[sflag:s4] =	ssyncset.done $0x0  }
0x328: {  	[sflag:s4] =	ssyncadd.s32 $0xFFFFC000  }
0x329: {  	_ =	sfence.sel $0x180000  }
0x32a: {  	[bflag:$0x0] =	sbarrier.arrive $0xFFFF  }
0x32b: {  	_ =	strace $0x90000047  }
0x32c: {  	[bflag:$0x2] =	sbarrier.arrive $0xFFFF  }
0x32d: {  	s0 =	rddreg [dreg:$0x3]  }
0x32e: {  	s0 =	sadd.s32 @!p0 $0x100000, s0  }
0x32f: {  	[sflag:s0] =	ssyncadd.tile.s32 @!p0 $0x1;
	_ =	shalt  }
.Lfunc_end2:
_tile_overlayer_lowered:
.L_overlay_start_2:
0x330: {  	(tag) =	ssettag $0x2  }
0x331: {  	s0 =	rddreg [dreg:$0x0];
	s2 =	stileid.u32  }
0x332: {  	s1 =	rddreg [dreg:$0x1];
	p0 =	sne.s32 s2, $0x0  }
0x333: {  	s3 =	rddreg [dreg:$0x2];
	[bflag:$0x3] =	sbarrier.arrive $0xFFFF;
	s2 =	simm.s32 @!p0 $0x1C02  }
0x334: {  	[timem:s3], [sflag:s2] =	dma.local @!p0 [hbm:s0], s1  }
0x335: {  	s0 =	simm.s32 @!p0 $0x2  }
0x336: {  	_ =	swait.ge @!p0 [sflag:s0], s1  }
0x337: {  	s1 =	ssub.s32 @!p0 $0x0, s1;
	[sflag:s0] =	ssyncset.done @!p0 $0x0  }
0x338: {  	[sflag:s0] =	ssyncadd.s32 @!p0 s1  }
0x339: {  	[bflag:$0x3] =	sbarrier.arrive $0xFFFF  }
0x33a: {  	_ =	shalt  }

</sc_bundles>
